<compile_context>
chip_gen: v7x
topology: tpu7x:2x2x1
jax: 0.10.2.dev20260603
libtpu: 0.0.44.dev20260713+nightly
codegen_flags: <defaults>
</compile_context>

<pallas_src>
import functools

import jax
import jax.numpy as jnp
from jax import lax
from jax.experimental import pallas as pl
from jax.experimental.pallas import tpu as pltpu
from jax.experimental.pallas import tpu_sc as plsc

NC = 2
NT = 16
NW = NC * NT


def _elu(z):
    return jnp.where(z > 0, z, jnp.exp(jnp.minimum(z, 0.0)) - 1.0)


def _ln(h, g, b, eps=1e-5):
    mu = jnp.mean(h, axis=-1, keepdims=True)
    var = jnp.mean((h - mu) ** 2, axis=-1, keepdims=True)
    return (h - mu) * lax.rsqrt(var + eps) * g + b



@functools.lru_cache(maxsize=None)
def _deg_kernel(N, E):
    ET = E // NW
    BD = 40
    KD = ET // BD
    RP = N // NT
    ZR = 125
    ZI = RP // ZR
    mesh = plsc.VectorSubcoreMesh(core_axis_name="c", subcore_axis_name="s")

    @functools.partial(
        pl.kernel,
        out_type=jax.ShapeDtypeStruct((NW, RP, 16), jnp.float32),
        mesh=mesh,
        scratch_types=[
            pltpu.VMEM((KD, BD), jnp.int32),
            pltpu.VMEM((BD, 16), jnp.float32),
            pltpu.VMEM((ZR, 16), jnp.float32),
            pltpu.VMEM_SHARED((N, 16), jnp.float32),
        ],
    )
    def k(dst_hbm, out_hbm, dst_v, ones_v, z_v, acc_sh):
        c = lax.axis_index("c")
        s = lax.axis_index("s")
        w = c * NT + s
        pltpu.sync_copy(dst_hbm.at[w], dst_v)

        def fill_ones(i, carry):
            ones_v[i, :] = jnp.ones((16,), jnp.float32)
            return carry

        lax.fori_loop(0, BD, fill_ones, 0)

        def fill_zero(i, carry):
            z_v[i, :] = jnp.zeros((16,), jnp.float32)
            return carry

        lax.fori_loop(0, ZR, fill_zero, 0)
        for z in range(ZI):
            pltpu.sync_copy(z_v, acc_sh.at[pl.ds(s * RP + z * ZR, ZR)])
        plsc.subcore_barrier()

        def body(j, carry):
            pltpu.sync_copy(ones_v, acc_sh.at[dst_v.at[j]], add=True)
            return carry

        lax.fori_loop(0, KD, body, 0)
        plsc.subcore_barrier()
        pltpu.sync_copy(acc_sh.at[pl.ds(s * RP, RP)], out_hbm.at[w])

    return k


@functools.lru_cache(maxsize=None)
def _scatter_kernel(N, E, Dh, NP, NI):
    B = 80
    ET = E // NT
    K = ET // B
    RP = N // NT
    ZR = 125
    ZI = RP // ZR
    GP = NI // NW if NI else 0
    mesh = plsc.VectorSubcoreMesh(core_axis_name="c", subcore_axis_name="s")

    out_types = [jax.ShapeDtypeStruct((NP * NW, RP, Dh), jnp.float32)]
    scratch = [
        pltpu.VMEM((K, B), jnp.int32),
        pltpu.VMEM((K, B), jnp.int32),
        pltpu.VMEM((B, Dh), jnp.float32),
        pltpu.VMEM((B, Dh), jnp.float32),
        pltpu.VMEM((ZR, Dh), jnp.float32),
        pltpu.VMEM_SHARED((N, Dh), jnp.float32),
        pltpu.SemaphoreType.DMA,
        pltpu.SemaphoreType.DMA,
    ]
    if NI:
        out_types.append(jax.ShapeDtypeStruct((NI, 2 * Dh), jnp.float32))
        scratch += [pltpu.VMEM((GP,), jnp.int32),
                    pltpu.VMEM((GP, 2 * Dh), jnp.float32)]

    @functools.partial(
        pl.kernel,
        out_type=tuple(out_types) if NI else out_types[0],
        mesh=mesh,
        compiler_params=pltpu.CompilerParams(use_tc_tiling_on_sc=False),
        scratch_types=scratch,
    )
    def k(*refs):
        if NI:
            (g_hbm, srcs_hbm, dst_hbm, ptab_hbm, idx_hbm, out_hbm, rows_hbm,
             src_v, dst_v, r0, r1, z_v, acc_sh, sem0, sem1, idx_v,
             prow_v) = refs
        else:
            (g_hbm, srcs_hbm, dst_hbm, out_hbm,
             src_v, dst_v, r0, r1, z_v, acc_sh, sem0, sem1) = refs
        c = lax.axis_index("c")
        s = lax.axis_index("s")
        w = c * NT + s
        pltpu.sync_copy(dst_hbm.at[s], dst_v)

        def fill_zero(i, carry):
            for q in range(Dh // 16):
                z_v[i, pl.ds(q * 16, 16)] = jnp.zeros((16,), jnp.float32)
            return carry

        lax.fori_loop(0, ZR, fill_zero, 0)

        for p in range(NP):
            pltpu.sync_copy(srcs_hbm.at[p * NW + w], src_v)
            for z in range(ZI):
                pltpu.sync_copy(z_v, acc_sh.at[pl.ds(s * RP + z * ZR, ZR)])
            plsc.subcore_barrier()

            pltpu.async_copy(g_hbm.at[src_v.at[0]], r0, sem0)

            def body(jj, carry):
                j = 2 * jj
                pltpu.async_copy(g_hbm.at[src_v.at[j + 1]], r1, sem1)
                pltpu.make_async_copy(g_hbm.at[src_v.at[0]], r0, sem0).wait()
                pltpu.sync_copy(r0, acc_sh.at[dst_v.at[j]], add=True)
                pltpu.async_copy(g_hbm.at[src_v.at[j + 2]], r0, sem0)
                pltpu.make_async_copy(g_hbm.at[src_v.at[0]], r1, sem1).wait()
                pltpu.sync_copy(r1, acc_sh.at[dst_v.at[j + 1]], add=True)
                return carry

            lax.fori_loop(0, (K - 1) // 2, body, 0)
            pltpu.make_async_copy(g_hbm.at[src_v.at[0]], r0, sem0).wait()
            pltpu.sync_copy(r0, acc_sh.at[dst_v.at[K - 1]], add=True)

            plsc.subcore_barrier()
            pltpu.sync_copy(acc_sh.at[pl.ds(s * RP, RP)],
                            out_hbm.at[p * NW + w])
            if p + 1 < NP:
                plsc.subcore_barrier()

        if NI:
            pltpu.sync_copy(idx_hbm.at[w], idx_v)
            pltpu.async_copy(ptab_hbm.at[idx_v], prow_v, sem0).wait()
            pltpu.sync_copy(prow_v, rows_hbm.at[pl.ds(w * GP, GP)])

    return k


@functools.lru_cache(maxsize=None)
def _gather_kernel(N, Dp, NI):
    per = NI // NW
    mesh = plsc.VectorSubcoreMesh(core_axis_name="c", subcore_axis_name="s")

    @functools.partial(
        pl.kernel,
        out_type=jax.ShapeDtypeStruct((NI, Dp), jnp.float32),
        mesh=mesh,
        scratch_types=[
            pltpu.VMEM((per,), jnp.int32),
            pltpu.VMEM((per, Dp), jnp.float32),
            pltpu.SemaphoreType.DMA,
        ],
    )
    def k(p_hbm, idx_hbm, out_hbm, idx_v, rows_v, sem):
        c = lax.axis_index("c")
        s = lax.axis_index("s")
        w = c * NT + s
        pltpu.sync_copy(idx_hbm.at[w], idx_v)
        pltpu.async_copy(p_hbm.at[idx_v], rows_v, sem).wait()
        pltpu.sync_copy(rows_v, out_hbm.at[pl.ds(w * per, per)])

    return k


def _sc_deg(dst_r, N, E):
    return _deg_kernel(N, E)(dst_r)


def _sc_gather(p, idxp, N, Dp, NI):
    return _gather_kernel(N, Dp, NI)(p, idxp)


def _sc_spmm1(gq, srcs2, dsts, N, E):
    Dh = gq.shape[2]
    out = _scatter_kernel(N, E, Dh, 1, 0)(gq.reshape(2 * N, Dh), srcs2, dsts)
    return out.reshape(NC, N, Dh)


def _sc_spmm2(gq, srcs2, dsts, N, E):
    Dh = gq.shape[2]
    accs = [
        _scatter_kernel(N, E, Dh, 1, 0)(
            gq[q:q + 2].reshape(2 * N, Dh), srcs2, dsts).reshape(NC, N, Dh)
        for q in range(0, 4, 2)
    ]
    return jnp.concatenate(accs, axis=0)



_BN = 400


def _dot(a, b):
    return jnp.dot(a, b, preferred_element_type=jnp.float32,
                   precision=lax.Precision.HIGHEST)


_DH = 64


def _split(m, o_ref):
    for q in range(o_ref.shape[0]):
        o_ref[q] = m[:, q * _DH:(q + 1) * _DH]


def _cat(ref):
    return jnp.concatenate([ref[q] for q in range(ref.shape[0])], axis=-1)


def _tc_a(x, W1, dinv_col):
    N, IN = x.shape
    MID = W1.shape[1]
    S = MID // _DH

    def body(x_ref, w_ref, d_ref, o_ref):
        m = _dot(x_ref[...], w_ref[...]) * d_ref[...]
        _split(m, o_ref)

    return pl.pallas_call(
        body,
        grid=(N // _BN,),
        in_specs=[
            pl.BlockSpec((_BN, IN), lambda i: (i, 0)),
            pl.BlockSpec((IN, MID), lambda i: (0, 0)),
            pl.BlockSpec((_BN, 1), lambda i: (i, 0)),
        ],
        out_specs=pl.BlockSpec((S, _BN, _DH), lambda i: (0, i, 0)),
        out_shape=jax.ShapeDtypeStruct((S, N, _DH), jnp.float32),
    )(x, W1, dinv_col)


def _tc_b(acc, g, dinv_col, b1, g1, bn1, W2):
    S = acc.shape[0]
    N = acc.shape[1]
    D = S * _DH
    OUT = W2.shape[1]
    SO = OUT // _DH

    def body(a_ref, g_ref, d_ref, b_ref, gl_ref, bl_ref, w_ref, o_ref):
        d = d_ref[...]
        z = (_cat(a_ref) + _cat(g_ref)) * d + b_ref[...]
        h = _ln(_elu(z), gl_ref[...], bl_ref[...])
        _split(_dot(h, w_ref[...]) * d, o_ref)

    return pl.pallas_call(
        body,
        grid=(N // _BN,),
        in_specs=[
            pl.BlockSpec((S, _BN, _DH), lambda i: (0, i, 0)),
            pl.BlockSpec((S, _BN, _DH), lambda i: (0, i, 0)),
            pl.BlockSpec((_BN, 1), lambda i: (i, 0)),
            pl.BlockSpec((D,), lambda i: (0,)),
            pl.BlockSpec((D,), lambda i: (0,)),
            pl.BlockSpec((D,), lambda i: (0,)),
            pl.BlockSpec((D, OUT), lambda i: (0, 0)),
        ],
        out_specs=pl.BlockSpec((SO, _BN, _DH), lambda i: (0, i, 0)),
        out_shape=jax.ShapeDtypeStruct((SO, N, _DH), jnp.float32),
    )(acc, g, dinv_col, b1, g1, bn1, W2)


def _tc_c(acc, g, dinv_col, b2, g2, bn2, fcWp, fcbp):
    S = acc.shape[0]
    N = acc.shape[1]
    D = S * _DH
    P = fcWp.shape[1]

    def body(a_ref, g_ref, d_ref, b_ref, gl_ref, bl_ref, w_ref, fb_ref,
             h_ref, o_ref, p_ref):
        d = d_ref[...]
        z = (_cat(a_ref) + _cat(g_ref)) * d + b_ref[...]
        h = _ln(_elu(z), gl_ref[...], bl_ref[...])
        h_ref[...] = h
        _split(h * d, o_ref)
        p_ref[...] = _dot(h, w_ref[...]) + fb_ref[...]

    return pl.pallas_call(
        body,
        grid=(N // _BN,),
        in_specs=[
            pl.BlockSpec((S, _BN, _DH), lambda i: (0, i, 0)),
            pl.BlockSpec((S, _BN, _DH), lambda i: (0, i, 0)),
            pl.BlockSpec((_BN, 1), lambda i: (i, 0)),
            pl.BlockSpec((D,), lambda i: (0,)),
            pl.BlockSpec((D,), lambda i: (0,)),
            pl.BlockSpec((D,), lambda i: (0,)),
            pl.BlockSpec((D, P), lambda i: (0, 0)),
            pl.BlockSpec((P,), lambda i: (0,)),
        ],
        out_specs=[
            pl.BlockSpec((_BN, D), lambda i: (i, 0)),
            pl.BlockSpec((S, _BN, _DH), lambda i: (0, i, 0)),
            pl.BlockSpec((_BN, P), lambda i: (i, 0)),
        ],
        out_shape=[
            jax.ShapeDtypeStruct((N, D), jnp.float32),
            jax.ShapeDtypeStruct((S, N, _DH), jnp.float32),
            jax.ShapeDtypeStruct((N, P), jnp.float32),
        ],
    )(acc, g, dinv_col, b2, g2, bn2, fcWp, fcbp)


def _tc_d(acc, g, dinv_col, W3, b3, g3, bn3, W4):
    S = acc.shape[0]
    N = acc.shape[1]
    D = S * _DH
    MID = W3.shape[1]
    SO = W4.shape[1] // _DH

    def body(a_ref, g_ref, d_ref, w3_ref, b_ref, gl_ref, bl_ref, w4_ref,
             o_ref):
        d = d_ref[...]
        u = (_cat(a_ref) + _cat(g_ref)) * d
        z = _dot(u, w3_ref[...]) + b_ref[...]
        h = _ln(_elu(z), gl_ref[...], bl_ref[...])
        _split(_dot(h, w4_ref[...]) * d, o_ref)

    return pl.pallas_call(
        body,
        grid=(N // _BN,),
        in_specs=[
            pl.BlockSpec((S, _BN, _DH), lambda i: (0, i, 0)),
            pl.BlockSpec((S, _BN, _DH), lambda i: (0, i, 0)),
            pl.BlockSpec((_BN, 1), lambda i: (i, 0)),
            pl.BlockSpec((D, MID), lambda i: (0, 0)),
            pl.BlockSpec((MID,), lambda i: (0,)),
            pl.BlockSpec((MID,), lambda i: (0,)),
            pl.BlockSpec((MID,), lambda i: (0,)),
            pl.BlockSpec((MID, W4.shape[1]), lambda i: (0, 0)),
        ],
        out_specs=pl.BlockSpec((SO, _BN, _DH), lambda i: (0, i, 0)),
        out_shape=jax.ShapeDtypeStruct((SO, N, _DH), jnp.float32),
    )(acc, g, dinv_col, W3, b3, g3, bn3, W4)


def _tc_e(acc, g, dinv_col, b4, g4, bn4):
    S = acc.shape[0]
    N = acc.shape[1]
    D = S * _DH

    def body(a_ref, g_ref, d_ref, b_ref, gl_ref, bl_ref, h_ref):
        z = (_cat(a_ref) + _cat(g_ref)) * d_ref[...] + b_ref[...]
        h_ref[...] = _ln(_elu(z), gl_ref[...], bl_ref[...])

    return pl.pallas_call(
        body,
        grid=(N // _BN,),
        in_specs=[
            pl.BlockSpec((S, _BN, _DH), lambda i: (0, i, 0)),
            pl.BlockSpec((S, _BN, _DH), lambda i: (0, i, 0)),
            pl.BlockSpec((_BN, 1), lambda i: (i, 0)),
            pl.BlockSpec((D,), lambda i: (0,)),
            pl.BlockSpec((D,), lambda i: (0,)),
            pl.BlockSpec((D,), lambda i: (0,)),
        ],
        out_specs=pl.BlockSpec((_BN, D), lambda i: (i, 0)),
        out_shape=jax.ShapeDtypeStruct((N, D), jnp.float32),
    )(acc, g, dinv_col, b4, g4, bn4)



def kernel(x, edge_index, t, idx, W1, b1, g1, bn1, W2, b2, g2, bn2,
           W3, b3, g3, bn3, W4, b4, g4, bn4, fcW, fcb):
    N = x.shape[0]
    E = edge_index.shape[1]
    src = edge_index[0]
    dst = edge_index[1]

    dst_deg = dst.reshape(NW, -1, 40)
    deg16 = _sc_deg(dst_deg, N, E).reshape(NC, N, 16)
    deg = deg16[0, :, 0] + deg16[1, :, 0] + 1.0
    dinv_col = lax.rsqrt(deg).reshape(N, 1)

    src16 = src.reshape(NT, -1, 80)
    srcs2 = jnp.concatenate([src16, src16 + N], axis=0)
    dsts = dst.reshape(NT, -1, 80)
    NI = 1024
    idxp = jnp.pad(idx, (0, NI - idx.shape[0])).reshape(NW, -1)

    g1s = _tc_a(x, W1, dinv_col)
    acc1 = _sc_spmm2(g1s, srcs2, dsts, N, E)
    g2s = _tc_b(acc1, g1s, dinv_col, b1, g1, bn1, W2)
    acc2 = _sc_spmm1(g2s, srcs2, dsts, N, E)
    fcWp = jnp.pad(fcW, ((0, 0), (0, 128 - fcW.shape[1])))
    fcbp = jnp.pad(fcb, (0, 128 - fcb.shape[0]))
    h2, g2bs, p = _tc_c(acc2, g2s, dinv_col, b2, g2, bn2, fcWp, fcbp)
    acc3 = _sc_spmm1(g2bs, srcs2, dsts, N, E)
    g4s = _tc_d(acc3, g2bs, dinv_col, W3, b3, g3, bn3, W4)
    acc4 = _sc_spmm2(g4s, srcs2, dsts, N, E)
    h4 = _tc_e(acc4, g4s, dinv_col, b4, g4, bn4)

    rows = _sc_gather(p, idxp, N, p.shape[1], NI)

    class_prediction = rows[: idx.shape[0], : fcW.shape[1]]

    return (h2, h4, class_prediction)

# --- scband reference (transcript-rebuilt; emitter-appended) ---
"""Pipeline reference for scband-single-model-31009663877403 (READ-ONLY COPY).

The authoritative reference and input builder live on the scoring server;
editing this copy changes nothing except your own understanding.
"""

import jax, jax.numpy as jnp
import numpy as np

N = 10000
E = 160000
IN = 256
MID = 256
OUT = 128
C = 20
N_IDX = 1000


def layer_norm(h, g, b, eps=1e-5):
    mu = jnp.mean(h, axis=-1, keepdims=True)
    var = jnp.var(h, axis=-1, keepdims=True)
    return (h - mu) / jnp.sqrt(var + eps) * g + b


def setup_inputs(seed: int = 0):
    key = jax.random.key(seed)
    ks = jax.random.split(key, 24)
    inp = {}
    inp['x'] = jax.random.normal(ks[0], (N, IN), jnp.float32)
    inp['edge_index'] = jax.random.randint(ks[1], (2, E), 0, N, jnp.int32)
    inp['t'] = 0
    inp['idx'] = jax.random.randint(ks[2], (N_IDX,), 0, N, jnp.int32)
    dims = [(IN, MID), (MID, OUT), (OUT, MID), (MID, IN)]
    for i, (di, do) in enumerate(dims, start=1):
        inp['W%d' % i] = jax.random.normal(ks[2 + 2 * i], (di, do), jnp.float32) * (1.0 / np.sqrt(di))
        inp['b%d' % i] = jnp.zeros((do,), jnp.float32)
        inp['g%d' % i] = jnp.ones((do,), jnp.float32)
        inp['bn%d' % i] = jnp.zeros((do,), jnp.float32)
    inp['fcW'] = jax.random.normal(ks[20], (OUT, C), jnp.float32) * (1.0 / np.sqrt(OUT))
    inp['fcb'] = jnp.zeros((C,), jnp.float32)
    return inp


def reference(x, edge_index, t, idx, W1, b1, g1, bn1, W2, b2, g2, bn2, W3, b3, g3, bn3, W4, b4, g4, bn4, fcW, fcb):
    # Eval-mode forward of SingleModel with GCN convs (add_self_loops=True).
    n = x.shape[0]
    loops = jnp.arange(n, dtype=edge_index.dtype)
    src = jnp.concatenate([edge_index[0], loops])
    dst = jnp.concatenate([edge_index[1], loops])
    deg = jnp.zeros((n,), jnp.float32).at[dst].add(1.0)
    dinv = jnp.where(deg > 0, 1.0 / jnp.sqrt(deg), 0.0)
    norm = dinv[src] * dinv[dst]

    def gcn(h, W, b):
        h = h @ W
        msg = h[src] * norm[:, None]
        return jnp.zeros((n, h.shape[1]), h.dtype).at[dst].add(msg) + b

    act = jax.nn.elu
    h1 = layer_norm(act(gcn(x, W1, b1)), g1, bn1)
    h2 = layer_norm(act(gcn(h1, W2, b2)), g2, bn2)
    h3 = layer_norm(act(gcn(h2, W3, b3)), g3, bn3)
    h4 = layer_norm(act(gcn(h3, W4, b4)), g4, bn4)
    class_prediction = h2[idx] @ fcW + fcb
    return (h2, h4, class_prediction)

if __name__ == "__main__":
    import jax
    _d = setup_inputs()
    print(jax.jit(kernel)(*tuple(_d.values())))

</pallas_src>

<mosaic_0001>
#map = affine_map<(d0, d1) -> (0, 0, 0)>
module attributes {stable_mosaic.version = 14 : i64} {
  func.func @k(%arg0: i32, %arg1: i32, %arg2: memref<32x125x40xi32, #tpu.memory_space<hbm>>, %arg3: memref<32x625x16xf32, #tpu.memory_space<hbm>>, %arg4: memref<125x40xi32, #tpu.memory_space<vmem>>, %arg5: memref<40x16xf32, #tpu.memory_space<vmem>>, %arg6: memref<125x16xf32, #tpu.memory_space<vmem>>, %arg7: memref<10000x16xf32, #tpu.memory_space<vmem_shared>>) attributes {dimension_semantics = [#tpu.dimension_semantics<core_parallel>, #tpu.dimension_semantics<subcore_parallel>], iteration_bounds = array<i64: 2, 16>, scalar_prefetch = 0 : i64, scratch_operands = 4 : i64, tpu.core_type = #tpu.core_type<sc_vector_subcore>, window_params = [{transform_indices = #map}, {transform_indices = #map}]} {
    %mul3A = arith.constant 16 : i32
    %mul3A_0 = arith.muli %arg0, %mul3A : i32
    %add3A = arith.addi %mul3A_0, %arg1 : i32
    "tpu.region"() ({
      %run_scoped3A = tpu.sem_alloc : memref<!tpu.dma_semaphore, #tpu.memory_space<semaphore_mem>>
      %dma_start3A = arith.constant 0 : i32
      %dma_start3A_41 = arith.constant 0 : i32
      %dma_start3A_42 = tpu.memref_slice %arg2[%add3A, %dma_start3A, %dma_start3A_41] : memref<32x125x40xi32, #tpu.memory_space<hbm>> -> memref<1x125x40xi32, #tpu.memory_space<hbm>>
      %dma_start3A_43 = tpu.memref_squeeze %dma_start3A_42 : memref<1x125x40xi32, #tpu.memory_space<hbm>> -> memref<125x40xi32, #tpu.memory_space<hbm>>
      %dma_start3A_44 = arith.constant 0 : i32
      %dma_start3A_45 = arith.constant 0 : i32
      %dma_start3A_46 = tpu.memref_slice %arg2[%add3A, %dma_start3A_44, %dma_start3A_45] : memref<32x125x40xi32, #tpu.memory_space<hbm>> -> memref<1x125x40xi32, #tpu.memory_space<hbm>>
      %dma_start3A_47 = tpu.memref_squeeze %dma_start3A_46 : memref<1x125x40xi32, #tpu.memory_space<hbm>> -> memref<125x40xi32, #tpu.memory_space<hbm>>
      tpu.enqueue_dma source(%dma_start3A_47 : memref<125x40xi32, #tpu.memory_space<hbm>>) target(%arg4 : memref<125x40xi32, #tpu.memory_space<vmem>>) target_semaphore(%run_scoped3A : memref<!tpu.dma_semaphore, #tpu.memory_space<semaphore_mem>>)
      %dma_wait3A = arith.constant 0 : i32
      %dma_wait3A_48 = arith.constant 0 : i32
      %dma_wait3A_49 = tpu.memref_slice %arg2[%add3A, %dma_wait3A, %dma_wait3A_48] : memref<32x125x40xi32, #tpu.memory_space<hbm>> -> memref<1x125x40xi32, #tpu.memory_space<hbm>>
      %dma_wait3A_50 = tpu.memref_squeeze %dma_wait3A_49 : memref<1x125x40xi32, #tpu.memory_space<hbm>> -> memref<125x40xi32, #tpu.memory_space<hbm>>
      %dma_wait3A_51 = arith.constant 0 : i32
      %dma_wait3A_52 = arith.constant 0 : i32
      %dma_wait3A_53 = tpu.memref_slice %arg2[%add3A, %dma_wait3A_51, %dma_wait3A_52] : memref<32x125x40xi32, #tpu.memory_space<hbm>> -> memref<1x125x40xi32, #tpu.memory_space<hbm>>
      %dma_wait3A_54 = tpu.memref_squeeze %dma_wait3A_53 : memref<1x125x40xi32, #tpu.memory_space<hbm>> -> memref<125x40xi32, #tpu.memory_space<hbm>>
      tpu.wait_dma2 semaphore(%run_scoped3A : memref<!tpu.dma_semaphore, #tpu.memory_space<semaphore_mem>>) src(%dma_wait3A_54 : memref<125x40xi32, #tpu.memory_space<hbm>>) dst(%arg4 : memref<125x40xi32, #tpu.memory_space<vmem>>)
      tpu.yield
    }) : () -> ()
    %scan3A = arith.constant 0 : i32
    %scan3A_1 = arith.constant 0 : i32
    %scan3A_2 = arith.constant 40 : i32
    %scan3A_3 = arith.addi %scan3A_1, %scan3A_2 : i32
    %scan3A_4 = arith.constant 1 : i32
    scf.for %scan3A_41 = %scan3A_1 to %scan3A_3 step %scan3A_4  : i32 {
      %broadcast_in_dim3A = arith.constant 1.000000e+00 : f32
      %broadcast_in_dim3A_42 = vector.broadcast %broadcast_in_dim3A : f32 to vector<16xf32>
      %swap3A = arith.index_cast %scan3A_41 : i32 to index
      %swap3A_43 = arith.constant 0 : index
      %swap3A_44 = tpu.vector_load %arg5[%swap3A, %swap3A_43] {strides = array<i32>} : memref<40x16xf32, #tpu.memory_space<vmem>>, vector<1x16xf32>,
      %swap3A_45 = vector.shape_cast %swap3A_44 : vector<1x16xf32> to vector<16xf32>
      %swap3A_46 = vector.shape_cast %broadcast_in_dim3A_42 : vector<16xf32> to vector<1x16xf32>
      tpu.vector_store %arg5[%swap3A, %swap3A_43], %swap3A_46 {strides = array<i32>} : memref<40x16xf32, #tpu.memory_space<vmem>>, vector<1x16xf32>,
    }
    %scan3A_5 = arith.constant 40 : i32
    %scan3A_6 = arith.constant 0 : i32
    %scan3A_7 = arith.constant 0 : i32
    %scan3A_8 = arith.constant 125 : i32
    %scan3A_9 = arith.addi %scan3A_7, %scan3A_8 : i32
    %scan3A_10 = arith.constant 1 : i32
    scf.for %scan3A_41 = %scan3A_7 to %scan3A_9 step %scan3A_10  : i32 {
      %broadcast_in_dim3A = arith.constant 0.000000e+00 : f32
      %broadcast_in_dim3A_42 = vector.broadcast %broadcast_in_dim3A : f32 to vector<16xf32>
      %swap3A = arith.index_cast %scan3A_41 : i32 to index
      %swap3A_43 = arith.constant 0 : index
      %swap3A_44 = tpu.vector_load %arg6[%swap3A, %swap3A_43] {strides = array<i32>} : memref<125x16xf32, #tpu.memory_space<vmem>>, vector<1x16xf32>,
      %swap3A_45 = vector.shape_cast %swap3A_44 : vector<1x16xf32> to vector<16xf32>
      %swap3A_46 = vector.shape_cast %broadcast_in_dim3A_42 : vector<16xf32> to vector<1x16xf32>
      tpu.vector_store %arg6[%swap3A, %swap3A_43], %swap3A_46 {strides = array<i32>} : memref<125x16xf32, #tpu.memory_space<vmem>>, vector<1x16xf32>,
    }
    %scan3A_11 = arith.constant 125 : i32
    %mul3A_12 = arith.constant 625 : i32
    %mul3A_13 = arith.muli %arg1, %mul3A_12 : i32
    %add3A_14 = arith.constant 0 : i32
    %add3A_15 = arith.addi %mul3A_13, %add3A_14 : i32
    "tpu.region"() ({
      %run_scoped3A = tpu.sem_alloc : memref<!tpu.dma_semaphore, #tpu.memory_space<semaphore_mem>>
      %dma_start3A = arith.constant 0 : i32
      %dma_start3A_41 = tpu.memref_slice %arg7[%add3A_15, %dma_start3A] : memref<10000x16xf32, #tpu.memory_space<vmem_shared>> -> memref<125x16xf32, #tpu.memory_space<vmem_shared>>
      %dma_start3A_42 = arith.constant 0 : i32
      %dma_start3A_43 = tpu.memref_slice %arg7[%add3A_15, %dma_start3A_42] : memref<10000x16xf32, #tpu.memory_space<vmem_shared>> -> memref<125x16xf32, #tpu.memory_space<vmem_shared>>
      tpu.enqueue_dma source(%arg6 : memref<125x16xf32, #tpu.memory_space<vmem>>) target(%dma_start3A_43 : memref<125x16xf32, #tpu.memory_space<vmem_shared>>) target_semaphore(%run_scoped3A : memref<!tpu.dma_semaphore, #tpu.memory_space<semaphore_mem>>)
      %dma_wait3A = arith.constant 0 : i32
      %dma_wait3A_44 = tpu.memref_slice %arg7[%add3A_15, %dma_wait3A] : memref<10000x16xf32, #tpu.memory_space<vmem_shared>> -> memref<125x16xf32, #tpu.memory_space<vmem_shared>>
      %dma_wait3A_45 = arith.constant 0 : i32
      %dma_wait3A_46 = tpu.memref_slice %arg7[%add3A_15, %dma_wait3A_45] : memref<10000x16xf32, #tpu.memory_space<vmem_shared>> -> memref<125x16xf32, #tpu.memory_space<vmem_shared>>
      tpu.wait_dma2 semaphore(%run_scoped3A : memref<!tpu.dma_semaphore, #tpu.memory_space<semaphore_mem>>) src(%arg6 : memref<125x16xf32, #tpu.memory_space<vmem>>) dst(%dma_wait3A_46 : memref<125x16xf32, #tpu.memory_space<vmem_shared>>)
      tpu.yield
    }) : () -> ()
    %mul3A_16 = arith.constant 625 : i32
    %mul3A_17 = arith.muli %arg1, %mul3A_16 : i32
    %add3A_18 = arith.constant 125 : i32
    %add3A_19 = arith.addi %mul3A_17, %add3A_18 : i32
    "tpu.region"() ({
      %run_scoped3A = tpu.sem_alloc : memref<!tpu.dma_semaphore, #tpu.memory_space<semaphore_mem>>
      %dma_start3A = arith.constant 0 : i32
      %dma_start3A_41 = tpu.memref_slice %arg7[%add3A_19, %dma_start3A] : memref<10000x16xf32, #tpu.memory_space<vmem_shared>> -> memref<125x16xf32, #tpu.memory_space<vmem_shared>>
      %dma_start3A_42 = arith.constant 0 : i32
      %dma_start3A_43 = tpu.memref_slice %arg7[%add3A_19, %dma_start3A_42] : memref<10000x16xf32, #tpu.memory_space<vmem_shared>> -> memref<125x16xf32, #tpu.memory_space<vmem_shared>>
      tpu.enqueue_dma source(%arg6 : memref<125x16xf32, #tpu.memory_space<vmem>>) target(%dma_start3A_43 : memref<125x16xf32, #tpu.memory_space<vmem_shared>>) target_semaphore(%run_scoped3A : memref<!tpu.dma_semaphore, #tpu.memory_space<semaphore_mem>>)
      %dma_wait3A = arith.constant 0 : i32
      %dma_wait3A_44 = tpu.memref_slice %arg7[%add3A_19, %dma_wait3A] : memref<10000x16xf32, #tpu.memory_space<vmem_shared>> -> memref<125x16xf32, #tpu.memory_space<vmem_shared>>
      %dma_wait3A_45 = arith.constant 0 : i32
      %dma_wait3A_46 = tpu.memref_slice %arg7[%add3A_19, %dma_wait3A_45] : memref<10000x16xf32, #tpu.memory_space<vmem_shared>> -> memref<125x16xf32, #tpu.memory_space<vmem_shared>>
      tpu.wait_dma2 semaphore(%run_scoped3A : memref<!tpu.dma_semaphore, #tpu.memory_space<semaphore_mem>>) src(%arg6 : memref<125x16xf32, #tpu.memory_space<vmem>>) dst(%dma_wait3A_46 : memref<125x16xf32, #tpu.memory_space<vmem_shared>>)
      tpu.yield
    }) : () -> ()
    %mul3A_20 = arith.constant 625 : i32
    %mul3A_21 = arith.muli %arg1, %mul3A_20 : i32
    %add3A_22 = arith.constant 250 : i32
    %add3A_23 = arith.addi %mul3A_21, %add3A_22 : i32
    "tpu.region"() ({
      %run_scoped3A = tpu.sem_alloc : memref<!tpu.dma_semaphore, #tpu.memory_space<semaphore_mem>>
      %dma_start3A = arith.constant 0 : i32
      %dma_start3A_41 = tpu.memref_slice %arg7[%add3A_23, %dma_start3A] : memref<10000x16xf32, #tpu.memory_space<vmem_shared>> -> memref<125x16xf32, #tpu.memory_space<vmem_shared>>
      %dma_start3A_42 = arith.constant 0 : i32
      %dma_start3A_43 = tpu.memref_slice %arg7[%add3A_23, %dma_start3A_42] : memref<10000x16xf32, #tpu.memory_space<vmem_shared>> -> memref<125x16xf32, #tpu.memory_space<vmem_shared>>
      tpu.enqueue_dma source(%arg6 : memref<125x16xf32, #tpu.memory_space<vmem>>) target(%dma_start3A_43 : memref<125x16xf32, #tpu.memory_space<vmem_shared>>) target_semaphore(%run_scoped3A : memref<!tpu.dma_semaphore, #tpu.memory_space<semaphore_mem>>)
      %dma_wait3A = arith.constant 0 : i32
      %dma_wait3A_44 = tpu.memref_slice %arg7[%add3A_23, %dma_wait3A] : memref<10000x16xf32, #tpu.memory_space<vmem_shared>> -> memref<125x16xf32, #tpu.memory_space<vmem_shared>>
      %dma_wait3A_45 = arith.constant 0 : i32
      %dma_wait3A_46 = tpu.memref_slice %arg7[%add3A_23, %dma_wait3A_45] : memref<10000x16xf32, #tpu.memory_space<vmem_shared>> -> memref<125x16xf32, #tpu.memory_space<vmem_shared>>
      tpu.wait_dma2 semaphore(%run_scoped3A : memref<!tpu.dma_semaphore, #tpu.memory_space<semaphore_mem>>) src(%arg6 : memref<125x16xf32, #tpu.memory_space<vmem>>) dst(%dma_wait3A_46 : memref<125x16xf32, #tpu.memory_space<vmem_shared>>)
      tpu.yield
    }) : () -> ()
    %mul3A_24 = arith.constant 625 : i32
    %mul3A_25 = arith.muli %arg1, %mul3A_24 : i32
    %add3A_26 = arith.constant 375 : i32
    %add3A_27 = arith.addi %mul3A_25, %add3A_26 : i32
    "tpu.region"() ({
      %run_scoped3A = tpu.sem_alloc : memref<!tpu.dma_semaphore, #tpu.memory_space<semaphore_mem>>
      %dma_start3A = arith.constant 0 : i32
      %dma_start3A_41 = tpu.memref_slice %arg7[%add3A_27, %dma_start3A] : memref<10000x16xf32, #tpu.memory_space<vmem_shared>> -> memref<125x16xf32, #tpu.memory_space<vmem_shared>>
      %dma_start3A_42 = arith.constant 0 : i32
      %dma_start3A_43 = tpu.memref_slice %arg7[%add3A_27, %dma_start3A_42] : memref<10000x16xf32, #tpu.memory_space<vmem_shared>> -> memref<125x16xf32, #tpu.memory_space<vmem_shared>>
      tpu.enqueue_dma source(%arg6 : memref<125x16xf32, #tpu.memory_space<vmem>>) target(%dma_start3A_43 : memref<125x16xf32, #tpu.memory_space<vmem_shared>>) target_semaphore(%run_scoped3A : memref<!tpu.dma_semaphore, #tpu.memory_space<semaphore_mem>>)
      %dma_wait3A = arith.constant 0 : i32
      %dma_wait3A_44 = tpu.memref_slice %arg7[%add3A_27, %dma_wait3A] : memref<10000x16xf32, #tpu.memory_space<vmem_shared>> -> memref<125x16xf32, #tpu.memory_space<vmem_shared>>
      %dma_wait3A_45 = arith.constant 0 : i32
      %dma_wait3A_46 = tpu.memref_slice %arg7[%add3A_27, %dma_wait3A_45] : memref<10000x16xf32, #tpu.memory_space<vmem_shared>> -> memref<125x16xf32, #tpu.memory_space<vmem_shared>>
      tpu.wait_dma2 semaphore(%run_scoped3A : memref<!tpu.dma_semaphore, #tpu.memory_space<semaphore_mem>>) src(%arg6 : memref<125x16xf32, #tpu.memory_space<vmem>>) dst(%dma_wait3A_46 : memref<125x16xf32, #tpu.memory_space<vmem_shared>>)
      tpu.yield
    }) : () -> ()
    %mul3A_28 = arith.constant 625 : i32
    %mul3A_29 = arith.muli %arg1, %mul3A_28 : i32
    %add3A_30 = arith.constant 500 : i32
    %add3A_31 = arith.addi %mul3A_29, %add3A_30 : i32
    "tpu.region"() ({
      %run_scoped3A = tpu.sem_alloc : memref<!tpu.dma_semaphore, #tpu.memory_space<semaphore_mem>>
      %dma_start3A = arith.constant 0 : i32
      %dma_start3A_41 = tpu.memref_slice %arg7[%add3A_31, %dma_start3A] : memref<10000x16xf32, #tpu.memory_space<vmem_shared>> -> memref<125x16xf32, #tpu.memory_space<vmem_shared>>
      %dma_start3A_42 = arith.constant 0 : i32
      %dma_start3A_43 = tpu.memref_slice %arg7[%add3A_31, %dma_start3A_42] : memref<10000x16xf32, #tpu.memory_space<vmem_shared>> -> memref<125x16xf32, #tpu.memory_space<vmem_shared>>
      tpu.enqueue_dma source(%arg6 : memref<125x16xf32, #tpu.memory_space<vmem>>) target(%dma_start3A_43 : memref<125x16xf32, #tpu.memory_space<vmem_shared>>) target_semaphore(%run_scoped3A : memref<!tpu.dma_semaphore, #tpu.memory_space<semaphore_mem>>)
      %dma_wait3A = arith.constant 0 : i32
      %dma_wait3A_44 = tpu.memref_slice %arg7[%add3A_31, %dma_wait3A] : memref<10000x16xf32, #tpu.memory_space<vmem_shared>> -> memref<125x16xf32, #tpu.memory_space<vmem_shared>>
      %dma_wait3A_45 = arith.constant 0 : i32
      %dma_wait3A_46 = tpu.memref_slice %arg7[%add3A_31, %dma_wait3A_45] : memref<10000x16xf32, #tpu.memory_space<vmem_shared>> -> memref<125x16xf32, #tpu.memory_space<vmem_shared>>
      tpu.wait_dma2 semaphore(%run_scoped3A : memref<!tpu.dma_semaphore, #tpu.memory_space<semaphore_mem>>) src(%arg6 : memref<125x16xf32, #tpu.memory_space<vmem>>) dst(%dma_wait3A_46 : memref<125x16xf32, #tpu.memory_space<vmem_shared>>)
      tpu.yield
    }) : () -> ()
    %barrier3A = arith.constant 0 : index
    tpu.barrier barrier_id(%barrier3A)
    %scan3A_32 = arith.constant 0 : i32
    %scan3A_33 = arith.constant 0 : i32
    %scan3A_34 = arith.constant 125 : i32
    %scan3A_35 = arith.addi %scan3A_33, %scan3A_34 : i32
    %scan3A_36 = arith.constant 1 : i32
    scf.for %scan3A_41 = %scan3A_33 to %scan3A_35 step %scan3A_36  : i32 {
      "tpu.region"() ({
        %run_scoped3A = tpu.sem_alloc : memref<!tpu.dma_semaphore, #tpu.memory_space<semaphore_mem>>
        %dma_start3A = arith.constant 0 : i32
        %dma_start3A_42 = tpu.memref_slice %arg4[%scan3A_41, %dma_start3A] : memref<125x40xi32, #tpu.memory_space<vmem>> -> memref<1x40xi32, #tpu.memory_space<vmem>>
        %dma_start3A_43 = tpu.memref_squeeze %dma_start3A_42 : memref<1x40xi32, #tpu.memory_space<vmem>> -> memref<40xi32, #tpu.memory_space<vmem>>
        %dma_start3A_44 = arith.constant 0 : i32
        %dma_start3A_45 = arith.constant 0 : i32
        %dma_start3A_46 = tpu.memref_slice %arg7[%dma_start3A_44, %dma_start3A_45] : memref<10000x16xf32, #tpu.memory_space<vmem_shared>> -> memref<10000x16xf32, #tpu.memory_space<vmem_shared>>
        tpu.enqueue_indirect_dma source(%arg5 : memref<40x16xf32, #tpu.memory_space<vmem>>) target(%dma_start3A_46 : memref<10000x16xf32, #tpu.memory_space<vmem_shared>>) offsets(%dma_start3A_43 : memref<40xi32, #tpu.memory_space<vmem>>) semaphore(%run_scoped3A : memref<!tpu.dma_semaphore, #tpu.memory_space<semaphore_mem>>) {add = true}
        %dma_wait3A = arith.constant 0 : i32
        %dma_wait3A_47 = tpu.memref_slice %arg4[%scan3A_41, %dma_wait3A] : memref<125x40xi32, #tpu.memory_space<vmem>> -> memref<1x40xi32, #tpu.memory_space<vmem>>
        %dma_wait3A_48 = tpu.memref_squeeze %dma_wait3A_47 : memref<1x40xi32, #tpu.memory_space<vmem>> -> memref<40xi32, #tpu.memory_space<vmem>>
        %dma_wait3A_49 = arith.constant 0 : i32
        %dma_wait3A_50 = arith.constant 0 : i32
        %dma_wait3A_51 = tpu.memref_slice %arg7[%dma_wait3A_49, %dma_wait3A_50] : memref<10000x16xf32, #tpu.memory_space<vmem_shared>> -> memref<10000x16xf32, #tpu.memory_space<vmem_shared>>
        tpu.wait_indirect_dma semaphore(%run_scoped3A : memref<!tpu.dma_semaphore, #tpu.memory_space<semaphore_mem>>) src(%arg5 : memref<40x16xf32, #tpu.memory_space<vmem>>) dst(%dma_wait3A_51 : memref<10000x16xf32, #tpu.memory_space<vmem_shared>>)
        tpu.yield
      }) : () -> ()
    }
    %scan3A_37 = arith.constant 125 : i32
    %barrier3A_38 = arith.constant 0 : index
    tpu.barrier barrier_id(%barrier3A_38)
    %mul3A_39 = arith.constant 625 : i32
    %mul3A_40 = arith.muli %arg1, %mul3A_39 : i32
    "tpu.region"() ({
      %run_scoped3A = tpu.sem_alloc : memref<!tpu.dma_semaphore, #tpu.memory_space<semaphore_mem>>
      %dma_start3A = arith.constant 0 : i32
      %dma_start3A_41 = arith.constant 0 : i32
      %dma_start3A_42 = tpu.memref_slice %arg3[%add3A, %dma_start3A, %dma_start3A_41] : memref<32x625x16xf32, #tpu.memory_space<hbm>> -> memref<1x625x16xf32, #tpu.memory_space<hbm>>
      %dma_start3A_43 = tpu.memref_squeeze %dma_start3A_42 : memref<1x625x16xf32, #tpu.memory_space<hbm>> -> memref<625x16xf32, #tpu.memory_space<hbm>>
      %dma_start3A_44 = arith.constant 0 : i32
      %dma_start3A_45 = tpu.memref_slice %arg7[%mul3A_40, %dma_start3A_44] : memref<10000x16xf32, #tpu.memory_space<vmem_shared>> -> memref<625x16xf32, #tpu.memory_space<vmem_shared>>
      tpu.enqueue_dma source(%dma_start3A_45 : memref<625x16xf32, #tpu.memory_space<vmem_shared>>) target(%dma_start3A_43 : memref<625x16xf32, #tpu.memory_space<hbm>>) target_semaphore(%run_scoped3A : memref<!tpu.dma_semaphore, #tpu.memory_space<semaphore_mem>>)
      %dma_wait3A = arith.constant 0 : i32
      %dma_wait3A_46 = arith.constant 0 : i32
      %dma_wait3A_47 = tpu.memref_slice %arg3[%add3A, %dma_wait3A, %dma_wait3A_46] : memref<32x625x16xf32, #tpu.memory_space<hbm>> -> memref<1x625x16xf32, #tpu.memory_space<hbm>>
      %dma_wait3A_48 = tpu.memref_squeeze %dma_wait3A_47 : memref<1x625x16xf32, #tpu.memory_space<hbm>> -> memref<625x16xf32, #tpu.memory_space<hbm>>
      %dma_wait3A_49 = arith.constant 0 : i32
      %dma_wait3A_50 = tpu.memref_slice %arg7[%mul3A_40, %dma_wait3A_49] : memref<10000x16xf32, #tpu.memory_space<vmem_shared>> -> memref<625x16xf32, #tpu.memory_space<vmem_shared>>
      tpu.wait_dma2 semaphore(%run_scoped3A : memref<!tpu.dma_semaphore, #tpu.memory_space<semaphore_mem>>) src(%dma_wait3A_50 : memref<625x16xf32, #tpu.memory_space<vmem_shared>>) dst(%dma_wait3A_48 : memref<625x16xf32, #tpu.memory_space<hbm>>)
      tpu.yield
    }) : () -> ()
    return
  }
}

#map = affine_map<(d0, d1) -> (0, 0)>
#map1 = affine_map<(d0, d1) -> (0, 0, 0)>
module attributes {stable_mosaic.version = 14 : i64} {
  func.func @k(%arg0: i32, %arg1: i32, %arg2: memref<20000x64xf32, #tpu.memory_space<hbm>>, %arg3: memref<32x125x80xi32, #tpu.memory_space<hbm>>, %arg4: memref<16x125x80xi32, #tpu.memory_space<hbm>>, %arg5: memref<32x625x64xf32, #tpu.memory_space<hbm>>, %arg6: memref<125x80xi32, #tpu.memory_space<vmem>>, %arg7: memref<125x80xi32, #tpu.memory_space<vmem>>, %arg8: memref<80x64xf32, #tpu.memory_space<vmem>>, %arg9: memref<80x64xf32, #tpu.memory_space<vmem>>, %arg10: memref<125x64xf32, #tpu.memory_space<vmem>>, %arg11: memref<10000x64xf32, #tpu.memory_space<vmem_shared>>, %arg12: memref<!tpu.dma_semaphore, #tpu.memory_space<semaphore_mem>>, %arg13: memref<!tpu.dma_semaphore, #tpu.memory_space<semaphore_mem>>) attributes {dimension_semantics = [#tpu.dimension_semantics<core_parallel>, #tpu.dimension_semantics<subcore_parallel>], iteration_bounds = array<i64: 2, 16>, scalar_prefetch = 0 : i64, scratch_operands = 8 : i64, tpu.core_type = #tpu.core_type<sc_vector_subcore>, window_params = [{transform_indices = #map}, {transform_indices = #map1}, {transform_indices = #map1}, {transform_indices = #map1}]} {
    %mul3A = arith.constant 16 : i32
    %mul3A_0 = arith.muli %arg0, %mul3A : i32
    %add3A = arith.addi %mul3A_0, %arg1 : i32
    "tpu.region"() ({
      %run_scoped3A_51 = tpu.sem_alloc : memref<!tpu.dma_semaphore, #tpu.memory_space<semaphore_mem>>
      %dma_start3A_52 = arith.constant 0 : i32
      %dma_start3A_53 = arith.constant 0 : i32
      %dma_start3A_54 = tpu.memref_slice %arg4[%arg1, %dma_start3A_52, %dma_start3A_53] : memref<16x125x80xi32, #tpu.memory_space<hbm>> -> memref<1x125x80xi32, #tpu.memory_space<hbm>>
      %dma_start3A_55 = tpu.memref_squeeze %dma_start3A_54 : memref<1x125x80xi32, #tpu.memory_space<hbm>> -> memref<125x80xi32, #tpu.memory_space<hbm>>
      %dma_start3A_56 = arith.constant 0 : i32
      %dma_start3A_57 = arith.constant 0 : i32
      %dma_start3A_58 = tpu.memref_slice %arg4[%arg1, %dma_start3A_56, %dma_start3A_57] : memref<16x125x80xi32, #tpu.memory_space<hbm>> -> memref<1x125x80xi32, #tpu.memory_space<hbm>>
      %dma_start3A_59 = tpu.memref_squeeze %dma_start3A_58 : memref<1x125x80xi32, #tpu.memory_space<hbm>> -> memref<125x80xi32, #tpu.memory_space<hbm>>
      tpu.enqueue_dma source(%dma_start3A_59 : memref<125x80xi32, #tpu.memory_space<hbm>>) target(%arg7 : memref<125x80xi32, #tpu.memory_space<vmem>>) target_semaphore(%run_scoped3A_51 : memref<!tpu.dma_semaphore, #tpu.memory_space<semaphore_mem>>)
      %dma_wait3A_60 = arith.constant 0 : i32
      %dma_wait3A_61 = arith.constant 0 : i32
      %dma_wait3A_62 = tpu.memref_slice %arg4[%arg1, %dma_wait3A_60, %dma_wait3A_61] : memref<16x125x80xi32, #tpu.memory_space<hbm>> -> memref<1x125x80xi32, #tpu.memory_space<hbm>>
      %dma_wait3A_63 = tpu.memref_squeeze %dma_wait3A_62 : memref<1x125x80xi32, #tpu.memory_space<hbm>> -> memref<125x80xi32, #tpu.memory_space<hbm>>
      %dma_wait3A_64 = arith.constant 0 : i32
      %dma_wait3A_65 = arith.constant 0 : i32
      %dma_wait3A_66 = tpu.memref_slice %arg4[%arg1, %dma_wait3A_64, %dma_wait3A_65] : memref<16x125x80xi32, #tpu.memory_space<hbm>> -> memref<1x125x80xi32, #tpu.memory_space<hbm>>
      %dma_wait3A_67 = tpu.memref_squeeze %dma_wait3A_66 : memref<1x125x80xi32, #tpu.memory_space<hbm>> -> memref<125x80xi32, #tpu.memory_space<hbm>>
      tpu.wait_dma2 semaphore(%run_scoped3A_51 : memref<!tpu.dma_semaphore, #tpu.memory_space<semaphore_mem>>) src(%dma_wait3A_67 : memref<125x80xi32, #tpu.memory_space<hbm>>) dst(%arg7 : memref<125x80xi32, #tpu.memory_space<vmem>>)
      tpu.yield
    }) : () -> ()
    %scan3A = arith.constant 0 : i32
    %scan3A_1 = arith.constant 0 : i32
    %scan3A_2 = arith.constant 125 : i32
    %scan3A_3 = arith.addi %scan3A_1, %scan3A_2 : i32
    %scan3A_4 = arith.constant 1 : i32
    scf.for %scan3A_51 = %scan3A_1 to %scan3A_3 step %scan3A_4  : i32 {
      %broadcast_in_dim3A = arith.constant 0.000000e+00 : f32
      %broadcast_in_dim3A_52 = vector.broadcast %broadcast_in_dim3A : f32 to vector<16xf32>
      %swap3A = arith.index_cast %scan3A_51 : i32 to index
      %swap3A_53 = arith.constant 0 : index
      %swap3A_54 = tpu.vector_load %arg10[%swap3A, %swap3A_53] {strides = array<i32>} : memref<125x64xf32, #tpu.memory_space<vmem>>, vector<1x16xf32>,
      %swap3A_55 = vector.shape_cast %swap3A_54 : vector<1x16xf32> to vector<16xf32>
      %swap3A_56 = vector.shape_cast %broadcast_in_dim3A_52 : vector<16xf32> to vector<1x16xf32>
      tpu.vector_store %arg10[%swap3A, %swap3A_53], %swap3A_56 {strides = array<i32>} : memref<125x64xf32, #tpu.memory_space<vmem>>, vector<1x16xf32>,
      %broadcast_in_dim3A_57 = arith.constant 0.000000e+00 : f32
      %broadcast_in_dim3A_58 = vector.broadcast %broadcast_in_dim3A_57 : f32 to vector<16xf32>
      %swap3A_59 = arith.index_cast %scan3A_51 : i32 to index
      %swap3A_60 = arith.constant 16 : index
      %swap3A_61 = tpu.vector_load %arg10[%swap3A_59, %swap3A_60] {strides = array<i32>} : memref<125x64xf32, #tpu.memory_space<vmem>>, vector<1x16xf32>,
      %swap3A_62 = vector.shape_cast %swap3A_61 : vector<1x16xf32> to vector<16xf32>
      %swap3A_63 = vector.shape_cast %broadcast_in_dim3A_58 : vector<16xf32> to vector<1x16xf32>
      tpu.vector_store %arg10[%swap3A_59, %swap3A_60], %swap3A_63 {strides = array<i32>} : memref<125x64xf32, #tpu.memory_space<vmem>>, vector<1x16xf32>,
      %broadcast_in_dim3A_64 = arith.constant 0.000000e+00 : f32
      %broadcast_in_dim3A_65 = vector.broadcast %broadcast_in_dim3A_64 : f32 to vector<16xf32>
      %swap3A_66 = arith.index_cast %scan3A_51 : i32 to index
      %swap3A_67 = arith.constant 32 : index
      %swap3A_68 = tpu.vector_load %arg10[%swap3A_66, %swap3A_67] {strides = array<i32>} : memref<125x64xf32, #tpu.memory_space<vmem>>, vector<1x16xf32>,
      %swap3A_69 = vector.shape_cast %swap3A_68 : vector<1x16xf32> to vector<16xf32>
      %swap3A_70 = vector.shape_cast %broadcast_in_dim3A_65 : vector<16xf32> to vector<1x16xf32>
      tpu.vector_store %arg10[%swap3A_66, %swap3A_67], %swap3A_70 {strides = array<i32>} : memref<125x64xf32, #tpu.memory_space<vmem>>, vector<1x16xf32>,
      %broadcast_in_dim3A_71 = arith.constant 0.000000e+00 : f32
      %broadcast_in_dim3A_72 = vector.broadcast %broadcast_in_dim3A_71 : f32 to vector<16xf32>
      %swap3A_73 = arith.index_cast %scan3A_51 : i32 to index
      %swap3A_74 = arith.constant 48 : index
      %swap3A_75 = tpu.vector_load %arg10[%swap3A_73, %swap3A_74] {strides = array<i32>} : memref<125x64xf32, #tpu.memory_space<vmem>>, vector<1x16xf32>,
      %swap3A_76 = vector.shape_cast %swap3A_75 : vector<1x16xf32> to vector<16xf32>
      %swap3A_77 = vector.shape_cast %broadcast_in_dim3A_72 : vector<16xf32> to vector<1x16xf32>
      tpu.vector_store %arg10[%swap3A_73, %swap3A_74], %swap3A_77 {strides = array<i32>} : memref<125x64xf32, #tpu.memory_space<vmem>>, vector<1x16xf32>,
    }
    %scan3A_5 = arith.constant 125 : i32
    %add3A_6 = arith.constant 0 : i32
    %add3A_7 = arith.addi %add3A_6, %add3A : i32
    "tpu.region"() ({
      %run_scoped3A_51 = tpu.sem_alloc : memref<!tpu.dma_semaphore, #tpu.memory_space<semaphore_mem>>
      %dma_start3A_52 = arith.constant 0 : i32
      %dma_start3A_53 = arith.constant 0 : i32
      %dma_start3A_54 = tpu.memref_slice %arg3[%add3A_7, %dma_start3A_52, %dma_start3A_53] : memref<32x125x80xi32, #tpu.memory_space<hbm>> -> memref<1x125x80xi32, #tpu.memory_space<hbm>>
      %dma_start3A_55 = tpu.memref_squeeze %dma_start3A_54 : memref<1x125x80xi32, #tpu.memory_space<hbm>> -> memref<125x80xi32, #tpu.memory_space<hbm>>
      %dma_start3A_56 = arith.constant 0 : i32
      %dma_start3A_57 = arith.constant 0 : i32
      %dma_start3A_58 = tpu.memref_slice %arg3[%add3A_7, %dma_start3A_56, %dma_start3A_57] : memref<32x125x80xi32, #tpu.memory_space<hbm>> -> memref<1x125x80xi32, #tpu.memory_space<hbm>>
      %dma_start3A_59 = tpu.memref_squeeze %dma_start3A_58 : memref<1x125x80xi32, #tpu.memory_space<hbm>> -> memref<125x80xi32, #tpu.memory_space<hbm>>
      tpu.enqueue_dma source(%dma_start3A_59 : memref<125x80xi32, #tpu.memory_space<hbm>>) target(%arg6 : memref<125x80xi32, #tpu.memory_space<vmem>>) target_semaphore(%run_scoped3A_51 : memref<!tpu.dma_semaphore, #tpu.memory_space<semaphore_mem>>)
      %dma_wait3A_60 = arith.constant 0 : i32
      %dma_wait3A_61 = arith.constant 0 : i32
      %dma_wait3A_62 = tpu.memref_slice %arg3[%add3A_7, %dma_wait3A_60, %dma_wait3A_61] : memref<32x125x80xi32, #tpu.memory_space<hbm>> -> memref<1x125x80xi32, #tpu.memory_space<hbm>>
      %dma_wait3A_63 = tpu.memref_squeeze %dma_wait3A_62 : memref<1x125x80xi32, #tpu.memory_space<hbm>> -> memref<125x80xi32, #tpu.memory_space<hbm>>
      %dma_wait3A_64 = arith.constant 0 : i32
      %dma_wait3A_65 = arith.constant 0 : i32
      %dma_wait3A_66 = tpu.memref_slice %arg3[%add3A_7, %dma_wait3A_64, %dma_wait3A_65] : memref<32x125x80xi32, #tpu.memory_space<hbm>> -> memref<1x125x80xi32, #tpu.memory_space<hbm>>
      %dma_wait3A_67 = tpu.memref_squeeze %dma_wait3A_66 : memref<1x125x80xi32, #tpu.memory_space<hbm>> -> memref<125x80xi32, #tpu.memory_space<hbm>>
      tpu.wait_dma2 semaphore(%run_scoped3A_51 : memref<!tpu.dma_semaphore, #tpu.memory_space<semaphore_mem>>) src(%dma_wait3A_67 : memref<125x80xi32, #tpu.memory_space<hbm>>) dst(%arg6 : memref<125x80xi32, #tpu.memory_space<vmem>>)
      tpu.yield
    }) : () -> ()
    %mul3A_8 = arith.constant 625 : i32
    %mul3A_9 = arith.muli %arg1, %mul3A_8 : i32
    %add3A_10 = arith.constant 0 : i32
    %add3A_11 = arith.addi %mul3A_9, %add3A_10 : i32
    "tpu.region"() ({
      %run_scoped3A_51 = tpu.sem_alloc : memref<!tpu.dma_semaphore, #tpu.memory_space<semaphore_mem>>
      %dma_start3A_52 = arith.constant 0 : i32
      %dma_start3A_53 = tpu.memref_slice %arg11[%add3A_11, %dma_start3A_52] : memref<10000x64xf32, #tpu.memory_space<vmem_shared>> -> memref<125x64xf32, #tpu.memory_space<vmem_shared>>
      %dma_start3A_54 = arith.constant 0 : i32
      %dma_start3A_55 = tpu.memref_slice %arg11[%add3A_11, %dma_start3A_54] : memref<10000x64xf32, #tpu.memory_space<vmem_shared>> -> memref<125x64xf32, #tpu.memory_space<vmem_shared>>
      tpu.enqueue_dma source(%arg10 : memref<125x64xf32, #tpu.memory_space<vmem>>) target(%dma_start3A_55 : memref<125x64xf32, #tpu.memory_space<vmem_shared>>) target_semaphore(%run_scoped3A_51 : memref<!tpu.dma_semaphore, #tpu.memory_space<semaphore_mem>>)
      %dma_wait3A_56 = arith.constant 0 : i32
      %dma_wait3A_57 = tpu.memref_slice %arg11[%add3A_11, %dma_wait3A_56] : memref<10000x64xf32, #tpu.memory_space<vmem_shared>> -> memref<125x64xf32, #tpu.memory_space<vmem_shared>>
      %dma_wait3A_58 = arith.constant 0 : i32
      %dma_wait3A_59 = tpu.memref_slice %arg11[%add3A_11, %dma_wait3A_58] : memref<10000x64xf32, #tpu.memory_space<vmem_shared>> -> memref<125x64xf32, #tpu.memory_space<vmem_shared>>
      tpu.wait_dma2 semaphore(%run_scoped3A_51 : memref<!tpu.dma_semaphore, #tpu.memory_space<semaphore_mem>>) src(%arg10 : memref<125x64xf32, #tpu.memory_space<vmem>>) dst(%dma_wait3A_59 : memref<125x64xf32, #tpu.memory_space<vmem_shared>>)
      tpu.yield
    }) : () -> ()
    %mul3A_12 = arith.constant 625 : i32
    %mul3A_13 = arith.muli %arg1, %mul3A_12 : i32
    %add3A_14 = arith.constant 125 : i32
    %add3A_15 = arith.addi %mul3A_13, %add3A_14 : i32
    "tpu.region"() ({
      %run_scoped3A_51 = tpu.sem_alloc : memref<!tpu.dma_semaphore, #tpu.memory_space<semaphore_mem>>
      %dma_start3A_52 = arith.constant 0 : i32
      %dma_start3A_53 = tpu.memref_slice %arg11[%add3A_15, %dma_start3A_52] : memref<10000x64xf32, #tpu.memory_space<vmem_shared>> -> memref<125x64xf32, #tpu.memory_space<vmem_shared>>
      %dma_start3A_54 = arith.constant 0 : i32
      %dma_start3A_55 = tpu.memref_slice %arg11[%add3A_15, %dma_start3A_54] : memref<10000x64xf32, #tpu.memory_space<vmem_shared>> -> memref<125x64xf32, #tpu.memory_space<vmem_shared>>
      tpu.enqueue_dma source(%arg10 : memref<125x64xf32, #tpu.memory_space<vmem>>) target(%dma_start3A_55 : memref<125x64xf32, #tpu.memory_space<vmem_shared>>) target_semaphore(%run_scoped3A_51 : memref<!tpu.dma_semaphore, #tpu.memory_space<semaphore_mem>>)
      %dma_wait3A_56 = arith.constant 0 : i32
      %dma_wait3A_57 = tpu.memref_slice %arg11[%add3A_15, %dma_wait3A_56] : memref<10000x64xf32, #tpu.memory_space<vmem_shared>> -> memref<125x64xf32, #tpu.memory_space<vmem_shared>>
      %dma_wait3A_58 = arith.constant 0 : i32
      %dma_wait3A_59 = tpu.memref_slice %arg11[%add3A_15, %dma_wait3A_58] : memref<10000x64xf32, #tpu.memory_space<vmem_shared>> -> memref<125x64xf32, #tpu.memory_space<vmem_shared>>
      tpu.wait_dma2 semaphore(%run_scoped3A_51 : memref<!tpu.dma_semaphore, #tpu.memory_space<semaphore_mem>>) src(%arg10 : memref<125x64xf32, #tpu.memory_space<vmem>>) dst(%dma_wait3A_59 : memref<125x64xf32, #tpu.memory_space<vmem_shared>>)
      tpu.yield
    }) : () -> ()
    %mul3A_16 = arith.constant 625 : i32
    %mul3A_17 = arith.muli %arg1, %mul3A_16 : i32
    %add3A_18 = arith.constant 250 : i32
    %add3A_19 = arith.addi %mul3A_17, %add3A_18 : i32
    "tpu.region"() ({
      %run_scoped3A_51 = tpu.sem_alloc : memref<!tpu.dma_semaphore, #tpu.memory_space<semaphore_mem>>
      %dma_start3A_52 = arith.constant 0 : i32
      %dma_start3A_53 = tpu.memref_slice %arg11[%add3A_19, %dma_start3A_52] : memref<10000x64xf32, #tpu.memory_space<vmem_shared>> -> memref<125x64xf32, #tpu.memory_space<vmem_shared>>
      %dma_start3A_54 = arith.constant 0 : i32
      %dma_start3A_55 = tpu.memref_slice %arg11[%add3A_19, %dma_start3A_54] : memref<10000x64xf32, #tpu.memory_space<vmem_shared>> -> memref<125x64xf32, #tpu.memory_space<vmem_shared>>
      tpu.enqueue_dma source(%arg10 : memref<125x64xf32, #tpu.memory_space<vmem>>) target(%dma_start3A_55 : memref<125x64xf32, #tpu.memory_space<vmem_shared>>) target_semaphore(%run_scoped3A_51 : memref<!tpu.dma_semaphore, #tpu.memory_space<semaphore_mem>>)
      %dma_wait3A_56 = arith.constant 0 : i32
      %dma_wait3A_57 = tpu.memref_slice %arg11[%add3A_19, %dma_wait3A_56] : memref<10000x64xf32, #tpu.memory_space<vmem_shared>> -> memref<125x64xf32, #tpu.memory_space<vmem_shared>>
      %dma_wait3A_58 = arith.constant 0 : i32
      %dma_wait3A_59 = tpu.memref_slice %arg11[%add3A_19, %dma_wait3A_58] : memref<10000x64xf32, #tpu.memory_space<vmem_shared>> -> memref<125x64xf32, #tpu.memory_space<vmem_shared>>
      tpu.wait_dma2 semaphore(%run_scoped3A_51 : memref<!tpu.dma_semaphore, #tpu.memory_space<semaphore_mem>>) src(%arg10 : memref<125x64xf32, #tpu.memory_space<vmem>>) dst(%dma_wait3A_59 : memref<125x64xf32, #tpu.memory_space<vmem_shared>>)
      tpu.yield
    }) : () -> ()
    %mul3A_20 = arith.constant 625 : i32
    %mul3A_21 = arith.muli %arg1, %mul3A_20 : i32
    %add3A_22 = arith.constant 375 : i32
    %add3A_23 = arith.addi %mul3A_21, %add3A_22 : i32
    "tpu.region"() ({
      %run_scoped3A_51 = tpu.sem_alloc : memref<!tpu.dma_semaphore, #tpu.memory_space<semaphore_mem>>
      %dma_start3A_52 = arith.constant 0 : i32
      %dma_start3A_53 = tpu.memref_slice %arg11[%add3A_23, %dma_start3A_52] : memref<10000x64xf32, #tpu.memory_space<vmem_shared>> -> memref<125x64xf32, #tpu.memory_space<vmem_shared>>
      %dma_start3A_54 = arith.constant 0 : i32
      %dma_start3A_55 = tpu.memref_slice %arg11[%add3A_23, %dma_start3A_54] : memref<10000x64xf32, #tpu.memory_space<vmem_shared>> -> memref<125x64xf32, #tpu.memory_space<vmem_shared>>
      tpu.enqueue_dma source(%arg10 : memref<125x64xf32, #tpu.memory_space<vmem>>) target(%dma_start3A_55 : memref<125x64xf32, #tpu.memory_space<vmem_shared>>) target_semaphore(%run_scoped3A_51 : memref<!tpu.dma_semaphore, #tpu.memory_space<semaphore_mem>>)
      %dma_wait3A_56 = arith.constant 0 : i32
      %dma_wait3A_57 = tpu.memref_slice %arg11[%add3A_23, %dma_wait3A_56] : memref<10000x64xf32, #tpu.memory_space<vmem_shared>> -> memref<125x64xf32, #tpu.memory_space<vmem_shared>>
      %dma_wait3A_58 = arith.constant 0 : i32
      %dma_wait3A_59 = tpu.memref_slice %arg11[%add3A_23, %dma_wait3A_58] : memref<10000x64xf32, #tpu.memory_space<vmem_shared>> -> memref<125x64xf32, #tpu.memory_space<vmem_shared>>
      tpu.wait_dma2 semaphore(%run_scoped3A_51 : memref<!tpu.dma_semaphore, #tpu.memory_space<semaphore_mem>>) src(%arg10 : memref<125x64xf32, #tpu.memory_space<vmem>>) dst(%dma_wait3A_59 : memref<125x64xf32, #tpu.memory_space<vmem_shared>>)
      tpu.yield
    }) : () -> ()
    %mul3A_24 = arith.constant 625 : i32
    %mul3A_25 = arith.muli %arg1, %mul3A_24 : i32
    %add3A_26 = arith.constant 500 : i32
    %add3A_27 = arith.addi %mul3A_25, %add3A_26 : i32
    "tpu.region"() ({
      %run_scoped3A_51 = tpu.sem_alloc : memref<!tpu.dma_semaphore, #tpu.memory_space<semaphore_mem>>
      %dma_start3A_52 = arith.constant 0 : i32
      %dma_start3A_53 = tpu.memref_slice %arg11[%add3A_27, %dma_start3A_52] : memref<10000x64xf32, #tpu.memory_space<vmem_shared>> -> memref<125x64xf32, #tpu.memory_space<vmem_shared>>
      %dma_start3A_54 = arith.constant 0 : i32
      %dma_start3A_55 = tpu.memref_slice %arg11[%add3A_27, %dma_start3A_54] : memref<10000x64xf32, #tpu.memory_space<vmem_shared>> -> memref<125x64xf32, #tpu.memory_space<vmem_shared>>
      tpu.enqueue_dma source(%arg10 : memref<125x64xf32, #tpu.memory_space<vmem>>) target(%dma_start3A_55 : memref<125x64xf32, #tpu.memory_space<vmem_shared>>) target_semaphore(%run_scoped3A_51 : memref<!tpu.dma_semaphore, #tpu.memory_space<semaphore_mem>>)
      %dma_wait3A_56 = arith.constant 0 : i32
      %dma_wait3A_57 = tpu.memref_slice %arg11[%add3A_27, %dma_wait3A_56] : memref<10000x64xf32, #tpu.memory_space<vmem_shared>> -> memref<125x64xf32, #tpu.memory_space<vmem_shared>>
      %dma_wait3A_58 = arith.constant 0 : i32
      %dma_wait3A_59 = tpu.memref_slice %arg11[%add3A_27, %dma_wait3A_58] : memref<10000x64xf32, #tpu.memory_space<vmem_shared>> -> memref<125x64xf32, #tpu.memory_space<vmem_shared>>
      tpu.wait_dma2 semaphore(%run_scoped3A_51 : memref<!tpu.dma_semaphore, #tpu.memory_space<semaphore_mem>>) src(%arg10 : memref<125x64xf32, #tpu.memory_space<vmem>>) dst(%dma_wait3A_59 : memref<125x64xf32, #tpu.memory_space<vmem_shared>>)
      tpu.yield
    }) : () -> ()
    %barrier3A = arith.constant 0 : index
    tpu.barrier barrier_id(%barrier3A)
    %dma_start3A = arith.constant 0 : i32
    %dma_start3A_28 = arith.constant 0 : i32
    %dma_start3A_29 = tpu.memref_slice %arg6[%dma_start3A, %dma_start3A_28] : memref<125x80xi32, #tpu.memory_space<vmem>> -> memref<1x80xi32, #tpu.memory_space<vmem>>
    %dma_start3A_30 = tpu.memref_squeeze %dma_start3A_29 : memref<1x80xi32, #tpu.memory_space<vmem>> -> memref<80xi32, #tpu.memory_space<vmem>>
    %dma_start3A_31 = arith.constant 0 : i32
    %dma_start3A_32 = arith.constant 0 : i32
    %dma_start3A_33 = tpu.memref_slice %arg2[%dma_start3A_31, %dma_start3A_32] : memref<20000x64xf32, #tpu.memory_space<hbm>> -> memref<20000x64xf32, #tpu.memory_space<hbm>>
    tpu.enqueue_indirect_dma source(%dma_start3A_33 : memref<20000x64xf32, #tpu.memory_space<hbm>>) target(%arg8 : memref<80x64xf32, #tpu.memory_space<vmem>>) offsets(%dma_start3A_30 : memref<80xi32, #tpu.memory_space<vmem>>) semaphore(%arg12 : memref<!tpu.dma_semaphore, #tpu.memory_space<semaphore_mem>>)
    %scan3A_34 = arith.constant 0 : i32
    %scan3A_35 = arith.constant 0 : i32
    %scan3A_36 = arith.constant 62 : i32
    %scan3A_37 = arith.addi %scan3A_35, %scan3A_36 : i32
    %scan3A_38 = arith.constant 1 : i32
    scf.for %scan3A_51 = %scan3A_35 to %scan3A_37 step %scan3A_38  : i32 {
      %mul3A_52 = arith.constant 2 : i32
      %mul3A_53 = arith.muli %mul3A_52, %scan3A_51 : i32
      %add3A_54 = arith.constant 1 : i32
      %add3A_55 = arith.addi %mul3A_53, %add3A_54 : i32
      %dma_start3A_56 = arith.constant 0 : i32
      %dma_start3A_57 = tpu.memref_slice %arg6[%add3A_55, %dma_start3A_56] : memref<125x80xi32, #tpu.memory_space<vmem>> -> memref<1x80xi32, #tpu.memory_space<vmem>>
      %dma_start3A_58 = tpu.memref_squeeze %dma_start3A_57 : memref<1x80xi32, #tpu.memory_space<vmem>> -> memref<80xi32, #tpu.memory_space<vmem>>
      %dma_start3A_59 = arith.constant 0 : i32
      %dma_start3A_60 = arith.constant 0 : i32
      %dma_start3A_61 = tpu.memref_slice %arg2[%dma_start3A_59, %dma_start3A_60] : memref<20000x64xf32, #tpu.memory_space<hbm>> -> memref<20000x64xf32, #tpu.memory_space<hbm>>
      tpu.enqueue_indirect_dma source(%dma_start3A_61 : memref<20000x64xf32, #tpu.memory_space<hbm>>) target(%arg9 : memref<80x64xf32, #tpu.memory_space<vmem>>) offsets(%dma_start3A_58 : memref<80xi32, #tpu.memory_space<vmem>>) semaphore(%arg13 : memref<!tpu.dma_semaphore, #tpu.memory_space<semaphore_mem>>)
      %dma_wait3A_62 = arith.constant 0 : i32
      %dma_wait3A_63 = arith.constant 0 : i32
      %dma_wait3A_64 = tpu.memref_slice %arg6[%dma_wait3A_62, %dma_wait3A_63] : memref<125x80xi32, #tpu.memory_space<vmem>> -> memref<1x80xi32, #tpu.memory_space<vmem>>
      %dma_wait3A_65 = tpu.memref_squeeze %dma_wait3A_64 : memref<1x80xi32, #tpu.memory_space<vmem>> -> memref<80xi32, #tpu.memory_space<vmem>>
      %dma_wait3A_66 = arith.constant 0 : i32
      %dma_wait3A_67 = arith.constant 0 : i32
      %dma_wait3A_68 = tpu.memref_slice %arg2[%dma_wait3A_66, %dma_wait3A_67] : memref<20000x64xf32, #tpu.memory_space<hbm>> -> memref<20000x64xf32, #tpu.memory_space<hbm>>
      tpu.wait_indirect_dma semaphore(%arg12 : memref<!tpu.dma_semaphore, #tpu.memory_space<semaphore_mem>>) src(%dma_wait3A_68 : memref<20000x64xf32, #tpu.memory_space<hbm>>) dst(%arg8 : memref<80x64xf32, #tpu.memory_space<vmem>>)
      "tpu.region"() ({
        %run_scoped3A_86 = tpu.sem_alloc : memref<!tpu.dma_semaphore, #tpu.memory_space<semaphore_mem>>
        %dma_start3A_87 = arith.constant 0 : i32
        %dma_start3A_88 = tpu.memref_slice %arg7[%mul3A_53, %dma_start3A_87] : memref<125x80xi32, #tpu.memory_space<vmem>> -> memref<1x80xi32, #tpu.memory_space<vmem>>
        %dma_start3A_89 = tpu.memref_squeeze %dma_start3A_88 : memref<1x80xi32, #tpu.memory_space<vmem>> -> memref<80xi32, #tpu.memory_space<vmem>>
        %dma_start3A_90 = arith.constant 0 : i32
        %dma_start3A_91 = arith.constant 0 : i32
        %dma_start3A_92 = tpu.memref_slice %arg11[%dma_start3A_90, %dma_start3A_91] : memref<10000x64xf32, #tpu.memory_space<vmem_shared>> -> memref<10000x64xf32, #tpu.memory_space<vmem_shared>>
        tpu.enqueue_indirect_dma source(%arg8 : memref<80x64xf32, #tpu.memory_space<vmem>>) target(%dma_start3A_92 : memref<10000x64xf32, #tpu.memory_space<vmem_shared>>) offsets(%dma_start3A_89 : memref<80xi32, #tpu.memory_space<vmem>>) semaphore(%run_scoped3A_86 : memref<!tpu.dma_semaphore, #tpu.memory_space<semaphore_mem>>) {add = true}
        %dma_wait3A_93 = arith.constant 0 : i32
        %dma_wait3A_94 = tpu.memref_slice %arg7[%mul3A_53, %dma_wait3A_93] : memref<125x80xi32, #tpu.memory_space<vmem>> -> memref<1x80xi32, #tpu.memory_space<vmem>>
        %dma_wait3A_95 = tpu.memref_squeeze %dma_wait3A_94 : memref<1x80xi32, #tpu.memory_space<vmem>> -> memref<80xi32, #tpu.memory_space<vmem>>
        %dma_wait3A_96 = arith.constant 0 : i32
        %dma_wait3A_97 = arith.constant 0 : i32
        %dma_wait3A_98 = tpu.memref_slice %arg11[%dma_wait3A_96, %dma_wait3A_97] : memref<10000x64xf32, #tpu.memory_space<vmem_shared>> -> memref<10000x64xf32, #tpu.memory_space<vmem_shared>>
        tpu.wait_indirect_dma semaphore(%run_scoped3A_86 : memref<!tpu.dma_semaphore, #tpu.memory_space<semaphore_mem>>) src(%arg8 : memref<80x64xf32, #tpu.memory_space<vmem>>) dst(%dma_wait3A_98 : memref<10000x64xf32, #tpu.memory_space<vmem_shared>>)
        tpu.yield
      }) : () -> ()
      %add3A_69 = arith.constant 2 : i32
      %add3A_70 = arith.addi %mul3A_53, %add3A_69 : i32
      %dma_start3A_71 = arith.constant 0 : i32
      %dma_start3A_72 = tpu.memref_slice %arg6[%add3A_70, %dma_start3A_71] : memref<125x80xi32, #tpu.memory_space<vmem>> -> memref<1x80xi32, #tpu.memory_space<vmem>>
      %dma_start3A_73 = tpu.memref_squeeze %dma_start3A_72 : memref<1x80xi32, #tpu.memory_space<vmem>> -> memref<80xi32, #tpu.memory_space<vmem>>
      %dma_start3A_74 = arith.constant 0 : i32
      %dma_start3A_75 = arith.constant 0 : i32
      %dma_start3A_76 = tpu.memref_slice %arg2[%dma_start3A_74, %dma_start3A_75] : memref<20000x64xf32, #tpu.memory_space<hbm>> -> memref<20000x64xf32, #tpu.memory_space<hbm>>
      tpu.enqueue_indirect_dma source(%dma_start3A_76 : memref<20000x64xf32, #tpu.memory_space<hbm>>) target(%arg8 : memref<80x64xf32, #tpu.memory_space<vmem>>) offsets(%dma_start3A_73 : memref<80xi32, #tpu.memory_space<vmem>>) semaphore(%arg12 : memref<!tpu.dma_semaphore, #tpu.memory_space<semaphore_mem>>)
      %dma_wait3A_77 = arith.constant 0 : i32
      %dma_wait3A_78 = arith.constant 0 : i32
      %dma_wait3A_79 = tpu.memref_slice %arg6[%dma_wait3A_77, %dma_wait3A_78] : memref<125x80xi32, #tpu.memory_space<vmem>> -> memref<1x80xi32, #tpu.memory_space<vmem>>
      %dma_wait3A_80 = tpu.memref_squeeze %dma_wait3A_79 : memref<1x80xi32, #tpu.memory_space<vmem>> -> memref<80xi32, #tpu.memory_space<vmem>>
      %dma_wait3A_81 = arith.constant 0 : i32
      %dma_wait3A_82 = arith.constant 0 : i32
      %dma_wait3A_83 = tpu.memref_slice %arg2[%dma_wait3A_81, %dma_wait3A_82] : memref<20000x64xf32, #tpu.memory_space<hbm>> -> memref<20000x64xf32, #tpu.memory_space<hbm>>
      tpu.wait_indirect_dma semaphore(%arg13 : memref<!tpu.dma_semaphore, #tpu.memory_space<semaphore_mem>>) src(%dma_wait3A_83 : memref<20000x64xf32, #tpu.memory_space<hbm>>) dst(%arg9 : memref<80x64xf32, #tpu.memory_space<vmem>>)
      %add3A_84 = arith.constant 1 : i32
      %add3A_85 = arith.addi %mul3A_53, %add3A_84 : i32
      "tpu.region"() ({
        %run_scoped3A_86 = tpu.sem_alloc : memref<!tpu.dma_semaphore, #tpu.memory_space<semaphore_mem>>
        %dma_start3A_87 = arith.constant 0 : i32
        %dma_start3A_88 = tpu.memref_slice %arg7[%add3A_85, %dma_start3A_87] : memref<125x80xi32, #tpu.memory_space<vmem>> -> memref<1x80xi32, #tpu.memory_space<vmem>>
        %dma_start3A_89 = tpu.memref_squeeze %dma_start3A_88 : memref<1x80xi32, #tpu.memory_space<vmem>> -> memref<80xi32, #tpu.memory_space<vmem>>
        %dma_start3A_90 = arith.constant 0 : i32
        %dma_start3A_91 = arith.constant 0 : i32
        %dma_start3A_92 = tpu.memref_slice %arg11[%dma_start3A_90, %dma_start3A_91] : memref<10000x64xf32, #tpu.memory_space<vmem_shared>> -> memref<10000x64xf32, #tpu.memory_space<vmem_shared>>
        tpu.enqueue_indirect_dma source(%arg9 : memref<80x64xf32, #tpu.memory_space<vmem>>) target(%dma_start3A_92 : memref<10000x64xf32, #tpu.memory_space<vmem_shared>>) offsets(%dma_start3A_89 : memref<80xi32, #tpu.memory_space<vmem>>) semaphore(%run_scoped3A_86 : memref<!tpu.dma_semaphore, #tpu.memory_space<semaphore_mem>>) {add = true}
        %dma_wait3A_93 = arith.constant 0 : i32
        %dma_wait3A_94 = tpu.memref_slice %arg7[%add3A_85, %dma_wait3A_93] : memref<125x80xi32, #tpu.memory_space<vmem>> -> memref<1x80xi32, #tpu.memory_space<vmem>>
        %dma_wait3A_95 = tpu.memref_squeeze %dma_wait3A_94 : memref<1x80xi32, #tpu.memory_space<vmem>> -> memref<80xi32, #tpu.memory_space<vmem>>
        %dma_wait3A_96 = arith.constant 0 : i32
        %dma_wait3A_97 = arith.constant 0 : i32
        %dma_wait3A_98 = tpu.memref_slice %arg11[%dma_wait3A_96, %dma_wait3A_97] : memref<10000x64xf32, #tpu.memory_space<vmem_shared>> -> memref<10000x64xf32, #tpu.memory_space<vmem_shared>>
        tpu.wait_indirect_dma semaphore(%run_scoped3A_86 : memref<!tpu.dma_semaphore, #tpu.memory_space<semaphore_mem>>) src(%arg9 : memref<80x64xf32, #tpu.memory_space<vmem>>) dst(%dma_wait3A_98 : memref<10000x64xf32, #tpu.memory_space<vmem_shared>>)
        tpu.yield
      }) : () -> ()
    }
    %scan3A_39 = arith.constant 62 : i32
    %dma_wait3A = arith.constant 0 : i32
    %dma_wait3A_40 = arith.constant 0 : i32
    %dma_wait3A_41 = tpu.memref_slice %arg6[%dma_wait3A, %dma_wait3A_40] : memref<125x80xi32, #tpu.memory_space<vmem>> -> memref<1x80xi32, #tpu.memory_space<vmem>>
    %dma_wait3A_42 = tpu.memref_squeeze %dma_wait3A_41 : memref<1x80xi32, #tpu.memory_space<vmem>> -> memref<80xi32, #tpu.memory_space<vmem>>
    %dma_wait3A_43 = arith.constant 0 : i32
    %dma_wait3A_44 = arith.constant 0 : i32
    %dma_wait3A_45 = tpu.memref_slice %arg2[%dma_wait3A_43, %dma_wait3A_44] : memref<20000x64xf32, #tpu.memory_space<hbm>> -> memref<20000x64xf32, #tpu.memory_space<hbm>>
    tpu.wait_indirect_dma semaphore(%arg12 : memref<!tpu.dma_semaphore, #tpu.memory_space<semaphore_mem>>) src(%dma_wait3A_45 : memref<20000x64xf32, #tpu.memory_space<hbm>>) dst(%arg8 : memref<80x64xf32, #tpu.memory_space<vmem>>)
    %run_scoped3A = arith.constant 124 : i32
    "tpu.region"() ({
      %run_scoped3A_51 = tpu.sem_alloc : memref<!tpu.dma_semaphore, #tpu.memory_space<semaphore_mem>>
      %dma_start3A_52 = arith.constant 0 : i32
      %dma_start3A_53 = tpu.memref_slice %arg7[%run_scoped3A, %dma_start3A_52] : memref<125x80xi32, #tpu.memory_space<vmem>> -> memref<1x80xi32, #tpu.memory_space<vmem>>
      %dma_start3A_54 = tpu.memref_squeeze %dma_start3A_53 : memref<1x80xi32, #tpu.memory_space<vmem>> -> memref<80xi32, #tpu.memory_space<vmem>>
      %dma_start3A_55 = arith.constant 0 : i32
      %dma_start3A_56 = arith.constant 0 : i32
      %dma_start3A_57 = tpu.memref_slice %arg11[%dma_start3A_55, %dma_start3A_56] : memref<10000x64xf32, #tpu.memory_space<vmem_shared>> -> memref<10000x64xf32, #tpu.memory_space<vmem_shared>>
      tpu.enqueue_indirect_dma source(%arg8 : memref<80x64xf32, #tpu.memory_space<vmem>>) target(%dma_start3A_57 : memref<10000x64xf32, #tpu.memory_space<vmem_shared>>) offsets(%dma_start3A_54 : memref<80xi32, #tpu.memory_space<vmem>>) semaphore(%run_scoped3A_51 : memref<!tpu.dma_semaphore, #tpu.memory_space<semaphore_mem>>) {add = true}
      %dma_wait3A_58 = arith.constant 0 : i32
      %dma_wait3A_59 = tpu.memref_slice %arg7[%run_scoped3A, %dma_wait3A_58] : memref<125x80xi32, #tpu.memory_space<vmem>> -> memref<1x80xi32, #tpu.memory_space<vmem>>
      %dma_wait3A_60 = tpu.memref_squeeze %dma_wait3A_59 : memref<1x80xi32, #tpu.memory_space<vmem>> -> memref<80xi32, #tpu.memory_space<vmem>>
      %dma_wait3A_61 = arith.constant 0 : i32
      %dma_wait3A_62 = arith.constant 0 : i32
      %dma_wait3A_63 = tpu.memref_slice %arg11[%dma_wait3A_61, %dma_wait3A_62] : memref<10000x64xf32, #tpu.memory_space<vmem_shared>> -> memref<10000x64xf32, #tpu.memory_space<vmem_shared>>
      tpu.wait_indirect_dma semaphore(%run_scoped3A_51 : memref<!tpu.dma_semaphore, #tpu.memory_space<semaphore_mem>>) src(%arg8 : memref<80x64xf32, #tpu.memory_space<vmem>>) dst(%dma_wait3A_63 : memref<10000x64xf32, #tpu.memory_space<vmem_shared>>)
      tpu.yield
    }) : () -> ()
    %barrier3A_46 = arith.constant 0 : index
    tpu.barrier barrier_id(%barrier3A_46)
    %mul3A_47 = arith.constant 625 : i32
    %mul3A_48 = arith.muli %arg1, %mul3A_47 : i32
    %add3A_49 = arith.constant 0 : i32
    %add3A_50 = arith.addi %add3A_49, %add3A : i32
    "tpu.region"() ({
      %run_scoped3A_51 = tpu.sem_alloc : memref<!tpu.dma_semaphore, #tpu.memory_space<semaphore_mem>>
      %dma_start3A_52 = arith.constant 0 : i32
      %dma_start3A_53 = arith.constant 0 : i32
      %dma_start3A_54 = tpu.memref_slice %arg5[%add3A_50, %dma_start3A_52, %dma_start3A_53] : memref<32x625x64xf32, #tpu.memory_space<hbm>> -> memref<1x625x64xf32, #tpu.memory_space<hbm>>
      %dma_start3A_55 = tpu.memref_squeeze %dma_start3A_54 : memref<1x625x64xf32, #tpu.memory_space<hbm>> -> memref<625x64xf32, #tpu.memory_space<hbm>>
      %dma_start3A_56 = arith.constant 0 : i32
      %dma_start3A_57 = tpu.memref_slice %arg11[%mul3A_48, %dma_start3A_56] : memref<10000x64xf32, #tpu.memory_space<vmem_shared>> -> memref<625x64xf32, #tpu.memory_space<vmem_shared>>
      tpu.enqueue_dma source(%dma_start3A_57 : memref<625x64xf32, #tpu.memory_space<vmem_shared>>) target(%dma_start3A_55 : memref<625x64xf32, #tpu.memory_space<hbm>>) target_semaphore(%run_scoped3A_51 : memref<!tpu.dma_semaphore, #tpu.memory_space<semaphore_mem>>)
      %dma_wait3A_58 = arith.constant 0 : i32
      %dma_wait3A_59 = arith.constant 0 : i32
      %dma_wait3A_60 = tpu.memref_slice %arg5[%add3A_50, %dma_wait3A_58, %dma_wait3A_59] : memref<32x625x64xf32, #tpu.memory_space<hbm>> -> memref<1x625x64xf32, #tpu.memory_space<hbm>>
      %dma_wait3A_61 = tpu.memref_squeeze %dma_wait3A_60 : memref<1x625x64xf32, #tpu.memory_space<hbm>> -> memref<625x64xf32, #tpu.memory_space<hbm>>
      %dma_wait3A_62 = arith.constant 0 : i32
      %dma_wait3A_63 = tpu.memref_slice %arg11[%mul3A_48, %dma_wait3A_62] : memref<10000x64xf32, #tpu.memory_space<vmem_shared>> -> memref<625x64xf32, #tpu.memory_space<vmem_shared>>
      tpu.wait_dma2 semaphore(%run_scoped3A_51 : memref<!tpu.dma_semaphore, #tpu.memory_space<semaphore_mem>>) src(%dma_wait3A_63 : memref<625x64xf32, #tpu.memory_space<vmem_shared>>) dst(%dma_wait3A_61 : memref<625x64xf32, #tpu.memory_space<hbm>>)
      tpu.yield
    }) : () -> ()
    return
  }
}

#map = affine_map<(d0, d1) -> (0, 0)>
#map1 = affine_map<(d0, d1) -> (0, 0, 0)>
module attributes {stable_mosaic.version = 14 : i64} {
  func.func @k(%arg0: i32, %arg1: i32, %arg2: memref<20000x64xf32, #tpu.memory_space<hbm>>, %arg3: memref<32x125x80xi32, #tpu.memory_space<hbm>>, %arg4: memref<16x125x80xi32, #tpu.memory_space<hbm>>, %arg5: memref<32x625x64xf32, #tpu.memory_space<hbm>>, %arg6: memref<125x80xi32, #tpu.memory_space<vmem>>, %arg7: memref<125x80xi32, #tpu.memory_space<vmem>>, %arg8: memref<80x64xf32, #tpu.memory_space<vmem>>, %arg9: memref<80x64xf32, #tpu.memory_space<vmem>>, %arg10: memref<125x64xf32, #tpu.memory_space<vmem>>, %arg11: memref<10000x64xf32, #tpu.memory_space<vmem_shared>>, %arg12: memref<!tpu.dma_semaphore, #tpu.memory_space<semaphore_mem>>, %arg13: memref<!tpu.dma_semaphore, #tpu.memory_space<semaphore_mem>>) attributes {dimension_semantics = [#tpu.dimension_semantics<core_parallel>, #tpu.dimension_semantics<subcore_parallel>], iteration_bounds = array<i64: 2, 16>, scalar_prefetch = 0 : i64, scratch_operands = 8 : i64, tpu.core_type = #tpu.core_type<sc_vector_subcore>, window_params = [{transform_indices = #map}, {transform_indices = #map1}, {transform_indices = #map1}, {transform_indices = #map1}]} {
    %mul3A = arith.constant 16 : i32
    %mul3A_0 = arith.muli %arg0, %mul3A : i32
    %add3A = arith.addi %mul3A_0, %arg1 : i32
    "tpu.region"() ({
      %run_scoped3A_51 = tpu.sem_alloc : memref<!tpu.dma_semaphore, #tpu.memory_space<semaphore_mem>>
      %dma_start3A_52 = arith.constant 0 : i32
      %dma_start3A_53 = arith.constant 0 : i32
      %dma_start3A_54 = tpu.memref_slice %arg4[%arg1, %dma_start3A_52, %dma_start3A_53] : memref<16x125x80xi32, #tpu.memory_space<hbm>> -> memref<1x125x80xi32, #tpu.memory_space<hbm>>
      %dma_start3A_55 = tpu.memref_squeeze %dma_start3A_54 : memref<1x125x80xi32, #tpu.memory_space<hbm>> -> memref<125x80xi32, #tpu.memory_space<hbm>>
      %dma_start3A_56 = arith.constant 0 : i32
      %dma_start3A_57 = arith.constant 0 : i32
      %dma_start3A_58 = tpu.memref_slice %arg4[%arg1, %dma_start3A_56, %dma_start3A_57] : memref<16x125x80xi32, #tpu.memory_space<hbm>> -> memref<1x125x80xi32, #tpu.memory_space<hbm>>
      %dma_start3A_59 = tpu.memref_squeeze %dma_start3A_58 : memref<1x125x80xi32, #tpu.memory_space<hbm>> -> memref<125x80xi32, #tpu.memory_space<hbm>>
      tpu.enqueue_dma source(%dma_start3A_59 : memref<125x80xi32, #tpu.memory_space<hbm>>) target(%arg7 : memref<125x80xi32, #tpu.memory_space<vmem>>) target_semaphore(%run_scoped3A_51 : memref<!tpu.dma_semaphore, #tpu.memory_space<semaphore_mem>>)
      %dma_wait3A_60 = arith.constant 0 : i32
      %dma_wait3A_61 = arith.constant 0 : i32
      %dma_wait3A_62 = tpu.memref_slice %arg4[%arg1, %dma_wait3A_60, %dma_wait3A_61] : memref<16x125x80xi32, #tpu.memory_space<hbm>> -> memref<1x125x80xi32, #tpu.memory_space<hbm>>
      %dma_wait3A_63 = tpu.memref_squeeze %dma_wait3A_62 : memref<1x125x80xi32, #tpu.memory_space<hbm>> -> memref<125x80xi32, #tpu.memory_space<hbm>>
      %dma_wait3A_64 = arith.constant 0 : i32
      %dma_wait3A_65 = arith.constant 0 : i32
      %dma_wait3A_66 = tpu.memref_slice %arg4[%arg1, %dma_wait3A_64, %dma_wait3A_65] : memref<16x125x80xi32, #tpu.memory_space<hbm>> -> memref<1x125x80xi32, #tpu.memory_space<hbm>>
      %dma_wait3A_67 = tpu.memref_squeeze %dma_wait3A_66 : memref<1x125x80xi32, #tpu.memory_space<hbm>> -> memref<125x80xi32, #tpu.memory_space<hbm>>
      tpu.wait_dma2 semaphore(%run_scoped3A_51 : memref<!tpu.dma_semaphore, #tpu.memory_space<semaphore_mem>>) src(%dma_wait3A_67 : memref<125x80xi32, #tpu.memory_space<hbm>>) dst(%arg7 : memref<125x80xi32, #tpu.memory_space<vmem>>)
      tpu.yield
    }) : () -> ()
    %scan3A = arith.constant 0 : i32
    %scan3A_1 = arith.constant 0 : i32
    %scan3A_2 = arith.constant 125 : i32
    %scan3A_3 = arith.addi %scan3A_1, %scan3A_2 : i32
    %scan3A_4 = arith.constant 1 : i32
    scf.for %scan3A_51 = %scan3A_1 to %scan3A_3 step %scan3A_4  : i32 {
      %broadcast_in_dim3A = arith.constant 0.000000e+00 : f32
      %broadcast_in_dim3A_52 = vector.broadcast %broadcast_in_dim3A : f32 to vector<16xf32>
      %swap3A = arith.index_cast %scan3A_51 : i32 to index
      %swap3A_53 = arith.constant 0 : index
      %swap3A_54 = tpu.vector_load %arg10[%swap3A, %swap3A_53] {strides = array<i32>} : memref<125x64xf32, #tpu.memory_space<vmem>>, vector<1x16xf32>,
      %swap3A_55 = vector.shape_cast %swap3A_54 : vector<1x16xf32> to vector<16xf32>
      %swap3A_56 = vector.shape_cast %broadcast_in_dim3A_52 : vector<16xf32> to vector<1x16xf32>
      tpu.vector_store %arg10[%swap3A, %swap3A_53], %swap3A_56 {strides = array<i32>} : memref<125x64xf32, #tpu.memory_space<vmem>>, vector<1x16xf32>,
      %broadcast_in_dim3A_57 = arith.constant 0.000000e+00 : f32
      %broadcast_in_dim3A_58 = vector.broadcast %broadcast_in_dim3A_57 : f32 to vector<16xf32>
      %swap3A_59 = arith.index_cast %scan3A_51 : i32 to index
      %swap3A_60 = arith.constant 16 : index
      %swap3A_61 = tpu.vector_load %arg10[%swap3A_59, %swap3A_60] {strides = array<i32>} : memref<125x64xf32, #tpu.memory_space<vmem>>, vector<1x16xf32>,
      %swap3A_62 = vector.shape_cast %swap3A_61 : vector<1x16xf32> to vector<16xf32>
      %swap3A_63 = vector.shape_cast %broadcast_in_dim3A_58 : vector<16xf32> to vector<1x16xf32>
      tpu.vector_store %arg10[%swap3A_59, %swap3A_60], %swap3A_63 {strides = array<i32>} : memref<125x64xf32, #tpu.memory_space<vmem>>, vector<1x16xf32>,
      %broadcast_in_dim3A_64 = arith.constant 0.000000e+00 : f32
      %broadcast_in_dim3A_65 = vector.broadcast %broadcast_in_dim3A_64 : f32 to vector<16xf32>
      %swap3A_66 = arith.index_cast %scan3A_51 : i32 to index
      %swap3A_67 = arith.constant 32 : index
      %swap3A_68 = tpu.vector_load %arg10[%swap3A_66, %swap3A_67] {strides = array<i32>} : memref<125x64xf32, #tpu.memory_space<vmem>>, vector<1x16xf32>,
      %swap3A_69 = vector.shape_cast %swap3A_68 : vector<1x16xf32> to vector<16xf32>
      %swap3A_70 = vector.shape_cast %broadcast_in_dim3A_65 : vector<16xf32> to vector<1x16xf32>
      tpu.vector_store %arg10[%swap3A_66, %swap3A_67], %swap3A_70 {strides = array<i32>} : memref<125x64xf32, #tpu.memory_space<vmem>>, vector<1x16xf32>,
      %broadcast_in_dim3A_71 = arith.constant 0.000000e+00 : f32
      %broadcast_in_dim3A_72 = vector.broadcast %broadcast_in_dim3A_71 : f32 to vector<16xf32>
      %swap3A_73 = arith.index_cast %scan3A_51 : i32 to index
      %swap3A_74 = arith.constant 48 : index
      %swap3A_75 = tpu.vector_load %arg10[%swap3A_73, %swap3A_74] {strides = array<i32>} : memref<125x64xf32, #tpu.memory_space<vmem>>, vector<1x16xf32>,
      %swap3A_76 = vector.shape_cast %swap3A_75 : vector<1x16xf32> to vector<16xf32>
      %swap3A_77 = vector.shape_cast %broadcast_in_dim3A_72 : vector<16xf32> to vector<1x16xf32>
      tpu.vector_store %arg10[%swap3A_73, %swap3A_74], %swap3A_77 {strides = array<i32>} : memref<125x64xf32, #tpu.memory_space<vmem>>, vector<1x16xf32>,
    }
    %scan3A_5 = arith.constant 125 : i32
    %add3A_6 = arith.constant 0 : i32
    %add3A_7 = arith.addi %add3A_6, %add3A : i32
    "tpu.region"() ({
      %run_scoped3A_51 = tpu.sem_alloc : memref<!tpu.dma_semaphore, #tpu.memory_space<semaphore_mem>>
      %dma_start3A_52 = arith.constant 0 : i32
      %dma_start3A_53 = arith.constant 0 : i32
      %dma_start3A_54 = tpu.memref_slice %arg3[%add3A_7, %dma_start3A_52, %dma_start3A_53] : memref<32x125x80xi32, #tpu.memory_space<hbm>> -> memref<1x125x80xi32, #tpu.memory_space<hbm>>
      %dma_start3A_55 = tpu.memref_squeeze %dma_start3A_54 : memref<1x125x80xi32, #tpu.memory_space<hbm>> -> memref<125x80xi32, #tpu.memory_space<hbm>>
      %dma_start3A_56 = arith.constant 0 : i32
      %dma_start3A_57 = arith.constant 0 : i32
      %dma_start3A_58 = tpu.memref_slice %arg3[%add3A_7, %dma_start3A_56, %dma_start3A_57] : memref<32x125x80xi32, #tpu.memory_space<hbm>> -> memref<1x125x80xi32, #tpu.memory_space<hbm>>
      %dma_start3A_59 = tpu.memref_squeeze %dma_start3A_58 : memref<1x125x80xi32, #tpu.memory_space<hbm>> -> memref<125x80xi32, #tpu.memory_space<hbm>>
      tpu.enqueue_dma source(%dma_start3A_59 : memref<125x80xi32, #tpu.memory_space<hbm>>) target(%arg6 : memref<125x80xi32, #tpu.memory_space<vmem>>) target_semaphore(%run_scoped3A_51 : memref<!tpu.dma_semaphore, #tpu.memory_space<semaphore_mem>>)
      %dma_wait3A_60 = arith.constant 0 : i32
      %dma_wait3A_61 = arith.constant 0 : i32
      %dma_wait3A_62 = tpu.memref_slice %arg3[%add3A_7, %dma_wait3A_60, %dma_wait3A_61] : memref<32x125x80xi32, #tpu.memory_space<hbm>> -> memref<1x125x80xi32, #tpu.memory_space<hbm>>
      %dma_wait3A_63 = tpu.memref_squeeze %dma_wait3A_62 : memref<1x125x80xi32, #tpu.memory_space<hbm>> -> memref<125x80xi32, #tpu.memory_space<hbm>>
      %dma_wait3A_64 = arith.constant 0 : i32
      %dma_wait3A_65 = arith.constant 0 : i32
      %dma_wait3A_66 = tpu.memref_slice %arg3[%add3A_7, %dma_wait3A_64, %dma_wait3A_65] : memref<32x125x80xi32, #tpu.memory_space<hbm>> -> memref<1x125x80xi32, #tpu.memory_space<hbm>>
      %dma_wait3A_67 = tpu.memref_squeeze %dma_wait3A_66 : memref<1x125x80xi32, #tpu.memory_space<hbm>> -> memref<125x80xi32, #tpu.memory_space<hbm>>
      tpu.wait_dma2 semaphore(%run_scoped3A_51 : memref<!tpu.dma_semaphore, #tpu.memory_space<semaphore_mem>>) src(%dma_wait3A_67 : memref<125x80xi32, #tpu.memory_space<hbm>>) dst(%arg6 : memref<125x80xi32, #tpu.memory_space<vmem>>)
      tpu.yield
    }) : () -> ()
    %mul3A_8 = arith.constant 625 : i32
    %mul3A_9 = arith.muli %arg1, %mul3A_8 : i32
    %add3A_10 = arith.constant 0 : i32
    %add3A_11 = arith.addi %mul3A_9, %add3A_10 : i32
    "tpu.region"() ({
      %run_scoped3A_51 = tpu.sem_alloc : memref<!tpu.dma_semaphore, #tpu.memory_space<semaphore_mem>>
      %dma_start3A_52 = arith.constant 0 : i32
      %dma_start3A_53 = tpu.memref_slice %arg11[%add3A_11, %dma_start3A_52] : memref<10000x64xf32, #tpu.memory_space<vmem_shared>> -> memref<125x64xf32, #tpu.memory_space<vmem_shared>>
      %dma_start3A_54 = arith.constant 0 : i32
      %dma_start3A_55 = tpu.memref_slice %arg11[%add3A_11, %dma_start3A_54] : memref<10000x64xf32, #tpu.memory_space<vmem_shared>> -> memref<125x64xf32, #tpu.memory_space<vmem_shared>>
      tpu.enqueue_dma source(%arg10 : memref<125x64xf32, #tpu.memory_space<vmem>>) target(%dma_start3A_55 : memref<125x64xf32, #tpu.memory_space<vmem_shared>>) target_semaphore(%run_scoped3A_51 : memref<!tpu.dma_semaphore, #tpu.memory_space<semaphore_mem>>)
      %dma_wait3A_56 = arith.constant 0 : i32
      %dma_wait3A_57 = tpu.memref_slice %arg11[%add3A_11, %dma_wait3A_56] : memref<10000x64xf32, #tpu.memory_space<vmem_shared>> -> memref<125x64xf32, #tpu.memory_space<vmem_shared>>
      %dma_wait3A_58 = arith.constant 0 : i32
      %dma_wait3A_59 = tpu.memref_slice %arg11[%add3A_11, %dma_wait3A_58] : memref<10000x64xf32, #tpu.memory_space<vmem_shared>> -> memref<125x64xf32, #tpu.memory_space<vmem_shared>>
      tpu.wait_dma2 semaphore(%run_scoped3A_51 : memref<!tpu.dma_semaphore, #tpu.memory_space<semaphore_mem>>) src(%arg10 : memref<125x64xf32, #tpu.memory_space<vmem>>) dst(%dma_wait3A_59 : memref<125x64xf32, #tpu.memory_space<vmem_shared>>)
      tpu.yield
    }) : () -> ()
    %mul3A_12 = arith.constant 625 : i32
    %mul3A_13 = arith.muli %arg1, %mul3A_12 : i32
    %add3A_14 = arith.constant 125 : i32
    %add3A_15 = arith.addi %mul3A_13, %add3A_14 : i32
    "tpu.region"() ({
      %run_scoped3A_51 = tpu.sem_alloc : memref<!tpu.dma_semaphore, #tpu.memory_space<semaphore_mem>>
      %dma_start3A_52 = arith.constant 0 : i32
      %dma_start3A_53 = tpu.memref_slice %arg11[%add3A_15, %dma_start3A_52] : memref<10000x64xf32, #tpu.memory_space<vmem_shared>> -> memref<125x64xf32, #tpu.memory_space<vmem_shared>>
      %dma_start3A_54 = arith.constant 0 : i32
      %dma_start3A_55 = tpu.memref_slice %arg11[%add3A_15, %dma_start3A_54] : memref<10000x64xf32, #tpu.memory_space<vmem_shared>> -> memref<125x64xf32, #tpu.memory_space<vmem_shared>>
      tpu.enqueue_dma source(%arg10 : memref<125x64xf32, #tpu.memory_space<vmem>>) target(%dma_start3A_55 : memref<125x64xf32, #tpu.memory_space<vmem_shared>>) target_semaphore(%run_scoped3A_51 : memref<!tpu.dma_semaphore, #tpu.memory_space<semaphore_mem>>)
      %dma_wait3A_56 = arith.constant 0 : i32
      %dma_wait3A_57 = tpu.memref_slice %arg11[%add3A_15, %dma_wait3A_56] : memref<10000x64xf32, #tpu.memory_space<vmem_shared>> -> memref<125x64xf32, #tpu.memory_space<vmem_shared>>
      %dma_wait3A_58 = arith.constant 0 : i32
      %dma_wait3A_59 = tpu.memref_slice %arg11[%add3A_15, %dma_wait3A_58] : memref<10000x64xf32, #tpu.memory_space<vmem_shared>> -> memref<125x64xf32, #tpu.memory_space<vmem_shared>>
      tpu.wait_dma2 semaphore(%run_scoped3A_51 : memref<!tpu.dma_semaphore, #tpu.memory_space<semaphore_mem>>) src(%arg10 : memref<125x64xf32, #tpu.memory_space<vmem>>) dst(%dma_wait3A_59 : memref<125x64xf32, #tpu.memory_space<vmem_shared>>)
      tpu.yield
    }) : () -> ()
    %mul3A_16 = arith.constant 625 : i32
    %mul3A_17 = arith.muli %arg1, %mul3A_16 : i32
    %add3A_18 = arith.constant 250 : i32
    %add3A_19 = arith.addi %mul3A_17, %add3A_18 : i32
    "tpu.region"() ({
      %run_scoped3A_51 = tpu.sem_alloc : memref<!tpu.dma_semaphore, #tpu.memory_space<semaphore_mem>>
      %dma_start3A_52 = arith.constant 0 : i32
      %dma_start3A_53 = tpu.memref_slice %arg11[%add3A_19, %dma_start3A_52] : memref<10000x64xf32, #tpu.memory_space<vmem_shared>> -> memref<125x64xf32, #tpu.memory_space<vmem_shared>>
      %dma_start3A_54 = arith.constant 0 : i32
      %dma_start3A_55 = tpu.memref_slice %arg11[%add3A_19, %dma_start3A_54] : memref<10000x64xf32, #tpu.memory_space<vmem_shared>> -> memref<125x64xf32, #tpu.memory_space<vmem_shared>>
      tpu.enqueue_dma source(%arg10 : memref<125x64xf32, #tpu.memory_space<vmem>>) target(%dma_start3A_55 : memref<125x64xf32, #tpu.memory_space<vmem_shared>>) target_semaphore(%run_scoped3A_51 : memref<!tpu.dma_semaphore, #tpu.memory_space<semaphore_mem>>)
      %dma_wait3A_56 = arith.constant 0 : i32
      %dma_wait3A_57 = tpu.memref_slice %arg11[%add3A_19, %dma_wait3A_56] : memref<10000x64xf32, #tpu.memory_space<vmem_shared>> -> memref<125x64xf32, #tpu.memory_space<vmem_shared>>
      %dma_wait3A_58 = arith.constant 0 : i32
      %dma_wait3A_59 = tpu.memref_slice %arg11[%add3A_19, %dma_wait3A_58] : memref<10000x64xf32, #tpu.memory_space<vmem_shared>> -> memref<125x64xf32, #tpu.memory_space<vmem_shared>>
      tpu.wait_dma2 semaphore(%run_scoped3A_51 : memref<!tpu.dma_semaphore, #tpu.memory_space<semaphore_mem>>) src(%arg10 : memref<125x64xf32, #tpu.memory_space<vmem>>) dst(%dma_wait3A_59 : memref<125x64xf32, #tpu.memory_space<vmem_shared>>)
      tpu.yield
    }) : () -> ()
    %mul3A_20 = arith.constant 625 : i32
    %mul3A_21 = arith.muli %arg1, %mul3A_20 : i32
    %add3A_22 = arith.constant 375 : i32
    %add3A_23 = arith.addi %mul3A_21, %add3A_22 : i32
    "tpu.region"() ({
      %run_scoped3A_51 = tpu.sem_alloc : memref<!tpu.dma_semaphore, #tpu.memory_space<semaphore_mem>>
      %dma_start3A_52 = arith.constant 0 : i32
      %dma_start3A_53 = tpu.memref_slice %arg11[%add3A_23, %dma_start3A_52] : memref<10000x64xf32, #tpu.memory_space<vmem_shared>> -> memref<125x64xf32, #tpu.memory_space<vmem_shared>>
      %dma_start3A_54 = arith.constant 0 : i32
      %dma_start3A_55 = tpu.memref_slice %arg11[%add3A_23, %dma_start3A_54] : memref<10000x64xf32, #tpu.memory_space<vmem_shared>> -> memref<125x64xf32, #tpu.memory_space<vmem_shared>>
      tpu.enqueue_dma source(%arg10 : memref<125x64xf32, #tpu.memory_space<vmem>>) target(%dma_start3A_55 : memref<125x64xf32, #tpu.memory_space<vmem_shared>>) target_semaphore(%run_scoped3A_51 : memref<!tpu.dma_semaphore, #tpu.memory_space<semaphore_mem>>)
      %dma_wait3A_56 = arith.constant 0 : i32
      %dma_wait3A_57 = tpu.memref_slice %arg11[%add3A_23, %dma_wait3A_56] : memref<10000x64xf32, #tpu.memory_space<vmem_shared>> -> memref<125x64xf32, #tpu.memory_space<vmem_shared>>
      %dma_wait3A_58 = arith.constant 0 : i32
      %dma_wait3A_59 = tpu.memref_slice %arg11[%add3A_23, %dma_wait3A_58] : memref<10000x64xf32, #tpu.memory_space<vmem_shared>> -> memref<125x64xf32, #tpu.memory_space<vmem_shared>>
      tpu.wait_dma2 semaphore(%run_scoped3A_51 : memref<!tpu.dma_semaphore, #tpu.memory_space<semaphore_mem>>) src(%arg10 : memref<125x64xf32, #tpu.memory_space<vmem>>) dst(%dma_wait3A_59 : memref<125x64xf32, #tpu.memory_space<vmem_shared>>)
      tpu.yield
    }) : () -> ()
    %mul3A_24 = arith.constant 625 : i32
    %mul3A_25 = arith.muli %arg1, %mul3A_24 : i32
    %add3A_26 = arith.constant 500 : i32
    %add3A_27 = arith.addi %mul3A_25, %add3A_26 : i32
    "tpu.region"() ({
      %run_scoped3A_51 = tpu.sem_alloc : memref<!tpu.dma_semaphore, #tpu.memory_space<semaphore_mem>>
      %dma_start3A_52 = arith.constant 0 : i32
      %dma_start3A_53 = tpu.memref_slice %arg11[%add3A_27, %dma_start3A_52] : memref<10000x64xf32, #tpu.memory_space<vmem_shared>> -> memref<125x64xf32, #tpu.memory_space<vmem_shared>>
      %dma_start3A_54 = arith.constant 0 : i32
      %dma_start3A_55 = tpu.memref_slice %arg11[%add3A_27, %dma_start3A_54] : memref<10000x64xf32, #tpu.memory_space<vmem_shared>> -> memref<125x64xf32, #tpu.memory_space<vmem_shared>>
      tpu.enqueue_dma source(%arg10 : memref<125x64xf32, #tpu.memory_space<vmem>>) target(%dma_start3A_55 : memref<125x64xf32, #tpu.memory_space<vmem_shared>>) target_semaphore(%run_scoped3A_51 : memref<!tpu.dma_semaphore, #tpu.memory_space<semaphore_mem>>)
      %dma_wait3A_56 = arith.constant 0 : i32
      %dma_wait3A_57 = tpu.memref_slice %arg11[%add3A_27, %dma_wait3A_56] : memref<10000x64xf32, #tpu.memory_space<vmem_shared>> -> memref<125x64xf32, #tpu.memory_space<vmem_shared>>
      %dma_wait3A_58 = arith.constant 0 : i32
      %dma_wait3A_59 = tpu.memref_slice %arg11[%add3A_27, %dma_wait3A_58] : memref<10000x64xf32, #tpu.memory_space<vmem_shared>> -> memref<125x64xf32, #tpu.memory_space<vmem_shared>>
      tpu.wait_dma2 semaphore(%run_scoped3A_51 : memref<!tpu.dma_semaphore, #tpu.memory_space<semaphore_mem>>) src(%arg10 : memref<125x64xf32, #tpu.memory_space<vmem>>) dst(%dma_wait3A_59 : memref<125x64xf32, #tpu.memory_space<vmem_shared>>)
      tpu.yield
    }) : () -> ()
    %barrier3A = arith.constant 0 : index
    tpu.barrier barrier_id(%barrier3A)
    %dma_start3A = arith.constant 0 : i32
    %dma_start3A_28 = arith.constant 0 : i32
    %dma_start3A_29 = tpu.memref_slice %arg6[%dma_start3A, %dma_start3A_28] : memref<125x80xi32, #tpu.memory_space<vmem>> -> memref<1x80xi32, #tpu.memory_space<vmem>>
    %dma_start3A_30 = tpu.memref_squeeze %dma_start3A_29 : memref<1x80xi32, #tpu.memory_space<vmem>> -> memref<80xi32, #tpu.memory_space<vmem>>
    %dma_start3A_31 = arith.constant 0 : i32
    %dma_start3A_32 = arith.constant 0 : i32
    %dma_start3A_33 = tpu.memref_slice %arg2[%dma_start3A_31, %dma_start3A_32] : memref<20000x64xf32, #tpu.memory_space<hbm>> -> memref<20000x64xf32, #tpu.memory_space<hbm>>
    tpu.enqueue_indirect_dma source(%dma_start3A_33 : memref<20000x64xf32, #tpu.memory_space<hbm>>) target(%arg8 : memref<80x64xf32, #tpu.memory_space<vmem>>) offsets(%dma_start3A_30 : memref<80xi32, #tpu.memory_space<vmem>>) semaphore(%arg12 : memref<!tpu.dma_semaphore, #tpu.memory_space<semaphore_mem>>)
    %scan3A_34 = arith.constant 0 : i32
    %scan3A_35 = arith.constant 0 : i32
    %scan3A_36 = arith.constant 62 : i32
    %scan3A_37 = arith.addi %scan3A_35, %scan3A_36 : i32
    %scan3A_38 = arith.constant 1 : i32
    scf.for %scan3A_51 = %scan3A_35 to %scan3A_37 step %scan3A_38  : i32 {
      %mul3A_52 = arith.constant 2 : i32
      %mul3A_53 = arith.muli %mul3A_52, %scan3A_51 : i32
      %add3A_54 = arith.constant 1 : i32
      %add3A_55 = arith.addi %mul3A_53, %add3A_54 : i32
      %dma_start3A_56 = arith.constant 0 : i32
      %dma_start3A_57 = tpu.memref_slice %arg6[%add3A_55, %dma_start3A_56] : memref<125x80xi32, #tpu.memory_space<vmem>> -> memref<1x80xi32, #tpu.memory_space<vmem>>
      %dma_start3A_58 = tpu.memref_squeeze %dma_start3A_57 : memref<1x80xi32, #tpu.memory_space<vmem>> -> memref<80xi32, #tpu.memory_space<vmem>>
      %dma_start3A_59 = arith.constant 0 : i32
      %dma_start3A_60 = arith.constant 0 : i32
      %dma_start3A_61 = tpu.memref_slice %arg2[%dma_start3A_59, %dma_start3A_60] : memref<20000x64xf32, #tpu.memory_space<hbm>> -> memref<20000x64xf32, #tpu.memory_space<hbm>>
      tpu.enqueue_indirect_dma source(%dma_start3A_61 : memref<20000x64xf32, #tpu.memory_space<hbm>>) target(%arg9 : memref<80x64xf32, #tpu.memory_space<vmem>>) offsets(%dma_start3A_58 : memref<80xi32, #tpu.memory_space<vmem>>) semaphore(%arg13 : memref<!tpu.dma_semaphore, #tpu.memory_space<semaphore_mem>>)
      %dma_wait3A_62 = arith.constant 0 : i32
      %dma_wait3A_63 = arith.constant 0 : i32
      %dma_wait3A_64 = tpu.memref_slice %arg6[%dma_wait3A_62, %dma_wait3A_63] : memref<125x80xi32, #tpu.memory_space<vmem>> -> memref<1x80xi32, #tpu.memory_space<vmem>>
      %dma_wait3A_65 = tpu.memref_squeeze %dma_wait3A_64 : memref<1x80xi32, #tpu.memory_space<vmem>> -> memref<80xi32, #tpu.memory_space<vmem>>
      %dma_wait3A_66 = arith.constant 0 : i32
      %dma_wait3A_67 = arith.constant 0 : i32
      %dma_wait3A_68 = tpu.memref_slice %arg2[%dma_wait3A_66, %dma_wait3A_67] : memref<20000x64xf32, #tpu.memory_space<hbm>> -> memref<20000x64xf32, #tpu.memory_space<hbm>>
      tpu.wait_indirect_dma semaphore(%arg12 : memref<!tpu.dma_semaphore, #tpu.memory_space<semaphore_mem>>) src(%dma_wait3A_68 : memref<20000x64xf32, #tpu.memory_space<hbm>>) dst(%arg8 : memref<80x64xf32, #tpu.memory_space<vmem>>)
      "tpu.region"() ({
        %run_scoped3A_86 = tpu.sem_alloc : memref<!tpu.dma_semaphore, #tpu.memory_space<semaphore_mem>>
        %dma_start3A_87 = arith.constant 0 : i32
        %dma_start3A_88 = tpu.memref_slice %arg7[%mul3A_53, %dma_start3A_87] : memref<125x80xi32, #tpu.memory_space<vmem>> -> memref<1x80xi32, #tpu.memory_space<vmem>>
        %dma_start3A_89 = tpu.memref_squeeze %dma_start3A_88 : memref<1x80xi32, #tpu.memory_space<vmem>> -> memref<80xi32, #tpu.memory_space<vmem>>
        %dma_start3A_90 = arith.constant 0 : i32
        %dma_start3A_91 = arith.constant 0 : i32
        %dma_start3A_92 = tpu.memref_slice %arg11[%dma_start3A_90, %dma_start3A_91] : memref<10000x64xf32, #tpu.memory_space<vmem_shared>> -> memref<10000x64xf32, #tpu.memory_space<vmem_shared>>
        tpu.enqueue_indirect_dma source(%arg8 : memref<80x64xf32, #tpu.memory_space<vmem>>) target(%dma_start3A_92 : memref<10000x64xf32, #tpu.memory_space<vmem_shared>>) offsets(%dma_start3A_89 : memref<80xi32, #tpu.memory_space<vmem>>) semaphore(%run_scoped3A_86 : memref<!tpu.dma_semaphore, #tpu.memory_space<semaphore_mem>>) {add = true}
        %dma_wait3A_93 = arith.constant 0 : i32
        %dma_wait3A_94 = tpu.memref_slice %arg7[%mul3A_53, %dma_wait3A_93] : memref<125x80xi32, #tpu.memory_space<vmem>> -> memref<1x80xi32, #tpu.memory_space<vmem>>
        %dma_wait3A_95 = tpu.memref_squeeze %dma_wait3A_94 : memref<1x80xi32, #tpu.memory_space<vmem>> -> memref<80xi32, #tpu.memory_space<vmem>>
        %dma_wait3A_96 = arith.constant 0 : i32
        %dma_wait3A_97 = arith.constant 0 : i32
        %dma_wait3A_98 = tpu.memref_slice %arg11[%dma_wait3A_96, %dma_wait3A_97] : memref<10000x64xf32, #tpu.memory_space<vmem_shared>> -> memref<10000x64xf32, #tpu.memory_space<vmem_shared>>
        tpu.wait_indirect_dma semaphore(%run_scoped3A_86 : memref<!tpu.dma_semaphore, #tpu.memory_space<semaphore_mem>>) src(%arg8 : memref<80x64xf32, #tpu.memory_space<vmem>>) dst(%dma_wait3A_98 : memref<10000x64xf32, #tpu.memory_space<vmem_shared>>)
        tpu.yield
      }) : () -> ()
      %add3A_69 = arith.constant 2 : i32
      %add3A_70 = arith.addi %mul3A_53, %add3A_69 : i32
      %dma_start3A_71 = arith.constant 0 : i32
      %dma_start3A_72 = tpu.memref_slice %arg6[%add3A_70, %dma_start3A_71] : memref<125x80xi32, #tpu.memory_space<vmem>> -> memref<1x80xi32, #tpu.memory_space<vmem>>
      %dma_start3A_73 = tpu.memref_squeeze %dma_start3A_72 : memref<1x80xi32, #tpu.memory_space<vmem>> -> memref<80xi32, #tpu.memory_space<vmem>>
      %dma_start3A_74 = arith.constant 0 : i32
      %dma_start3A_75 = arith.constant 0 : i32
      %dma_start3A_76 = tpu.memref_slice %arg2[%dma_start3A_74, %dma_start3A_75] : memref<20000x64xf32, #tpu.memory_space<hbm>> -> memref<20000x64xf32, #tpu.memory_space<hbm>>
      tpu.enqueue_indirect_dma source(%dma_start3A_76 : memref<20000x64xf32, #tpu.memory_space<hbm>>) target(%arg8 : memref<80x64xf32, #tpu.memory_space<vmem>>) offsets(%dma_start3A_73 : memref<80xi32, #tpu.memory_space<vmem>>) semaphore(%arg12 : memref<!tpu.dma_semaphore, #tpu.memory_space<semaphore_mem>>)
      %dma_wait3A_77 = arith.constant 0 : i32
      %dma_wait3A_78 = arith.constant 0 : i32
      %dma_wait3A_79 = tpu.memref_slice %arg6[%dma_wait3A_77, %dma_wait3A_78] : memref<125x80xi32, #tpu.memory_space<vmem>> -> memref<1x80xi32, #tpu.memory_space<vmem>>
      %dma_wait3A_80 = tpu.memref_squeeze %dma_wait3A_79 : memref<1x80xi32, #tpu.memory_space<vmem>> -> memref<80xi32, #tpu.memory_space<vmem>>
      %dma_wait3A_81 = arith.constant 0 : i32
      %dma_wait3A_82 = arith.constant 0 : i32
      %dma_wait3A_83 = tpu.memref_slice %arg2[%dma_wait3A_81, %dma_wait3A_82] : memref<20000x64xf32, #tpu.memory_space<hbm>> -> memref<20000x64xf32, #tpu.memory_space<hbm>>
      tpu.wait_indirect_dma semaphore(%arg13 : memref<!tpu.dma_semaphore, #tpu.memory_space<semaphore_mem>>) src(%dma_wait3A_83 : memref<20000x64xf32, #tpu.memory_space<hbm>>) dst(%arg9 : memref<80x64xf32, #tpu.memory_space<vmem>>)
      %add3A_84 = arith.constant 1 : i32
      %add3A_85 = arith.addi %mul3A_53, %add3A_84 : i32
      "tpu.region"() ({
        %run_scoped3A_86 = tpu.sem_alloc : memref<!tpu.dma_semaphore, #tpu.memory_space<semaphore_mem>>
        %dma_start3A_87 = arith.constant 0 : i32
        %dma_start3A_88 = tpu.memref_slice %arg7[%add3A_85, %dma_start3A_87] : memref<125x80xi32, #tpu.memory_space<vmem>> -> memref<1x80xi32, #tpu.memory_space<vmem>>
        %dma_start3A_89 = tpu.memref_squeeze %dma_start3A_88 : memref<1x80xi32, #tpu.memory_space<vmem>> -> memref<80xi32, #tpu.memory_space<vmem>>
        %dma_start3A_90 = arith.constant 0 : i32
        %dma_start3A_91 = arith.constant 0 : i32
        %dma_start3A_92 = tpu.memref_slice %arg11[%dma_start3A_90, %dma_start3A_91] : memref<10000x64xf32, #tpu.memory_space<vmem_shared>> -> memref<10000x64xf32, #tpu.memory_space<vmem_shared>>
        tpu.enqueue_indirect_dma source(%arg9 : memref<80x64xf32, #tpu.memory_space<vmem>>) target(%dma_start3A_92 : memref<10000x64xf32, #tpu.memory_space<vmem_shared>>) offsets(%dma_start3A_89 : memref<80xi32, #tpu.memory_space<vmem>>) semaphore(%run_scoped3A_86 : memref<!tpu.dma_semaphore, #tpu.memory_space<semaphore_mem>>) {add = true}
        %dma_wait3A_93 = arith.constant 0 : i32
        %dma_wait3A_94 = tpu.memref_slice %arg7[%add3A_85, %dma_wait3A_93] : memref<125x80xi32, #tpu.memory_space<vmem>> -> memref<1x80xi32, #tpu.memory_space<vmem>>
        %dma_wait3A_95 = tpu.memref_squeeze %dma_wait3A_94 : memref<1x80xi32, #tpu.memory_space<vmem>> -> memref<80xi32, #tpu.memory_space<vmem>>
        %dma_wait3A_96 = arith.constant 0 : i32
        %dma_wait3A_97 = arith.constant 0 : i32
        %dma_wait3A_98 = tpu.memref_slice %arg11[%dma_wait3A_96, %dma_wait3A_97] : memref<10000x64xf32, #tpu.memory_space<vmem_shared>> -> memref<10000x64xf32, #tpu.memory_space<vmem_shared>>
        tpu.wait_indirect_dma semaphore(%run_scoped3A_86 : memref<!tpu.dma_semaphore, #tpu.memory_space<semaphore_mem>>) src(%arg9 : memref<80x64xf32, #tpu.memory_space<vmem>>) dst(%dma_wait3A_98 : memref<10000x64xf32, #tpu.memory_space<vmem_shared>>)
        tpu.yield
      }) : () -> ()
    }
    %scan3A_39 = arith.constant 62 : i32
    %dma_wait3A = arith.constant 0 : i32
    %dma_wait3A_40 = arith.constant 0 : i32
    %dma_wait3A_41 = tpu.memref_slice %arg6[%dma_wait3A, %dma_wait3A_40] : memref<125x80xi32, #tpu.memory_space<vmem>> -> memref<1x80xi32, #tpu.memory_space<vmem>>
    %dma_wait3A_42 = tpu.memref_squeeze %dma_wait3A_41 : memref<1x80xi32, #tpu.memory_space<vmem>> -> memref<80xi32, #tpu.memory_space<vmem>>
    %dma_wait3A_43 = arith.constant 0 : i32
    %dma_wait3A_44 = arith.constant 0 : i32
    %dma_wait3A_45 = tpu.memref_slice %arg2[%dma_wait3A_43, %dma_wait3A_44] : memref<20000x64xf32, #tpu.memory_space<hbm>> -> memref<20000x64xf32, #tpu.memory_space<hbm>>
    tpu.wait_indirect_dma semaphore(%arg12 : memref<!tpu.dma_semaphore, #tpu.memory_space<semaphore_mem>>) src(%dma_wait3A_45 : memref<20000x64xf32, #tpu.memory_space<hbm>>) dst(%arg8 : memref<80x64xf32, #tpu.memory_space<vmem>>)
    %run_scoped3A = arith.constant 124 : i32
    "tpu.region"() ({
      %run_scoped3A_51 = tpu.sem_alloc : memref<!tpu.dma_semaphore, #tpu.memory_space<semaphore_mem>>
      %dma_start3A_52 = arith.constant 0 : i32
      %dma_start3A_53 = tpu.memref_slice %arg7[%run_scoped3A, %dma_start3A_52] : memref<125x80xi32, #tpu.memory_space<vmem>> -> memref<1x80xi32, #tpu.memory_space<vmem>>
      %dma_start3A_54 = tpu.memref_squeeze %dma_start3A_53 : memref<1x80xi32, #tpu.memory_space<vmem>> -> memref<80xi32, #tpu.memory_space<vmem>>
      %dma_start3A_55 = arith.constant 0 : i32
      %dma_start3A_56 = arith.constant 0 : i32
      %dma_start3A_57 = tpu.memref_slice %arg11[%dma_start3A_55, %dma_start3A_56] : memref<10000x64xf32, #tpu.memory_space<vmem_shared>> -> memref<10000x64xf32, #tpu.memory_space<vmem_shared>>
      tpu.enqueue_indirect_dma source(%arg8 : memref<80x64xf32, #tpu.memory_space<vmem>>) target(%dma_start3A_57 : memref<10000x64xf32, #tpu.memory_space<vmem_shared>>) offsets(%dma_start3A_54 : memref<80xi32, #tpu.memory_space<vmem>>) semaphore(%run_scoped3A_51 : memref<!tpu.dma_semaphore, #tpu.memory_space<semaphore_mem>>) {add = true}
      %dma_wait3A_58 = arith.constant 0 : i32
      %dma_wait3A_59 = tpu.memref_slice %arg7[%run_scoped3A, %dma_wait3A_58] : memref<125x80xi32, #tpu.memory_space<vmem>> -> memref<1x80xi32, #tpu.memory_space<vmem>>
      %dma_wait3A_60 = tpu.memref_squeeze %dma_wait3A_59 : memref<1x80xi32, #tpu.memory_space<vmem>> -> memref<80xi32, #tpu.memory_space<vmem>>
      %dma_wait3A_61 = arith.constant 0 : i32
      %dma_wait3A_62 = arith.constant 0 : i32
      %dma_wait3A_63 = tpu.memref_slice %arg11[%dma_wait3A_61, %dma_wait3A_62] : memref<10000x64xf32, #tpu.memory_space<vmem_shared>> -> memref<10000x64xf32, #tpu.memory_space<vmem_shared>>
      tpu.wait_indirect_dma semaphore(%run_scoped3A_51 : memref<!tpu.dma_semaphore, #tpu.memory_space<semaphore_mem>>) src(%arg8 : memref<80x64xf32, #tpu.memory_space<vmem>>) dst(%dma_wait3A_63 : memref<10000x64xf32, #tpu.memory_space<vmem_shared>>)
      tpu.yield
    }) : () -> ()
    %barrier3A_46 = arith.constant 0 : index
    tpu.barrier barrier_id(%barrier3A_46)
    %mul3A_47 = arith.constant 625 : i32
    %mul3A_48 = arith.muli %arg1, %mul3A_47 : i32
    %add3A_49 = arith.constant 0 : i32
    %add3A_50 = arith.addi %add3A_49, %add3A : i32
    "tpu.region"() ({
      %run_scoped3A_51 = tpu.sem_alloc : memref<!tpu.dma_semaphore, #tpu.memory_space<semaphore_mem>>
      %dma_start3A_52 = arith.constant 0 : i32
      %dma_start3A_53 = arith.constant 0 : i32
      %dma_start3A_54 = tpu.memref_slice %arg5[%add3A_50, %dma_start3A_52, %dma_start3A_53] : memref<32x625x64xf32, #tpu.memory_space<hbm>> -> memref<1x625x64xf32, #tpu.memory_space<hbm>>
      %dma_start3A_55 = tpu.memref_squeeze %dma_start3A_54 : memref<1x625x64xf32, #tpu.memory_space<hbm>> -> memref<625x64xf32, #tpu.memory_space<hbm>>
      %dma_start3A_56 = arith.constant 0 : i32
      %dma_start3A_57 = tpu.memref_slice %arg11[%mul3A_48, %dma_start3A_56] : memref<10000x64xf32, #tpu.memory_space<vmem_shared>> -> memref<625x64xf32, #tpu.memory_space<vmem_shared>>
      tpu.enqueue_dma source(%dma_start3A_57 : memref<625x64xf32, #tpu.memory_space<vmem_shared>>) target(%dma_start3A_55 : memref<625x64xf32, #tpu.memory_space<hbm>>) target_semaphore(%run_scoped3A_51 : memref<!tpu.dma_semaphore, #tpu.memory_space<semaphore_mem>>)
      %dma_wait3A_58 = arith.constant 0 : i32
      %dma_wait3A_59 = arith.constant 0 : i32
      %dma_wait3A_60 = tpu.memref_slice %arg5[%add3A_50, %dma_wait3A_58, %dma_wait3A_59] : memref<32x625x64xf32, #tpu.memory_space<hbm>> -> memref<1x625x64xf32, #tpu.memory_space<hbm>>
      %dma_wait3A_61 = tpu.memref_squeeze %dma_wait3A_60 : memref<1x625x64xf32, #tpu.memory_space<hbm>> -> memref<625x64xf32, #tpu.memory_space<hbm>>
      %dma_wait3A_62 = arith.constant 0 : i32
      %dma_wait3A_63 = tpu.memref_slice %arg11[%mul3A_48, %dma_wait3A_62] : memref<10000x64xf32, #tpu.memory_space<vmem_shared>> -> memref<625x64xf32, #tpu.memory_space<vmem_shared>>
      tpu.wait_dma2 semaphore(%run_scoped3A_51 : memref<!tpu.dma_semaphore, #tpu.memory_space<semaphore_mem>>) src(%dma_wait3A_63 : memref<625x64xf32, #tpu.memory_space<vmem_shared>>) dst(%dma_wait3A_61 : memref<625x64xf32, #tpu.memory_space<hbm>>)
      tpu.yield
    }) : () -> ()
    return
  }
}

#map = affine_map<(d0, d1) -> (0, 0)>
#map1 = affine_map<(d0, d1) -> (0, 0, 0)>
module attributes {stable_mosaic.version = 14 : i64} {
  func.func @k(%arg0: i32, %arg1: i32, %arg2: memref<20000x64xf32, #tpu.memory_space<hbm>>, %arg3: memref<32x125x80xi32, #tpu.memory_space<hbm>>, %arg4: memref<16x125x80xi32, #tpu.memory_space<hbm>>, %arg5: memref<32x625x64xf32, #tpu.memory_space<hbm>>, %arg6: memref<125x80xi32, #tpu.memory_space<vmem>>, %arg7: memref<125x80xi32, #tpu.memory_space<vmem>>, %arg8: memref<80x64xf32, #tpu.memory_space<vmem>>, %arg9: memref<80x64xf32, #tpu.memory_space<vmem>>, %arg10: memref<125x64xf32, #tpu.memory_space<vmem>>, %arg11: memref<10000x64xf32, #tpu.memory_space<vmem_shared>>, %arg12: memref<!tpu.dma_semaphore, #tpu.memory_space<semaphore_mem>>, %arg13: memref<!tpu.dma_semaphore, #tpu.memory_space<semaphore_mem>>) attributes {dimension_semantics = [#tpu.dimension_semantics<core_parallel>, #tpu.dimension_semantics<subcore_parallel>], iteration_bounds = array<i64: 2, 16>, scalar_prefetch = 0 : i64, scratch_operands = 8 : i64, tpu.core_type = #tpu.core_type<sc_vector_subcore>, window_params = [{transform_indices = #map}, {transform_indices = #map1}, {transform_indices = #map1}, {transform_indices = #map1}]} {
    %mul3A = arith.constant 16 : i32
    %mul3A_0 = arith.muli %arg0, %mul3A : i32
    %add3A = arith.addi %mul3A_0, %arg1 : i32
    "tpu.region"() ({
      %run_scoped3A_51 = tpu.sem_alloc : memref<!tpu.dma_semaphore, #tpu.memory_space<semaphore_mem>>
      %dma_start3A_52 = arith.constant 0 : i32
      %dma_start3A_53 = arith.constant 0 : i32
      %dma_start3A_54 = tpu.memref_slice %arg4[%arg1, %dma_start3A_52, %dma_start3A_53] : memref<16x125x80xi32, #tpu.memory_space<hbm>> -> memref<1x125x80xi32, #tpu.memory_space<hbm>>
      %dma_start3A_55 = tpu.memref_squeeze %dma_start3A_54 : memref<1x125x80xi32, #tpu.memory_space<hbm>> -> memref<125x80xi32, #tpu.memory_space<hbm>>
      %dma_start3A_56 = arith.constant 0 : i32
      %dma_start3A_57 = arith.constant 0 : i32
      %dma_start3A_58 = tpu.memref_slice %arg4[%arg1, %dma_start3A_56, %dma_start3A_57] : memref<16x125x80xi32, #tpu.memory_space<hbm>> -> memref<1x125x80xi32, #tpu.memory_space<hbm>>
      %dma_start3A_59 = tpu.memref_squeeze %dma_start3A_58 : memref<1x125x80xi32, #tpu.memory_space<hbm>> -> memref<125x80xi32, #tpu.memory_space<hbm>>
      tpu.enqueue_dma source(%dma_start3A_59 : memref<125x80xi32, #tpu.memory_space<hbm>>) target(%arg7 : memref<125x80xi32, #tpu.memory_space<vmem>>) target_semaphore(%run_scoped3A_51 : memref<!tpu.dma_semaphore, #tpu.memory_space<semaphore_mem>>)
      %dma_wait3A_60 = arith.constant 0 : i32
      %dma_wait3A_61 = arith.constant 0 : i32
      %dma_wait3A_62 = tpu.memref_slice %arg4[%arg1, %dma_wait3A_60, %dma_wait3A_61] : memref<16x125x80xi32, #tpu.memory_space<hbm>> -> memref<1x125x80xi32, #tpu.memory_space<hbm>>
      %dma_wait3A_63 = tpu.memref_squeeze %dma_wait3A_62 : memref<1x125x80xi32, #tpu.memory_space<hbm>> -> memref<125x80xi32, #tpu.memory_space<hbm>>
      %dma_wait3A_64 = arith.constant 0 : i32
      %dma_wait3A_65 = arith.constant 0 : i32
      %dma_wait3A_66 = tpu.memref_slice %arg4[%arg1, %dma_wait3A_64, %dma_wait3A_65] : memref<16x125x80xi32, #tpu.memory_space<hbm>> -> memref<1x125x80xi32, #tpu.memory_space<hbm>>
      %dma_wait3A_67 = tpu.memref_squeeze %dma_wait3A_66 : memref<1x125x80xi32, #tpu.memory_space<hbm>> -> memref<125x80xi32, #tpu.memory_space<hbm>>
      tpu.wait_dma2 semaphore(%run_scoped3A_51 : memref<!tpu.dma_semaphore, #tpu.memory_space<semaphore_mem>>) src(%dma_wait3A_67 : memref<125x80xi32, #tpu.memory_space<hbm>>) dst(%arg7 : memref<125x80xi32, #tpu.memory_space<vmem>>)
      tpu.yield
    }) : () -> ()
    %scan3A = arith.constant 0 : i32
    %scan3A_1 = arith.constant 0 : i32
    %scan3A_2 = arith.constant 125 : i32
    %scan3A_3 = arith.addi %scan3A_1, %scan3A_2 : i32
    %scan3A_4 = arith.constant 1 : i32
    scf.for %scan3A_51 = %scan3A_1 to %scan3A_3 step %scan3A_4  : i32 {
      %broadcast_in_dim3A = arith.constant 0.000000e+00 : f32
      %broadcast_in_dim3A_52 = vector.broadcast %broadcast_in_dim3A : f32 to vector<16xf32>
      %swap3A = arith.index_cast %scan3A_51 : i32 to index
      %swap3A_53 = arith.constant 0 : index
      %swap3A_54 = tpu.vector_load %arg10[%swap3A, %swap3A_53] {strides = array<i32>} : memref<125x64xf32, #tpu.memory_space<vmem>>, vector<1x16xf32>,
      %swap3A_55 = vector.shape_cast %swap3A_54 : vector<1x16xf32> to vector<16xf32>
      %swap3A_56 = vector.shape_cast %broadcast_in_dim3A_52 : vector<16xf32> to vector<1x16xf32>
      tpu.vector_store %arg10[%swap3A, %swap3A_53], %swap3A_56 {strides = array<i32>} : memref<125x64xf32, #tpu.memory_space<vmem>>, vector<1x16xf32>,
      %broadcast_in_dim3A_57 = arith.constant 0.000000e+00 : f32
      %broadcast_in_dim3A_58 = vector.broadcast %broadcast_in_dim3A_57 : f32 to vector<16xf32>
      %swap3A_59 = arith.index_cast %scan3A_51 : i32 to index
      %swap3A_60 = arith.constant 16 : index
      %swap3A_61 = tpu.vector_load %arg10[%swap3A_59, %swap3A_60] {strides = array<i32>} : memref<125x64xf32, #tpu.memory_space<vmem>>, vector<1x16xf32>,
      %swap3A_62 = vector.shape_cast %swap3A_61 : vector<1x16xf32> to vector<16xf32>
      %swap3A_63 = vector.shape_cast %broadcast_in_dim3A_58 : vector<16xf32> to vector<1x16xf32>
      tpu.vector_store %arg10[%swap3A_59, %swap3A_60], %swap3A_63 {strides = array<i32>} : memref<125x64xf32, #tpu.memory_space<vmem>>, vector<1x16xf32>,
      %broadcast_in_dim3A_64 = arith.constant 0.000000e+00 : f32
      %broadcast_in_dim3A_65 = vector.broadcast %broadcast_in_dim3A_64 : f32 to vector<16xf32>
      %swap3A_66 = arith.index_cast %scan3A_51 : i32 to index
      %swap3A_67 = arith.constant 32 : index
      %swap3A_68 = tpu.vector_load %arg10[%swap3A_66, %swap3A_67] {strides = array<i32>} : memref<125x64xf32, #tpu.memory_space<vmem>>, vector<1x16xf32>,
      %swap3A_69 = vector.shape_cast %swap3A_68 : vector<1x16xf32> to vector<16xf32>
      %swap3A_70 = vector.shape_cast %broadcast_in_dim3A_65 : vector<16xf32> to vector<1x16xf32>
      tpu.vector_store %arg10[%swap3A_66, %swap3A_67], %swap3A_70 {strides = array<i32>} : memref<125x64xf32, #tpu.memory_space<vmem>>, vector<1x16xf32>,
      %broadcast_in_dim3A_71 = arith.constant 0.000000e+00 : f32
      %broadcast_in_dim3A_72 = vector.broadcast %broadcast_in_dim3A_71 : f32 to vector<16xf32>
      %swap3A_73 = arith.index_cast %scan3A_51 : i32 to index
      %swap3A_74 = arith.constant 48 : index
      %swap3A_75 = tpu.vector_load %arg10[%swap3A_73, %swap3A_74] {strides = array<i32>} : memref<125x64xf32, #tpu.memory_space<vmem>>, vector<1x16xf32>,
      %swap3A_76 = vector.shape_cast %swap3A_75 : vector<1x16xf32> to vector<16xf32>
      %swap3A_77 = vector.shape_cast %broadcast_in_dim3A_72 : vector<16xf32> to vector<1x16xf32>
      tpu.vector_store %arg10[%swap3A_73, %swap3A_74], %swap3A_77 {strides = array<i32>} : memref<125x64xf32, #tpu.memory_space<vmem>>, vector<1x16xf32>,
    }
    %scan3A_5 = arith.constant 125 : i32
    %add3A_6 = arith.constant 0 : i32
    %add3A_7 = arith.addi %add3A_6, %add3A : i32
    "tpu.region"() ({
      %run_scoped3A_51 = tpu.sem_alloc : memref<!tpu.dma_semaphore, #tpu.memory_space<semaphore_mem>>
      %dma_start3A_52 = arith.constant 0 : i32
      %dma_start3A_53 = arith.constant 0 : i32
      %dma_start3A_54 = tpu.memref_slice %arg3[%add3A_7, %dma_start3A_52, %dma_start3A_53] : memref<32x125x80xi32, #tpu.memory_space<hbm>> -> memref<1x125x80xi32, #tpu.memory_space<hbm>>
      %dma_start3A_55 = tpu.memref_squeeze %dma_start3A_54 : memref<1x125x80xi32, #tpu.memory_space<hbm>> -> memref<125x80xi32, #tpu.memory_space<hbm>>
      %dma_start3A_56 = arith.constant 0 : i32
      %dma_start3A_57 = arith.constant 0 : i32
      %dma_start3A_58 = tpu.memref_slice %arg3[%add3A_7, %dma_start3A_56, %dma_start3A_57] : memref<32x125x80xi32, #tpu.memory_space<hbm>> -> memref<1x125x80xi32, #tpu.memory_space<hbm>>
      %dma_start3A_59 = tpu.memref_squeeze %dma_start3A_58 : memref<1x125x80xi32, #tpu.memory_space<hbm>> -> memref<125x80xi32, #tpu.memory_space<hbm>>
      tpu.enqueue_dma source(%dma_start3A_59 : memref<125x80xi32, #tpu.memory_space<hbm>>) target(%arg6 : memref<125x80xi32, #tpu.memory_space<vmem>>) target_semaphore(%run_scoped3A_51 : memref<!tpu.dma_semaphore, #tpu.memory_space<semaphore_mem>>)
      %dma_wait3A_60 = arith.constant 0 : i32
      %dma_wait3A_61 = arith.constant 0 : i32
      %dma_wait3A_62 = tpu.memref_slice %arg3[%add3A_7, %dma_wait3A_60, %dma_wait3A_61] : memref<32x125x80xi32, #tpu.memory_space<hbm>> -> memref<1x125x80xi32, #tpu.memory_space<hbm>>
      %dma_wait3A_63 = tpu.memref_squeeze %dma_wait3A_62 : memref<1x125x80xi32, #tpu.memory_space<hbm>> -> memref<125x80xi32, #tpu.memory_space<hbm>>
      %dma_wait3A_64 = arith.constant 0 : i32
      %dma_wait3A_65 = arith.constant 0 : i32
      %dma_wait3A_66 = tpu.memref_slice %arg3[%add3A_7, %dma_wait3A_64, %dma_wait3A_65] : memref<32x125x80xi32, #tpu.memory_space<hbm>> -> memref<1x125x80xi32, #tpu.memory_space<hbm>>
      %dma_wait3A_67 = tpu.memref_squeeze %dma_wait3A_66 : memref<1x125x80xi32, #tpu.memory_space<hbm>> -> memref<125x80xi32, #tpu.memory_space<hbm>>
      tpu.wait_dma2 semaphore(%run_scoped3A_51 : memref<!tpu.dma_semaphore, #tpu.memory_space<semaphore_mem>>) src(%dma_wait3A_67 : memref<125x80xi32, #tpu.memory_space<hbm>>) dst(%arg6 : memref<125x80xi32, #tpu.memory_space<vmem>>)
      tpu.yield
    }) : () -> ()
    %mul3A_8 = arith.constant 625 : i32
    %mul3A_9 = arith.muli %arg1, %mul3A_8 : i32
    %add3A_10 = arith.constant 0 : i32
    %add3A_11 = arith.addi %mul3A_9, %add3A_10 : i32
    "tpu.region"() ({
      %run_scoped3A_51 = tpu.sem_alloc : memref<!tpu.dma_semaphore, #tpu.memory_space<semaphore_mem>>
      %dma_start3A_52 = arith.constant 0 : i32
      %dma_start3A_53 = tpu.memref_slice %arg11[%add3A_11, %dma_start3A_52] : memref<10000x64xf32, #tpu.memory_space<vmem_shared>> -> memref<125x64xf32, #tpu.memory_space<vmem_shared>>
      %dma_start3A_54 = arith.constant 0 : i32
      %dma_start3A_55 = tpu.memref_slice %arg11[%add3A_11, %dma_start3A_54] : memref<10000x64xf32, #tpu.memory_space<vmem_shared>> -> memref<125x64xf32, #tpu.memory_space<vmem_shared>>
      tpu.enqueue_dma source(%arg10 : memref<125x64xf32, #tpu.memory_space<vmem>>) target(%dma_start3A_55 : memref<125x64xf32, #tpu.memory_space<vmem_shared>>) target_semaphore(%run_scoped3A_51 : memref<!tpu.dma_semaphore, #tpu.memory_space<semaphore_mem>>)
      %dma_wait3A_56 = arith.constant 0 : i32
      %dma_wait3A_57 = tpu.memref_slice %arg11[%add3A_11, %dma_wait3A_56] : memref<10000x64xf32, #tpu.memory_space<vmem_shared>> -> memref<125x64xf32, #tpu.memory_space<vmem_shared>>
      %dma_wait3A_58 = arith.constant 0 : i32
      %dma_wait3A_59 = tpu.memref_slice %arg11[%add3A_11, %dma_wait3A_58] : memref<10000x64xf32, #tpu.memory_space<vmem_shared>> -> memref<125x64xf32, #tpu.memory_space<vmem_shared>>
      tpu.wait_dma2 semaphore(%run_scoped3A_51 : memref<!tpu.dma_semaphore, #tpu.memory_space<semaphore_mem>>) src(%arg10 : memref<125x64xf32, #tpu.memory_space<vmem>>) dst(%dma_wait3A_59 : memref<125x64xf32, #tpu.memory_space<vmem_shared>>)
      tpu.yield
    }) : () -> ()
    %mul3A_12 = arith.constant 625 : i32
    %mul3A_13 = arith.muli %arg1, %mul3A_12 : i32
    %add3A_14 = arith.constant 125 : i32
    %add3A_15 = arith.addi %mul3A_13, %add3A_14 : i32
    "tpu.region"() ({
      %run_scoped3A_51 = tpu.sem_alloc : memref<!tpu.dma_semaphore, #tpu.memory_space<semaphore_mem>>
      %dma_start3A_52 = arith.constant 0 : i32
      %dma_start3A_53 = tpu.memref_slice %arg11[%add3A_15, %dma_start3A_52] : memref<10000x64xf32, #tpu.memory_space<vmem_shared>> -> memref<125x64xf32, #tpu.memory_space<vmem_shared>>
      %dma_start3A_54 = arith.constant 0 : i32
      %dma_start3A_55 = tpu.memref_slice %arg11[%add3A_15, %dma_start3A_54] : memref<10000x64xf32, #tpu.memory_space<vmem_shared>> -> memref<125x64xf32, #tpu.memory_space<vmem_shared>>
      tpu.enqueue_dma source(%arg10 : memref<125x64xf32, #tpu.memory_space<vmem>>) target(%dma_start3A_55 : memref<125x64xf32, #tpu.memory_space<vmem_shared>>) target_semaphore(%run_scoped3A_51 : memref<!tpu.dma_semaphore, #tpu.memory_space<semaphore_mem>>)
      %dma_wait3A_56 = arith.constant 0 : i32
      %dma_wait3A_57 = tpu.memref_slice %arg11[%add3A_15, %dma_wait3A_56] : memref<10000x64xf32, #tpu.memory_space<vmem_shared>> -> memref<125x64xf32, #tpu.memory_space<vmem_shared>>
      %dma_wait3A_58 = arith.constant 0 : i32
      %dma_wait3A_59 = tpu.memref_slice %arg11[%add3A_15, %dma_wait3A_58] : memref<10000x64xf32, #tpu.memory_space<vmem_shared>> -> memref<125x64xf32, #tpu.memory_space<vmem_shared>>
      tpu.wait_dma2 semaphore(%run_scoped3A_51 : memref<!tpu.dma_semaphore, #tpu.memory_space<semaphore_mem>>) src(%arg10 : memref<125x64xf32, #tpu.memory_space<vmem>>) dst(%dma_wait3A_59 : memref<125x64xf32, #tpu.memory_space<vmem_shared>>)
      tpu.yield
    }) : () -> ()
    %mul3A_16 = arith.constant 625 : i32
    %mul3A_17 = arith.muli %arg1, %mul3A_16 : i32
    %add3A_18 = arith.constant 250 : i32
    %add3A_19 = arith.addi %mul3A_17, %add3A_18 : i32
    "tpu.region"() ({
      %run_scoped3A_51 = tpu.sem_alloc : memref<!tpu.dma_semaphore, #tpu.memory_space<semaphore_mem>>
      %dma_start3A_52 = arith.constant 0 : i32
      %dma_start3A_53 = tpu.memref_slice %arg11[%add3A_19, %dma_start3A_52] : memref<10000x64xf32, #tpu.memory_space<vmem_shared>> -> memref<125x64xf32, #tpu.memory_space<vmem_shared>>
      %dma_start3A_54 = arith.constant 0 : i32
      %dma_start3A_55 = tpu.memref_slice %arg11[%add3A_19, %dma_start3A_54] : memref<10000x64xf32, #tpu.memory_space<vmem_shared>> -> memref<125x64xf32, #tpu.memory_space<vmem_shared>>
      tpu.enqueue_dma source(%arg10 : memref<125x64xf32, #tpu.memory_space<vmem>>) target(%dma_start3A_55 : memref<125x64xf32, #tpu.memory_space<vmem_shared>>) target_semaphore(%run_scoped3A_51 : memref<!tpu.dma_semaphore, #tpu.memory_space<semaphore_mem>>)
      %dma_wait3A_56 = arith.constant 0 : i32
      %dma_wait3A_57 = tpu.memref_slice %arg11[%add3A_19, %dma_wait3A_56] : memref<10000x64xf32, #tpu.memory_space<vmem_shared>> -> memref<125x64xf32, #tpu.memory_space<vmem_shared>>
      %dma_wait3A_58 = arith.constant 0 : i32
      %dma_wait3A_59 = tpu.memref_slice %arg11[%add3A_19, %dma_wait3A_58] : memref<10000x64xf32, #tpu.memory_space<vmem_shared>> -> memref<125x64xf32, #tpu.memory_space<vmem_shared>>
      tpu.wait_dma2 semaphore(%run_scoped3A_51 : memref<!tpu.dma_semaphore, #tpu.memory_space<semaphore_mem>>) src(%arg10 : memref<125x64xf32, #tpu.memory_space<vmem>>) dst(%dma_wait3A_59 : memref<125x64xf32, #tpu.memory_space<vmem_shared>>)
      tpu.yield
    }) : () -> ()
    %mul3A_20 = arith.constant 625 : i32
    %mul3A_21 = arith.muli %arg1, %mul3A_20 : i32
    %add3A_22 = arith.constant 375 : i32
    %add3A_23 = arith.addi %mul3A_21, %add3A_22 : i32
    "tpu.region"() ({
      %run_scoped3A_51 = tpu.sem_alloc : memref<!tpu.dma_semaphore, #tpu.memory_space<semaphore_mem>>
      %dma_start3A_52 = arith.constant 0 : i32
      %dma_start3A_53 = tpu.memref_slice %arg11[%add3A_23, %dma_start3A_52] : memref<10000x64xf32, #tpu.memory_space<vmem_shared>> -> memref<125x64xf32, #tpu.memory_space<vmem_shared>>
      %dma_start3A_54 = arith.constant 0 : i32
      %dma_start3A_55 = tpu.memref_slice %arg11[%add3A_23, %dma_start3A_54] : memref<10000x64xf32, #tpu.memory_space<vmem_shared>> -> memref<125x64xf32, #tpu.memory_space<vmem_shared>>
      tpu.enqueue_dma source(%arg10 : memref<125x64xf32, #tpu.memory_space<vmem>>) target(%dma_start3A_55 : memref<125x64xf32, #tpu.memory_space<vmem_shared>>) target_semaphore(%run_scoped3A_51 : memref<!tpu.dma_semaphore, #tpu.memory_space<semaphore_mem>>)
      %dma_wait3A_56 = arith.constant 0 : i32
      %dma_wait3A_57 = tpu.memref_slice %arg11[%add3A_23, %dma_wait3A_56] : memref<10000x64xf32, #tpu.memory_space<vmem_shared>> -> memref<125x64xf32, #tpu.memory_space<vmem_shared>>
      %dma_wait3A_58 = arith.constant 0 : i32
      %dma_wait3A_59 = tpu.memref_slice %arg11[%add3A_23, %dma_wait3A_58] : memref<10000x64xf32, #tpu.memory_space<vmem_shared>> -> memref<125x64xf32, #tpu.memory_space<vmem_shared>>
      tpu.wait_dma2 semaphore(%run_scoped3A_51 : memref<!tpu.dma_semaphore, #tpu.memory_space<semaphore_mem>>) src(%arg10 : memref<125x64xf32, #tpu.memory_space<vmem>>) dst(%dma_wait3A_59 : memref<125x64xf32, #tpu.memory_space<vmem_shared>>)
      tpu.yield
    }) : () -> ()
    %mul3A_24 = arith.constant 625 : i32
    %mul3A_25 = arith.muli %arg1, %mul3A_24 : i32
    %add3A_26 = arith.constant 500 : i32
    %add3A_27 = arith.addi %mul3A_25, %add3A_26 : i32
    "tpu.region"() ({
      %run_scoped3A_51 = tpu.sem_alloc : memref<!tpu.dma_semaphore, #tpu.memory_space<semaphore_mem>>
      %dma_start3A_52 = arith.constant 0 : i32
      %dma_start3A_53 = tpu.memref_slice %arg11[%add3A_27, %dma_start3A_52] : memref<10000x64xf32, #tpu.memory_space<vmem_shared>> -> memref<125x64xf32, #tpu.memory_space<vmem_shared>>
      %dma_start3A_54 = arith.constant 0 : i32
      %dma_start3A_55 = tpu.memref_slice %arg11[%add3A_27, %dma_start3A_54] : memref<10000x64xf32, #tpu.memory_space<vmem_shared>> -> memref<125x64xf32, #tpu.memory_space<vmem_shared>>
      tpu.enqueue_dma source(%arg10 : memref<125x64xf32, #tpu.memory_space<vmem>>) target(%dma_start3A_55 : memref<125x64xf32, #tpu.memory_space<vmem_shared>>) target_semaphore(%run_scoped3A_51 : memref<!tpu.dma_semaphore, #tpu.memory_space<semaphore_mem>>)
      %dma_wait3A_56 = arith.constant 0 : i32
      %dma_wait3A_57 = tpu.memref_slice %arg11[%add3A_27, %dma_wait3A_56] : memref<10000x64xf32, #tpu.memory_space<vmem_shared>> -> memref<125x64xf32, #tpu.memory_space<vmem_shared>>
      %dma_wait3A_58 = arith.constant 0 : i32
      %dma_wait3A_59 = tpu.memref_slice %arg11[%add3A_27, %dma_wait3A_58] : memref<10000x64xf32, #tpu.memory_space<vmem_shared>> -> memref<125x64xf32, #tpu.memory_space<vmem_shared>>
      tpu.wait_dma2 semaphore(%run_scoped3A_51 : memref<!tpu.dma_semaphore, #tpu.memory_space<semaphore_mem>>) src(%arg10 : memref<125x64xf32, #tpu.memory_space<vmem>>) dst(%dma_wait3A_59 : memref<125x64xf32, #tpu.memory_space<vmem_shared>>)
      tpu.yield
    }) : () -> ()
    %barrier3A = arith.constant 0 : index
    tpu.barrier barrier_id(%barrier3A)
    %dma_start3A = arith.constant 0 : i32
    %dma_start3A_28 = arith.constant 0 : i32
    %dma_start3A_29 = tpu.memref_slice %arg6[%dma_start3A, %dma_start3A_28] : memref<125x80xi32, #tpu.memory_space<vmem>> -> memref<1x80xi32, #tpu.memory_space<vmem>>
    %dma_start3A_30 = tpu.memref_squeeze %dma_start3A_29 : memref<1x80xi32, #tpu.memory_space<vmem>> -> memref<80xi32, #tpu.memory_space<vmem>>
    %dma_start3A_31 = arith.constant 0 : i32
    %dma_start3A_32 = arith.constant 0 : i32
    %dma_start3A_33 = tpu.memref_slice %arg2[%dma_start3A_31, %dma_start3A_32] : memref<20000x64xf32, #tpu.memory_space<hbm>> -> memref<20000x64xf32, #tpu.memory_space<hbm>>
    tpu.enqueue_indirect_dma source(%dma_start3A_33 : memref<20000x64xf32, #tpu.memory_space<hbm>>) target(%arg8 : memref<80x64xf32, #tpu.memory_space<vmem>>) offsets(%dma_start3A_30 : memref<80xi32, #tpu.memory_space<vmem>>) semaphore(%arg12 : memref<!tpu.dma_semaphore, #tpu.memory_space<semaphore_mem>>)
    %scan3A_34 = arith.constant 0 : i32
    %scan3A_35 = arith.constant 0 : i32
    %scan3A_36 = arith.constant 62 : i32
    %scan3A_37 = arith.addi %scan3A_35, %scan3A_36 : i32
    %scan3A_38 = arith.constant 1 : i32
    scf.for %scan3A_51 = %scan3A_35 to %scan3A_37 step %scan3A_38  : i32 {
      %mul3A_52 = arith.constant 2 : i32
      %mul3A_53 = arith.muli %mul3A_52, %scan3A_51 : i32
      %add3A_54 = arith.constant 1 : i32
      %add3A_55 = arith.addi %mul3A_53, %add3A_54 : i32
      %dma_start3A_56 = arith.constant 0 : i32
      %dma_start3A_57 = tpu.memref_slice %arg6[%add3A_55, %dma_start3A_56] : memref<125x80xi32, #tpu.memory_space<vmem>> -> memref<1x80xi32, #tpu.memory_space<vmem>>
      %dma_start3A_58 = tpu.memref_squeeze %dma_start3A_57 : memref<1x80xi32, #tpu.memory_space<vmem>> -> memref<80xi32, #tpu.memory_space<vmem>>
      %dma_start3A_59 = arith.constant 0 : i32
      %dma_start3A_60 = arith.constant 0 : i32
      %dma_start3A_61 = tpu.memref_slice %arg2[%dma_start3A_59, %dma_start3A_60] : memref<20000x64xf32, #tpu.memory_space<hbm>> -> memref<20000x64xf32, #tpu.memory_space<hbm>>
      tpu.enqueue_indirect_dma source(%dma_start3A_61 : memref<20000x64xf32, #tpu.memory_space<hbm>>) target(%arg9 : memref<80x64xf32, #tpu.memory_space<vmem>>) offsets(%dma_start3A_58 : memref<80xi32, #tpu.memory_space<vmem>>) semaphore(%arg13 : memref<!tpu.dma_semaphore, #tpu.memory_space<semaphore_mem>>)
      %dma_wait3A_62 = arith.constant 0 : i32
      %dma_wait3A_63 = arith.constant 0 : i32
      %dma_wait3A_64 = tpu.memref_slice %arg6[%dma_wait3A_62, %dma_wait3A_63] : memref<125x80xi32, #tpu.memory_space<vmem>> -> memref<1x80xi32, #tpu.memory_space<vmem>>
      %dma_wait3A_65 = tpu.memref_squeeze %dma_wait3A_64 : memref<1x80xi32, #tpu.memory_space<vmem>> -> memref<80xi32, #tpu.memory_space<vmem>>
      %dma_wait3A_66 = arith.constant 0 : i32
      %dma_wait3A_67 = arith.constant 0 : i32
      %dma_wait3A_68 = tpu.memref_slice %arg2[%dma_wait3A_66, %dma_wait3A_67] : memref<20000x64xf32, #tpu.memory_space<hbm>> -> memref<20000x64xf32, #tpu.memory_space<hbm>>
      tpu.wait_indirect_dma semaphore(%arg12 : memref<!tpu.dma_semaphore, #tpu.memory_space<semaphore_mem>>) src(%dma_wait3A_68 : memref<20000x64xf32, #tpu.memory_space<hbm>>) dst(%arg8 : memref<80x64xf32, #tpu.memory_space<vmem>>)
      "tpu.region"() ({
        %run_scoped3A_86 = tpu.sem_alloc : memref<!tpu.dma_semaphore, #tpu.memory_space<semaphore_mem>>
        %dma_start3A_87 = arith.constant 0 : i32
        %dma_start3A_88 = tpu.memref_slice %arg7[%mul3A_53, %dma_start3A_87] : memref<125x80xi32, #tpu.memory_space<vmem>> -> memref<1x80xi32, #tpu.memory_space<vmem>>
        %dma_start3A_89 = tpu.memref_squeeze %dma_start3A_88 : memref<1x80xi32, #tpu.memory_space<vmem>> -> memref<80xi32, #tpu.memory_space<vmem>>
        %dma_start3A_90 = arith.constant 0 : i32
        %dma_start3A_91 = arith.constant 0 : i32
        %dma_start3A_92 = tpu.memref_slice %arg11[%dma_start3A_90, %dma_start3A_91] : memref<10000x64xf32, #tpu.memory_space<vmem_shared>> -> memref<10000x64xf32, #tpu.memory_space<vmem_shared>>
        tpu.enqueue_indirect_dma source(%arg8 : memref<80x64xf32, #tpu.memory_space<vmem>>) target(%dma_start3A_92 : memref<10000x64xf32, #tpu.memory_space<vmem_shared>>) offsets(%dma_start3A_89 : memref<80xi32, #tpu.memory_space<vmem>>) semaphore(%run_scoped3A_86 : memref<!tpu.dma_semaphore, #tpu.memory_space<semaphore_mem>>) {add = true}
        %dma_wait3A_93 = arith.constant 0 : i32
        %dma_wait3A_94 = tpu.memref_slice %arg7[%mul3A_53, %dma_wait3A_93] : memref<125x80xi32, #tpu.memory_space<vmem>> -> memref<1x80xi32, #tpu.memory_space<vmem>>
        %dma_wait3A_95 = tpu.memref_squeeze %dma_wait3A_94 : memref<1x80xi32, #tpu.memory_space<vmem>> -> memref<80xi32, #tpu.memory_space<vmem>>
        %dma_wait3A_96 = arith.constant 0 : i32
        %dma_wait3A_97 = arith.constant 0 : i32
        %dma_wait3A_98 = tpu.memref_slice %arg11[%dma_wait3A_96, %dma_wait3A_97] : memref<10000x64xf32, #tpu.memory_space<vmem_shared>> -> memref<10000x64xf32, #tpu.memory_space<vmem_shared>>
        tpu.wait_indirect_dma semaphore(%run_scoped3A_86 : memref<!tpu.dma_semaphore, #tpu.memory_space<semaphore_mem>>) src(%arg8 : memref<80x64xf32, #tpu.memory_space<vmem>>) dst(%dma_wait3A_98 : memref<10000x64xf32, #tpu.memory_space<vmem_shared>>)
        tpu.yield
      }) : () -> ()
      %add3A_69 = arith.constant 2 : i32
      %add3A_70 = arith.addi %mul3A_53, %add3A_69 : i32
      %dma_start3A_71 = arith.constant 0 : i32
      %dma_start3A_72 = tpu.memref_slice %arg6[%add3A_70, %dma_start3A_71] : memref<125x80xi32, #tpu.memory_space<vmem>> -> memref<1x80xi32, #tpu.memory_space<vmem>>
      %dma_start3A_73 = tpu.memref_squeeze %dma_start3A_72 : memref<1x80xi32, #tpu.memory_space<vmem>> -> memref<80xi32, #tpu.memory_space<vmem>>
      %dma_start3A_74 = arith.constant 0 : i32
      %dma_start3A_75 = arith.constant 0 : i32
      %dma_start3A_76 = tpu.memref_slice %arg2[%dma_start3A_74, %dma_start3A_75] : memref<20000x64xf32, #tpu.memory_space<hbm>> -> memref<20000x64xf32, #tpu.memory_space<hbm>>
      tpu.enqueue_indirect_dma source(%dma_start3A_76 : memref<20000x64xf32, #tpu.memory_space<hbm>>) target(%arg8 : memref<80x64xf32, #tpu.memory_space<vmem>>) offsets(%dma_start3A_73 : memref<80xi32, #tpu.memory_space<vmem>>) semaphore(%arg12 : memref<!tpu.dma_semaphore, #tpu.memory_space<semaphore_mem>>)
      %dma_wait3A_77 = arith.constant 0 : i32
      %dma_wait3A_78 = arith.constant 0 : i32
      %dma_wait3A_79 = tpu.memref_slice %arg6[%dma_wait3A_77, %dma_wait3A_78] : memref<125x80xi32, #tpu.memory_space<vmem>> -> memref<1x80xi32, #tpu.memory_space<vmem>>
      %dma_wait3A_80 = tpu.memref_squeeze %dma_wait3A_79 : memref<1x80xi32, #tpu.memory_space<vmem>> -> memref<80xi32, #tpu.memory_space<vmem>>
      %dma_wait3A_81 = arith.constant 0 : i32
      %dma_wait3A_82 = arith.constant 0 : i32
      %dma_wait3A_83 = tpu.memref_slice %arg2[%dma_wait3A_81, %dma_wait3A_82] : memref<20000x64xf32, #tpu.memory_space<hbm>> -> memref<20000x64xf32, #tpu.memory_space<hbm>>
      tpu.wait_indirect_dma semaphore(%arg13 : memref<!tpu.dma_semaphore, #tpu.memory_space<semaphore_mem>>) src(%dma_wait3A_83 : memref<20000x64xf32, #tpu.memory_space<hbm>>) dst(%arg9 : memref<80x64xf32, #tpu.memory_space<vmem>>)
      %add3A_84 = arith.constant 1 : i32
      %add3A_85 = arith.addi %mul3A_53, %add3A_84 : i32
      "tpu.region"() ({
        %run_scoped3A_86 = tpu.sem_alloc : memref<!tpu.dma_semaphore, #tpu.memory_space<semaphore_mem>>
        %dma_start3A_87 = arith.constant 0 : i32
        %dma_start3A_88 = tpu.memref_slice %arg7[%add3A_85, %dma_start3A_87] : memref<125x80xi32, #tpu.memory_space<vmem>> -> memref<1x80xi32, #tpu.memory_space<vmem>>
        %dma_start3A_89 = tpu.memref_squeeze %dma_start3A_88 : memref<1x80xi32, #tpu.memory_space<vmem>> -> memref<80xi32, #tpu.memory_space<vmem>>
        %dma_start3A_90 = arith.constant 0 : i32
        %dma_start3A_91 = arith.constant 0 : i32
        %dma_start3A_92 = tpu.memref_slice %arg11[%dma_start3A_90, %dma_start3A_91] : memref<10000x64xf32, #tpu.memory_space<vmem_shared>> -> memref<10000x64xf32, #tpu.memory_space<vmem_shared>>
        tpu.enqueue_indirect_dma source(%arg9 : memref<80x64xf32, #tpu.memory_space<vmem>>) target(%dma_start3A_92 : memref<10000x64xf32, #tpu.memory_space<vmem_shared>>) offsets(%dma_start3A_89 : memref<80xi32, #tpu.memory_space<vmem>>) semaphore(%run_scoped3A_86 : memref<!tpu.dma_semaphore, #tpu.memory_space<semaphore_mem>>) {add = true}
        %dma_wait3A_93 = arith.constant 0 : i32
        %dma_wait3A_94 = tpu.memref_slice %arg7[%add3A_85, %dma_wait3A_93] : memref<125x80xi32, #tpu.memory_space<vmem>> -> memref<1x80xi32, #tpu.memory_space<vmem>>
        %dma_wait3A_95 = tpu.memref_squeeze %dma_wait3A_94 : memref<1x80xi32, #tpu.memory_space<vmem>> -> memref<80xi32, #tpu.memory_space<vmem>>
        %dma_wait3A_96 = arith.constant 0 : i32
        %dma_wait3A_97 = arith.constant 0 : i32
        %dma_wait3A_98 = tpu.memref_slice %arg11[%dma_wait3A_96, %dma_wait3A_97] : memref<10000x64xf32, #tpu.memory_space<vmem_shared>> -> memref<10000x64xf32, #tpu.memory_space<vmem_shared>>
        tpu.wait_indirect_dma semaphore(%run_scoped3A_86 : memref<!tpu.dma_semaphore, #tpu.memory_space<semaphore_mem>>) src(%arg9 : memref<80x64xf32, #tpu.memory_space<vmem>>) dst(%dma_wait3A_98 : memref<10000x64xf32, #tpu.memory_space<vmem_shared>>)
        tpu.yield
      }) : () -> ()
    }
    %scan3A_39 = arith.constant 62 : i32
    %dma_wait3A = arith.constant 0 : i32
    %dma_wait3A_40 = arith.constant 0 : i32
    %dma_wait3A_41 = tpu.memref_slice %arg6[%dma_wait3A, %dma_wait3A_40] : memref<125x80xi32, #tpu.memory_space<vmem>> -> memref<1x80xi32, #tpu.memory_space<vmem>>
    %dma_wait3A_42 = tpu.memref_squeeze %dma_wait3A_41 : memref<1x80xi32, #tpu.memory_space<vmem>> -> memref<80xi32, #tpu.memory_space<vmem>>
    %dma_wait3A_43 = arith.constant 0 : i32
    %dma_wait3A_44 = arith.constant 0 : i32
    %dma_wait3A_45 = tpu.memref_slice %arg2[%dma_wait3A_43, %dma_wait3A_44] : memref<20000x64xf32, #tpu.memory_space<hbm>> -> memref<20000x64xf32, #tpu.memory_space<hbm>>
    tpu.wait_indirect_dma semaphore(%arg12 : memref<!tpu.dma_semaphore, #tpu.memory_space<semaphore_mem>>) src(%dma_wait3A_45 : memref<20000x64xf32, #tpu.memory_space<hbm>>) dst(%arg8 : memref<80x64xf32, #tpu.memory_space<vmem>>)
    %run_scoped3A = arith.constant 124 : i32
    "tpu.region"() ({
      %run_scoped3A_51 = tpu.sem_alloc : memref<!tpu.dma_semaphore, #tpu.memory_space<semaphore_mem>>
      %dma_start3A_52 = arith.constant 0 : i32
      %dma_start3A_53 = tpu.memref_slice %arg7[%run_scoped3A, %dma_start3A_52] : memref<125x80xi32, #tpu.memory_space<vmem>> -> memref<1x80xi32, #tpu.memory_space<vmem>>
      %dma_start3A_54 = tpu.memref_squeeze %dma_start3A_53 : memref<1x80xi32, #tpu.memory_space<vmem>> -> memref<80xi32, #tpu.memory_space<vmem>>
      %dma_start3A_55 = arith.constant 0 : i32
      %dma_start3A_56 = arith.constant 0 : i32
      %dma_start3A_57 = tpu.memref_slice %arg11[%dma_start3A_55, %dma_start3A_56] : memref<10000x64xf32, #tpu.memory_space<vmem_shared>> -> memref<10000x64xf32, #tpu.memory_space<vmem_shared>>
      tpu.enqueue_indirect_dma source(%arg8 : memref<80x64xf32, #tpu.memory_space<vmem>>) target(%dma_start3A_57 : memref<10000x64xf32, #tpu.memory_space<vmem_shared>>) offsets(%dma_start3A_54 : memref<80xi32, #tpu.memory_space<vmem>>) semaphore(%run_scoped3A_51 : memref<!tpu.dma_semaphore, #tpu.memory_space<semaphore_mem>>) {add = true}
      %dma_wait3A_58 = arith.constant 0 : i32
      %dma_wait3A_59 = tpu.memref_slice %arg7[%run_scoped3A, %dma_wait3A_58] : memref<125x80xi32, #tpu.memory_space<vmem>> -> memref<1x80xi32, #tpu.memory_space<vmem>>
      %dma_wait3A_60 = tpu.memref_squeeze %dma_wait3A_59 : memref<1x80xi32, #tpu.memory_space<vmem>> -> memref<80xi32, #tpu.memory_space<vmem>>
      %dma_wait3A_61 = arith.constant 0 : i32
      %dma_wait3A_62 = arith.constant 0 : i32
      %dma_wait3A_63 = tpu.memref_slice %arg11[%dma_wait3A_61, %dma_wait3A_62] : memref<10000x64xf32, #tpu.memory_space<vmem_shared>> -> memref<10000x64xf32, #tpu.memory_space<vmem_shared>>
      tpu.wait_indirect_dma semaphore(%run_scoped3A_51 : memref<!tpu.dma_semaphore, #tpu.memory_space<semaphore_mem>>) src(%arg8 : memref<80x64xf32, #tpu.memory_space<vmem>>) dst(%dma_wait3A_63 : memref<10000x64xf32, #tpu.memory_space<vmem_shared>>)
      tpu.yield
    }) : () -> ()
    %barrier3A_46 = arith.constant 0 : index
    tpu.barrier barrier_id(%barrier3A_46)
    %mul3A_47 = arith.constant 625 : i32
    %mul3A_48 = arith.muli %arg1, %mul3A_47 : i32
    %add3A_49 = arith.constant 0 : i32
    %add3A_50 = arith.addi %add3A_49, %add3A : i32
    "tpu.region"() ({
      %run_scoped3A_51 = tpu.sem_alloc : memref<!tpu.dma_semaphore, #tpu.memory_space<semaphore_mem>>
      %dma_start3A_52 = arith.constant 0 : i32
      %dma_start3A_53 = arith.constant 0 : i32
      %dma_start3A_54 = tpu.memref_slice %arg5[%add3A_50, %dma_start3A_52, %dma_start3A_53] : memref<32x625x64xf32, #tpu.memory_space<hbm>> -> memref<1x625x64xf32, #tpu.memory_space<hbm>>
      %dma_start3A_55 = tpu.memref_squeeze %dma_start3A_54 : memref<1x625x64xf32, #tpu.memory_space<hbm>> -> memref<625x64xf32, #tpu.memory_space<hbm>>
      %dma_start3A_56 = arith.constant 0 : i32
      %dma_start3A_57 = tpu.memref_slice %arg11[%mul3A_48, %dma_start3A_56] : memref<10000x64xf32, #tpu.memory_space<vmem_shared>> -> memref<625x64xf32, #tpu.memory_space<vmem_shared>>
      tpu.enqueue_dma source(%dma_start3A_57 : memref<625x64xf32, #tpu.memory_space<vmem_shared>>) target(%dma_start3A_55 : memref<625x64xf32, #tpu.memory_space<hbm>>) target_semaphore(%run_scoped3A_51 : memref<!tpu.dma_semaphore, #tpu.memory_space<semaphore_mem>>)
      %dma_wait3A_58 = arith.constant 0 : i32
      %dma_wait3A_59 = arith.constant 0 : i32
      %dma_wait3A_60 = tpu.memref_slice %arg5[%add3A_50, %dma_wait3A_58, %dma_wait3A_59] : memref<32x625x64xf32, #tpu.memory_space<hbm>> -> memref<1x625x64xf32, #tpu.memory_space<hbm>>
      %dma_wait3A_61 = tpu.memref_squeeze %dma_wait3A_60 : memref<1x625x64xf32, #tpu.memory_space<hbm>> -> memref<625x64xf32, #tpu.memory_space<hbm>>
      %dma_wait3A_62 = arith.constant 0 : i32
      %dma_wait3A_63 = tpu.memref_slice %arg11[%mul3A_48, %dma_wait3A_62] : memref<10000x64xf32, #tpu.memory_space<vmem_shared>> -> memref<625x64xf32, #tpu.memory_space<vmem_shared>>
      tpu.wait_dma2 semaphore(%run_scoped3A_51 : memref<!tpu.dma_semaphore, #tpu.memory_space<semaphore_mem>>) src(%dma_wait3A_63 : memref<625x64xf32, #tpu.memory_space<vmem_shared>>) dst(%dma_wait3A_61 : memref<625x64xf32, #tpu.memory_space<hbm>>)
      tpu.yield
    }) : () -> ()
    return
  }
}

#map = affine_map<(d0, d1) -> (0, 0)>
#map1 = affine_map<(d0, d1) -> (0, 0, 0)>
module attributes {stable_mosaic.version = 14 : i64} {
  func.func @k(%arg0: i32, %arg1: i32, %arg2: memref<20000x64xf32, #tpu.memory_space<hbm>>, %arg3: memref<32x125x80xi32, #tpu.memory_space<hbm>>, %arg4: memref<16x125x80xi32, #tpu.memory_space<hbm>>, %arg5: memref<32x625x64xf32, #tpu.memory_space<hbm>>, %arg6: memref<125x80xi32, #tpu.memory_space<vmem>>, %arg7: memref<125x80xi32, #tpu.memory_space<vmem>>, %arg8: memref<80x64xf32, #tpu.memory_space<vmem>>, %arg9: memref<80x64xf32, #tpu.memory_space<vmem>>, %arg10: memref<125x64xf32, #tpu.memory_space<vmem>>, %arg11: memref<10000x64xf32, #tpu.memory_space<vmem_shared>>, %arg12: memref<!tpu.dma_semaphore, #tpu.memory_space<semaphore_mem>>, %arg13: memref<!tpu.dma_semaphore, #tpu.memory_space<semaphore_mem>>) attributes {dimension_semantics = [#tpu.dimension_semantics<core_parallel>, #tpu.dimension_semantics<subcore_parallel>], iteration_bounds = array<i64: 2, 16>, scalar_prefetch = 0 : i64, scratch_operands = 8 : i64, tpu.core_type = #tpu.core_type<sc_vector_subcore>, window_params = [{transform_indices = #map}, {transform_indices = #map1}, {transform_indices = #map1}, {transform_indices = #map1}]} {
    %mul3A = arith.constant 16 : i32
    %mul3A_0 = arith.muli %arg0, %mul3A : i32
    %add3A = arith.addi %mul3A_0, %arg1 : i32
    "tpu.region"() ({
      %run_scoped3A_51 = tpu.sem_alloc : memref<!tpu.dma_semaphore, #tpu.memory_space<semaphore_mem>>
      %dma_start3A_52 = arith.constant 0 : i32
      %dma_start3A_53 = arith.constant 0 : i32
      %dma_start3A_54 = tpu.memref_slice %arg4[%arg1, %dma_start3A_52, %dma_start3A_53] : memref<16x125x80xi32, #tpu.memory_space<hbm>> -> memref<1x125x80xi32, #tpu.memory_space<hbm>>
      %dma_start3A_55 = tpu.memref_squeeze %dma_start3A_54 : memref<1x125x80xi32, #tpu.memory_space<hbm>> -> memref<125x80xi32, #tpu.memory_space<hbm>>
      %dma_start3A_56 = arith.constant 0 : i32
      %dma_start3A_57 = arith.constant 0 : i32
      %dma_start3A_58 = tpu.memref_slice %arg4[%arg1, %dma_start3A_56, %dma_start3A_57] : memref<16x125x80xi32, #tpu.memory_space<hbm>> -> memref<1x125x80xi32, #tpu.memory_space<hbm>>
      %dma_start3A_59 = tpu.memref_squeeze %dma_start3A_58 : memref<1x125x80xi32, #tpu.memory_space<hbm>> -> memref<125x80xi32, #tpu.memory_space<hbm>>
      tpu.enqueue_dma source(%dma_start3A_59 : memref<125x80xi32, #tpu.memory_space<hbm>>) target(%arg7 : memref<125x80xi32, #tpu.memory_space<vmem>>) target_semaphore(%run_scoped3A_51 : memref<!tpu.dma_semaphore, #tpu.memory_space<semaphore_mem>>)
      %dma_wait3A_60 = arith.constant 0 : i32
      %dma_wait3A_61 = arith.constant 0 : i32
      %dma_wait3A_62 = tpu.memref_slice %arg4[%arg1, %dma_wait3A_60, %dma_wait3A_61] : memref<16x125x80xi32, #tpu.memory_space<hbm>> -> memref<1x125x80xi32, #tpu.memory_space<hbm>>
      %dma_wait3A_63 = tpu.memref_squeeze %dma_wait3A_62 : memref<1x125x80xi32, #tpu.memory_space<hbm>> -> memref<125x80xi32, #tpu.memory_space<hbm>>
      %dma_wait3A_64 = arith.constant 0 : i32
      %dma_wait3A_65 = arith.constant 0 : i32
      %dma_wait3A_66 = tpu.memref_slice %arg4[%arg1, %dma_wait3A_64, %dma_wait3A_65] : memref<16x125x80xi32, #tpu.memory_space<hbm>> -> memref<1x125x80xi32, #tpu.memory_space<hbm>>
      %dma_wait3A_67 = tpu.memref_squeeze %dma_wait3A_66 : memref<1x125x80xi32, #tpu.memory_space<hbm>> -> memref<125x80xi32, #tpu.memory_space<hbm>>
      tpu.wait_dma2 semaphore(%run_scoped3A_51 : memref<!tpu.dma_semaphore, #tpu.memory_space<semaphore_mem>>) src(%dma_wait3A_67 : memref<125x80xi32, #tpu.memory_space<hbm>>) dst(%arg7 : memref<125x80xi32, #tpu.memory_space<vmem>>)
      tpu.yield
    }) : () -> ()
    %scan3A = arith.constant 0 : i32
    %scan3A_1 = arith.constant 0 : i32
    %scan3A_2 = arith.constant 125 : i32
    %scan3A_3 = arith.addi %scan3A_1, %scan3A_2 : i32
    %scan3A_4 = arith.constant 1 : i32
    scf.for %scan3A_51 = %scan3A_1 to %scan3A_3 step %scan3A_4  : i32 {
      %broadcast_in_dim3A = arith.constant 0.000000e+00 : f32
      %broadcast_in_dim3A_52 = vector.broadcast %broadcast_in_dim3A : f32 to vector<16xf32>
      %swap3A = arith.index_cast %scan3A_51 : i32 to index
      %swap3A_53 = arith.constant 0 : index
      %swap3A_54 = tpu.vector_load %arg10[%swap3A, %swap3A_53] {strides = array<i32>} : memref<125x64xf32, #tpu.memory_space<vmem>>, vector<1x16xf32>,
      %swap3A_55 = vector.shape_cast %swap3A_54 : vector<1x16xf32> to vector<16xf32>
      %swap3A_56 = vector.shape_cast %broadcast_in_dim3A_52 : vector<16xf32> to vector<1x16xf32>
      tpu.vector_store %arg10[%swap3A, %swap3A_53], %swap3A_56 {strides = array<i32>} : memref<125x64xf32, #tpu.memory_space<vmem>>, vector<1x16xf32>,
      %broadcast_in_dim3A_57 = arith.constant 0.000000e+00 : f32
      %broadcast_in_dim3A_58 = vector.broadcast %broadcast_in_dim3A_57 : f32 to vector<16xf32>
      %swap3A_59 = arith.index_cast %scan3A_51 : i32 to index
      %swap3A_60 = arith.constant 16 : index
      %swap3A_61 = tpu.vector_load %arg10[%swap3A_59, %swap3A_60] {strides = array<i32>} : memref<125x64xf32, #tpu.memory_space<vmem>>, vector<1x16xf32>,
      %swap3A_62 = vector.shape_cast %swap3A_61 : vector<1x16xf32> to vector<16xf32>
      %swap3A_63 = vector.shape_cast %broadcast_in_dim3A_58 : vector<16xf32> to vector<1x16xf32>
      tpu.vector_store %arg10[%swap3A_59, %swap3A_60], %swap3A_63 {strides = array<i32>} : memref<125x64xf32, #tpu.memory_space<vmem>>, vector<1x16xf32>,
      %broadcast_in_dim3A_64 = arith.constant 0.000000e+00 : f32
      %broadcast_in_dim3A_65 = vector.broadcast %broadcast_in_dim3A_64 : f32 to vector<16xf32>
      %swap3A_66 = arith.index_cast %scan3A_51 : i32 to index
      %swap3A_67 = arith.constant 32 : index
      %swap3A_68 = tpu.vector_load %arg10[%swap3A_66, %swap3A_67] {strides = array<i32>} : memref<125x64xf32, #tpu.memory_space<vmem>>, vector<1x16xf32>,
      %swap3A_69 = vector.shape_cast %swap3A_68 : vector<1x16xf32> to vector<16xf32>
      %swap3A_70 = vector.shape_cast %broadcast_in_dim3A_65 : vector<16xf32> to vector<1x16xf32>
      tpu.vector_store %arg10[%swap3A_66, %swap3A_67], %swap3A_70 {strides = array<i32>} : memref<125x64xf32, #tpu.memory_space<vmem>>, vector<1x16xf32>,
      %broadcast_in_dim3A_71 = arith.constant 0.000000e+00 : f32
      %broadcast_in_dim3A_72 = vector.broadcast %broadcast_in_dim3A_71 : f32 to vector<16xf32>
      %swap3A_73 = arith.index_cast %scan3A_51 : i32 to index
      %swap3A_74 = arith.constant 48 : index
      %swap3A_75 = tpu.vector_load %arg10[%swap3A_73, %swap3A_74] {strides = array<i32>} : memref<125x64xf32, #tpu.memory_space<vmem>>, vector<1x16xf32>,
      %swap3A_76 = vector.shape_cast %swap3A_75 : vector<1x16xf32> to vector<16xf32>
      %swap3A_77 = vector.shape_cast %broadcast_in_dim3A_72 : vector<16xf32> to vector<1x16xf32>
      tpu.vector_store %arg10[%swap3A_73, %swap3A_74], %swap3A_77 {strides = array<i32>} : memref<125x64xf32, #tpu.memory_space<vmem>>, vector<1x16xf32>,
    }
    %scan3A_5 = arith.constant 125 : i32
    %add3A_6 = arith.constant 0 : i32
    %add3A_7 = arith.addi %add3A_6, %add3A : i32
    "tpu.region"() ({
      %run_scoped3A_51 = tpu.sem_alloc : memref<!tpu.dma_semaphore, #tpu.memory_space<semaphore_mem>>
      %dma_start3A_52 = arith.constant 0 : i32
      %dma_start3A_53 = arith.constant 0 : i32
      %dma_start3A_54 = tpu.memref_slice %arg3[%add3A_7, %dma_start3A_52, %dma_start3A_53] : memref<32x125x80xi32, #tpu.memory_space<hbm>> -> memref<1x125x80xi32, #tpu.memory_space<hbm>>
      %dma_start3A_55 = tpu.memref_squeeze %dma_start3A_54 : memref<1x125x80xi32, #tpu.memory_space<hbm>> -> memref<125x80xi32, #tpu.memory_space<hbm>>
      %dma_start3A_56 = arith.constant 0 : i32
      %dma_start3A_57 = arith.constant 0 : i32
      %dma_start3A_58 = tpu.memref_slice %arg3[%add3A_7, %dma_start3A_56, %dma_start3A_57] : memref<32x125x80xi32, #tpu.memory_space<hbm>> -> memref<1x125x80xi32, #tpu.memory_space<hbm>>
      %dma_start3A_59 = tpu.memref_squeeze %dma_start3A_58 : memref<1x125x80xi32, #tpu.memory_space<hbm>> -> memref<125x80xi32, #tpu.memory_space<hbm>>
      tpu.enqueue_dma source(%dma_start3A_59 : memref<125x80xi32, #tpu.memory_space<hbm>>) target(%arg6 : memref<125x80xi32, #tpu.memory_space<vmem>>) target_semaphore(%run_scoped3A_51 : memref<!tpu.dma_semaphore, #tpu.memory_space<semaphore_mem>>)
      %dma_wait3A_60 = arith.constant 0 : i32
      %dma_wait3A_61 = arith.constant 0 : i32
      %dma_wait3A_62 = tpu.memref_slice %arg3[%add3A_7, %dma_wait3A_60, %dma_wait3A_61] : memref<32x125x80xi32, #tpu.memory_space<hbm>> -> memref<1x125x80xi32, #tpu.memory_space<hbm>>
      %dma_wait3A_63 = tpu.memref_squeeze %dma_wait3A_62 : memref<1x125x80xi32, #tpu.memory_space<hbm>> -> memref<125x80xi32, #tpu.memory_space<hbm>>
      %dma_wait3A_64 = arith.constant 0 : i32
      %dma_wait3A_65 = arith.constant 0 : i32
      %dma_wait3A_66 = tpu.memref_slice %arg3[%add3A_7, %dma_wait3A_64, %dma_wait3A_65] : memref<32x125x80xi32, #tpu.memory_space<hbm>> -> memref<1x125x80xi32, #tpu.memory_space<hbm>>
      %dma_wait3A_67 = tpu.memref_squeeze %dma_wait3A_66 : memref<1x125x80xi32, #tpu.memory_space<hbm>> -> memref<125x80xi32, #tpu.memory_space<hbm>>
      tpu.wait_dma2 semaphore(%run_scoped3A_51 : memref<!tpu.dma_semaphore, #tpu.memory_space<semaphore_mem>>) src(%dma_wait3A_67 : memref<125x80xi32, #tpu.memory_space<hbm>>) dst(%arg6 : memref<125x80xi32, #tpu.memory_space<vmem>>)
      tpu.yield
    }) : () -> ()
    %mul3A_8 = arith.constant 625 : i32
    %mul3A_9 = arith.muli %arg1, %mul3A_8 : i32
    %add3A_10 = arith.constant 0 : i32
    %add3A_11 = arith.addi %mul3A_9, %add3A_10 : i32
    "tpu.region"() ({
      %run_scoped3A_51 = tpu.sem_alloc : memref<!tpu.dma_semaphore, #tpu.memory_space<semaphore_mem>>
      %dma_start3A_52 = arith.constant 0 : i32
      %dma_start3A_53 = tpu.memref_slice %arg11[%add3A_11, %dma_start3A_52] : memref<10000x64xf32, #tpu.memory_space<vmem_shared>> -> memref<125x64xf32, #tpu.memory_space<vmem_shared>>
      %dma_start3A_54 = arith.constant 0 : i32
      %dma_start3A_55 = tpu.memref_slice %arg11[%add3A_11, %dma_start3A_54] : memref<10000x64xf32, #tpu.memory_space<vmem_shared>> -> memref<125x64xf32, #tpu.memory_space<vmem_shared>>
      tpu.enqueue_dma source(%arg10 : memref<125x64xf32, #tpu.memory_space<vmem>>) target(%dma_start3A_55 : memref<125x64xf32, #tpu.memory_space<vmem_shared>>) target_semaphore(%run_scoped3A_51 : memref<!tpu.dma_semaphore, #tpu.memory_space<semaphore_mem>>)
      %dma_wait3A_56 = arith.constant 0 : i32
      %dma_wait3A_57 = tpu.memref_slice %arg11[%add3A_11, %dma_wait3A_56] : memref<10000x64xf32, #tpu.memory_space<vmem_shared>> -> memref<125x64xf32, #tpu.memory_space<vmem_shared>>
      %dma_wait3A_58 = arith.constant 0 : i32
      %dma_wait3A_59 = tpu.memref_slice %arg11[%add3A_11, %dma_wait3A_58] : memref<10000x64xf32, #tpu.memory_space<vmem_shared>> -> memref<125x64xf32, #tpu.memory_space<vmem_shared>>
      tpu.wait_dma2 semaphore(%run_scoped3A_51 : memref<!tpu.dma_semaphore, #tpu.memory_space<semaphore_mem>>) src(%arg10 : memref<125x64xf32, #tpu.memory_space<vmem>>) dst(%dma_wait3A_59 : memref<125x64xf32, #tpu.memory_space<vmem_shared>>)
      tpu.yield
    }) : () -> ()
    %mul3A_12 = arith.constant 625 : i32
    %mul3A_13 = arith.muli %arg1, %mul3A_12 : i32
    %add3A_14 = arith.constant 125 : i32
    %add3A_15 = arith.addi %mul3A_13, %add3A_14 : i32
    "tpu.region"() ({
      %run_scoped3A_51 = tpu.sem_alloc : memref<!tpu.dma_semaphore, #tpu.memory_space<semaphore_mem>>
      %dma_start3A_52 = arith.constant 0 : i32
      %dma_start3A_53 = tpu.memref_slice %arg11[%add3A_15, %dma_start3A_52] : memref<10000x64xf32, #tpu.memory_space<vmem_shared>> -> memref<125x64xf32, #tpu.memory_space<vmem_shared>>
      %dma_start3A_54 = arith.constant 0 : i32
      %dma_start3A_55 = tpu.memref_slice %arg11[%add3A_15, %dma_start3A_54] : memref<10000x64xf32, #tpu.memory_space<vmem_shared>> -> memref<125x64xf32, #tpu.memory_space<vmem_shared>>
      tpu.enqueue_dma source(%arg10 : memref<125x64xf32, #tpu.memory_space<vmem>>) target(%dma_start3A_55 : memref<125x64xf32, #tpu.memory_space<vmem_shared>>) target_semaphore(%run_scoped3A_51 : memref<!tpu.dma_semaphore, #tpu.memory_space<semaphore_mem>>)
      %dma_wait3A_56 = arith.constant 0 : i32
      %dma_wait3A_57 = tpu.memref_slice %arg11[%add3A_15, %dma_wait3A_56] : memref<10000x64xf32, #tpu.memory_space<vmem_shared>> -> memref<125x64xf32, #tpu.memory_space<vmem_shared>>
      %dma_wait3A_58 = arith.constant 0 : i32
      %dma_wait3A_59 = tpu.memref_slice %arg11[%add3A_15, %dma_wait3A_58] : memref<10000x64xf32, #tpu.memory_space<vmem_shared>> -> memref<125x64xf32, #tpu.memory_space<vmem_shared>>
      tpu.wait_dma2 semaphore(%run_scoped3A_51 : memref<!tpu.dma_semaphore, #tpu.memory_space<semaphore_mem>>) src(%arg10 : memref<125x64xf32, #tpu.memory_space<vmem>>) dst(%dma_wait3A_59 : memref<125x64xf32, #tpu.memory_space<vmem_shared>>)
      tpu.yield
    }) : () -> ()
    %mul3A_16 = arith.constant 625 : i32
    %mul3A_17 = arith.muli %arg1, %mul3A_16 : i32
    %add3A_18 = arith.constant 250 : i32
    %add3A_19 = arith.addi %mul3A_17, %add3A_18 : i32
    "tpu.region"() ({
      %run_scoped3A_51 = tpu.sem_alloc : memref<!tpu.dma_semaphore, #tpu.memory_space<semaphore_mem>>
      %dma_start3A_52 = arith.constant 0 : i32
      %dma_start3A_53 = tpu.memref_slice %arg11[%add3A_19, %dma_start3A_52] : memref<10000x64xf32, #tpu.memory_space<vmem_shared>> -> memref<125x64xf32, #tpu.memory_space<vmem_shared>>
      %dma_start3A_54 = arith.constant 0 : i32
      %dma_start3A_55 = tpu.memref_slice %arg11[%add3A_19, %dma_start3A_54] : memref<10000x64xf32, #tpu.memory_space<vmem_shared>> -> memref<125x64xf32, #tpu.memory_space<vmem_shared>>
      tpu.enqueue_dma source(%arg10 : memref<125x64xf32, #tpu.memory_space<vmem>>) target(%dma_start3A_55 : memref<125x64xf32, #tpu.memory_space<vmem_shared>>) target_semaphore(%run_scoped3A_51 : memref<!tpu.dma_semaphore, #tpu.memory_space<semaphore_mem>>)
      %dma_wait3A_56 = arith.constant 0 : i32
      %dma_wait3A_57 = tpu.memref_slice %arg11[%add3A_19, %dma_wait3A_56] : memref<10000x64xf32, #tpu.memory_space<vmem_shared>> -> memref<125x64xf32, #tpu.memory_space<vmem_shared>>
      %dma_wait3A_58 = arith.constant 0 : i32
      %dma_wait3A_59 = tpu.memref_slice %arg11[%add3A_19, %dma_wait3A_58] : memref<10000x64xf32, #tpu.memory_space<vmem_shared>> -> memref<125x64xf32, #tpu.memory_space<vmem_shared>>
      tpu.wait_dma2 semaphore(%run_scoped3A_51 : memref<!tpu.dma_semaphore, #tpu.memory_space<semaphore_mem>>) src(%arg10 : memref<125x64xf32, #tpu.memory_space<vmem>>) dst(%dma_wait3A_59 : memref<125x64xf32, #tpu.memory_space<vmem_shared>>)
      tpu.yield
    }) : () -> ()
    %mul3A_20 = arith.constant 625 : i32
    %mul3A_21 = arith.muli %arg1, %mul3A_20 : i32
    %add3A_22 = arith.constant 375 : i32
    %add3A_23 = arith.addi %mul3A_21, %add3A_22 : i32
    "tpu.region"() ({
      %run_scoped3A_51 = tpu.sem_alloc : memref<!tpu.dma_semaphore, #tpu.memory_space<semaphore_mem>>
      %dma_start3A_52 = arith.constant 0 : i32
      %dma_start3A_53 = tpu.memref_slice %arg11[%add3A_23, %dma_start3A_52] : memref<10000x64xf32, #tpu.memory_space<vmem_shared>> -> memref<125x64xf32, #tpu.memory_space<vmem_shared>>
      %dma_start3A_54 = arith.constant 0 : i32
      %dma_start3A_55 = tpu.memref_slice %arg11[%add3A_23, %dma_start3A_54] : memref<10000x64xf32, #tpu.memory_space<vmem_shared>> -> memref<125x64xf32, #tpu.memory_space<vmem_shared>>
      tpu.enqueue_dma source(%arg10 : memref<125x64xf32, #tpu.memory_space<vmem>>) target(%dma_start3A_55 : memref<125x64xf32, #tpu.memory_space<vmem_shared>>) target_semaphore(%run_scoped3A_51 : memref<!tpu.dma_semaphore, #tpu.memory_space<semaphore_mem>>)
      %dma_wait3A_56 = arith.constant 0 : i32
      %dma_wait3A_57 = tpu.memref_slice %arg11[%add3A_23, %dma_wait3A_56] : memref<10000x64xf32, #tpu.memory_space<vmem_shared>> -> memref<125x64xf32, #tpu.memory_space<vmem_shared>>
      %dma_wait3A_58 = arith.constant 0 : i32
      %dma_wait3A_59 = tpu.memref_slice %arg11[%add3A_23, %dma_wait3A_58] : memref<10000x64xf32, #tpu.memory_space<vmem_shared>> -> memref<125x64xf32, #tpu.memory_space<vmem_shared>>
      tpu.wait_dma2 semaphore(%run_scoped3A_51 : memref<!tpu.dma_semaphore, #tpu.memory_space<semaphore_mem>>) src(%arg10 : memref<125x64xf32, #tpu.memory_space<vmem>>) dst(%dma_wait3A_59 : memref<125x64xf32, #tpu.memory_space<vmem_shared>>)
      tpu.yield
    }) : () -> ()
    %mul3A_24 = arith.constant 625 : i32
    %mul3A_25 = arith.muli %arg1, %mul3A_24 : i32
    %add3A_26 = arith.constant 500 : i32
    %add3A_27 = arith.addi %mul3A_25, %add3A_26 : i32
    "tpu.region"() ({
      %run_scoped3A_51 = tpu.sem_alloc : memref<!tpu.dma_semaphore, #tpu.memory_space<semaphore_mem>>
      %dma_start3A_52 = arith.constant 0 : i32
      %dma_start3A_53 = tpu.memref_slice %arg11[%add3A_27, %dma_start3A_52] : memref<10000x64xf32, #tpu.memory_space<vmem_shared>> -> memref<125x64xf32, #tpu.memory_space<vmem_shared>>
      %dma_start3A_54 = arith.constant 0 : i32
      %dma_start3A_55 = tpu.memref_slice %arg11[%add3A_27, %dma_start3A_54] : memref<10000x64xf32, #tpu.memory_space<vmem_shared>> -> memref<125x64xf32, #tpu.memory_space<vmem_shared>>
      tpu.enqueue_dma source(%arg10 : memref<125x64xf32, #tpu.memory_space<vmem>>) target(%dma_start3A_55 : memref<125x64xf32, #tpu.memory_space<vmem_shared>>) target_semaphore(%run_scoped3A_51 : memref<!tpu.dma_semaphore, #tpu.memory_space<semaphore_mem>>)
      %dma_wait3A_56 = arith.constant 0 : i32
      %dma_wait3A_57 = tpu.memref_slice %arg11[%add3A_27, %dma_wait3A_56] : memref<10000x64xf32, #tpu.memory_space<vmem_shared>> -> memref<125x64xf32, #tpu.memory_space<vmem_shared>>
      %dma_wait3A_58 = arith.constant 0 : i32
      %dma_wait3A_59 = tpu.memref_slice %arg11[%add3A_27, %dma_wait3A_58] : memref<10000x64xf32, #tpu.memory_space<vmem_shared>> -> memref<125x64xf32, #tpu.memory_space<vmem_shared>>
      tpu.wait_dma2 semaphore(%run_scoped3A_51 : memref<!tpu.dma_semaphore, #tpu.memory_space<semaphore_mem>>) src(%arg10 : memref<125x64xf32, #tpu.memory_space<vmem>>) dst(%dma_wait3A_59 : memref<125x64xf32, #tpu.memory_space<vmem_shared>>)
      tpu.yield
    }) : () -> ()
    %barrier3A = arith.constant 0 : index
    tpu.barrier barrier_id(%barrier3A)
    %dma_start3A = arith.constant 0 : i32
    %dma_start3A_28 = arith.constant 0 : i32
    %dma_start3A_29 = tpu.memref_slice %arg6[%dma_start3A, %dma_start3A_28] : memref<125x80xi32, #tpu.memory_space<vmem>> -> memref<1x80xi32, #tpu.memory_space<vmem>>
    %dma_start3A_30 = tpu.memref_squeeze %dma_start3A_29 : memref<1x80xi32, #tpu.memory_space<vmem>> -> memref<80xi32, #tpu.memory_space<vmem>>
    %dma_start3A_31 = arith.constant 0 : i32
    %dma_start3A_32 = arith.constant 0 : i32
    %dma_start3A_33 = tpu.memref_slice %arg2[%dma_start3A_31, %dma_start3A_32] : memref<20000x64xf32, #tpu.memory_space<hbm>> -> memref<20000x64xf32, #tpu.memory_space<hbm>>
    tpu.enqueue_indirect_dma source(%dma_start3A_33 : memref<20000x64xf32, #tpu.memory_space<hbm>>) target(%arg8 : memref<80x64xf32, #tpu.memory_space<vmem>>) offsets(%dma_start3A_30 : memref<80xi32, #tpu.memory_space<vmem>>) semaphore(%arg12 : memref<!tpu.dma_semaphore, #tpu.memory_space<semaphore_mem>>)
    %scan3A_34 = arith.constant 0 : i32
    %scan3A_35 = arith.constant 0 : i32
    %scan3A_36 = arith.constant 62 : i32
    %scan3A_37 = arith.addi %scan3A_35, %scan3A_36 : i32
    %scan3A_38 = arith.constant 1 : i32
    scf.for %scan3A_51 = %scan3A_35 to %scan3A_37 step %scan3A_38  : i32 {
      %mul3A_52 = arith.constant 2 : i32
      %mul3A_53 = arith.muli %mul3A_52, %scan3A_51 : i32
      %add3A_54 = arith.constant 1 : i32
      %add3A_55 = arith.addi %mul3A_53, %add3A_54 : i32
      %dma_start3A_56 = arith.constant 0 : i32
      %dma_start3A_57 = tpu.memref_slice %arg6[%add3A_55, %dma_start3A_56] : memref<125x80xi32, #tpu.memory_space<vmem>> -> memref<1x80xi32, #tpu.memory_space<vmem>>
      %dma_start3A_58 = tpu.memref_squeeze %dma_start3A_57 : memref<1x80xi32, #tpu.memory_space<vmem>> -> memref<80xi32, #tpu.memory_space<vmem>>
      %dma_start3A_59 = arith.constant 0 : i32
      %dma_start3A_60 = arith.constant 0 : i32
      %dma_start3A_61 = tpu.memref_slice %arg2[%dma_start3A_59, %dma_start3A_60] : memref<20000x64xf32, #tpu.memory_space<hbm>> -> memref<20000x64xf32, #tpu.memory_space<hbm>>
      tpu.enqueue_indirect_dma source(%dma_start3A_61 : memref<20000x64xf32, #tpu.memory_space<hbm>>) target(%arg9 : memref<80x64xf32, #tpu.memory_space<vmem>>) offsets(%dma_start3A_58 : memref<80xi32, #tpu.memory_space<vmem>>) semaphore(%arg13 : memref<!tpu.dma_semaphore, #tpu.memory_space<semaphore_mem>>)
      %dma_wait3A_62 = arith.constant 0 : i32
      %dma_wait3A_63 = arith.constant 0 : i32
      %dma_wait3A_64 = tpu.memref_slice %arg6[%dma_wait3A_62, %dma_wait3A_63] : memref<125x80xi32, #tpu.memory_space<vmem>> -> memref<1x80xi32, #tpu.memory_space<vmem>>
      %dma_wait3A_65 = tpu.memref_squeeze %dma_wait3A_64 : memref<1x80xi32, #tpu.memory_space<vmem>> -> memref<80xi32, #tpu.memory_space<vmem>>
      %dma_wait3A_66 = arith.constant 0 : i32
      %dma_wait3A_67 = arith.constant 0 : i32
      %dma_wait3A_68 = tpu.memref_slice %arg2[%dma_wait3A_66, %dma_wait3A_67] : memref<20000x64xf32, #tpu.memory_space<hbm>> -> memref<20000x64xf32, #tpu.memory_space<hbm>>
      tpu.wait_indirect_dma semaphore(%arg12 : memref<!tpu.dma_semaphore, #tpu.memory_space<semaphore_mem>>) src(%dma_wait3A_68 : memref<20000x64xf32, #tpu.memory_space<hbm>>) dst(%arg8 : memref<80x64xf32, #tpu.memory_space<vmem>>)
      "tpu.region"() ({
        %run_scoped3A_86 = tpu.sem_alloc : memref<!tpu.dma_semaphore, #tpu.memory_space<semaphore_mem>>
        %dma_start3A_87 = arith.constant 0 : i32
        %dma_start3A_88 = tpu.memref_slice %arg7[%mul3A_53, %dma_start3A_87] : memref<125x80xi32, #tpu.memory_space<vmem>> -> memref<1x80xi32, #tpu.memory_space<vmem>>
        %dma_start3A_89 = tpu.memref_squeeze %dma_start3A_88 : memref<1x80xi32, #tpu.memory_space<vmem>> -> memref<80xi32, #tpu.memory_space<vmem>>
        %dma_start3A_90 = arith.constant 0 : i32
        %dma_start3A_91 = arith.constant 0 : i32
        %dma_start3A_92 = tpu.memref_slice %arg11[%dma_start3A_90, %dma_start3A_91] : memref<10000x64xf32, #tpu.memory_space<vmem_shared>> -> memref<10000x64xf32, #tpu.memory_space<vmem_shared>>
        tpu.enqueue_indirect_dma source(%arg8 : memref<80x64xf32, #tpu.memory_space<vmem>>) target(%dma_start3A_92 : memref<10000x64xf32, #tpu.memory_space<vmem_shared>>) offsets(%dma_start3A_89 : memref<80xi32, #tpu.memory_space<vmem>>) semaphore(%run_scoped3A_86 : memref<!tpu.dma_semaphore, #tpu.memory_space<semaphore_mem>>) {add = true}
        %dma_wait3A_93 = arith.constant 0 : i32
        %dma_wait3A_94 = tpu.memref_slice %arg7[%mul3A_53, %dma_wait3A_93] : memref<125x80xi32, #tpu.memory_space<vmem>> -> memref<1x80xi32, #tpu.memory_space<vmem>>
        %dma_wait3A_95 = tpu.memref_squeeze %dma_wait3A_94 : memref<1x80xi32, #tpu.memory_space<vmem>> -> memref<80xi32, #tpu.memory_space<vmem>>
        %dma_wait3A_96 = arith.constant 0 : i32
        %dma_wait3A_97 = arith.constant 0 : i32
        %dma_wait3A_98 = tpu.memref_slice %arg11[%dma_wait3A_96, %dma_wait3A_97] : memref<10000x64xf32, #tpu.memory_space<vmem_shared>> -> memref<10000x64xf32, #tpu.memory_space<vmem_shared>>
        tpu.wait_indirect_dma semaphore(%run_scoped3A_86 : memref<!tpu.dma_semaphore, #tpu.memory_space<semaphore_mem>>) src(%arg8 : memref<80x64xf32, #tpu.memory_space<vmem>>) dst(%dma_wait3A_98 : memref<10000x64xf32, #tpu.memory_space<vmem_shared>>)
        tpu.yield
      }) : () -> ()
      %add3A_69 = arith.constant 2 : i32
      %add3A_70 = arith.addi %mul3A_53, %add3A_69 : i32
      %dma_start3A_71 = arith.constant 0 : i32
      %dma_start3A_72 = tpu.memref_slice %arg6[%add3A_70, %dma_start3A_71] : memref<125x80xi32, #tpu.memory_space<vmem>> -> memref<1x80xi32, #tpu.memory_space<vmem>>
      %dma_start3A_73 = tpu.memref_squeeze %dma_start3A_72 : memref<1x80xi32, #tpu.memory_space<vmem>> -> memref<80xi32, #tpu.memory_space<vmem>>
      %dma_start3A_74 = arith.constant 0 : i32
      %dma_start3A_75 = arith.constant 0 : i32
      %dma_start3A_76 = tpu.memref_slice %arg2[%dma_start3A_74, %dma_start3A_75] : memref<20000x64xf32, #tpu.memory_space<hbm>> -> memref<20000x64xf32, #tpu.memory_space<hbm>>
      tpu.enqueue_indirect_dma source(%dma_start3A_76 : memref<20000x64xf32, #tpu.memory_space<hbm>>) target(%arg8 : memref<80x64xf32, #tpu.memory_space<vmem>>) offsets(%dma_start3A_73 : memref<80xi32, #tpu.memory_space<vmem>>) semaphore(%arg12 : memref<!tpu.dma_semaphore, #tpu.memory_space<semaphore_mem>>)
      %dma_wait3A_77 = arith.constant 0 : i32
      %dma_wait3A_78 = arith.constant 0 : i32
      %dma_wait3A_79 = tpu.memref_slice %arg6[%dma_wait3A_77, %dma_wait3A_78] : memref<125x80xi32, #tpu.memory_space<vmem>> -> memref<1x80xi32, #tpu.memory_space<vmem>>
      %dma_wait3A_80 = tpu.memref_squeeze %dma_wait3A_79 : memref<1x80xi32, #tpu.memory_space<vmem>> -> memref<80xi32, #tpu.memory_space<vmem>>
      %dma_wait3A_81 = arith.constant 0 : i32
      %dma_wait3A_82 = arith.constant 0 : i32
      %dma_wait3A_83 = tpu.memref_slice %arg2[%dma_wait3A_81, %dma_wait3A_82] : memref<20000x64xf32, #tpu.memory_space<hbm>> -> memref<20000x64xf32, #tpu.memory_space<hbm>>
      tpu.wait_indirect_dma semaphore(%arg13 : memref<!tpu.dma_semaphore, #tpu.memory_space<semaphore_mem>>) src(%dma_wait3A_83 : memref<20000x64xf32, #tpu.memory_space<hbm>>) dst(%arg9 : memref<80x64xf32, #tpu.memory_space<vmem>>)
      %add3A_84 = arith.constant 1 : i32
      %add3A_85 = arith.addi %mul3A_53, %add3A_84 : i32
      "tpu.region"() ({
        %run_scoped3A_86 = tpu.sem_alloc : memref<!tpu.dma_semaphore, #tpu.memory_space<semaphore_mem>>
        %dma_start3A_87 = arith.constant 0 : i32
        %dma_start3A_88 = tpu.memref_slice %arg7[%add3A_85, %dma_start3A_87] : memref<125x80xi32, #tpu.memory_space<vmem>> -> memref<1x80xi32, #tpu.memory_space<vmem>>
        %dma_start3A_89 = tpu.memref_squeeze %dma_start3A_88 : memref<1x80xi32, #tpu.memory_space<vmem>> -> memref<80xi32, #tpu.memory_space<vmem>>
        %dma_start3A_90 = arith.constant 0 : i32
        %dma_start3A_91 = arith.constant 0 : i32
        %dma_start3A_92 = tpu.memref_slice %arg11[%dma_start3A_90, %dma_start3A_91] : memref<10000x64xf32, #tpu.memory_space<vmem_shared>> -> memref<10000x64xf32, #tpu.memory_space<vmem_shared>>
        tpu.enqueue_indirect_dma source(%arg9 : memref<80x64xf32, #tpu.memory_space<vmem>>) target(%dma_start3A_92 : memref<10000x64xf32, #tpu.memory_space<vmem_shared>>) offsets(%dma_start3A_89 : memref<80xi32, #tpu.memory_space<vmem>>) semaphore(%run_scoped3A_86 : memref<!tpu.dma_semaphore, #tpu.memory_space<semaphore_mem>>) {add = true}
        %dma_wait3A_93 = arith.constant 0 : i32
        %dma_wait3A_94 = tpu.memref_slice %arg7[%add3A_85, %dma_wait3A_93] : memref<125x80xi32, #tpu.memory_space<vmem>> -> memref<1x80xi32, #tpu.memory_space<vmem>>
        %dma_wait3A_95 = tpu.memref_squeeze %dma_wait3A_94 : memref<1x80xi32, #tpu.memory_space<vmem>> -> memref<80xi32, #tpu.memory_space<vmem>>
        %dma_wait3A_96 = arith.constant 0 : i32
        %dma_wait3A_97 = arith.constant 0 : i32
        %dma_wait3A_98 = tpu.memref_slice %arg11[%dma_wait3A_96, %dma_wait3A_97] : memref<10000x64xf32, #tpu.memory_space<vmem_shared>> -> memref<10000x64xf32, #tpu.memory_space<vmem_shared>>
        tpu.wait_indirect_dma semaphore(%run_scoped3A_86 : memref<!tpu.dma_semaphore, #tpu.memory_space<semaphore_mem>>) src(%arg9 : memref<80x64xf32, #tpu.memory_space<vmem>>) dst(%dma_wait3A_98 : memref<10000x64xf32, #tpu.memory_space<vmem_shared>>)
        tpu.yield
      }) : () -> ()
    }
    %scan3A_39 = arith.constant 62 : i32
    %dma_wait3A = arith.constant 0 : i32
    %dma_wait3A_40 = arith.constant 0 : i32
    %dma_wait3A_41 = tpu.memref_slice %arg6[%dma_wait3A, %dma_wait3A_40] : memref<125x80xi32, #tpu.memory_space<vmem>> -> memref<1x80xi32, #tpu.memory_space<vmem>>
    %dma_wait3A_42 = tpu.memref_squeeze %dma_wait3A_41 : memref<1x80xi32, #tpu.memory_space<vmem>> -> memref<80xi32, #tpu.memory_space<vmem>>
    %dma_wait3A_43 = arith.constant 0 : i32
    %dma_wait3A_44 = arith.constant 0 : i32
    %dma_wait3A_45 = tpu.memref_slice %arg2[%dma_wait3A_43, %dma_wait3A_44] : memref<20000x64xf32, #tpu.memory_space<hbm>> -> memref<20000x64xf32, #tpu.memory_space<hbm>>
    tpu.wait_indirect_dma semaphore(%arg12 : memref<!tpu.dma_semaphore, #tpu.memory_space<semaphore_mem>>) src(%dma_wait3A_45 : memref<20000x64xf32, #tpu.memory_space<hbm>>) dst(%arg8 : memref<80x64xf32, #tpu.memory_space<vmem>>)
    %run_scoped3A = arith.constant 124 : i32
    "tpu.region"() ({
      %run_scoped3A_51 = tpu.sem_alloc : memref<!tpu.dma_semaphore, #tpu.memory_space<semaphore_mem>>
      %dma_start3A_52 = arith.constant 0 : i32
      %dma_start3A_53 = tpu.memref_slice %arg7[%run_scoped3A, %dma_start3A_52] : memref<125x80xi32, #tpu.memory_space<vmem>> -> memref<1x80xi32, #tpu.memory_space<vmem>>
      %dma_start3A_54 = tpu.memref_squeeze %dma_start3A_53 : memref<1x80xi32, #tpu.memory_space<vmem>> -> memref<80xi32, #tpu.memory_space<vmem>>
      %dma_start3A_55 = arith.constant 0 : i32
      %dma_start3A_56 = arith.constant 0 : i32
      %dma_start3A_57 = tpu.memref_slice %arg11[%dma_start3A_55, %dma_start3A_56] : memref<10000x64xf32, #tpu.memory_space<vmem_shared>> -> memref<10000x64xf32, #tpu.memory_space<vmem_shared>>
      tpu.enqueue_indirect_dma source(%arg8 : memref<80x64xf32, #tpu.memory_space<vmem>>) target(%dma_start3A_57 : memref<10000x64xf32, #tpu.memory_space<vmem_shared>>) offsets(%dma_start3A_54 : memref<80xi32, #tpu.memory_space<vmem>>) semaphore(%run_scoped3A_51 : memref<!tpu.dma_semaphore, #tpu.memory_space<semaphore_mem>>) {add = true}
      %dma_wait3A_58 = arith.constant 0 : i32
      %dma_wait3A_59 = tpu.memref_slice %arg7[%run_scoped3A, %dma_wait3A_58] : memref<125x80xi32, #tpu.memory_space<vmem>> -> memref<1x80xi32, #tpu.memory_space<vmem>>
      %dma_wait3A_60 = tpu.memref_squeeze %dma_wait3A_59 : memref<1x80xi32, #tpu.memory_space<vmem>> -> memref<80xi32, #tpu.memory_space<vmem>>
      %dma_wait3A_61 = arith.constant 0 : i32
      %dma_wait3A_62 = arith.constant 0 : i32
      %dma_wait3A_63 = tpu.memref_slice %arg11[%dma_wait3A_61, %dma_wait3A_62] : memref<10000x64xf32, #tpu.memory_space<vmem_shared>> -> memref<10000x64xf32, #tpu.memory_space<vmem_shared>>
      tpu.wait_indirect_dma semaphore(%run_scoped3A_51 : memref<!tpu.dma_semaphore, #tpu.memory_space<semaphore_mem>>) src(%arg8 : memref<80x64xf32, #tpu.memory_space<vmem>>) dst(%dma_wait3A_63 : memref<10000x64xf32, #tpu.memory_space<vmem_shared>>)
      tpu.yield
    }) : () -> ()
    %barrier3A_46 = arith.constant 0 : index
    tpu.barrier barrier_id(%barrier3A_46)
    %mul3A_47 = arith.constant 625 : i32
    %mul3A_48 = arith.muli %arg1, %mul3A_47 : i32
    %add3A_49 = arith.constant 0 : i32
    %add3A_50 = arith.addi %add3A_49, %add3A : i32
    "tpu.region"() ({
      %run_scoped3A_51 = tpu.sem_alloc : memref<!tpu.dma_semaphore, #tpu.memory_space<semaphore_mem>>
      %dma_start3A_52 = arith.constant 0 : i32
      %dma_start3A_53 = arith.constant 0 : i32
      %dma_start3A_54 = tpu.memref_slice %arg5[%add3A_50, %dma_start3A_52, %dma_start3A_53] : memref<32x625x64xf32, #tpu.memory_space<hbm>> -> memref<1x625x64xf32, #tpu.memory_space<hbm>>
      %dma_start3A_55 = tpu.memref_squeeze %dma_start3A_54 : memref<1x625x64xf32, #tpu.memory_space<hbm>> -> memref<625x64xf32, #tpu.memory_space<hbm>>
      %dma_start3A_56 = arith.constant 0 : i32
      %dma_start3A_57 = tpu.memref_slice %arg11[%mul3A_48, %dma_start3A_56] : memref<10000x64xf32, #tpu.memory_space<vmem_shared>> -> memref<625x64xf32, #tpu.memory_space<vmem_shared>>
      tpu.enqueue_dma source(%dma_start3A_57 : memref<625x64xf32, #tpu.memory_space<vmem_shared>>) target(%dma_start3A_55 : memref<625x64xf32, #tpu.memory_space<hbm>>) target_semaphore(%run_scoped3A_51 : memref<!tpu.dma_semaphore, #tpu.memory_space<semaphore_mem>>)
      %dma_wait3A_58 = arith.constant 0 : i32
      %dma_wait3A_59 = arith.constant 0 : i32
      %dma_wait3A_60 = tpu.memref_slice %arg5[%add3A_50, %dma_wait3A_58, %dma_wait3A_59] : memref<32x625x64xf32, #tpu.memory_space<hbm>> -> memref<1x625x64xf32, #tpu.memory_space<hbm>>
      %dma_wait3A_61 = tpu.memref_squeeze %dma_wait3A_60 : memref<1x625x64xf32, #tpu.memory_space<hbm>> -> memref<625x64xf32, #tpu.memory_space<hbm>>
      %dma_wait3A_62 = arith.constant 0 : i32
      %dma_wait3A_63 = tpu.memref_slice %arg11[%mul3A_48, %dma_wait3A_62] : memref<10000x64xf32, #tpu.memory_space<vmem_shared>> -> memref<625x64xf32, #tpu.memory_space<vmem_shared>>
      tpu.wait_dma2 semaphore(%run_scoped3A_51 : memref<!tpu.dma_semaphore, #tpu.memory_space<semaphore_mem>>) src(%dma_wait3A_63 : memref<625x64xf32, #tpu.memory_space<vmem_shared>>) dst(%dma_wait3A_61 : memref<625x64xf32, #tpu.memory_space<hbm>>)
      tpu.yield
    }) : () -> ()
    return
  }
}

#map = affine_map<(d0, d1) -> (0, 0)>
module attributes {stable_mosaic.version = 14 : i64} {
  func.func @k(%arg0: i32, %arg1: i32, %arg2: memref<10000x128xf32, #tpu.memory_space<hbm>>, %arg3: memref<32x32xi32, #tpu.memory_space<hbm>>, %arg4: memref<1024x128xf32, #tpu.memory_space<hbm>>, %arg5: memref<32xi32, #tpu.memory_space<vmem>>, %arg6: memref<32x128xf32, #tpu.memory_space<vmem>>, %arg7: memref<!tpu.dma_semaphore, #tpu.memory_space<semaphore_mem>>) attributes {dimension_semantics = [#tpu.dimension_semantics<core_parallel>, #tpu.dimension_semantics<subcore_parallel>], iteration_bounds = array<i64: 2, 16>, scalar_prefetch = 0 : i64, scratch_operands = 3 : i64, tpu.core_type = #tpu.core_type<sc_vector_subcore>, window_params = [{transform_indices = #map}, {transform_indices = #map}, {transform_indices = #map}]} {
    %mul3A = arith.constant 16 : i32
    %mul3A_0 = arith.muli %arg0, %mul3A : i32
    %add3A = arith.addi %mul3A_0, %arg1 : i32
    "tpu.region"() ({
      %run_scoped3A = tpu.sem_alloc : memref<!tpu.dma_semaphore, #tpu.memory_space<semaphore_mem>>
      %dma_start3A_7 = arith.constant 0 : i32
      %dma_start3A_8 = tpu.memref_slice %arg3[%add3A, %dma_start3A_7] : memref<32x32xi32, #tpu.memory_space<hbm>> -> memref<1x32xi32, #tpu.memory_space<hbm>>
      %dma_start3A_9 = tpu.memref_squeeze %dma_start3A_8 : memref<1x32xi32, #tpu.memory_space<hbm>> -> memref<32xi32, #tpu.memory_space<hbm>>
      %dma_start3A_10 = arith.constant 0 : i32
      %dma_start3A_11 = tpu.memref_slice %arg3[%add3A, %dma_start3A_10] : memref<32x32xi32, #tpu.memory_space<hbm>> -> memref<1x32xi32, #tpu.memory_space<hbm>>
      %dma_start3A_12 = tpu.memref_squeeze %dma_start3A_11 : memref<1x32xi32, #tpu.memory_space<hbm>> -> memref<32xi32, #tpu.memory_space<hbm>>
      tpu.enqueue_dma source(%dma_start3A_12 : memref<32xi32, #tpu.memory_space<hbm>>) target(%arg5 : memref<32xi32, #tpu.memory_space<vmem>>) target_semaphore(%run_scoped3A : memref<!tpu.dma_semaphore, #tpu.memory_space<semaphore_mem>>)
      %dma_wait3A_13 = arith.constant 0 : i32
      %dma_wait3A_14 = tpu.memref_slice %arg3[%add3A, %dma_wait3A_13] : memref<32x32xi32, #tpu.memory_space<hbm>> -> memref<1x32xi32, #tpu.memory_space<hbm>>
      %dma_wait3A_15 = tpu.memref_squeeze %dma_wait3A_14 : memref<1x32xi32, #tpu.memory_space<hbm>> -> memref<32xi32, #tpu.memory_space<hbm>>
      %dma_wait3A_16 = arith.constant 0 : i32
      %dma_wait3A_17 = tpu.memref_slice %arg3[%add3A, %dma_wait3A_16] : memref<32x32xi32, #tpu.memory_space<hbm>> -> memref<1x32xi32, #tpu.memory_space<hbm>>
      %dma_wait3A_18 = tpu.memref_squeeze %dma_wait3A_17 : memref<1x32xi32, #tpu.memory_space<hbm>> -> memref<32xi32, #tpu.memory_space<hbm>>
      tpu.wait_dma2 semaphore(%run_scoped3A : memref<!tpu.dma_semaphore, #tpu.memory_space<semaphore_mem>>) src(%dma_wait3A_18 : memref<32xi32, #tpu.memory_space<hbm>>) dst(%arg5 : memref<32xi32, #tpu.memory_space<vmem>>)
      tpu.yield
    }) : () -> ()
    %dma_start3A = arith.constant 0 : i32
    %dma_start3A_1 = arith.constant 0 : i32
    %dma_start3A_2 = tpu.memref_slice %arg2[%dma_start3A, %dma_start3A_1] : memref<10000x128xf32, #tpu.memory_space<hbm>> -> memref<10000x128xf32, #tpu.memory_space<hbm>>
    tpu.enqueue_indirect_dma source(%dma_start3A_2 : memref<10000x128xf32, #tpu.memory_space<hbm>>) target(%arg6 : memref<32x128xf32, #tpu.memory_space<vmem>>) offsets(%arg5 : memref<32xi32, #tpu.memory_space<vmem>>) semaphore(%arg7 : memref<!tpu.dma_semaphore, #tpu.memory_space<semaphore_mem>>)
    %dma_wait3A = arith.constant 0 : i32
    %dma_wait3A_3 = arith.constant 0 : i32
    %dma_wait3A_4 = tpu.memref_slice %arg2[%dma_wait3A, %dma_wait3A_3] : memref<10000x128xf32, #tpu.memory_space<hbm>> -> memref<10000x128xf32, #tpu.memory_space<hbm>>
    tpu.wait_indirect_dma semaphore(%arg7 : memref<!tpu.dma_semaphore, #tpu.memory_space<semaphore_mem>>) src(%dma_wait3A_4 : memref<10000x128xf32, #tpu.memory_space<hbm>>) dst(%arg6 : memref<32x128xf32, #tpu.memory_space<vmem>>)
    %mul3A_5 = arith.constant 32 : i32
    %mul3A_6 = arith.muli %add3A, %mul3A_5 : i32
    "tpu.region"() ({
      %run_scoped3A = tpu.sem_alloc : memref<!tpu.dma_semaphore, #tpu.memory_space<semaphore_mem>>
      %dma_start3A_7 = arith.constant 0 : i32
      %dma_start3A_8 = tpu.memref_slice %arg4[%mul3A_6, %dma_start3A_7] : memref<1024x128xf32, #tpu.memory_space<hbm>> -> memref<32x128xf32, #tpu.memory_space<hbm>>
      %dma_start3A_9 = arith.constant 0 : i32
      %dma_start3A_10 = tpu.memref_slice %arg4[%mul3A_6, %dma_start3A_9] : memref<1024x128xf32, #tpu.memory_space<hbm>> -> memref<32x128xf32, #tpu.memory_space<hbm>>
      tpu.enqueue_dma source(%arg6 : memref<32x128xf32, #tpu.memory_space<vmem>>) target(%dma_start3A_10 : memref<32x128xf32, #tpu.memory_space<hbm>>) target_semaphore(%run_scoped3A : memref<!tpu.dma_semaphore, #tpu.memory_space<semaphore_mem>>)
      %dma_wait3A_11 = arith.constant 0 : i32
      %dma_wait3A_12 = tpu.memref_slice %arg4[%mul3A_6, %dma_wait3A_11] : memref<1024x128xf32, #tpu.memory_space<hbm>> -> memref<32x128xf32, #tpu.memory_space<hbm>>
      %dma_wait3A_13 = arith.constant 0 : i32
      %dma_wait3A_14 = tpu.memref_slice %arg4[%mul3A_6, %dma_wait3A_13] : memref<1024x128xf32, #tpu.memory_space<hbm>> -> memref<32x128xf32, #tpu.memory_space<hbm>>
      tpu.wait_dma2 semaphore(%run_scoped3A : memref<!tpu.dma_semaphore, #tpu.memory_space<semaphore_mem>>) src(%arg6 : memref<32x128xf32, #tpu.memory_space<vmem>>) dst(%dma_wait3A_14 : memref<32x128xf32, #tpu.memory_space<hbm>>)
      tpu.yield
    }) : () -> ()
    return
  }
}

#map = affine_map<(d0, d1) -> (0, 0)>
#map1 = affine_map<(d0, d1) -> (0, 0, 0)>
module attributes {stable_mosaic.version = 14 : i64} {
  func.func @k(%arg0: i32, %arg1: i32, %arg2: memref<20000x64xf32, #tpu.memory_space<hbm>>, %arg3: memref<32x125x80xi32, #tpu.memory_space<hbm>>, %arg4: memref<16x125x80xi32, #tpu.memory_space<hbm>>, %arg5: memref<32x625x64xf32, #tpu.memory_space<hbm>>, %arg6: memref<125x80xi32, #tpu.memory_space<vmem>>, %arg7: memref<125x80xi32, #tpu.memory_space<vmem>>, %arg8: memref<80x64xf32, #tpu.memory_space<vmem>>, %arg9: memref<80x64xf32, #tpu.memory_space<vmem>>, %arg10: memref<125x64xf32, #tpu.memory_space<vmem>>, %arg11: memref<10000x64xf32, #tpu.memory_space<vmem_shared>>, %arg12: memref<!tpu.dma_semaphore, #tpu.memory_space<semaphore_mem>>, %arg13: memref<!tpu.dma_semaphore, #tpu.memory_space<semaphore_mem>>) attributes {dimension_semantics = [#tpu.dimension_semantics<core_parallel>, #tpu.dimension_semantics<subcore_parallel>], iteration_bounds = array<i64: 2, 16>, scalar_prefetch = 0 : i64, scratch_operands = 8 : i64, tpu.core_type = #tpu.core_type<sc_vector_subcore>, window_params = [{transform_indices = #map}, {transform_indices = #map1}, {transform_indices = #map1}, {transform_indices = #map1}]} {
    %mul3A = arith.constant 16 : i32
    %mul3A_0 = arith.muli %arg0, %mul3A : i32
    %add3A = arith.addi %mul3A_0, %arg1 : i32
    "tpu.region"() ({
      %run_scoped3A_51 = tpu.sem_alloc : memref<!tpu.dma_semaphore, #tpu.memory_space<semaphore_mem>>
      %dma_start3A_52 = arith.constant 0 : i32
      %dma_start3A_53 = arith.constant 0 : i32
      %dma_start3A_54 = tpu.memref_slice %arg4[%arg1, %dma_start3A_52, %dma_start3A_53] : memref<16x125x80xi32, #tpu.memory_space<hbm>> -> memref<1x125x80xi32, #tpu.memory_space<hbm>>
      %dma_start3A_55 = tpu.memref_squeeze %dma_start3A_54 : memref<1x125x80xi32, #tpu.memory_space<hbm>> -> memref<125x80xi32, #tpu.memory_space<hbm>>
      %dma_start3A_56 = arith.constant 0 : i32
      %dma_start3A_57 = arith.constant 0 : i32
      %dma_start3A_58 = tpu.memref_slice %arg4[%arg1, %dma_start3A_56, %dma_start3A_57] : memref<16x125x80xi32, #tpu.memory_space<hbm>> -> memref<1x125x80xi32, #tpu.memory_space<hbm>>
      %dma_start3A_59 = tpu.memref_squeeze %dma_start3A_58 : memref<1x125x80xi32, #tpu.memory_space<hbm>> -> memref<125x80xi32, #tpu.memory_space<hbm>>
      tpu.enqueue_dma source(%dma_start3A_59 : memref<125x80xi32, #tpu.memory_space<hbm>>) target(%arg7 : memref<125x80xi32, #tpu.memory_space<vmem>>) target_semaphore(%run_scoped3A_51 : memref<!tpu.dma_semaphore, #tpu.memory_space<semaphore_mem>>)
      %dma_wait3A_60 = arith.constant 0 : i32
      %dma_wait3A_61 = arith.constant 0 : i32
      %dma_wait3A_62 = tpu.memref_slice %arg4[%arg1, %dma_wait3A_60, %dma_wait3A_61] : memref<16x125x80xi32, #tpu.memory_space<hbm>> -> memref<1x125x80xi32, #tpu.memory_space<hbm>>
      %dma_wait3A_63 = tpu.memref_squeeze %dma_wait3A_62 : memref<1x125x80xi32, #tpu.memory_space<hbm>> -> memref<125x80xi32, #tpu.memory_space<hbm>>
      %dma_wait3A_64 = arith.constant 0 : i32
      %dma_wait3A_65 = arith.constant 0 : i32
      %dma_wait3A_66 = tpu.memref_slice %arg4[%arg1, %dma_wait3A_64, %dma_wait3A_65] : memref<16x125x80xi32, #tpu.memory_space<hbm>> -> memref<1x125x80xi32, #tpu.memory_space<hbm>>
      %dma_wait3A_67 = tpu.memref_squeeze %dma_wait3A_66 : memref<1x125x80xi32, #tpu.memory_space<hbm>> -> memref<125x80xi32, #tpu.memory_space<hbm>>
      tpu.wait_dma2 semaphore(%run_scoped3A_51 : memref<!tpu.dma_semaphore, #tpu.memory_space<semaphore_mem>>) src(%dma_wait3A_67 : memref<125x80xi32, #tpu.memory_space<hbm>>) dst(%arg7 : memref<125x80xi32, #tpu.memory_space<vmem>>)
      tpu.yield
    }) : () -> ()
    %scan3A = arith.constant 0 : i32
    %scan3A_1 = arith.constant 0 : i32
    %scan3A_2 = arith.constant 125 : i32
    %scan3A_3 = arith.addi %scan3A_1, %scan3A_2 : i32
    %scan3A_4 = arith.constant 1 : i32
    scf.for %scan3A_51 = %scan3A_1 to %scan3A_3 step %scan3A_4  : i32 {
      %broadcast_in_dim3A = arith.constant 0.000000e+00 : f32
      %broadcast_in_dim3A_52 = vector.broadcast %broadcast_in_dim3A : f32 to vector<16xf32>
      %swap3A = arith.index_cast %scan3A_51 : i32 to index
      %swap3A_53 = arith.constant 0 : index
      %swap3A_54 = tpu.vector_load %arg10[%swap3A, %swap3A_53] {strides = array<i32>} : memref<125x64xf32, #tpu.memory_space<vmem>>, vector<1x16xf32>,
      %swap3A_55 = vector.shape_cast %swap3A_54 : vector<1x16xf32> to vector<16xf32>
      %swap3A_56 = vector.shape_cast %broadcast_in_dim3A_52 : vector<16xf32> to vector<1x16xf32>
      tpu.vector_store %arg10[%swap3A, %swap3A_53], %swap3A_56 {strides = array<i32>} : memref<125x64xf32, #tpu.memory_space<vmem>>, vector<1x16xf32>,
      %broadcast_in_dim3A_57 = arith.constant 0.000000e+00 : f32
      %broadcast_in_dim3A_58 = vector.broadcast %broadcast_in_dim3A_57 : f32 to vector<16xf32>
      %swap3A_59 = arith.index_cast %scan3A_51 : i32 to index
      %swap3A_60 = arith.constant 16 : index
      %swap3A_61 = tpu.vector_load %arg10[%swap3A_59, %swap3A_60] {strides = array<i32>} : memref<125x64xf32, #tpu.memory_space<vmem>>, vector<1x16xf32>,
      %swap3A_62 = vector.shape_cast %swap3A_61 : vector<1x16xf32> to vector<16xf32>
      %swap3A_63 = vector.shape_cast %broadcast_in_dim3A_58 : vector<16xf32> to vector<1x16xf32>
      tpu.vector_store %arg10[%swap3A_59, %swap3A_60], %swap3A_63 {strides = array<i32>} : memref<125x64xf32, #tpu.memory_space<vmem>>, vector<1x16xf32>,
      %broadcast_in_dim3A_64 = arith.constant 0.000000e+00 : f32
      %broadcast_in_dim3A_65 = vector.broadcast %broadcast_in_dim3A_64 : f32 to vector<16xf32>
      %swap3A_66 = arith.index_cast %scan3A_51 : i32 to index
      %swap3A_67 = arith.constant 32 : index
      %swap3A_68 = tpu.vector_load %arg10[%swap3A_66, %swap3A_67] {strides = array<i32>} : memref<125x64xf32, #tpu.memory_space<vmem>>, vector<1x16xf32>,
      %swap3A_69 = vector.shape_cast %swap3A_68 : vector<1x16xf32> to vector<16xf32>
      %swap3A_70 = vector.shape_cast %broadcast_in_dim3A_65 : vector<16xf32> to vector<1x16xf32>
      tpu.vector_store %arg10[%swap3A_66, %swap3A_67], %swap3A_70 {strides = array<i32>} : memref<125x64xf32, #tpu.memory_space<vmem>>, vector<1x16xf32>,
      %broadcast_in_dim3A_71 = arith.constant 0.000000e+00 : f32
      %broadcast_in_dim3A_72 = vector.broadcast %broadcast_in_dim3A_71 : f32 to vector<16xf32>
      %swap3A_73 = arith.index_cast %scan3A_51 : i32 to index
      %swap3A_74 = arith.constant 48 : index
      %swap3A_75 = tpu.vector_load %arg10[%swap3A_73, %swap3A_74] {strides = array<i32>} : memref<125x64xf32, #tpu.memory_space<vmem>>, vector<1x16xf32>,
      %swap3A_76 = vector.shape_cast %swap3A_75 : vector<1x16xf32> to vector<16xf32>
      %swap3A_77 = vector.shape_cast %broadcast_in_dim3A_72 : vector<16xf32> to vector<1x16xf32>
      tpu.vector_store %arg10[%swap3A_73, %swap3A_74], %swap3A_77 {strides = array<i32>} : memref<125x64xf32, #tpu.memory_space<vmem>>, vector<1x16xf32>,
    }
    %scan3A_5 = arith.constant 125 : i32
    %add3A_6 = arith.constant 0 : i32
    %add3A_7 = arith.addi %add3A_6, %add3A : i32
    "tpu.region"() ({
      %run_scoped3A_51 = tpu.sem_alloc : memref<!tpu.dma_semaphore, #tpu.memory_space<semaphore_mem>>
      %dma_start3A_52 = arith.constant 0 : i32
      %dma_start3A_53 = arith.constant 0 : i32
      %dma_start3A_54 = tpu.memref_slice %arg3[%add3A_7, %dma_start3A_52, %dma_start3A_53] : memref<32x125x80xi32, #tpu.memory_space<hbm>> -> memref<1x125x80xi32, #tpu.memory_space<hbm>>
      %dma_start3A_55 = tpu.memref_squeeze %dma_start3A_54 : memref<1x125x80xi32, #tpu.memory_space<hbm>> -> memref<125x80xi32, #tpu.memory_space<hbm>>
      %dma_start3A_56 = arith.constant 0 : i32
      %dma_start3A_57 = arith.constant 0 : i32
      %dma_start3A_58 = tpu.memref_slice %arg3[%add3A_7, %dma_start3A_56, %dma_start3A_57] : memref<32x125x80xi32, #tpu.memory_space<hbm>> -> memref<1x125x80xi32, #tpu.memory_space<hbm>>
      %dma_start3A_59 = tpu.memref_squeeze %dma_start3A_58 : memref<1x125x80xi32, #tpu.memory_space<hbm>> -> memref<125x80xi32, #tpu.memory_space<hbm>>
      tpu.enqueue_dma source(%dma_start3A_59 : memref<125x80xi32, #tpu.memory_space<hbm>>) target(%arg6 : memref<125x80xi32, #tpu.memory_space<vmem>>) target_semaphore(%run_scoped3A_51 : memref<!tpu.dma_semaphore, #tpu.memory_space<semaphore_mem>>)
      %dma_wait3A_60 = arith.constant 0 : i32
      %dma_wait3A_61 = arith.constant 0 : i32
      %dma_wait3A_62 = tpu.memref_slice %arg3[%add3A_7, %dma_wait3A_60, %dma_wait3A_61] : memref<32x125x80xi32, #tpu.memory_space<hbm>> -> memref<1x125x80xi32, #tpu.memory_space<hbm>>
      %dma_wait3A_63 = tpu.memref_squeeze %dma_wait3A_62 : memref<1x125x80xi32, #tpu.memory_space<hbm>> -> memref<125x80xi32, #tpu.memory_space<hbm>>
      %dma_wait3A_64 = arith.constant 0 : i32
      %dma_wait3A_65 = arith.constant 0 : i32
      %dma_wait3A_66 = tpu.memref_slice %arg3[%add3A_7, %dma_wait3A_64, %dma_wait3A_65] : memref<32x125x80xi32, #tpu.memory_space<hbm>> -> memref<1x125x80xi32, #tpu.memory_space<hbm>>
      %dma_wait3A_67 = tpu.memref_squeeze %dma_wait3A_66 : memref<1x125x80xi32, #tpu.memory_space<hbm>> -> memref<125x80xi32, #tpu.memory_space<hbm>>
      tpu.wait_dma2 semaphore(%run_scoped3A_51 : memref<!tpu.dma_semaphore, #tpu.memory_space<semaphore_mem>>) src(%dma_wait3A_67 : memref<125x80xi32, #tpu.memory_space<hbm>>) dst(%arg6 : memref<125x80xi32, #tpu.memory_space<vmem>>)
      tpu.yield
    }) : () -> ()
    %mul3A_8 = arith.constant 625 : i32
    %mul3A_9 = arith.muli %arg1, %mul3A_8 : i32
    %add3A_10 = arith.constant 0 : i32
    %add3A_11 = arith.addi %mul3A_9, %add3A_10 : i32
    "tpu.region"() ({
      %run_scoped3A_51 = tpu.sem_alloc : memref<!tpu.dma_semaphore, #tpu.memory_space<semaphore_mem>>
      %dma_start3A_52 = arith.constant 0 : i32
      %dma_start3A_53 = tpu.memref_slice %arg11[%add3A_11, %dma_start3A_52] : memref<10000x64xf32, #tpu.memory_space<vmem_shared>> -> memref<125x64xf32, #tpu.memory_space<vmem_shared>>
      %dma_start3A_54 = arith.constant 0 : i32
      %dma_start3A_55 = tpu.memref_slice %arg11[%add3A_11, %dma_start3A_54] : memref<10000x64xf32, #tpu.memory_space<vmem_shared>> -> memref<125x64xf32, #tpu.memory_space<vmem_shared>>
      tpu.enqueue_dma source(%arg10 : memref<125x64xf32, #tpu.memory_space<vmem>>) target(%dma_start3A_55 : memref<125x64xf32, #tpu.memory_space<vmem_shared>>) target_semaphore(%run_scoped3A_51 : memref<!tpu.dma_semaphore, #tpu.memory_space<semaphore_mem>>)
      %dma_wait3A_56 = arith.constant 0 : i32
      %dma_wait3A_57 = tpu.memref_slice %arg11[%add3A_11, %dma_wait3A_56] : memref<10000x64xf32, #tpu.memory_space<vmem_shared>> -> memref<125x64xf32, #tpu.memory_space<vmem_shared>>
      %dma_wait3A_58 = arith.constant 0 : i32
      %dma_wait3A_59 = tpu.memref_slice %arg11[%add3A_11, %dma_wait3A_58] : memref<10000x64xf32, #tpu.memory_space<vmem_shared>> -> memref<125x64xf32, #tpu.memory_space<vmem_shared>>
      tpu.wait_dma2 semaphore(%run_scoped3A_51 : memref<!tpu.dma_semaphore, #tpu.memory_space<semaphore_mem>>) src(%arg10 : memref<125x64xf32, #tpu.memory_space<vmem>>) dst(%dma_wait3A_59 : memref<125x64xf32, #tpu.memory_space<vmem_shared>>)
      tpu.yield
    }) : () -> ()
    %mul3A_12 = arith.constant 625 : i32
    %mul3A_13 = arith.muli %arg1, %mul3A_12 : i32
    %add3A_14 = arith.constant 125 : i32
    %add3A_15 = arith.addi %mul3A_13, %add3A_14 : i32
    "tpu.region"() ({
      %run_scoped3A_51 = tpu.sem_alloc : memref<!tpu.dma_semaphore, #tpu.memory_space<semaphore_mem>>
      %dma_start3A_52 = arith.constant 0 : i32
      %dma_start3A_53 = tpu.memref_slice %arg11[%add3A_15, %dma_start3A_52] : memref<10000x64xf32, #tpu.memory_space<vmem_shared>> -> memref<125x64xf32, #tpu.memory_space<vmem_shared>>
      %dma_start3A_54 = arith.constant 0 : i32
      %dma_start3A_55 = tpu.memref_slice %arg11[%add3A_15, %dma_start3A_54] : memref<10000x64xf32, #tpu.memory_space<vmem_shared>> -> memref<125x64xf32, #tpu.memory_space<vmem_shared>>
      tpu.enqueue_dma source(%arg10 : memref<125x64xf32, #tpu.memory_space<vmem>>) target(%dma_start3A_55 : memref<125x64xf32, #tpu.memory_space<vmem_shared>>) target_semaphore(%run_scoped3A_51 : memref<!tpu.dma_semaphore, #tpu.memory_space<semaphore_mem>>)
      %dma_wait3A_56 = arith.constant 0 : i32
      %dma_wait3A_57 = tpu.memref_slice %arg11[%add3A_15, %dma_wait3A_56] : memref<10000x64xf32, #tpu.memory_space<vmem_shared>> -> memref<125x64xf32, #tpu.memory_space<vmem_shared>>
      %dma_wait3A_58 = arith.constant 0 : i32
      %dma_wait3A_59 = tpu.memref_slice %arg11[%add3A_15, %dma_wait3A_58] : memref<10000x64xf32, #tpu.memory_space<vmem_shared>> -> memref<125x64xf32, #tpu.memory_space<vmem_shared>>
      tpu.wait_dma2 semaphore(%run_scoped3A_51 : memref<!tpu.dma_semaphore, #tpu.memory_space<semaphore_mem>>) src(%arg10 : memref<125x64xf32, #tpu.memory_space<vmem>>) dst(%dma_wait3A_59 : memref<125x64xf32, #tpu.memory_space<vmem_shared>>)
      tpu.yield
    }) : () -> ()
    %mul3A_16 = arith.constant 625 : i32
    %mul3A_17 = arith.muli %arg1, %mul3A_16 : i32
    %add3A_18 = arith.constant 250 : i32
    %add3A_19 = arith.addi %mul3A_17, %add3A_18 : i32
    "tpu.region"() ({
      %run_scoped3A_51 = tpu.sem_alloc : memref<!tpu.dma_semaphore, #tpu.memory_space<semaphore_mem>>
      %dma_start3A_52 = arith.constant 0 : i32
      %dma_start3A_53 = tpu.memref_slice %arg11[%add3A_19, %dma_start3A_52] : memref<10000x64xf32, #tpu.memory_space<vmem_shared>> -> memref<125x64xf32, #tpu.memory_space<vmem_shared>>
      %dma_start3A_54 = arith.constant 0 : i32
      %dma_start3A_55 = tpu.memref_slice %arg11[%add3A_19, %dma_start3A_54] : memref<10000x64xf32, #tpu.memory_space<vmem_shared>> -> memref<125x64xf32, #tpu.memory_space<vmem_shared>>
      tpu.enqueue_dma source(%arg10 : memref<125x64xf32, #tpu.memory_space<vmem>>) target(%dma_start3A_55 : memref<125x64xf32, #tpu.memory_space<vmem_shared>>) target_semaphore(%run_scoped3A_51 : memref<!tpu.dma_semaphore, #tpu.memory_space<semaphore_mem>>)
      %dma_wait3A_56 = arith.constant 0 : i32
      %dma_wait3A_57 = tpu.memref_slice %arg11[%add3A_19, %dma_wait3A_56] : memref<10000x64xf32, #tpu.memory_space<vmem_shared>> -> memref<125x64xf32, #tpu.memory_space<vmem_shared>>
      %dma_wait3A_58 = arith.constant 0 : i32
      %dma_wait3A_59 = tpu.memref_slice %arg11[%add3A_19, %dma_wait3A_58] : memref<10000x64xf32, #tpu.memory_space<vmem_shared>> -> memref<125x64xf32, #tpu.memory_space<vmem_shared>>
      tpu.wait_dma2 semaphore(%run_scoped3A_51 : memref<!tpu.dma_semaphore, #tpu.memory_space<semaphore_mem>>) src(%arg10 : memref<125x64xf32, #tpu.memory_space<vmem>>) dst(%dma_wait3A_59 : memref<125x64xf32, #tpu.memory_space<vmem_shared>>)
      tpu.yield
    }) : () -> ()
    %mul3A_20 = arith.constant 625 : i32
    %mul3A_21 = arith.muli %arg1, %mul3A_20 : i32
    %add3A_22 = arith.constant 375 : i32
    %add3A_23 = arith.addi %mul3A_21, %add3A_22 : i32
    "tpu.region"() ({
      %run_scoped3A_51 = tpu.sem_alloc : memref<!tpu.dma_semaphore, #tpu.memory_space<semaphore_mem>>
      %dma_start3A_52 = arith.constant 0 : i32
      %dma_start3A_53 = tpu.memref_slice %arg11[%add3A_23, %dma_start3A_52] : memref<10000x64xf32, #tpu.memory_space<vmem_shared>> -> memref<125x64xf32, #tpu.memory_space<vmem_shared>>
      %dma_start3A_54 = arith.constant 0 : i32
      %dma_start3A_55 = tpu.memref_slice %arg11[%add3A_23, %dma_start3A_54] : memref<10000x64xf32, #tpu.memory_space<vmem_shared>> -> memref<125x64xf32, #tpu.memory_space<vmem_shared>>
      tpu.enqueue_dma source(%arg10 : memref<125x64xf32, #tpu.memory_space<vmem>>) target(%dma_start3A_55 : memref<125x64xf32, #tpu.memory_space<vmem_shared>>) target_semaphore(%run_scoped3A_51 : memref<!tpu.dma_semaphore, #tpu.memory_space<semaphore_mem>>)
      %dma_wait3A_56 = arith.constant 0 : i32
      %dma_wait3A_57 = tpu.memref_slice %arg11[%add3A_23, %dma_wait3A_56] : memref<10000x64xf32, #tpu.memory_space<vmem_shared>> -> memref<125x64xf32, #tpu.memory_space<vmem_shared>>
      %dma_wait3A_58 = arith.constant 0 : i32
      %dma_wait3A_59 = tpu.memref_slice %arg11[%add3A_23, %dma_wait3A_58] : memref<10000x64xf32, #tpu.memory_space<vmem_shared>> -> memref<125x64xf32, #tpu.memory_space<vmem_shared>>
      tpu.wait_dma2 semaphore(%run_scoped3A_51 : memref<!tpu.dma_semaphore, #tpu.memory_space<semaphore_mem>>) src(%arg10 : memref<125x64xf32, #tpu.memory_space<vmem>>) dst(%dma_wait3A_59 : memref<125x64xf32, #tpu.memory_space<vmem_shared>>)
      tpu.yield
    }) : () -> ()
    %mul3A_24 = arith.constant 625 : i32
    %mul3A_25 = arith.muli %arg1, %mul3A_24 : i32
    %add3A_26 = arith.constant 500 : i32
    %add3A_27 = arith.addi %mul3A_25, %add3A_26 : i32
    "tpu.region"() ({
      %run_scoped3A_51 = tpu.sem_alloc : memref<!tpu.dma_semaphore, #tpu.memory_space<semaphore_mem>>
      %dma_start3A_52 = arith.constant 0 : i32
      %dma_start3A_53 = tpu.memref_slice %arg11[%add3A_27, %dma_start3A_52] : memref<10000x64xf32, #tpu.memory_space<vmem_shared>> -> memref<125x64xf32, #tpu.memory_space<vmem_shared>>
      %dma_start3A_54 = arith.constant 0 : i32
      %dma_start3A_55 = tpu.memref_slice %arg11[%add3A_27, %dma_start3A_54] : memref<10000x64xf32, #tpu.memory_space<vmem_shared>> -> memref<125x64xf32, #tpu.memory_space<vmem_shared>>
      tpu.enqueue_dma source(%arg10 : memref<125x64xf32, #tpu.memory_space<vmem>>) target(%dma_start3A_55 : memref<125x64xf32, #tpu.memory_space<vmem_shared>>) target_semaphore(%run_scoped3A_51 : memref<!tpu.dma_semaphore, #tpu.memory_space<semaphore_mem>>)
      %dma_wait3A_56 = arith.constant 0 : i32
      %dma_wait3A_57 = tpu.memref_slice %arg11[%add3A_27, %dma_wait3A_56] : memref<10000x64xf32, #tpu.memory_space<vmem_shared>> -> memref<125x64xf32, #tpu.memory_space<vmem_shared>>
      %dma_wait3A_58 = arith.constant 0 : i32
      %dma_wait3A_59 = tpu.memref_slice %arg11[%add3A_27, %dma_wait3A_58] : memref<10000x64xf32, #tpu.memory_space<vmem_shared>> -> memref<125x64xf32, #tpu.memory_space<vmem_shared>>
      tpu.wait_dma2 semaphore(%run_scoped3A_51 : memref<!tpu.dma_semaphore, #tpu.memory_space<semaphore_mem>>) src(%arg10 : memref<125x64xf32, #tpu.memory_space<vmem>>) dst(%dma_wait3A_59 : memref<125x64xf32, #tpu.memory_space<vmem_shared>>)
      tpu.yield
    }) : () -> ()
    %barrier3A = arith.constant 0 : index
    tpu.barrier barrier_id(%barrier3A)
    %dma_start3A = arith.constant 0 : i32
    %dma_start3A_28 = arith.constant 0 : i32
    %dma_start3A_29 = tpu.memref_slice %arg6[%dma_start3A, %dma_start3A_28] : memref<125x80xi32, #tpu.memory_space<vmem>> -> memref<1x80xi32, #tpu.memory_space<vmem>>
    %dma_start3A_30 = tpu.memref_squeeze %dma_start3A_29 : memref<1x80xi32, #tpu.memory_space<vmem>> -> memref<80xi32, #tpu.memory_space<vmem>>
    %dma_start3A_31 = arith.constant 0 : i32
    %dma_start3A_32 = arith.constant 0 : i32
    %dma_start3A_33 = tpu.memref_slice %arg2[%dma_start3A_31, %dma_start3A_32] : memref<20000x64xf32, #tpu.memory_space<hbm>> -> memref<20000x64xf32, #tpu.memory_space<hbm>>
    tpu.enqueue_indirect_dma source(%dma_start3A_33 : memref<20000x64xf32, #tpu.memory_space<hbm>>) target(%arg8 : memref<80x64xf32, #tpu.memory_space<vmem>>) offsets(%dma_start3A_30 : memref<80xi32, #tpu.memory_space<vmem>>) semaphore(%arg12 : memref<!tpu.dma_semaphore, #tpu.memory_space<semaphore_mem>>)
    %scan3A_34 = arith.constant 0 : i32
    %scan3A_35 = arith.constant 0 : i32
    %scan3A_36 = arith.constant 62 : i32
    %scan3A_37 = arith.addi %scan3A_35, %scan3A_36 : i32
    %scan3A_38 = arith.constant 1 : i32
    scf.for %scan3A_51 = %scan3A_35 to %scan3A_37 step %scan3A_38  : i32 {
      %mul3A_52 = arith.constant 2 : i32
      %mul3A_53 = arith.muli %mul3A_52, %scan3A_51 : i32
      %add3A_54 = arith.constant 1 : i32
      %add3A_55 = arith.addi %mul3A_53, %add3A_54 : i32
      %dma_start3A_56 = arith.constant 0 : i32
      %dma_start3A_57 = tpu.memref_slice %arg6[%add3A_55, %dma_start3A_56] : memref<125x80xi32, #tpu.memory_space<vmem>> -> memref<1x80xi32, #tpu.memory_space<vmem>>
      %dma_start3A_58 = tpu.memref_squeeze %dma_start3A_57 : memref<1x80xi32, #tpu.memory_space<vmem>> -> memref<80xi32, #tpu.memory_space<vmem>>
      %dma_start3A_59 = arith.constant 0 : i32
      %dma_start3A_60 = arith.constant 0 : i32
      %dma_start3A_61 = tpu.memref_slice %arg2[%dma_start3A_59, %dma_start3A_60] : memref<20000x64xf32, #tpu.memory_space<hbm>> -> memref<20000x64xf32, #tpu.memory_space<hbm>>
      tpu.enqueue_indirect_dma source(%dma_start3A_61 : memref<20000x64xf32, #tpu.memory_space<hbm>>) target(%arg9 : memref<80x64xf32, #tpu.memory_space<vmem>>) offsets(%dma_start3A_58 : memref<80xi32, #tpu.memory_space<vmem>>) semaphore(%arg13 : memref<!tpu.dma_semaphore, #tpu.memory_space<semaphore_mem>>)
      %dma_wait3A_62 = arith.constant 0 : i32
      %dma_wait3A_63 = arith.constant 0 : i32
      %dma_wait3A_64 = tpu.memref_slice %arg6[%dma_wait3A_62, %dma_wait3A_63] : memref<125x80xi32, #tpu.memory_space<vmem>> -> memref<1x80xi32, #tpu.memory_space<vmem>>
      %dma_wait3A_65 = tpu.memref_squeeze %dma_wait3A_64 : memref<1x80xi32, #tpu.memory_space<vmem>> -> memref<80xi32, #tpu.memory_space<vmem>>
      %dma_wait3A_66 = arith.constant 0 : i32
      %dma_wait3A_67 = arith.constant 0 : i32
      %dma_wait3A_68 = tpu.memref_slice %arg2[%dma_wait3A_66, %dma_wait3A_67] : memref<20000x64xf32, #tpu.memory_space<hbm>> -> memref<20000x64xf32, #tpu.memory_space<hbm>>
      tpu.wait_indirect_dma semaphore(%arg12 : memref<!tpu.dma_semaphore, #tpu.memory_space<semaphore_mem>>) src(%dma_wait3A_68 : memref<20000x64xf32, #tpu.memory_space<hbm>>) dst(%arg8 : memref<80x64xf32, #tpu.memory_space<vmem>>)
      "tpu.region"() ({
        %run_scoped3A_86 = tpu.sem_alloc : memref<!tpu.dma_semaphore, #tpu.memory_space<semaphore_mem>>
        %dma_start3A_87 = arith.constant 0 : i32
        %dma_start3A_88 = tpu.memref_slice %arg7[%mul3A_53, %dma_start3A_87] : memref<125x80xi32, #tpu.memory_space<vmem>> -> memref<1x80xi32, #tpu.memory_space<vmem>>
        %dma_start3A_89 = tpu.memref_squeeze %dma_start3A_88 : memref<1x80xi32, #tpu.memory_space<vmem>> -> memref<80xi32, #tpu.memory_space<vmem>>
        %dma_start3A_90 = arith.constant 0 : i32
        %dma_start3A_91 = arith.constant 0 : i32
        %dma_start3A_92 = tpu.memref_slice %arg11[%dma_start3A_90, %dma_start3A_91] : memref<10000x64xf32, #tpu.memory_space<vmem_shared>> -> memref<10000x64xf32, #tpu.memory_space<vmem_shared>>
        tpu.enqueue_indirect_dma source(%arg8 : memref<80x64xf32, #tpu.memory_space<vmem>>) target(%dma_start3A_92 : memref<10000x64xf32, #tpu.memory_space<vmem_shared>>) offsets(%dma_start3A_89 : memref<80xi32, #tpu.memory_space<vmem>>) semaphore(%run_scoped3A_86 : memref<!tpu.dma_semaphore, #tpu.memory_space<semaphore_mem>>) {add = true}
        %dma_wait3A_93 = arith.constant 0 : i32
        %dma_wait3A_94 = tpu.memref_slice %arg7[%mul3A_53, %dma_wait3A_93] : memref<125x80xi32, #tpu.memory_space<vmem>> -> memref<1x80xi32, #tpu.memory_space<vmem>>
        %dma_wait3A_95 = tpu.memref_squeeze %dma_wait3A_94 : memref<1x80xi32, #tpu.memory_space<vmem>> -> memref<80xi32, #tpu.memory_space<vmem>>
        %dma_wait3A_96 = arith.constant 0 : i32
        %dma_wait3A_97 = arith.constant 0 : i32
        %dma_wait3A_98 = tpu.memref_slice %arg11[%dma_wait3A_96, %dma_wait3A_97] : memref<10000x64xf32, #tpu.memory_space<vmem_shared>> -> memref<10000x64xf32, #tpu.memory_space<vmem_shared>>
        tpu.wait_indirect_dma semaphore(%run_scoped3A_86 : memref<!tpu.dma_semaphore, #tpu.memory_space<semaphore_mem>>) src(%arg8 : memref<80x64xf32, #tpu.memory_space<vmem>>) dst(%dma_wait3A_98 : memref<10000x64xf32, #tpu.memory_space<vmem_shared>>)
        tpu.yield
      }) : () -> ()
      %add3A_69 = arith.constant 2 : i32
      %add3A_70 = arith.addi %mul3A_53, %add3A_69 : i32
      %dma_start3A_71 = arith.constant 0 : i32
      %dma_start3A_72 = tpu.memref_slice %arg6[%add3A_70, %dma_start3A_71] : memref<125x80xi32, #tpu.memory_space<vmem>> -> memref<1x80xi32, #tpu.memory_space<vmem>>
      %dma_start3A_73 = tpu.memref_squeeze %dma_start3A_72 : memref<1x80xi32, #tpu.memory_space<vmem>> -> memref<80xi32, #tpu.memory_space<vmem>>
      %dma_start3A_74 = arith.constant 0 : i32
      %dma_start3A_75 = arith.constant 0 : i32
      %dma_start3A_76 = tpu.memref_slice %arg2[%dma_start3A_74, %dma_start3A_75] : memref<20000x64xf32, #tpu.memory_space<hbm>> -> memref<20000x64xf32, #tpu.memory_space<hbm>>
      tpu.enqueue_indirect_dma source(%dma_start3A_76 : memref<20000x64xf32, #tpu.memory_space<hbm>>) target(%arg8 : memref<80x64xf32, #tpu.memory_space<vmem>>) offsets(%dma_start3A_73 : memref<80xi32, #tpu.memory_space<vmem>>) semaphore(%arg12 : memref<!tpu.dma_semaphore, #tpu.memory_space<semaphore_mem>>)
      %dma_wait3A_77 = arith.constant 0 : i32
      %dma_wait3A_78 = arith.constant 0 : i32
      %dma_wait3A_79 = tpu.memref_slice %arg6[%dma_wait3A_77, %dma_wait3A_78] : memref<125x80xi32, #tpu.memory_space<vmem>> -> memref<1x80xi32, #tpu.memory_space<vmem>>
      %dma_wait3A_80 = tpu.memref_squeeze %dma_wait3A_79 : memref<1x80xi32, #tpu.memory_space<vmem>> -> memref<80xi32, #tpu.memory_space<vmem>>
      %dma_wait3A_81 = arith.constant 0 : i32
      %dma_wait3A_82 = arith.constant 0 : i32
      %dma_wait3A_83 = tpu.memref_slice %arg2[%dma_wait3A_81, %dma_wait3A_82] : memref<20000x64xf32, #tpu.memory_space<hbm>> -> memref<20000x64xf32, #tpu.memory_space<hbm>>
      tpu.wait_indirect_dma semaphore(%arg13 : memref<!tpu.dma_semaphore, #tpu.memory_space<semaphore_mem>>) src(%dma_wait3A_83 : memref<20000x64xf32, #tpu.memory_space<hbm>>) dst(%arg9 : memref<80x64xf32, #tpu.memory_space<vmem>>)
      %add3A_84 = arith.constant 1 : i32
      %add3A_85 = arith.addi %mul3A_53, %add3A_84 : i32
      "tpu.region"() ({
        %run_scoped3A_86 = tpu.sem_alloc : memref<!tpu.dma_semaphore, #tpu.memory_space<semaphore_mem>>
        %dma_start3A_87 = arith.constant 0 : i32
        %dma_start3A_88 = tpu.memref_slice %arg7[%add3A_85, %dma_start3A_87] : memref<125x80xi32, #tpu.memory_space<vmem>> -> memref<1x80xi32, #tpu.memory_space<vmem>>
        %dma_start3A_89 = tpu.memref_squeeze %dma_start3A_88 : memref<1x80xi32, #tpu.memory_space<vmem>> -> memref<80xi32, #tpu.memory_space<vmem>>
        %dma_start3A_90 = arith.constant 0 : i32
        %dma_start3A_91 = arith.constant 0 : i32
        %dma_start3A_92 = tpu.memref_slice %arg11[%dma_start3A_90, %dma_start3A_91] : memref<10000x64xf32, #tpu.memory_space<vmem_shared>> -> memref<10000x64xf32, #tpu.memory_space<vmem_shared>>
        tpu.enqueue_indirect_dma source(%arg9 : memref<80x64xf32, #tpu.memory_space<vmem>>) target(%dma_start3A_92 : memref<10000x64xf32, #tpu.memory_space<vmem_shared>>) offsets(%dma_start3A_89 : memref<80xi32, #tpu.memory_space<vmem>>) semaphore(%run_scoped3A_86 : memref<!tpu.dma_semaphore, #tpu.memory_space<semaphore_mem>>) {add = true}
        %dma_wait3A_93 = arith.constant 0 : i32
        %dma_wait3A_94 = tpu.memref_slice %arg7[%add3A_85, %dma_wait3A_93] : memref<125x80xi32, #tpu.memory_space<vmem>> -> memref<1x80xi32, #tpu.memory_space<vmem>>
        %dma_wait3A_95 = tpu.memref_squeeze %dma_wait3A_94 : memref<1x80xi32, #tpu.memory_space<vmem>> -> memref<80xi32, #tpu.memory_space<vmem>>
        %dma_wait3A_96 = arith.constant 0 : i32
        %dma_wait3A_97 = arith.constant 0 : i32
        %dma_wait3A_98 = tpu.memref_slice %arg11[%dma_wait3A_96, %dma_wait3A_97] : memref<10000x64xf32, #tpu.memory_space<vmem_shared>> -> memref<10000x64xf32, #tpu.memory_space<vmem_shared>>
        tpu.wait_indirect_dma semaphore(%run_scoped3A_86 : memref<!tpu.dma_semaphore, #tpu.memory_space<semaphore_mem>>) src(%arg9 : memref<80x64xf32, #tpu.memory_space<vmem>>) dst(%dma_wait3A_98 : memref<10000x64xf32, #tpu.memory_space<vmem_shared>>)
        tpu.yield
      }) : () -> ()
    }
    %scan3A_39 = arith.constant 62 : i32
    %dma_wait3A = arith.constant 0 : i32
    %dma_wait3A_40 = arith.constant 0 : i32
    %dma_wait3A_41 = tpu.memref_slice %arg6[%dma_wait3A, %dma_wait3A_40] : memref<125x80xi32, #tpu.memory_space<vmem>> -> memref<1x80xi32, #tpu.memory_space<vmem>>
    %dma_wait3A_42 = tpu.memref_squeeze %dma_wait3A_41 : memref<1x80xi32, #tpu.memory_space<vmem>> -> memref<80xi32, #tpu.memory_space<vmem>>
    %dma_wait3A_43 = arith.constant 0 : i32
    %dma_wait3A_44 = arith.constant 0 : i32
    %dma_wait3A_45 = tpu.memref_slice %arg2[%dma_wait3A_43, %dma_wait3A_44] : memref<20000x64xf32, #tpu.memory_space<hbm>> -> memref<20000x64xf32, #tpu.memory_space<hbm>>
    tpu.wait_indirect_dma semaphore(%arg12 : memref<!tpu.dma_semaphore, #tpu.memory_space<semaphore_mem>>) src(%dma_wait3A_45 : memref<20000x64xf32, #tpu.memory_space<hbm>>) dst(%arg8 : memref<80x64xf32, #tpu.memory_space<vmem>>)
    %run_scoped3A = arith.constant 124 : i32
    "tpu.region"() ({
      %run_scoped3A_51 = tpu.sem_alloc : memref<!tpu.dma_semaphore, #tpu.memory_space<semaphore_mem>>
      %dma_start3A_52 = arith.constant 0 : i32
      %dma_start3A_53 = tpu.memref_slice %arg7[%run_scoped3A, %dma_start3A_52] : memref<125x80xi32, #tpu.memory_space<vmem>> -> memref<1x80xi32, #tpu.memory_space<vmem>>
      %dma_start3A_54 = tpu.memref_squeeze %dma_start3A_53 : memref<1x80xi32, #tpu.memory_space<vmem>> -> memref<80xi32, #tpu.memory_space<vmem>>
      %dma_start3A_55 = arith.constant 0 : i32
      %dma_start3A_56 = arith.constant 0 : i32
      %dma_start3A_57 = tpu.memref_slice %arg11[%dma_start3A_55, %dma_start3A_56] : memref<10000x64xf32, #tpu.memory_space<vmem_shared>> -> memref<10000x64xf32, #tpu.memory_space<vmem_shared>>
      tpu.enqueue_indirect_dma source(%arg8 : memref<80x64xf32, #tpu.memory_space<vmem>>) target(%dma_start3A_57 : memref<10000x64xf32, #tpu.memory_space<vmem_shared>>) offsets(%dma_start3A_54 : memref<80xi32, #tpu.memory_space<vmem>>) semaphore(%run_scoped3A_51 : memref<!tpu.dma_semaphore, #tpu.memory_space<semaphore_mem>>) {add = true}
      %dma_wait3A_58 = arith.constant 0 : i32
      %dma_wait3A_59 = tpu.memref_slice %arg7[%run_scoped3A, %dma_wait3A_58] : memref<125x80xi32, #tpu.memory_space<vmem>> -> memref<1x80xi32, #tpu.memory_space<vmem>>
      %dma_wait3A_60 = tpu.memref_squeeze %dma_wait3A_59 : memref<1x80xi32, #tpu.memory_space<vmem>> -> memref<80xi32, #tpu.memory_space<vmem>>
      %dma_wait3A_61 = arith.constant 0 : i32
      %dma_wait3A_62 = arith.constant 0 : i32
      %dma_wait3A_63 = tpu.memref_slice %arg11[%dma_wait3A_61, %dma_wait3A_62] : memref<10000x64xf32, #tpu.memory_space<vmem_shared>> -> memref<10000x64xf32, #tpu.memory_space<vmem_shared>>
      tpu.wait_indirect_dma semaphore(%run_scoped3A_51 : memref<!tpu.dma_semaphore, #tpu.memory_space<semaphore_mem>>) src(%arg8 : memref<80x64xf32, #tpu.memory_space<vmem>>) dst(%dma_wait3A_63 : memref<10000x64xf32, #tpu.memory_space<vmem_shared>>)
      tpu.yield
    }) : () -> ()
    %barrier3A_46 = arith.constant 0 : index
    tpu.barrier barrier_id(%barrier3A_46)
    %mul3A_47 = arith.constant 625 : i32
    %mul3A_48 = arith.muli %arg1, %mul3A_47 : i32
    %add3A_49 = arith.constant 0 : i32
    %add3A_50 = arith.addi %add3A_49, %add3A : i32
    "tpu.region"() ({
      %run_scoped3A_51 = tpu.sem_alloc : memref<!tpu.dma_semaphore, #tpu.memory_space<semaphore_mem>>
      %dma_start3A_52 = arith.constant 0 : i32
      %dma_start3A_53 = arith.constant 0 : i32
      %dma_start3A_54 = tpu.memref_slice %arg5[%add3A_50, %dma_start3A_52, %dma_start3A_53] : memref<32x625x64xf32, #tpu.memory_space<hbm>> -> memref<1x625x64xf32, #tpu.memory_space<hbm>>
      %dma_start3A_55 = tpu.memref_squeeze %dma_start3A_54 : memref<1x625x64xf32, #tpu.memory_space<hbm>> -> memref<625x64xf32, #tpu.memory_space<hbm>>
      %dma_start3A_56 = arith.constant 0 : i32
      %dma_start3A_57 = tpu.memref_slice %arg11[%mul3A_48, %dma_start3A_56] : memref<10000x64xf32, #tpu.memory_space<vmem_shared>> -> memref<625x64xf32, #tpu.memory_space<vmem_shared>>
      tpu.enqueue_dma source(%dma_start3A_57 : memref<625x64xf32, #tpu.memory_space<vmem_shared>>) target(%dma_start3A_55 : memref<625x64xf32, #tpu.memory_space<hbm>>) target_semaphore(%run_scoped3A_51 : memref<!tpu.dma_semaphore, #tpu.memory_space<semaphore_mem>>)
      %dma_wait3A_58 = arith.constant 0 : i32
      %dma_wait3A_59 = arith.constant 0 : i32
      %dma_wait3A_60 = tpu.memref_slice %arg5[%add3A_50, %dma_wait3A_58, %dma_wait3A_59] : memref<32x625x64xf32, #tpu.memory_space<hbm>> -> memref<1x625x64xf32, #tpu.memory_space<hbm>>
      %dma_wait3A_61 = tpu.memref_squeeze %dma_wait3A_60 : memref<1x625x64xf32, #tpu.memory_space<hbm>> -> memref<625x64xf32, #tpu.memory_space<hbm>>
      %dma_wait3A_62 = arith.constant 0 : i32
      %dma_wait3A_63 = tpu.memref_slice %arg11[%mul3A_48, %dma_wait3A_62] : memref<10000x64xf32, #tpu.memory_space<vmem_shared>> -> memref<625x64xf32, #tpu.memory_space<vmem_shared>>
      tpu.wait_dma2 semaphore(%run_scoped3A_51 : memref<!tpu.dma_semaphore, #tpu.memory_space<semaphore_mem>>) src(%dma_wait3A_63 : memref<625x64xf32, #tpu.memory_space<vmem_shared>>) dst(%dma_wait3A_61 : memref<625x64xf32, #tpu.memory_space<hbm>>)
      tpu.yield
    }) : () -> ()
    return
  }
}

#map = affine_map<(d0, d1) -> (0, 0)>
#map1 = affine_map<(d0, d1) -> (0, 0, 0)>
module attributes {stable_mosaic.version = 14 : i64} {
  func.func @k(%arg0: i32, %arg1: i32, %arg2: memref<20000x64xf32, #tpu.memory_space<hbm>>, %arg3: memref<32x125x80xi32, #tpu.memory_space<hbm>>, %arg4: memref<16x125x80xi32, #tpu.memory_space<hbm>>, %arg5: memref<32x625x64xf32, #tpu.memory_space<hbm>>, %arg6: memref<125x80xi32, #tpu.memory_space<vmem>>, %arg7: memref<125x80xi32, #tpu.memory_space<vmem>>, %arg8: memref<80x64xf32, #tpu.memory_space<vmem>>, %arg9: memref<80x64xf32, #tpu.memory_space<vmem>>, %arg10: memref<125x64xf32, #tpu.memory_space<vmem>>, %arg11: memref<10000x64xf32, #tpu.memory_space<vmem_shared>>, %arg12: memref<!tpu.dma_semaphore, #tpu.memory_space<semaphore_mem>>, %arg13: memref<!tpu.dma_semaphore, #tpu.memory_space<semaphore_mem>>) attributes {dimension_semantics = [#tpu.dimension_semantics<core_parallel>, #tpu.dimension_semantics<subcore_parallel>], iteration_bounds = array<i64: 2, 16>, scalar_prefetch = 0 : i64, scratch_operands = 8 : i64, tpu.core_type = #tpu.core_type<sc_vector_subcore>, window_params = [{transform_indices = #map}, {transform_indices = #map1}, {transform_indices = #map1}, {transform_indices = #map1}]} {
    %mul3A = arith.constant 16 : i32
    %mul3A_0 = arith.muli %arg0, %mul3A : i32
    %add3A = arith.addi %mul3A_0, %arg1 : i32
    "tpu.region"() ({
      %run_scoped3A_51 = tpu.sem_alloc : memref<!tpu.dma_semaphore, #tpu.memory_space<semaphore_mem>>
      %dma_start3A_52 = arith.constant 0 : i32
      %dma_start3A_53 = arith.constant 0 : i32
      %dma_start3A_54 = tpu.memref_slice %arg4[%arg1, %dma_start3A_52, %dma_start3A_53] : memref<16x125x80xi32, #tpu.memory_space<hbm>> -> memref<1x125x80xi32, #tpu.memory_space<hbm>>
      %dma_start3A_55 = tpu.memref_squeeze %dma_start3A_54 : memref<1x125x80xi32, #tpu.memory_space<hbm>> -> memref<125x80xi32, #tpu.memory_space<hbm>>
      %dma_start3A_56 = arith.constant 0 : i32
      %dma_start3A_57 = arith.constant 0 : i32
      %dma_start3A_58 = tpu.memref_slice %arg4[%arg1, %dma_start3A_56, %dma_start3A_57] : memref<16x125x80xi32, #tpu.memory_space<hbm>> -> memref<1x125x80xi32, #tpu.memory_space<hbm>>
      %dma_start3A_59 = tpu.memref_squeeze %dma_start3A_58 : memref<1x125x80xi32, #tpu.memory_space<hbm>> -> memref<125x80xi32, #tpu.memory_space<hbm>>
      tpu.enqueue_dma source(%dma_start3A_59 : memref<125x80xi32, #tpu.memory_space<hbm>>) target(%arg7 : memref<125x80xi32, #tpu.memory_space<vmem>>) target_semaphore(%run_scoped3A_51 : memref<!tpu.dma_semaphore, #tpu.memory_space<semaphore_mem>>)
      %dma_wait3A_60 = arith.constant 0 : i32
      %dma_wait3A_61 = arith.constant 0 : i32
      %dma_wait3A_62 = tpu.memref_slice %arg4[%arg1, %dma_wait3A_60, %dma_wait3A_61] : memref<16x125x80xi32, #tpu.memory_space<hbm>> -> memref<1x125x80xi32, #tpu.memory_space<hbm>>
      %dma_wait3A_63 = tpu.memref_squeeze %dma_wait3A_62 : memref<1x125x80xi32, #tpu.memory_space<hbm>> -> memref<125x80xi32, #tpu.memory_space<hbm>>
      %dma_wait3A_64 = arith.constant 0 : i32
      %dma_wait3A_65 = arith.constant 0 : i32
      %dma_wait3A_66 = tpu.memref_slice %arg4[%arg1, %dma_wait3A_64, %dma_wait3A_65] : memref<16x125x80xi32, #tpu.memory_space<hbm>> -> memref<1x125x80xi32, #tpu.memory_space<hbm>>
      %dma_wait3A_67 = tpu.memref_squeeze %dma_wait3A_66 : memref<1x125x80xi32, #tpu.memory_space<hbm>> -> memref<125x80xi32, #tpu.memory_space<hbm>>
      tpu.wait_dma2 semaphore(%run_scoped3A_51 : memref<!tpu.dma_semaphore, #tpu.memory_space<semaphore_mem>>) src(%dma_wait3A_67 : memref<125x80xi32, #tpu.memory_space<hbm>>) dst(%arg7 : memref<125x80xi32, #tpu.memory_space<vmem>>)
      tpu.yield
    }) : () -> ()
    %scan3A = arith.constant 0 : i32
    %scan3A_1 = arith.constant 0 : i32
    %scan3A_2 = arith.constant 125 : i32
    %scan3A_3 = arith.addi %scan3A_1, %scan3A_2 : i32
    %scan3A_4 = arith.constant 1 : i32
    scf.for %scan3A_51 = %scan3A_1 to %scan3A_3 step %scan3A_4  : i32 {
      %broadcast_in_dim3A = arith.constant 0.000000e+00 : f32
      %broadcast_in_dim3A_52 = vector.broadcast %broadcast_in_dim3A : f32 to vector<16xf32>
      %swap3A = arith.index_cast %scan3A_51 : i32 to index
      %swap3A_53 = arith.constant 0 : index
      %swap3A_54 = tpu.vector_load %arg10[%swap3A, %swap3A_53] {strides = array<i32>} : memref<125x64xf32, #tpu.memory_space<vmem>>, vector<1x16xf32>,
      %swap3A_55 = vector.shape_cast %swap3A_54 : vector<1x16xf32> to vector<16xf32>
      %swap3A_56 = vector.shape_cast %broadcast_in_dim3A_52 : vector<16xf32> to vector<1x16xf32>
      tpu.vector_store %arg10[%swap3A, %swap3A_53], %swap3A_56 {strides = array<i32>} : memref<125x64xf32, #tpu.memory_space<vmem>>, vector<1x16xf32>,
      %broadcast_in_dim3A_57 = arith.constant 0.000000e+00 : f32
      %broadcast_in_dim3A_58 = vector.broadcast %broadcast_in_dim3A_57 : f32 to vector<16xf32>
      %swap3A_59 = arith.index_cast %scan3A_51 : i32 to index
      %swap3A_60 = arith.constant 16 : index
      %swap3A_61 = tpu.vector_load %arg10[%swap3A_59, %swap3A_60] {strides = array<i32>} : memref<125x64xf32, #tpu.memory_space<vmem>>, vector<1x16xf32>,
      %swap3A_62 = vector.shape_cast %swap3A_61 : vector<1x16xf32> to vector<16xf32>
      %swap3A_63 = vector.shape_cast %broadcast_in_dim3A_58 : vector<16xf32> to vector<1x16xf32>
      tpu.vector_store %arg10[%swap3A_59, %swap3A_60], %swap3A_63 {strides = array<i32>} : memref<125x64xf32, #tpu.memory_space<vmem>>, vector<1x16xf32>,
      %broadcast_in_dim3A_64 = arith.constant 0.000000e+00 : f32
      %broadcast_in_dim3A_65 = vector.broadcast %broadcast_in_dim3A_64 : f32 to vector<16xf32>
      %swap3A_66 = arith.index_cast %scan3A_51 : i32 to index
      %swap3A_67 = arith.constant 32 : index
      %swap3A_68 = tpu.vector_load %arg10[%swap3A_66, %swap3A_67] {strides = array<i32>} : memref<125x64xf32, #tpu.memory_space<vmem>>, vector<1x16xf32>,
      %swap3A_69 = vector.shape_cast %swap3A_68 : vector<1x16xf32> to vector<16xf32>
      %swap3A_70 = vector.shape_cast %broadcast_in_dim3A_65 : vector<16xf32> to vector<1x16xf32>
      tpu.vector_store %arg10[%swap3A_66, %swap3A_67], %swap3A_70 {strides = array<i32>} : memref<125x64xf32, #tpu.memory_space<vmem>>, vector<1x16xf32>,
      %broadcast_in_dim3A_71 = arith.constant 0.000000e+00 : f32
      %broadcast_in_dim3A_72 = vector.broadcast %broadcast_in_dim3A_71 : f32 to vector<16xf32>
      %swap3A_73 = arith.index_cast %scan3A_51 : i32 to index
      %swap3A_74 = arith.constant 48 : index
      %swap3A_75 = tpu.vector_load %arg10[%swap3A_73, %swap3A_74] {strides = array<i32>} : memref<125x64xf32, #tpu.memory_space<vmem>>, vector<1x16xf32>,
      %swap3A_76 = vector.shape_cast %swap3A_75 : vector<1x16xf32> to vector<16xf32>
      %swap3A_77 = vector.shape_cast %broadcast_in_dim3A_72 : vector<16xf32> to vector<1x16xf32>
      tpu.vector_store %arg10[%swap3A_73, %swap3A_74], %swap3A_77 {strides = array<i32>} : memref<125x64xf32, #tpu.memory_space<vmem>>, vector<1x16xf32>,
    }
    %scan3A_5 = arith.constant 125 : i32
    %add3A_6 = arith.constant 0 : i32
    %add3A_7 = arith.addi %add3A_6, %add3A : i32
    "tpu.region"() ({
      %run_scoped3A_51 = tpu.sem_alloc : memref<!tpu.dma_semaphore, #tpu.memory_space<semaphore_mem>>
      %dma_start3A_52 = arith.constant 0 : i32
      %dma_start3A_53 = arith.constant 0 : i32
      %dma_start3A_54 = tpu.memref_slice %arg3[%add3A_7, %dma_start3A_52, %dma_start3A_53] : memref<32x125x80xi32, #tpu.memory_space<hbm>> -> memref<1x125x80xi32, #tpu.memory_space<hbm>>
      %dma_start3A_55 = tpu.memref_squeeze %dma_start3A_54 : memref<1x125x80xi32, #tpu.memory_space<hbm>> -> memref<125x80xi32, #tpu.memory_space<hbm>>
      %dma_start3A_56 = arith.constant 0 : i32
      %dma_start3A_57 = arith.constant 0 : i32
      %dma_start3A_58 = tpu.memref_slice %arg3[%add3A_7, %dma_start3A_56, %dma_start3A_57] : memref<32x125x80xi32, #tpu.memory_space<hbm>> -> memref<1x125x80xi32, #tpu.memory_space<hbm>>
      %dma_start3A_59 = tpu.memref_squeeze %dma_start3A_58 : memref<1x125x80xi32, #tpu.memory_space<hbm>> -> memref<125x80xi32, #tpu.memory_space<hbm>>
      tpu.enqueue_dma source(%dma_start3A_59 : memref<125x80xi32, #tpu.memory_space<hbm>>) target(%arg6 : memref<125x80xi32, #tpu.memory_space<vmem>>) target_semaphore(%run_scoped3A_51 : memref<!tpu.dma_semaphore, #tpu.memory_space<semaphore_mem>>)
      %dma_wait3A_60 = arith.constant 0 : i32
      %dma_wait3A_61 = arith.constant 0 : i32
      %dma_wait3A_62 = tpu.memref_slice %arg3[%add3A_7, %dma_wait3A_60, %dma_wait3A_61] : memref<32x125x80xi32, #tpu.memory_space<hbm>> -> memref<1x125x80xi32, #tpu.memory_space<hbm>>
      %dma_wait3A_63 = tpu.memref_squeeze %dma_wait3A_62 : memref<1x125x80xi32, #tpu.memory_space<hbm>> -> memref<125x80xi32, #tpu.memory_space<hbm>>
      %dma_wait3A_64 = arith.constant 0 : i32
      %dma_wait3A_65 = arith.constant 0 : i32
      %dma_wait3A_66 = tpu.memref_slice %arg3[%add3A_7, %dma_wait3A_64, %dma_wait3A_65] : memref<32x125x80xi32, #tpu.memory_space<hbm>> -> memref<1x125x80xi32, #tpu.memory_space<hbm>>
      %dma_wait3A_67 = tpu.memref_squeeze %dma_wait3A_66 : memref<1x125x80xi32, #tpu.memory_space<hbm>> -> memref<125x80xi32, #tpu.memory_space<hbm>>
      tpu.wait_dma2 semaphore(%run_scoped3A_51 : memref<!tpu.dma_semaphore, #tpu.memory_space<semaphore_mem>>) src(%dma_wait3A_67 : memref<125x80xi32, #tpu.memory_space<hbm>>) dst(%arg6 : memref<125x80xi32, #tpu.memory_space<vmem>>)
      tpu.yield
    }) : () -> ()
    %mul3A_8 = arith.constant 625 : i32
    %mul3A_9 = arith.muli %arg1, %mul3A_8 : i32
    %add3A_10 = arith.constant 0 : i32
    %add3A_11 = arith.addi %mul3A_9, %add3A_10 : i32
    "tpu.region"() ({
      %run_scoped3A_51 = tpu.sem_alloc : memref<!tpu.dma_semaphore, #tpu.memory_space<semaphore_mem>>
      %dma_start3A_52 = arith.constant 0 : i32
      %dma_start3A_53 = tpu.memref_slice %arg11[%add3A_11, %dma_start3A_52] : memref<10000x64xf32, #tpu.memory_space<vmem_shared>> -> memref<125x64xf32, #tpu.memory_space<vmem_shared>>
      %dma_start3A_54 = arith.constant 0 : i32
      %dma_start3A_55 = tpu.memref_slice %arg11[%add3A_11, %dma_start3A_54] : memref<10000x64xf32, #tpu.memory_space<vmem_shared>> -> memref<125x64xf32, #tpu.memory_space<vmem_shared>>
      tpu.enqueue_dma source(%arg10 : memref<125x64xf32, #tpu.memory_space<vmem>>) target(%dma_start3A_55 : memref<125x64xf32, #tpu.memory_space<vmem_shared>>) target_semaphore(%run_scoped3A_51 : memref<!tpu.dma_semaphore, #tpu.memory_space<semaphore_mem>>)
      %dma_wait3A_56 = arith.constant 0 : i32
      %dma_wait3A_57 = tpu.memref_slice %arg11[%add3A_11, %dma_wait3A_56] : memref<10000x64xf32, #tpu.memory_space<vmem_shared>> -> memref<125x64xf32, #tpu.memory_space<vmem_shared>>
      %dma_wait3A_58 = arith.constant 0 : i32
      %dma_wait3A_59 = tpu.memref_slice %arg11[%add3A_11, %dma_wait3A_58] : memref<10000x64xf32, #tpu.memory_space<vmem_shared>> -> memref<125x64xf32, #tpu.memory_space<vmem_shared>>
      tpu.wait_dma2 semaphore(%run_scoped3A_51 : memref<!tpu.dma_semaphore, #tpu.memory_space<semaphore_mem>>) src(%arg10 : memref<125x64xf32, #tpu.memory_space<vmem>>) dst(%dma_wait3A_59 : memref<125x64xf32, #tpu.memory_space<vmem_shared>>)
      tpu.yield
    }) : () -> ()
    %mul3A_12 = arith.constant 625 : i32
    %mul3A_13 = arith.muli %arg1, %mul3A_12 : i32
    %add3A_14 = arith.constant 125 : i32
    %add3A_15 = arith.addi %mul3A_13, %add3A_14 : i32
    "tpu.region"() ({
      %run_scoped3A_51 = tpu.sem_alloc : memref<!tpu.dma_semaphore, #tpu.memory_space<semaphore_mem>>
      %dma_start3A_52 = arith.constant 0 : i32
      %dma_start3A_53 = tpu.memref_slice %arg11[%add3A_15, %dma_start3A_52] : memref<10000x64xf32, #tpu.memory_space<vmem_shared>> -> memref<125x64xf32, #tpu.memory_space<vmem_shared>>
      %dma_start3A_54 = arith.constant 0 : i32
      %dma_start3A_55 = tpu.memref_slice %arg11[%add3A_15, %dma_start3A_54] : memref<10000x64xf32, #tpu.memory_space<vmem_shared>> -> memref<125x64xf32, #tpu.memory_space<vmem_shared>>
      tpu.enqueue_dma source(%arg10 : memref<125x64xf32, #tpu.memory_space<vmem>>) target(%dma_start3A_55 : memref<125x64xf32, #tpu.memory_space<vmem_shared>>) target_semaphore(%run_scoped3A_51 : memref<!tpu.dma_semaphore, #tpu.memory_space<semaphore_mem>>)
      %dma_wait3A_56 = arith.constant 0 : i32
      %dma_wait3A_57 = tpu.memref_slice %arg11[%add3A_15, %dma_wait3A_56] : memref<10000x64xf32, #tpu.memory_space<vmem_shared>> -> memref<125x64xf32, #tpu.memory_space<vmem_shared>>
      %dma_wait3A_58 = arith.constant 0 : i32
      %dma_wait3A_59 = tpu.memref_slice %arg11[%add3A_15, %dma_wait3A_58] : memref<10000x64xf32, #tpu.memory_space<vmem_shared>> -> memref<125x64xf32, #tpu.memory_space<vmem_shared>>
      tpu.wait_dma2 semaphore(%run_scoped3A_51 : memref<!tpu.dma_semaphore, #tpu.memory_space<semaphore_mem>>) src(%arg10 : memref<125x64xf32, #tpu.memory_space<vmem>>) dst(%dma_wait3A_59 : memref<125x64xf32, #tpu.memory_space<vmem_shared>>)
      tpu.yield
    }) : () -> ()
    %mul3A_16 = arith.constant 625 : i32
    %mul3A_17 = arith.muli %arg1, %mul3A_16 : i32
    %add3A_18 = arith.constant 250 : i32
    %add3A_19 = arith.addi %mul3A_17, %add3A_18 : i32
    "tpu.region"() ({
      %run_scoped3A_51 = tpu.sem_alloc : memref<!tpu.dma_semaphore, #tpu.memory_space<semaphore_mem>>
      %dma_start3A_52 = arith.constant 0 : i32
      %dma_start3A_53 = tpu.memref_slice %arg11[%add3A_19, %dma_start3A_52] : memref<10000x64xf32, #tpu.memory_space<vmem_shared>> -> memref<125x64xf32, #tpu.memory_space<vmem_shared>>
      %dma_start3A_54 = arith.constant 0 : i32
      %dma_start3A_55 = tpu.memref_slice %arg11[%add3A_19, %dma_start3A_54] : memref<10000x64xf32, #tpu.memory_space<vmem_shared>> -> memref<125x64xf32, #tpu.memory_space<vmem_shared>>
      tpu.enqueue_dma source(%arg10 : memref<125x64xf32, #tpu.memory_space<vmem>>) target(%dma_start3A_55 : memref<125x64xf32, #tpu.memory_space<vmem_shared>>) target_semaphore(%run_scoped3A_51 : memref<!tpu.dma_semaphore, #tpu.memory_space<semaphore_mem>>)
      %dma_wait3A_56 = arith.constant 0 : i32
      %dma_wait3A_57 = tpu.memref_slice %arg11[%add3A_19, %dma_wait3A_56] : memref<10000x64xf32, #tpu.memory_space<vmem_shared>> -> memref<125x64xf32, #tpu.memory_space<vmem_shared>>
      %dma_wait3A_58 = arith.constant 0 : i32
      %dma_wait3A_59 = tpu.memref_slice %arg11[%add3A_19, %dma_wait3A_58] : memref<10000x64xf32, #tpu.memory_space<vmem_shared>> -> memref<125x64xf32, #tpu.memory_space<vmem_shared>>
      tpu.wait_dma2 semaphore(%run_scoped3A_51 : memref<!tpu.dma_semaphore, #tpu.memory_space<semaphore_mem>>) src(%arg10 : memref<125x64xf32, #tpu.memory_space<vmem>>) dst(%dma_wait3A_59 : memref<125x64xf32, #tpu.memory_space<vmem_shared>>)
      tpu.yield
    }) : () -> ()
    %mul3A_20 = arith.constant 625 : i32
    %mul3A_21 = arith.muli %arg1, %mul3A_20 : i32
    %add3A_22 = arith.constant 375 : i32
    %add3A_23 = arith.addi %mul3A_21, %add3A_22 : i32
    "tpu.region"() ({
      %run_scoped3A_51 = tpu.sem_alloc : memref<!tpu.dma_semaphore, #tpu.memory_space<semaphore_mem>>
      %dma_start3A_52 = arith.constant 0 : i32
      %dma_start3A_53 = tpu.memref_slice %arg11[%add3A_23, %dma_start3A_52] : memref<10000x64xf32, #tpu.memory_space<vmem_shared>> -> memref<125x64xf32, #tpu.memory_space<vmem_shared>>
      %dma_start3A_54 = arith.constant 0 : i32
      %dma_start3A_55 = tpu.memref_slice %arg11[%add3A_23, %dma_start3A_54] : memref<10000x64xf32, #tpu.memory_space<vmem_shared>> -> memref<125x64xf32, #tpu.memory_space<vmem_shared>>
      tpu.enqueue_dma source(%arg10 : memref<125x64xf32, #tpu.memory_space<vmem>>) target(%dma_start3A_55 : memref<125x64xf32, #tpu.memory_space<vmem_shared>>) target_semaphore(%run_scoped3A_51 : memref<!tpu.dma_semaphore, #tpu.memory_space<semaphore_mem>>)
      %dma_wait3A_56 = arith.constant 0 : i32
      %dma_wait3A_57 = tpu.memref_slice %arg11[%add3A_23, %dma_wait3A_56] : memref<10000x64xf32, #tpu.memory_space<vmem_shared>> -> memref<125x64xf32, #tpu.memory_space<vmem_shared>>
      %dma_wait3A_58 = arith.constant 0 : i32
      %dma_wait3A_59 = tpu.memref_slice %arg11[%add3A_23, %dma_wait3A_58] : memref<10000x64xf32, #tpu.memory_space<vmem_shared>> -> memref<125x64xf32, #tpu.memory_space<vmem_shared>>
      tpu.wait_dma2 semaphore(%run_scoped3A_51 : memref<!tpu.dma_semaphore, #tpu.memory_space<semaphore_mem>>) src(%arg10 : memref<125x64xf32, #tpu.memory_space<vmem>>) dst(%dma_wait3A_59 : memref<125x64xf32, #tpu.memory_space<vmem_shared>>)
      tpu.yield
    }) : () -> ()
    %mul3A_24 = arith.constant 625 : i32
    %mul3A_25 = arith.muli %arg1, %mul3A_24 : i32
    %add3A_26 = arith.constant 500 : i32
    %add3A_27 = arith.addi %mul3A_25, %add3A_26 : i32
    "tpu.region"() ({
      %run_scoped3A_51 = tpu.sem_alloc : memref<!tpu.dma_semaphore, #tpu.memory_space<semaphore_mem>>
      %dma_start3A_52 = arith.constant 0 : i32
      %dma_start3A_53 = tpu.memref_slice %arg11[%add3A_27, %dma_start3A_52] : memref<10000x64xf32, #tpu.memory_space<vmem_shared>> -> memref<125x64xf32, #tpu.memory_space<vmem_shared>>
      %dma_start3A_54 = arith.constant 0 : i32
      %dma_start3A_55 = tpu.memref_slice %arg11[%add3A_27, %dma_start3A_54] : memref<10000x64xf32, #tpu.memory_space<vmem_shared>> -> memref<125x64xf32, #tpu.memory_space<vmem_shared>>
      tpu.enqueue_dma source(%arg10 : memref<125x64xf32, #tpu.memory_space<vmem>>) target(%dma_start3A_55 : memref<125x64xf32, #tpu.memory_space<vmem_shared>>) target_semaphore(%run_scoped3A_51 : memref<!tpu.dma_semaphore, #tpu.memory_space<semaphore_mem>>)
      %dma_wait3A_56 = arith.constant 0 : i32
      %dma_wait3A_57 = tpu.memref_slice %arg11[%add3A_27, %dma_wait3A_56] : memref<10000x64xf32, #tpu.memory_space<vmem_shared>> -> memref<125x64xf32, #tpu.memory_space<vmem_shared>>
      %dma_wait3A_58 = arith.constant 0 : i32
      %dma_wait3A_59 = tpu.memref_slice %arg11[%add3A_27, %dma_wait3A_58] : memref<10000x64xf32, #tpu.memory_space<vmem_shared>> -> memref<125x64xf32, #tpu.memory_space<vmem_shared>>
      tpu.wait_dma2 semaphore(%run_scoped3A_51 : memref<!tpu.dma_semaphore, #tpu.memory_space<semaphore_mem>>) src(%arg10 : memref<125x64xf32, #tpu.memory_space<vmem>>) dst(%dma_wait3A_59 : memref<125x64xf32, #tpu.memory_space<vmem_shared>>)
      tpu.yield
    }) : () -> ()
    %barrier3A = arith.constant 0 : index
    tpu.barrier barrier_id(%barrier3A)
    %dma_start3A = arith.constant 0 : i32
    %dma_start3A_28 = arith.constant 0 : i32
    %dma_start3A_29 = tpu.memref_slice %arg6[%dma_start3A, %dma_start3A_28] : memref<125x80xi32, #tpu.memory_space<vmem>> -> memref<1x80xi32, #tpu.memory_space<vmem>>
    %dma_start3A_30 = tpu.memref_squeeze %dma_start3A_29 : memref<1x80xi32, #tpu.memory_space<vmem>> -> memref<80xi32, #tpu.memory_space<vmem>>
    %dma_start3A_31 = arith.constant 0 : i32
    %dma_start3A_32 = arith.constant 0 : i32
    %dma_start3A_33 = tpu.memref_slice %arg2[%dma_start3A_31, %dma_start3A_32] : memref<20000x64xf32, #tpu.memory_space<hbm>> -> memref<20000x64xf32, #tpu.memory_space<hbm>>
    tpu.enqueue_indirect_dma source(%dma_start3A_33 : memref<20000x64xf32, #tpu.memory_space<hbm>>) target(%arg8 : memref<80x64xf32, #tpu.memory_space<vmem>>) offsets(%dma_start3A_30 : memref<80xi32, #tpu.memory_space<vmem>>) semaphore(%arg12 : memref<!tpu.dma_semaphore, #tpu.memory_space<semaphore_mem>>)
    %scan3A_34 = arith.constant 0 : i32
    %scan3A_35 = arith.constant 0 : i32
    %scan3A_36 = arith.constant 62 : i32
    %scan3A_37 = arith.addi %scan3A_35, %scan3A_36 : i32
    %scan3A_38 = arith.constant 1 : i32
    scf.for %scan3A_51 = %scan3A_35 to %scan3A_37 step %scan3A_38  : i32 {
      %mul3A_52 = arith.constant 2 : i32
      %mul3A_53 = arith.muli %mul3A_52, %scan3A_51 : i32
      %add3A_54 = arith.constant 1 : i32
      %add3A_55 = arith.addi %mul3A_53, %add3A_54 : i32
      %dma_start3A_56 = arith.constant 0 : i32
      %dma_start3A_57 = tpu.memref_slice %arg6[%add3A_55, %dma_start3A_56] : memref<125x80xi32, #tpu.memory_space<vmem>> -> memref<1x80xi32, #tpu.memory_space<vmem>>
      %dma_start3A_58 = tpu.memref_squeeze %dma_start3A_57 : memref<1x80xi32, #tpu.memory_space<vmem>> -> memref<80xi32, #tpu.memory_space<vmem>>
      %dma_start3A_59 = arith.constant 0 : i32
      %dma_start3A_60 = arith.constant 0 : i32
      %dma_start3A_61 = tpu.memref_slice %arg2[%dma_start3A_59, %dma_start3A_60] : memref<20000x64xf32, #tpu.memory_space<hbm>> -> memref<20000x64xf32, #tpu.memory_space<hbm>>
      tpu.enqueue_indirect_dma source(%dma_start3A_61 : memref<20000x64xf32, #tpu.memory_space<hbm>>) target(%arg9 : memref<80x64xf32, #tpu.memory_space<vmem>>) offsets(%dma_start3A_58 : memref<80xi32, #tpu.memory_space<vmem>>) semaphore(%arg13 : memref<!tpu.dma_semaphore, #tpu.memory_space<semaphore_mem>>)
      %dma_wait3A_62 = arith.constant 0 : i32
      %dma_wait3A_63 = arith.constant 0 : i32
      %dma_wait3A_64 = tpu.memref_slice %arg6[%dma_wait3A_62, %dma_wait3A_63] : memref<125x80xi32, #tpu.memory_space<vmem>> -> memref<1x80xi32, #tpu.memory_space<vmem>>
      %dma_wait3A_65 = tpu.memref_squeeze %dma_wait3A_64 : memref<1x80xi32, #tpu.memory_space<vmem>> -> memref<80xi32, #tpu.memory_space<vmem>>
      %dma_wait3A_66 = arith.constant 0 : i32
      %dma_wait3A_67 = arith.constant 0 : i32
      %dma_wait3A_68 = tpu.memref_slice %arg2[%dma_wait3A_66, %dma_wait3A_67] : memref<20000x64xf32, #tpu.memory_space<hbm>> -> memref<20000x64xf32, #tpu.memory_space<hbm>>
      tpu.wait_indirect_dma semaphore(%arg12 : memref<!tpu.dma_semaphore, #tpu.memory_space<semaphore_mem>>) src(%dma_wait3A_68 : memref<20000x64xf32, #tpu.memory_space<hbm>>) dst(%arg8 : memref<80x64xf32, #tpu.memory_space<vmem>>)
      "tpu.region"() ({
        %run_scoped3A_86 = tpu.sem_alloc : memref<!tpu.dma_semaphore, #tpu.memory_space<semaphore_mem>>
        %dma_start3A_87 = arith.constant 0 : i32
        %dma_start3A_88 = tpu.memref_slice %arg7[%mul3A_53, %dma_start3A_87] : memref<125x80xi32, #tpu.memory_space<vmem>> -> memref<1x80xi32, #tpu.memory_space<vmem>>
        %dma_start3A_89 = tpu.memref_squeeze %dma_start3A_88 : memref<1x80xi32, #tpu.memory_space<vmem>> -> memref<80xi32, #tpu.memory_space<vmem>>
        %dma_start3A_90 = arith.constant 0 : i32
        %dma_start3A_91 = arith.constant 0 : i32
        %dma_start3A_92 = tpu.memref_slice %arg11[%dma_start3A_90, %dma_start3A_91] : memref<10000x64xf32, #tpu.memory_space<vmem_shared>> -> memref<10000x64xf32, #tpu.memory_space<vmem_shared>>
        tpu.enqueue_indirect_dma source(%arg8 : memref<80x64xf32, #tpu.memory_space<vmem>>) target(%dma_start3A_92 : memref<10000x64xf32, #tpu.memory_space<vmem_shared>>) offsets(%dma_start3A_89 : memref<80xi32, #tpu.memory_space<vmem>>) semaphore(%run_scoped3A_86 : memref<!tpu.dma_semaphore, #tpu.memory_space<semaphore_mem>>) {add = true}
        %dma_wait3A_93 = arith.constant 0 : i32
        %dma_wait3A_94 = tpu.memref_slice %arg7[%mul3A_53, %dma_wait3A_93] : memref<125x80xi32, #tpu.memory_space<vmem>> -> memref<1x80xi32, #tpu.memory_space<vmem>>
        %dma_wait3A_95 = tpu.memref_squeeze %dma_wait3A_94 : memref<1x80xi32, #tpu.memory_space<vmem>> -> memref<80xi32, #tpu.memory_space<vmem>>
        %dma_wait3A_96 = arith.constant 0 : i32
        %dma_wait3A_97 = arith.constant 0 : i32
        %dma_wait3A_98 = tpu.memref_slice %arg11[%dma_wait3A_96, %dma_wait3A_97] : memref<10000x64xf32, #tpu.memory_space<vmem_shared>> -> memref<10000x64xf32, #tpu.memory_space<vmem_shared>>
        tpu.wait_indirect_dma semaphore(%run_scoped3A_86 : memref<!tpu.dma_semaphore, #tpu.memory_space<semaphore_mem>>) src(%arg8 : memref<80x64xf32, #tpu.memory_space<vmem>>) dst(%dma_wait3A_98 : memref<10000x64xf32, #tpu.memory_space<vmem_shared>>)
        tpu.yield
      }) : () -> ()
      %add3A_69 = arith.constant 2 : i32
      %add3A_70 = arith.addi %mul3A_53, %add3A_69 : i32
      %dma_start3A_71 = arith.constant 0 : i32
      %dma_start3A_72 = tpu.memref_slice %arg6[%add3A_70, %dma_start3A_71] : memref<125x80xi32, #tpu.memory_space<vmem>> -> memref<1x80xi32, #tpu.memory_space<vmem>>
      %dma_start3A_73 = tpu.memref_squeeze %dma_start3A_72 : memref<1x80xi32, #tpu.memory_space<vmem>> -> memref<80xi32, #tpu.memory_space<vmem>>
      %dma_start3A_74 = arith.constant 0 : i32
      %dma_start3A_75 = arith.constant 0 : i32
      %dma_start3A_76 = tpu.memref_slice %arg2[%dma_start3A_74, %dma_start3A_75] : memref<20000x64xf32, #tpu.memory_space<hbm>> -> memref<20000x64xf32, #tpu.memory_space<hbm>>
      tpu.enqueue_indirect_dma source(%dma_start3A_76 : memref<20000x64xf32, #tpu.memory_space<hbm>>) target(%arg8 : memref<80x64xf32, #tpu.memory_space<vmem>>) offsets(%dma_start3A_73 : memref<80xi32, #tpu.memory_space<vmem>>) semaphore(%arg12 : memref<!tpu.dma_semaphore, #tpu.memory_space<semaphore_mem>>)
      %dma_wait3A_77 = arith.constant 0 : i32
      %dma_wait3A_78 = arith.constant 0 : i32
      %dma_wait3A_79 = tpu.memref_slice %arg6[%dma_wait3A_77, %dma_wait3A_78] : memref<125x80xi32, #tpu.memory_space<vmem>> -> memref<1x80xi32, #tpu.memory_space<vmem>>
      %dma_wait3A_80 = tpu.memref_squeeze %dma_wait3A_79 : memref<1x80xi32, #tpu.memory_space<vmem>> -> memref<80xi32, #tpu.memory_space<vmem>>
      %dma_wait3A_81 = arith.constant 0 : i32
      %dma_wait3A_82 = arith.constant 0 : i32
      %dma_wait3A_83 = tpu.memref_slice %arg2[%dma_wait3A_81, %dma_wait3A_82] : memref<20000x64xf32, #tpu.memory_space<hbm>> -> memref<20000x64xf32, #tpu.memory_space<hbm>>
      tpu.wait_indirect_dma semaphore(%arg13 : memref<!tpu.dma_semaphore, #tpu.memory_space<semaphore_mem>>) src(%dma_wait3A_83 : memref<20000x64xf32, #tpu.memory_space<hbm>>) dst(%arg9 : memref<80x64xf32, #tpu.memory_space<vmem>>)
      %add3A_84 = arith.constant 1 : i32
      %add3A_85 = arith.addi %mul3A_53, %add3A_84 : i32
      "tpu.region"() ({
        %run_scoped3A_86 = tpu.sem_alloc : memref<!tpu.dma_semaphore, #tpu.memory_space<semaphore_mem>>
        %dma_start3A_87 = arith.constant 0 : i32
        %dma_start3A_88 = tpu.memref_slice %arg7[%add3A_85, %dma_start3A_87] : memref<125x80xi32, #tpu.memory_space<vmem>> -> memref<1x80xi32, #tpu.memory_space<vmem>>
        %dma_start3A_89 = tpu.memref_squeeze %dma_start3A_88 : memref<1x80xi32, #tpu.memory_space<vmem>> -> memref<80xi32, #tpu.memory_space<vmem>>
        %dma_start3A_90 = arith.constant 0 : i32
        %dma_start3A_91 = arith.constant 0 : i32
        %dma_start3A_92 = tpu.memref_slice %arg11[%dma_start3A_90, %dma_start3A_91] : memref<10000x64xf32, #tpu.memory_space<vmem_shared>> -> memref<10000x64xf32, #tpu.memory_space<vmem_shared>>
        tpu.enqueue_indirect_dma source(%arg9 : memref<80x64xf32, #tpu.memory_space<vmem>>) target(%dma_start3A_92 : memref<10000x64xf32, #tpu.memory_space<vmem_shared>>) offsets(%dma_start3A_89 : memref<80xi32, #tpu.memory_space<vmem>>) semaphore(%run_scoped3A_86 : memref<!tpu.dma_semaphore, #tpu.memory_space<semaphore_mem>>) {add = true}
        %dma_wait3A_93 = arith.constant 0 : i32
        %dma_wait3A_94 = tpu.memref_slice %arg7[%add3A_85, %dma_wait3A_93] : memref<125x80xi32, #tpu.memory_space<vmem>> -> memref<1x80xi32, #tpu.memory_space<vmem>>
        %dma_wait3A_95 = tpu.memref_squeeze %dma_wait3A_94 : memref<1x80xi32, #tpu.memory_space<vmem>> -> memref<80xi32, #tpu.memory_space<vmem>>
        %dma_wait3A_96 = arith.constant 0 : i32
        %dma_wait3A_97 = arith.constant 0 : i32
        %dma_wait3A_98 = tpu.memref_slice %arg11[%dma_wait3A_96, %dma_wait3A_97] : memref<10000x64xf32, #tpu.memory_space<vmem_shared>> -> memref<10000x64xf32, #tpu.memory_space<vmem_shared>>
        tpu.wait_indirect_dma semaphore(%run_scoped3A_86 : memref<!tpu.dma_semaphore, #tpu.memory_space<semaphore_mem>>) src(%arg9 : memref<80x64xf32, #tpu.memory_space<vmem>>) dst(%dma_wait3A_98 : memref<10000x64xf32, #tpu.memory_space<vmem_shared>>)
        tpu.yield
      }) : () -> ()
    }
    %scan3A_39 = arith.constant 62 : i32
    %dma_wait3A = arith.constant 0 : i32
    %dma_wait3A_40 = arith.constant 0 : i32
    %dma_wait3A_41 = tpu.memref_slice %arg6[%dma_wait3A, %dma_wait3A_40] : memref<125x80xi32, #tpu.memory_space<vmem>> -> memref<1x80xi32, #tpu.memory_space<vmem>>
    %dma_wait3A_42 = tpu.memref_squeeze %dma_wait3A_41 : memref<1x80xi32, #tpu.memory_space<vmem>> -> memref<80xi32, #tpu.memory_space<vmem>>
    %dma_wait3A_43 = arith.constant 0 : i32
    %dma_wait3A_44 = arith.constant 0 : i32
    %dma_wait3A_45 = tpu.memref_slice %arg2[%dma_wait3A_43, %dma_wait3A_44] : memref<20000x64xf32, #tpu.memory_space<hbm>> -> memref<20000x64xf32, #tpu.memory_space<hbm>>
    tpu.wait_indirect_dma semaphore(%arg12 : memref<!tpu.dma_semaphore, #tpu.memory_space<semaphore_mem>>) src(%dma_wait3A_45 : memref<20000x64xf32, #tpu.memory_space<hbm>>) dst(%arg8 : memref<80x64xf32, #tpu.memory_space<vmem>>)
    %run_scoped3A = arith.constant 124 : i32
    "tpu.region"() ({
      %run_scoped3A_51 = tpu.sem_alloc : memref<!tpu.dma_semaphore, #tpu.memory_space<semaphore_mem>>
      %dma_start3A_52 = arith.constant 0 : i32
      %dma_start3A_53 = tpu.memref_slice %arg7[%run_scoped3A, %dma_start3A_52] : memref<125x80xi32, #tpu.memory_space<vmem>> -> memref<1x80xi32, #tpu.memory_space<vmem>>
      %dma_start3A_54 = tpu.memref_squeeze %dma_start3A_53 : memref<1x80xi32, #tpu.memory_space<vmem>> -> memref<80xi32, #tpu.memory_space<vmem>>
      %dma_start3A_55 = arith.constant 0 : i32
      %dma_start3A_56 = arith.constant 0 : i32
      %dma_start3A_57 = tpu.memref_slice %arg11[%dma_start3A_55, %dma_start3A_56] : memref<10000x64xf32, #tpu.memory_space<vmem_shared>> -> memref<10000x64xf32, #tpu.memory_space<vmem_shared>>
      tpu.enqueue_indirect_dma source(%arg8 : memref<80x64xf32, #tpu.memory_space<vmem>>) target(%dma_start3A_57 : memref<10000x64xf32, #tpu.memory_space<vmem_shared>>) offsets(%dma_start3A_54 : memref<80xi32, #tpu.memory_space<vmem>>) semaphore(%run_scoped3A_51 : memref<!tpu.dma_semaphore, #tpu.memory_space<semaphore_mem>>) {add = true}
      %dma_wait3A_58 = arith.constant 0 : i32
      %dma_wait3A_59 = tpu.memref_slice %arg7[%run_scoped3A, %dma_wait3A_58] : memref<125x80xi32, #tpu.memory_space<vmem>> -> memref<1x80xi32, #tpu.memory_space<vmem>>
      %dma_wait3A_60 = tpu.memref_squeeze %dma_wait3A_59 : memref<1x80xi32, #tpu.memory_space<vmem>> -> memref<80xi32, #tpu.memory_space<vmem>>
      %dma_wait3A_61 = arith.constant 0 : i32
      %dma_wait3A_62 = arith.constant 0 : i32
      %dma_wait3A_63 = tpu.memref_slice %arg11[%dma_wait3A_61, %dma_wait3A_62] : memref<10000x64xf32, #tpu.memory_space<vmem_shared>> -> memref<10000x64xf32, #tpu.memory_space<vmem_shared>>
      tpu.wait_indirect_dma semaphore(%run_scoped3A_51 : memref<!tpu.dma_semaphore, #tpu.memory_space<semaphore_mem>>) src(%arg8 : memref<80x64xf32, #tpu.memory_space<vmem>>) dst(%dma_wait3A_63 : memref<10000x64xf32, #tpu.memory_space<vmem_shared>>)
      tpu.yield
    }) : () -> ()
    %barrier3A_46 = arith.constant 0 : index
    tpu.barrier barrier_id(%barrier3A_46)
    %mul3A_47 = arith.constant 625 : i32
    %mul3A_48 = arith.muli %arg1, %mul3A_47 : i32
    %add3A_49 = arith.constant 0 : i32
    %add3A_50 = arith.addi %add3A_49, %add3A : i32
    "tpu.region"() ({
      %run_scoped3A_51 = tpu.sem_alloc : memref<!tpu.dma_semaphore, #tpu.memory_space<semaphore_mem>>
      %dma_start3A_52 = arith.constant 0 : i32
      %dma_start3A_53 = arith.constant 0 : i32
      %dma_start3A_54 = tpu.memref_slice %arg5[%add3A_50, %dma_start3A_52, %dma_start3A_53] : memref<32x625x64xf32, #tpu.memory_space<hbm>> -> memref<1x625x64xf32, #tpu.memory_space<hbm>>
      %dma_start3A_55 = tpu.memref_squeeze %dma_start3A_54 : memref<1x625x64xf32, #tpu.memory_space<hbm>> -> memref<625x64xf32, #tpu.memory_space<hbm>>
      %dma_start3A_56 = arith.constant 0 : i32
      %dma_start3A_57 = tpu.memref_slice %arg11[%mul3A_48, %dma_start3A_56] : memref<10000x64xf32, #tpu.memory_space<vmem_shared>> -> memref<625x64xf32, #tpu.memory_space<vmem_shared>>
      tpu.enqueue_dma source(%dma_start3A_57 : memref<625x64xf32, #tpu.memory_space<vmem_shared>>) target(%dma_start3A_55 : memref<625x64xf32, #tpu.memory_space<hbm>>) target_semaphore(%run_scoped3A_51 : memref<!tpu.dma_semaphore, #tpu.memory_space<semaphore_mem>>)
      %dma_wait3A_58 = arith.constant 0 : i32
      %dma_wait3A_59 = arith.constant 0 : i32
      %dma_wait3A_60 = tpu.memref_slice %arg5[%add3A_50, %dma_wait3A_58, %dma_wait3A_59] : memref<32x625x64xf32, #tpu.memory_space<hbm>> -> memref<1x625x64xf32, #tpu.memory_space<hbm>>
      %dma_wait3A_61 = tpu.memref_squeeze %dma_wait3A_60 : memref<1x625x64xf32, #tpu.memory_space<hbm>> -> memref<625x64xf32, #tpu.memory_space<hbm>>
      %dma_wait3A_62 = arith.constant 0 : i32
      %dma_wait3A_63 = tpu.memref_slice %arg11[%mul3A_48, %dma_wait3A_62] : memref<10000x64xf32, #tpu.memory_space<vmem_shared>> -> memref<625x64xf32, #tpu.memory_space<vmem_shared>>
      tpu.wait_dma2 semaphore(%run_scoped3A_51 : memref<!tpu.dma_semaphore, #tpu.memory_space<semaphore_mem>>) src(%dma_wait3A_63 : memref<625x64xf32, #tpu.memory_space<vmem_shared>>) dst(%dma_wait3A_61 : memref<625x64xf32, #tpu.memory_space<hbm>>)
      tpu.yield
    }) : () -> ()
    return
  }
}

module attributes {stable_mosaic.version = 14 : i64} {
  func.func @body(%arg0: i32, %arg1: memref<400x256xf32, #tpu.memory_space<vmem>>, %arg2: memref<256x256xf32, #tpu.memory_space<vmem>>, %arg3: memref<400x1xf32, #tpu.memory_space<vmem>>, %arg4: memref<4x400x64xf32, #tpu.memory_space<vmem>>) attributes {dimension_semantics = [#tpu.dimension_semantics<arbitrary>], iteration_bounds = array<i64: 25>, scalar_prefetch = 0 : i64, scratch_operands = 0 : i64, tpu.core_type = #tpu.core_type<tc>, window_params = [{transform_indices = @transform_0, window_bounds = array<i64: 400, 256>}, {pipeline_mode = #tpu.pipeline_mode<synchronous>, transform_indices = @transform_1, window_bounds = array<i64: 256, 256>}, {transform_indices = @transform_2, window_bounds = array<i64: 400, 1>}, {transform_indices = @transform_3, window_bounds = array<i64: 4, 400, 64>}]} {
    %get3A = arith.constant 0 : index
    %get3A_0 = arith.constant 0 : index
    %get3A_1 = vector.load %arg1[%get3A, %get3A_0] : memref<400x256xf32, #tpu.memory_space<vmem>>, vector<400x256xf32>
    %get3A_2 = arith.constant 0 : index
    %get3A_3 = arith.constant 0 : index
    %get3A_4 = vector.load %arg2[%get3A_2, %get3A_3] : memref<256x256xf32, #tpu.memory_space<vmem>>, vector<256x256xf32>
    %dot_general3A = arith.constant dense<0.000000e+00> : vector<400x256xf32>
    %dot_general3A_5 = tpu.matmul %get3A_1, %get3A_4, %dot_general3A {dimension_numbers = #tpu.dot_dimension_numbers<[1], [0], [0], [1], [0, 0, 1, 1], [], []>, precision = #tpu.contract_precision<fp32>, transpose_lhs_hint = false} : vector<400x256xf32>, vector<256x256xf32>, vector<400x256xf32> -> vector<400x256xf32>
    %get3A_6 = arith.constant 0 : index
    %get3A_7 = arith.constant 0 : index
    %get3A_8 = vector.load %arg3[%get3A_6, %get3A_7] : memref<400x1xf32, #tpu.memory_space<vmem>>, vector<400x1xf32>
    %mul3A = vector.broadcast %get3A_8 : vector<400x1xf32> to vector<400x256xf32>
    %mul3A_9 = arith.mulf %dot_general3A_5, %mul3A : vector<400x256xf32>
    %slice3A = vector.extract_strided_slice %mul3A_9 {offsets = [0, 0], sizes = [400, 64], strides = [1, 1]} : vector<400x256xf32> to vector<400x64xf32>
    %swap3A = arith.constant 0 : index
    %swap3A_10 = arith.constant 0 : index
    %swap3A_11 = arith.constant 0 : index
    %swap3A_12 = vector.load %arg4[%swap3A, %swap3A_10, %swap3A_11] : memref<4x400x64xf32, #tpu.memory_space<vmem>>, vector<1x400x64xf32>
    %swap3A_13 = vector.shape_cast %swap3A_12 : vector<1x400x64xf32> to vector<400x64xf32>
    %swap3A_14 = vector.shape_cast %slice3A : vector<400x64xf32> to vector<1x400x64xf32>
    tpu.vector_store %arg4[%swap3A, %swap3A_10, %swap3A_11], %swap3A_14 {strides = array<i32>} : memref<4x400x64xf32, #tpu.memory_space<vmem>>, vector<1x400x64xf32>,
    %slice3A_15 = vector.extract_strided_slice %mul3A_9 {offsets = [0, 64], sizes = [400, 64], strides = [1, 1]} : vector<400x256xf32> to vector<400x64xf32>
    %swap3A_16 = arith.constant 1 : index
    %swap3A_17 = arith.constant 0 : index
    %swap3A_18 = arith.constant 0 : index
    %swap3A_19 = vector.load %arg4[%swap3A_16, %swap3A_17, %swap3A_18] : memref<4x400x64xf32, #tpu.memory_space<vmem>>, vector<1x400x64xf32>
    %swap3A_20 = vector.shape_cast %swap3A_19 : vector<1x400x64xf32> to vector<400x64xf32>
    %swap3A_21 = vector.shape_cast %slice3A_15 : vector<400x64xf32> to vector<1x400x64xf32>
    tpu.vector_store %arg4[%swap3A_16, %swap3A_17, %swap3A_18], %swap3A_21 {strides = array<i32>} : memref<4x400x64xf32, #tpu.memory_space<vmem>>, vector<1x400x64xf32>,
    %slice3A_22 = vector.extract_strided_slice %mul3A_9 {offsets = [0, 128], sizes = [400, 64], strides = [1, 1]} : vector<400x256xf32> to vector<400x64xf32>
    %swap3A_23 = arith.constant 2 : index
    %swap3A_24 = arith.constant 0 : index
    %swap3A_25 = arith.constant 0 : index
    %swap3A_26 = vector.load %arg4[%swap3A_23, %swap3A_24, %swap3A_25] : memref<4x400x64xf32, #tpu.memory_space<vmem>>, vector<1x400x64xf32>
    %swap3A_27 = vector.shape_cast %swap3A_26 : vector<1x400x64xf32> to vector<400x64xf32>
    %swap3A_28 = vector.shape_cast %slice3A_22 : vector<400x64xf32> to vector<1x400x64xf32>
    tpu.vector_store %arg4[%swap3A_23, %swap3A_24, %swap3A_25], %swap3A_28 {strides = array<i32>} : memref<4x400x64xf32, #tpu.memory_space<vmem>>, vector<1x400x64xf32>,
    %slice3A_29 = vector.extract_strided_slice %mul3A_9 {offsets = [0, 192], sizes = [400, 64], strides = [1, 1]} : vector<400x256xf32> to vector<400x64xf32>
    %swap3A_30 = arith.constant 3 : index
    %swap3A_31 = arith.constant 0 : index
    %swap3A_32 = arith.constant 0 : index
    %swap3A_33 = vector.load %arg4[%swap3A_30, %swap3A_31, %swap3A_32] : memref<4x400x64xf32, #tpu.memory_space<vmem>>, vector<1x400x64xf32>
    %swap3A_34 = vector.shape_cast %swap3A_33 : vector<1x400x64xf32> to vector<400x64xf32>
    %swap3A_35 = vector.shape_cast %slice3A_29 : vector<400x64xf32> to vector<1x400x64xf32>
    tpu.vector_store %arg4[%swap3A_30, %swap3A_31, %swap3A_32], %swap3A_35 {strides = array<i32>} : memref<4x400x64xf32, #tpu.memory_space<vmem>>, vector<1x400x64xf32>,
    return
  }
  func.func @transform_0(%arg0: i32) -> (i32, i32) {
    %c0_i32 = arith.constant 0 : i32
    %c0_i32_0 = arith.constant 0 : i32
    return %arg0, %c0_i32 : i32, i32
  }
  func.func @transform_1(%arg0: i32) -> (i32, i32) {
    %c0_i32 = arith.constant 0 : i32
    %c0_i32_0 = arith.constant 0 : i32
    %c0_i32_1 = arith.constant 0 : i32
    return %c0_i32, %c0_i32_0 : i32, i32
  }
  func.func @transform_2(%arg0: i32) -> (i32, i32) {
    %c0_i32 = arith.constant 0 : i32
    %c0_i32_0 = arith.constant 0 : i32
    return %arg0, %c0_i32 : i32, i32
  }
  func.func @transform_3(%arg0: i32) -> (i32, i32, i32) {
    %c0_i32 = arith.constant 0 : i32
    %c0_i32_0 = arith.constant 0 : i32
    %c0_i32_1 = arith.constant 0 : i32
    return %c0_i32, %arg0, %c0_i32_0 : i32, i32, i32
  }
}

module attributes {stable_mosaic.version = 14 : i64} {
  func.func @body(%arg0: i32, %arg1: memref<4x400x64xf32, #tpu.memory_space<vmem>>, %arg2: memref<4x400x64xf32, #tpu.memory_space<vmem>>, %arg3: memref<400x1xf32, #tpu.memory_space<vmem>>, %arg4: memref<256xf32, #tpu.memory_space<vmem>>, %arg5: memref<256xf32, #tpu.memory_space<vmem>>, %arg6: memref<256xf32, #tpu.memory_space<vmem>>, %arg7: memref<256x128xf32, #tpu.memory_space<vmem>>, %arg8: memref<2x400x64xf32, #tpu.memory_space<vmem>>) attributes {dimension_semantics = [#tpu.dimension_semantics<arbitrary>], iteration_bounds = array<i64: 25>, scalar_prefetch = 0 : i64, scratch_operands = 0 : i64, tpu.core_type = #tpu.core_type<tc>, window_params = [{transform_indices = @transform_0, window_bounds = array<i64: 4, 400, 64>}, {transform_indices = @transform_1, window_bounds = array<i64: 4, 400, 64>}, {transform_indices = @transform_2, window_bounds = array<i64: 400, 1>}, {pipeline_mode = #tpu.pipeline_mode<synchronous>, transform_indices = @transform_3, window_bounds = array<i64: 256>}, {pipeline_mode = #tpu.pipeline_mode<synchronous>, transform_indices = @transform_4, window_bounds = array<i64: 256>}, {pipeline_mode = #tpu.pipeline_mode<synchronous>, transform_indices = @transform_5, window_bounds = array<i64: 256>}, {pipeline_mode = #tpu.pipeline_mode<synchronous>, transform_indices = @transform_6, window_bounds = array<i64: 256, 128>}, {transform_indices = @transform_7, window_bounds = array<i64: 2, 400, 64>}]} {
    %get3A = arith.constant 0 : index
    %get3A_0 = arith.constant 0 : index
    %get3A_1 = vector.load %arg3[%get3A, %get3A_0] : memref<400x1xf32, #tpu.memory_space<vmem>>, vector<400x1xf32>
    %get3A_2 = arith.constant 0 : index
    %get3A_3 = arith.constant 0 : index
    %get3A_4 = arith.constant 0 : index
    %get3A_5 = vector.load %arg1[%get3A_2, %get3A_3, %get3A_4] : memref<4x400x64xf32, #tpu.memory_space<vmem>>, vector<1x400x64xf32>
    %get3A_6 = vector.shape_cast %get3A_5 : vector<1x400x64xf32> to vector<400x64xf32>
    %get3A_7 = arith.constant 1 : index
    %get3A_8 = arith.constant 0 : index
    %get3A_9 = arith.constant 0 : index
    %get3A_10 = vector.load %arg1[%get3A_7, %get3A_8, %get3A_9] : memref<4x400x64xf32, #tpu.memory_space<vmem>>, vector<1x400x64xf32>
    %get3A_11 = vector.shape_cast %get3A_10 : vector<1x400x64xf32> to vector<400x64xf32>
    %get3A_12 = arith.constant 2 : index
    %get3A_13 = arith.constant 0 : index
    %get3A_14 = arith.constant 0 : index
    %get3A_15 = vector.load %arg1[%get3A_12, %get3A_13, %get3A_14] : memref<4x400x64xf32, #tpu.memory_space<vmem>>, vector<1x400x64xf32>
    %get3A_16 = vector.shape_cast %get3A_15 : vector<1x400x64xf32> to vector<400x64xf32>
    %get3A_17 = arith.constant 3 : index
    %get3A_18 = arith.constant 0 : index
    %get3A_19 = arith.constant 0 : index
    %get3A_20 = vector.load %arg1[%get3A_17, %get3A_18, %get3A_19] : memref<4x400x64xf32, #tpu.memory_space<vmem>>, vector<1x400x64xf32>
    %get3A_21 = vector.shape_cast %get3A_20 : vector<1x400x64xf32> to vector<400x64xf32>
    %concatenate3A = tpu.concatenate %get3A_6, %get3A_11, %get3A_16, %get3A_21 in 1 : vector<400x64xf32>, vector<400x64xf32>, vector<400x64xf32>, vector<400x64xf32> -> vector<400x256xf32>
    %get3A_22 = arith.constant 0 : index
    %get3A_23 = arith.constant 0 : index
    %get3A_24 = arith.constant 0 : index
    %get3A_25 = vector.load %arg2[%get3A_22, %get3A_23, %get3A_24] : memref<4x400x64xf32, #tpu.memory_space<vmem>>, vector<1x400x64xf32>
    %get3A_26 = vector.shape_cast %get3A_25 : vector<1x400x64xf32> to vector<400x64xf32>
    %get3A_27 = arith.constant 1 : index
    %get3A_28 = arith.constant 0 : index
    %get3A_29 = arith.constant 0 : index
    %get3A_30 = vector.load %arg2[%get3A_27, %get3A_28, %get3A_29] : memref<4x400x64xf32, #tpu.memory_space<vmem>>, vector<1x400x64xf32>
    %get3A_31 = vector.shape_cast %get3A_30 : vector<1x400x64xf32> to vector<400x64xf32>
    %get3A_32 = arith.constant 2 : index
    %get3A_33 = arith.constant 0 : index
    %get3A_34 = arith.constant 0 : index
    %get3A_35 = vector.load %arg2[%get3A_32, %get3A_33, %get3A_34] : memref<4x400x64xf32, #tpu.memory_space<vmem>>, vector<1x400x64xf32>
    %get3A_36 = vector.shape_cast %get3A_35 : vector<1x400x64xf32> to vector<400x64xf32>
    %get3A_37 = arith.constant 3 : index
    %get3A_38 = arith.constant 0 : index
    %get3A_39 = arith.constant 0 : index
    %get3A_40 = vector.load %arg2[%get3A_37, %get3A_38, %get3A_39] : memref<4x400x64xf32, #tpu.memory_space<vmem>>, vector<1x400x64xf32>
    %get3A_41 = vector.shape_cast %get3A_40 : vector<1x400x64xf32> to vector<400x64xf32>
    %concatenate3A_42 = tpu.concatenate %get3A_26, %get3A_31, %get3A_36, %get3A_41 in 1 : vector<400x64xf32>, vector<400x64xf32>, vector<400x64xf32>, vector<400x64xf32> -> vector<400x256xf32>
    %add3A = arith.addf %concatenate3A, %concatenate3A_42 : vector<400x256xf32>
    %mul3A = vector.broadcast %get3A_1 : vector<400x1xf32> to vector<400x256xf32>
    %mul3A_43 = arith.mulf %add3A, %mul3A : vector<400x256xf32>
    %get3A_44 = arith.constant 0 : index
    %get3A_45 = vector.load %arg4[%get3A_44] : memref<256xf32, #tpu.memory_space<vmem>>, vector<256xf32>
    %broadcast_in_dim3A = vector.shape_cast %get3A_45 : vector<256xf32> to vector<1x256xf32>
    %add3A_46 = vector.broadcast %broadcast_in_dim3A : vector<1x256xf32> to vector<400x256xf32>
    %add3A_47 = arith.addf %mul3A_43, %add3A_46 : vector<400x256xf32>
    %gt3A = arith.constant 0.000000e+00 : f32
    %gt3A_48 = vector.broadcast %gt3A : f32 to vector<400x256xf32>
    %gt3A_49 = arith.cmpf ogt, %add3A_47, %gt3A_48 : vector<400x256xf32>
    %min3A = arith.constant 0.000000e+00 : f32
    %min3A_50 = vector.broadcast %min3A : f32 to vector<400x256xf32>
    %min3A_51 = arith.minimumf %add3A_47, %min3A_50 : vector<400x256xf32>
    %exp3A = math.exp %min3A_51 : vector<400x256xf32>
    %sub3A = arith.constant 1.000000e+00 : f32
    %sub3A_52 = vector.broadcast %sub3A : f32 to vector<400x256xf32>
    %sub3A_53 = arith.subf %exp3A, %sub3A_52 : vector<400x256xf32>
    %select_n3A = arith.select %gt3A_49, %add3A_47, %sub3A_53 : vector<400x256xi1>, vector<400x256xf32>
    %get3A_54 = arith.constant 0 : index
    %get3A_55 = vector.load %arg5[%get3A_54] : memref<256xf32, #tpu.memory_space<vmem>>, vector<256xf32>
    %get3A_56 = arith.constant 0 : index
    %get3A_57 = vector.load %arg6[%get3A_56] : memref<256xf32, #tpu.memory_space<vmem>>, vector<256xf32>
    %reduce_sum3A = arith.constant dense<0.000000e+00> : vector<400xf32>
    %reduce_sum3A_58 = vector.multi_reduction <add>, %select_n3A, %reduce_sum3A [1] : vector<400x256xf32> to vector<400xf32>
    %broadcast_in_dim3A_59 = vector.shape_cast %reduce_sum3A_58 : vector<400xf32> to vector<400x1xf32>
    %div3A = arith.constant 2.560000e+02 : f32
    %div3A_60 = vector.broadcast %div3A : f32 to vector<400x1xf32>
    %div3A_61 = arith.divf %broadcast_in_dim3A_59, %div3A_60 : vector<400x1xf32>
    %sub3A_62 = vector.broadcast %div3A_61 : vector<400x1xf32> to vector<400x256xf32>
    %sub3A_63 = arith.subf %select_n3A, %sub3A_62 : vector<400x256xf32>
    %integer_pow3A = arith.mulf %sub3A_63, %sub3A_63 : vector<400x256xf32>
    %reduce_sum3A_64 = arith.constant dense<0.000000e+00> : vector<400xf32>
    %reduce_sum3A_65 = vector.multi_reduction <add>, %integer_pow3A, %reduce_sum3A_64 [1] : vector<400x256xf32> to vector<400xf32>
    %broadcast_in_dim3A_66 = vector.shape_cast %reduce_sum3A_65 : vector<400xf32> to vector<400x1xf32>
    %div3A_67 = arith.constant 2.560000e+02 : f32
    %div3A_68 = vector.broadcast %div3A_67 : f32 to vector<400x1xf32>
    %div3A_69 = arith.divf %broadcast_in_dim3A_66, %div3A_68 : vector<400x1xf32>
    %sub3A_70 = vector.broadcast %div3A_61 : vector<400x1xf32> to vector<400x256xf32>
    %sub3A_71 = arith.subf %select_n3A, %sub3A_70 : vector<400x256xf32>
    %add3A_72 = arith.constant 9.99999974E-6 : f32
    %add3A_73 = vector.broadcast %add3A_72 : f32 to vector<400x1xf32>
    %add3A_74 = arith.addf %div3A_69, %add3A_73 : vector<400x1xf32>
    %rsqrt3A = math.rsqrt %add3A_74 : vector<400x1xf32>
    %mul3A_75 = vector.broadcast %rsqrt3A : vector<400x1xf32> to vector<400x256xf32>
    %mul3A_76 = arith.mulf %sub3A_71, %mul3A_75 : vector<400x256xf32>
    %broadcast_in_dim3A_77 = vector.shape_cast %get3A_55 : vector<256xf32> to vector<1x256xf32>
    %mul3A_78 = vector.broadcast %broadcast_in_dim3A_77 : vector<1x256xf32> to vector<400x256xf32>
    %mul3A_79 = arith.mulf %mul3A_76, %mul3A_78 : vector<400x256xf32>
    %broadcast_in_dim3A_80 = vector.shape_cast %get3A_57 : vector<256xf32> to vector<1x256xf32>
    %add3A_81 = vector.broadcast %broadcast_in_dim3A_80 : vector<1x256xf32> to vector<400x256xf32>
    %add3A_82 = arith.addf %mul3A_79, %add3A_81 : vector<400x256xf32>
    %get3A_83 = arith.constant 0 : index
    %get3A_84 = arith.constant 0 : index
    %get3A_85 = vector.load %arg7[%get3A_83, %get3A_84] : memref<256x128xf32, #tpu.memory_space<vmem>>, vector<256x128xf32>
    %dot_general3A = arith.constant dense<0.000000e+00> : vector<400x128xf32>
    %dot_general3A_86 = tpu.matmul %add3A_82, %get3A_85, %dot_general3A {dimension_numbers = #tpu.dot_dimension_numbers<[1], [0], [0], [1], [0, 0, 1, 1], [], []>, precision = #tpu.contract_precision<fp32>, transpose_lhs_hint = false} : vector<400x256xf32>, vector<256x128xf32>, vector<400x128xf32> -> vector<400x128xf32>
    %mul3A_87 = vector.broadcast %get3A_1 : vector<400x1xf32> to vector<400x128xf32>
    %mul3A_88 = arith.mulf %dot_general3A_86, %mul3A_87 : vector<400x128xf32>
    %slice3A = vector.extract_strided_slice %mul3A_88 {offsets = [0, 0], sizes = [400, 64], strides = [1, 1]} : vector<400x128xf32> to vector<400x64xf32>
    %swap3A = arith.constant 0 : index
    %swap3A_89 = arith.constant 0 : index
    %swap3A_90 = arith.constant 0 : index
    %swap3A_91 = vector.load %arg8[%swap3A, %swap3A_89, %swap3A_90] : memref<2x400x64xf32, #tpu.memory_space<vmem>>, vector<1x400x64xf32>
    %swap3A_92 = vector.shape_cast %swap3A_91 : vector<1x400x64xf32> to vector<400x64xf32>
    %swap3A_93 = vector.shape_cast %slice3A : vector<400x64xf32> to vector<1x400x64xf32>
    tpu.vector_store %arg8[%swap3A, %swap3A_89, %swap3A_90], %swap3A_93 {strides = array<i32>} : memref<2x400x64xf32, #tpu.memory_space<vmem>>, vector<1x400x64xf32>,
    %slice3A_94 = vector.extract_strided_slice %mul3A_88 {offsets = [0, 64], sizes = [400, 64], strides = [1, 1]} : vector<400x128xf32> to vector<400x64xf32>
    %swap3A_95 = arith.constant 1 : index
    %swap3A_96 = arith.constant 0 : index
    %swap3A_97 = arith.constant 0 : index
    %swap3A_98 = vector.load %arg8[%swap3A_95, %swap3A_96, %swap3A_97] : memref<2x400x64xf32, #tpu.memory_space<vmem>>, vector<1x400x64xf32>
    %swap3A_99 = vector.shape_cast %swap3A_98 : vector<1x400x64xf32> to vector<400x64xf32>
    %swap3A_100 = vector.shape_cast %slice3A_94 : vector<400x64xf32> to vector<1x400x64xf32>
    tpu.vector_store %arg8[%swap3A_95, %swap3A_96, %swap3A_97], %swap3A_100 {strides = array<i32>} : memref<2x400x64xf32, #tpu.memory_space<vmem>>, vector<1x400x64xf32>,
    return
  }
  func.func @transform_0(%arg0: i32) -> (i32, i32, i32) {
    %c0_i32 = arith.constant 0 : i32
    %c0_i32_0 = arith.constant 0 : i32
    %c0_i32_1 = arith.constant 0 : i32
    return %c0_i32, %arg0, %c0_i32_0 : i32, i32, i32
  }
  func.func @transform_1(%arg0: i32) -> (i32, i32, i32) {
    %c0_i32 = arith.constant 0 : i32
    %c0_i32_0 = arith.constant 0 : i32
    %c0_i32_1 = arith.constant 0 : i32
    return %c0_i32, %arg0, %c0_i32_0 : i32, i32, i32
  }
  func.func @transform_2(%arg0: i32) -> (i32, i32) {
    %c0_i32 = arith.constant 0 : i32
    %c0_i32_0 = arith.constant 0 : i32
    return %arg0, %c0_i32 : i32, i32
  }
  func.func @transform_3(%arg0: i32) -> i32 {
    %c0_i32 = arith.constant 0 : i32
    %c0_i32_0 = arith.constant 0 : i32
    return %c0_i32 : i32
  }
  func.func @transform_4(%arg0: i32) -> i32 {
    %c0_i32 = arith.constant 0 : i32
    %c0_i32_0 = arith.constant 0 : i32
    return %c0_i32 : i32
  }
  func.func @transform_5(%arg0: i32) -> i32 {
    %c0_i32 = arith.constant 0 : i32
    %c0_i32_0 = arith.constant 0 : i32
    return %c0_i32 : i32
  }
  func.func @transform_6(%arg0: i32) -> (i32, i32) {
    %c0_i32 = arith.constant 0 : i32
    %c0_i32_0 = arith.constant 0 : i32
    %c0_i32_1 = arith.constant 0 : i32
    return %c0_i32, %c0_i32_0 : i32, i32
  }
  func.func @transform_7(%arg0: i32) -> (i32, i32, i32) {
    %c0_i32 = arith.constant 0 : i32
    %c0_i32_0 = arith.constant 0 : i32
    %c0_i32_1 = arith.constant 0 : i32
    return %c0_i32, %arg0, %c0_i32_0 : i32, i32, i32
  }
}

module attributes {stable_mosaic.version = 14 : i64} {
  func.func @body(%arg0: i32, %arg1: memref<2x400x64xf32, #tpu.memory_space<vmem>>, %arg2: memref<2x400x64xf32, #tpu.memory_space<vmem>>, %arg3: memref<400x1xf32, #tpu.memory_space<vmem>>, %arg4: memref<128xf32, #tpu.memory_space<vmem>>, %arg5: memref<128xf32, #tpu.memory_space<vmem>>, %arg6: memref<128xf32, #tpu.memory_space<vmem>>, %arg7: memref<128x128xf32, #tpu.memory_space<vmem>>, %arg8: memref<128xf32, #tpu.memory_space<vmem>>, %arg9: memref<400x128xf32, #tpu.memory_space<vmem>>, %arg10: memref<2x400x64xf32, #tpu.memory_space<vmem>>, %arg11: memref<400x128xf32, #tpu.memory_space<vmem>>) attributes {dimension_semantics = [#tpu.dimension_semantics<arbitrary>], iteration_bounds = array<i64: 25>, scalar_prefetch = 0 : i64, scratch_operands = 0 : i64, tpu.core_type = #tpu.core_type<tc>, window_params = [{transform_indices = @transform_0, window_bounds = array<i64: 2, 400, 64>}, {transform_indices = @transform_1, window_bounds = array<i64: 2, 400, 64>}, {transform_indices = @transform_2, window_bounds = array<i64: 400, 1>}, {pipeline_mode = #tpu.pipeline_mode<synchronous>, transform_indices = @transform_3, window_bounds = array<i64: 128>}, {pipeline_mode = #tpu.pipeline_mode<synchronous>, transform_indices = @transform_4, window_bounds = array<i64: 128>}, {pipeline_mode = #tpu.pipeline_mode<synchronous>, transform_indices = @transform_5, window_bounds = array<i64: 128>}, {pipeline_mode = #tpu.pipeline_mode<synchronous>, transform_indices = @transform_6, window_bounds = array<i64: 128, 128>}, {pipeline_mode = #tpu.pipeline_mode<synchronous>, transform_indices = @transform_7, window_bounds = array<i64: 128>}, {transform_indices = @transform_8, window_bounds = array<i64: 400, 128>}, {transform_indices = @transform_9, window_bounds = array<i64: 2, 400, 64>}, {transform_indices = @transform_10, window_bounds = array<i64: 400, 128>}]} {
    %get3A = arith.constant 0 : index
    %get3A_0 = arith.constant 0 : index
    %get3A_1 = vector.load %arg3[%get3A, %get3A_0] : memref<400x1xf32, #tpu.memory_space<vmem>>, vector<400x1xf32>
    %get3A_2 = arith.constant 0 : index
    %get3A_3 = arith.constant 0 : index
    %get3A_4 = arith.constant 0 : index
    %get3A_5 = vector.load %arg1[%get3A_2, %get3A_3, %get3A_4] : memref<2x400x64xf32, #tpu.memory_space<vmem>>, vector<1x400x64xf32>
    %get3A_6 = vector.shape_cast %get3A_5 : vector<1x400x64xf32> to vector<400x64xf32>
    %get3A_7 = arith.constant 1 : index
    %get3A_8 = arith.constant 0 : index
    %get3A_9 = arith.constant 0 : index
    %get3A_10 = vector.load %arg1[%get3A_7, %get3A_8, %get3A_9] : memref<2x400x64xf32, #tpu.memory_space<vmem>>, vector<1x400x64xf32>
    %get3A_11 = vector.shape_cast %get3A_10 : vector<1x400x64xf32> to vector<400x64xf32>
    %concatenate3A = tpu.concatenate %get3A_6, %get3A_11 in 1 : vector<400x64xf32>, vector<400x64xf32> -> vector<400x128xf32>
    %get3A_12 = arith.constant 0 : index
    %get3A_13 = arith.constant 0 : index
    %get3A_14 = arith.constant 0 : index
    %get3A_15 = vector.load %arg2[%get3A_12, %get3A_13, %get3A_14] : memref<2x400x64xf32, #tpu.memory_space<vmem>>, vector<1x400x64xf32>
    %get3A_16 = vector.shape_cast %get3A_15 : vector<1x400x64xf32> to vector<400x64xf32>
    %get3A_17 = arith.constant 1 : index
    %get3A_18 = arith.constant 0 : index
    %get3A_19 = arith.constant 0 : index
    %get3A_20 = vector.load %arg2[%get3A_17, %get3A_18, %get3A_19] : memref<2x400x64xf32, #tpu.memory_space<vmem>>, vector<1x400x64xf32>
    %get3A_21 = vector.shape_cast %get3A_20 : vector<1x400x64xf32> to vector<400x64xf32>
    %concatenate3A_22 = tpu.concatenate %get3A_16, %get3A_21 in 1 : vector<400x64xf32>, vector<400x64xf32> -> vector<400x128xf32>
    %add3A = arith.addf %concatenate3A, %concatenate3A_22 : vector<400x128xf32>
    %mul3A = vector.broadcast %get3A_1 : vector<400x1xf32> to vector<400x128xf32>
    %mul3A_23 = arith.mulf %add3A, %mul3A : vector<400x128xf32>
    %get3A_24 = arith.constant 0 : index
    %get3A_25 = vector.load %arg4[%get3A_24] : memref<128xf32, #tpu.memory_space<vmem>>, vector<128xf32>
    %broadcast_in_dim3A = vector.shape_cast %get3A_25 : vector<128xf32> to vector<1x128xf32>
    %add3A_26 = vector.broadcast %broadcast_in_dim3A : vector<1x128xf32> to vector<400x128xf32>
    %add3A_27 = arith.addf %mul3A_23, %add3A_26 : vector<400x128xf32>
    %gt3A = arith.constant 0.000000e+00 : f32
    %gt3A_28 = vector.broadcast %gt3A : f32 to vector<400x128xf32>
    %gt3A_29 = arith.cmpf ogt, %add3A_27, %gt3A_28 : vector<400x128xf32>
    %min3A = arith.constant 0.000000e+00 : f32
    %min3A_30 = vector.broadcast %min3A : f32 to vector<400x128xf32>
    %min3A_31 = arith.minimumf %add3A_27, %min3A_30 : vector<400x128xf32>
    %exp3A = math.exp %min3A_31 : vector<400x128xf32>
    %sub3A = arith.constant 1.000000e+00 : f32
    %sub3A_32 = vector.broadcast %sub3A : f32 to vector<400x128xf32>
    %sub3A_33 = arith.subf %exp3A, %sub3A_32 : vector<400x128xf32>
    %select_n3A = arith.select %gt3A_29, %add3A_27, %sub3A_33 : vector<400x128xi1>, vector<400x128xf32>
    %get3A_34 = arith.constant 0 : index
    %get3A_35 = vector.load %arg5[%get3A_34] : memref<128xf32, #tpu.memory_space<vmem>>, vector<128xf32>
    %get3A_36 = arith.constant 0 : index
    %get3A_37 = vector.load %arg6[%get3A_36] : memref<128xf32, #tpu.memory_space<vmem>>, vector<128xf32>
    %reduce_sum3A = arith.constant dense<0.000000e+00> : vector<400xf32>
    %reduce_sum3A_38 = vector.multi_reduction <add>, %select_n3A, %reduce_sum3A [1] : vector<400x128xf32> to vector<400xf32>
    %broadcast_in_dim3A_39 = vector.shape_cast %reduce_sum3A_38 : vector<400xf32> to vector<400x1xf32>
    %div3A = arith.constant 1.280000e+02 : f32
    %div3A_40 = vector.broadcast %div3A : f32 to vector<400x1xf32>
    %div3A_41 = arith.divf %broadcast_in_dim3A_39, %div3A_40 : vector<400x1xf32>
    %sub3A_42 = vector.broadcast %div3A_41 : vector<400x1xf32> to vector<400x128xf32>
    %sub3A_43 = arith.subf %select_n3A, %sub3A_42 : vector<400x128xf32>
    %integer_pow3A = arith.mulf %sub3A_43, %sub3A_43 : vector<400x128xf32>
    %reduce_sum3A_44 = arith.constant dense<0.000000e+00> : vector<400xf32>
    %reduce_sum3A_45 = vector.multi_reduction <add>, %integer_pow3A, %reduce_sum3A_44 [1] : vector<400x128xf32> to vector<400xf32>
    %broadcast_in_dim3A_46 = vector.shape_cast %reduce_sum3A_45 : vector<400xf32> to vector<400x1xf32>
    %div3A_47 = arith.constant 1.280000e+02 : f32
    %div3A_48 = vector.broadcast %div3A_47 : f32 to vector<400x1xf32>
    %div3A_49 = arith.divf %broadcast_in_dim3A_46, %div3A_48 : vector<400x1xf32>
    %sub3A_50 = vector.broadcast %div3A_41 : vector<400x1xf32> to vector<400x128xf32>
    %sub3A_51 = arith.subf %select_n3A, %sub3A_50 : vector<400x128xf32>
    %add3A_52 = arith.constant 9.99999974E-6 : f32
    %add3A_53 = vector.broadcast %add3A_52 : f32 to vector<400x1xf32>
    %add3A_54 = arith.addf %div3A_49, %add3A_53 : vector<400x1xf32>
    %rsqrt3A = math.rsqrt %add3A_54 : vector<400x1xf32>
    %mul3A_55 = vector.broadcast %rsqrt3A : vector<400x1xf32> to vector<400x128xf32>
    %mul3A_56 = arith.mulf %sub3A_51, %mul3A_55 : vector<400x128xf32>
    %broadcast_in_dim3A_57 = vector.shape_cast %get3A_35 : vector<128xf32> to vector<1x128xf32>
    %mul3A_58 = vector.broadcast %broadcast_in_dim3A_57 : vector<1x128xf32> to vector<400x128xf32>
    %mul3A_59 = arith.mulf %mul3A_56, %mul3A_58 : vector<400x128xf32>
    %broadcast_in_dim3A_60 = vector.shape_cast %get3A_37 : vector<128xf32> to vector<1x128xf32>
    %add3A_61 = vector.broadcast %broadcast_in_dim3A_60 : vector<1x128xf32> to vector<400x128xf32>
    %add3A_62 = arith.addf %mul3A_59, %add3A_61 : vector<400x128xf32>
    %swap3A = arith.constant 0 : index
    %swap3A_63 = arith.constant 0 : index
    %swap3A_64 = vector.load %arg9[%swap3A, %swap3A_63] : memref<400x128xf32, #tpu.memory_space<vmem>>, vector<400x128xf32>
    tpu.vector_store %arg9[%swap3A, %swap3A_63], %add3A_62 {strides = array<i32>} : memref<400x128xf32, #tpu.memory_space<vmem>>, vector<400x128xf32>,
    %mul3A_65 = vector.broadcast %get3A_1 : vector<400x1xf32> to vector<400x128xf32>
    %mul3A_66 = arith.mulf %add3A_62, %mul3A_65 : vector<400x128xf32>
    %slice3A = vector.extract_strided_slice %mul3A_66 {offsets = [0, 0], sizes = [400, 64], strides = [1, 1]} : vector<400x128xf32> to vector<400x64xf32>
    %swap3A_67 = arith.constant 0 : index
    %swap3A_68 = arith.constant 0 : index
    %swap3A_69 = arith.constant 0 : index
    %swap3A_70 = vector.load %arg10[%swap3A_67, %swap3A_68, %swap3A_69] : memref<2x400x64xf32, #tpu.memory_space<vmem>>, vector<1x400x64xf32>
    %swap3A_71 = vector.shape_cast %swap3A_70 : vector<1x400x64xf32> to vector<400x64xf32>
    %swap3A_72 = vector.shape_cast %slice3A : vector<400x64xf32> to vector<1x400x64xf32>
    tpu.vector_store %arg10[%swap3A_67, %swap3A_68, %swap3A_69], %swap3A_72 {strides = array<i32>} : memref<2x400x64xf32, #tpu.memory_space<vmem>>, vector<1x400x64xf32>,
    %slice3A_73 = vector.extract_strided_slice %mul3A_66 {offsets = [0, 64], sizes = [400, 64], strides = [1, 1]} : vector<400x128xf32> to vector<400x64xf32>
    %swap3A_74 = arith.constant 1 : index
    %swap3A_75 = arith.constant 0 : index
    %swap3A_76 = arith.constant 0 : index
    %swap3A_77 = vector.load %arg10[%swap3A_74, %swap3A_75, %swap3A_76] : memref<2x400x64xf32, #tpu.memory_space<vmem>>, vector<1x400x64xf32>
    %swap3A_78 = vector.shape_cast %swap3A_77 : vector<1x400x64xf32> to vector<400x64xf32>
    %swap3A_79 = vector.shape_cast %slice3A_73 : vector<400x64xf32> to vector<1x400x64xf32>
    tpu.vector_store %arg10[%swap3A_74, %swap3A_75, %swap3A_76], %swap3A_79 {strides = array<i32>} : memref<2x400x64xf32, #tpu.memory_space<vmem>>, vector<1x400x64xf32>,
    %get3A_80 = arith.constant 0 : index
    %get3A_81 = arith.constant 0 : index
    %get3A_82 = vector.load %arg7[%get3A_80, %get3A_81] : memref<128x128xf32, #tpu.memory_space<vmem>>, vector<128x128xf32>
    %dot_general3A = arith.constant dense<0.000000e+00> : vector<400x128xf32>
    %dot_general3A_83 = tpu.matmul %add3A_62, %get3A_82, %dot_general3A {dimension_numbers = #tpu.dot_dimension_numbers<[1], [0], [0], [1], [0, 0, 1, 1], [], []>, precision = #tpu.contract_precision<fp32>, transpose_lhs_hint = false} : vector<400x128xf32>, vector<128x128xf32>, vector<400x128xf32> -> vector<400x128xf32>
    %get3A_84 = arith.constant 0 : index
    %get3A_85 = vector.load %arg8[%get3A_84] : memref<128xf32, #tpu.memory_space<vmem>>, vector<128xf32>
    %broadcast_in_dim3A_86 = vector.shape_cast %get3A_85 : vector<128xf32> to vector<1x128xf32>
    %add3A_87 = vector.broadcast %broadcast_in_dim3A_86 : vector<1x128xf32> to vector<400x128xf32>
    %add3A_88 = arith.addf %dot_general3A_83, %add3A_87 : vector<400x128xf32>
    %swap3A_89 = arith.constant 0 : index
    %swap3A_90 = arith.constant 0 : index
    %swap3A_91 = vector.load %arg11[%swap3A_89, %swap3A_90] : memref<400x128xf32, #tpu.memory_space<vmem>>, vector<400x128xf32>
    tpu.vector_store %arg11[%swap3A_89, %swap3A_90], %add3A_88 {strides = array<i32>} : memref<400x128xf32, #tpu.memory_space<vmem>>, vector<400x128xf32>,
    return
  }
  func.func @transform_0(%arg0: i32) -> (i32, i32, i32) {
    %c0_i32 = arith.constant 0 : i32
    %c0_i32_0 = arith.constant 0 : i32
    %c0_i32_1 = arith.constant 0 : i32
    return %c0_i32, %arg0, %c0_i32_0 : i32, i32, i32
  }
  func.func @transform_1(%arg0: i32) -> (i32, i32, i32) {
    %c0_i32 = arith.constant 0 : i32
    %c0_i32_0 = arith.constant 0 : i32
    %c0_i32_1 = arith.constant 0 : i32
    return %c0_i32, %arg0, %c0_i32_0 : i32, i32, i32
  }
  func.func @transform_2(%arg0: i32) -> (i32, i32) {
    %c0_i32 = arith.constant 0 : i32
    %c0_i32_0 = arith.constant 0 : i32
    return %arg0, %c0_i32 : i32, i32
  }
  func.func @transform_3(%arg0: i32) -> i32 {
    %c0_i32 = arith.constant 0 : i32
    %c0_i32_0 = arith.constant 0 : i32
    return %c0_i32 : i32
  }
  func.func @transform_4(%arg0: i32) -> i32 {
    %c0_i32 = arith.constant 0 : i32
    %c0_i32_0 = arith.constant 0 : i32
    return %c0_i32 : i32
  }
  func.func @transform_5(%arg0: i32) -> i32 {
    %c0_i32 = arith.constant 0 : i32
    %c0_i32_0 = arith.constant 0 : i32
    return %c0_i32 : i32
  }
  func.func @transform_6(%arg0: i32) -> (i32, i32) {
    %c0_i32 = arith.constant 0 : i32
    %c0_i32_0 = arith.constant 0 : i32
    %c0_i32_1 = arith.constant 0 : i32
    return %c0_i32, %c0_i32_0 : i32, i32
  }
  func.func @transform_7(%arg0: i32) -> i32 {
    %c0_i32 = arith.constant 0 : i32
    %c0_i32_0 = arith.constant 0 : i32
    return %c0_i32 : i32
  }
  func.func @transform_8(%arg0: i32) -> (i32, i32) {
    %c0_i32 = arith.constant 0 : i32
    %c0_i32_0 = arith.constant 0 : i32
    return %arg0, %c0_i32 : i32, i32
  }
  func.func @transform_9(%arg0: i32) -> (i32, i32, i32) {
    %c0_i32 = arith.constant 0 : i32
    %c0_i32_0 = arith.constant 0 : i32
    %c0_i32_1 = arith.constant 0 : i32
    return %c0_i32, %arg0, %c0_i32_0 : i32, i32, i32
  }
  func.func @transform_10(%arg0: i32) -> (i32, i32) {
    %c0_i32 = arith.constant 0 : i32
    %c0_i32_0 = arith.constant 0 : i32
    return %arg0, %c0_i32 : i32, i32
  }
}

module attributes {stable_mosaic.version = 14 : i64} {
  func.func @body(%arg0: i32, %arg1: memref<2x400x64xf32, #tpu.memory_space<vmem>>, %arg2: memref<2x400x64xf32, #tpu.memory_space<vmem>>, %arg3: memref<400x1xf32, #tpu.memory_space<vmem>>, %arg4: memref<128x256xf32, #tpu.memory_space<vmem>>, %arg5: memref<256xf32, #tpu.memory_space<vmem>>, %arg6: memref<256xf32, #tpu.memory_space<vmem>>, %arg7: memref<256xf32, #tpu.memory_space<vmem>>, %arg8: memref<256x256xf32, #tpu.memory_space<vmem>>, %arg9: memref<4x400x64xf32, #tpu.memory_space<vmem>>) attributes {dimension_semantics = [#tpu.dimension_semantics<arbitrary>], iteration_bounds = array<i64: 25>, scalar_prefetch = 0 : i64, scratch_operands = 0 : i64, tpu.core_type = #tpu.core_type<tc>, window_params = [{transform_indices = @transform_0, window_bounds = array<i64: 2, 400, 64>}, {transform_indices = @transform_1, window_bounds = array<i64: 2, 400, 64>}, {transform_indices = @transform_2, window_bounds = array<i64: 400, 1>}, {pipeline_mode = #tpu.pipeline_mode<synchronous>, transform_indices = @transform_3, window_bounds = array<i64: 128, 256>}, {pipeline_mode = #tpu.pipeline_mode<synchronous>, transform_indices = @transform_4, window_bounds = array<i64: 256>}, {pipeline_mode = #tpu.pipeline_mode<synchronous>, transform_indices = @transform_5, window_bounds = array<i64: 256>}, {pipeline_mode = #tpu.pipeline_mode<synchronous>, transform_indices = @transform_6, window_bounds = array<i64: 256>}, {pipeline_mode = #tpu.pipeline_mode<synchronous>, transform_indices = @transform_7, window_bounds = array<i64: 256, 256>}, {transform_indices = @transform_8, window_bounds = array<i64: 4, 400, 64>}]} {
    %get3A = arith.constant 0 : index
    %get3A_0 = arith.constant 0 : index
    %get3A_1 = vector.load %arg3[%get3A, %get3A_0] : memref<400x1xf32, #tpu.memory_space<vmem>>, vector<400x1xf32>
    %get3A_2 = arith.constant 0 : index
    %get3A_3 = arith.constant 0 : index
    %get3A_4 = arith.constant 0 : index
    %get3A_5 = vector.load %arg1[%get3A_2, %get3A_3, %get3A_4] : memref<2x400x64xf32, #tpu.memory_space<vmem>>, vector<1x400x64xf32>
    %get3A_6 = vector.shape_cast %get3A_5 : vector<1x400x64xf32> to vector<400x64xf32>
    %get3A_7 = arith.constant 1 : index
    %get3A_8 = arith.constant 0 : index
    %get3A_9 = arith.constant 0 : index
    %get3A_10 = vector.load %arg1[%get3A_7, %get3A_8, %get3A_9] : memref<2x400x64xf32, #tpu.memory_space<vmem>>, vector<1x400x64xf32>
    %get3A_11 = vector.shape_cast %get3A_10 : vector<1x400x64xf32> to vector<400x64xf32>
    %concatenate3A = tpu.concatenate %get3A_6, %get3A_11 in 1 : vector<400x64xf32>, vector<400x64xf32> -> vector<400x128xf32>
    %get3A_12 = arith.constant 0 : index
    %get3A_13 = arith.constant 0 : index
    %get3A_14 = arith.constant 0 : index
    %get3A_15 = vector.load %arg2[%get3A_12, %get3A_13, %get3A_14] : memref<2x400x64xf32, #tpu.memory_space<vmem>>, vector<1x400x64xf32>
    %get3A_16 = vector.shape_cast %get3A_15 : vector<1x400x64xf32> to vector<400x64xf32>
    %get3A_17 = arith.constant 1 : index
    %get3A_18 = arith.constant 0 : index
    %get3A_19 = arith.constant 0 : index
    %get3A_20 = vector.load %arg2[%get3A_17, %get3A_18, %get3A_19] : memref<2x400x64xf32, #tpu.memory_space<vmem>>, vector<1x400x64xf32>
    %get3A_21 = vector.shape_cast %get3A_20 : vector<1x400x64xf32> to vector<400x64xf32>
    %concatenate3A_22 = tpu.concatenate %get3A_16, %get3A_21 in 1 : vector<400x64xf32>, vector<400x64xf32> -> vector<400x128xf32>
    %add3A = arith.addf %concatenate3A, %concatenate3A_22 : vector<400x128xf32>
    %mul3A = vector.broadcast %get3A_1 : vector<400x1xf32> to vector<400x128xf32>
    %mul3A_23 = arith.mulf %add3A, %mul3A : vector<400x128xf32>
    %get3A_24 = arith.constant 0 : index
    %get3A_25 = arith.constant 0 : index
    %get3A_26 = vector.load %arg4[%get3A_24, %get3A_25] : memref<128x256xf32, #tpu.memory_space<vmem>>, vector<128x256xf32>
    %dot_general3A = arith.constant dense<0.000000e+00> : vector<400x256xf32>
    %dot_general3A_27 = tpu.matmul %mul3A_23, %get3A_26, %dot_general3A {dimension_numbers = #tpu.dot_dimension_numbers<[1], [0], [0], [1], [0, 0, 1, 1], [], []>, precision = #tpu.contract_precision<fp32>, transpose_lhs_hint = false} : vector<400x128xf32>, vector<128x256xf32>, vector<400x256xf32> -> vector<400x256xf32>
    %get3A_28 = arith.constant 0 : index
    %get3A_29 = vector.load %arg5[%get3A_28] : memref<256xf32, #tpu.memory_space<vmem>>, vector<256xf32>
    %broadcast_in_dim3A = vector.shape_cast %get3A_29 : vector<256xf32> to vector<1x256xf32>
    %add3A_30 = vector.broadcast %broadcast_in_dim3A : vector<1x256xf32> to vector<400x256xf32>
    %add3A_31 = arith.addf %dot_general3A_27, %add3A_30 : vector<400x256xf32>
    %gt3A = arith.constant 0.000000e+00 : f32
    %gt3A_32 = vector.broadcast %gt3A : f32 to vector<400x256xf32>
    %gt3A_33 = arith.cmpf ogt, %add3A_31, %gt3A_32 : vector<400x256xf32>
    %min3A = arith.constant 0.000000e+00 : f32
    %min3A_34 = vector.broadcast %min3A : f32 to vector<400x256xf32>
    %min3A_35 = arith.minimumf %add3A_31, %min3A_34 : vector<400x256xf32>
    %exp3A = math.exp %min3A_35 : vector<400x256xf32>
    %sub3A = arith.constant 1.000000e+00 : f32
    %sub3A_36 = vector.broadcast %sub3A : f32 to vector<400x256xf32>
    %sub3A_37 = arith.subf %exp3A, %sub3A_36 : vector<400x256xf32>
    %select_n3A = arith.select %gt3A_33, %add3A_31, %sub3A_37 : vector<400x256xi1>, vector<400x256xf32>
    %get3A_38 = arith.constant 0 : index
    %get3A_39 = vector.load %arg6[%get3A_38] : memref<256xf32, #tpu.memory_space<vmem>>, vector<256xf32>
    %get3A_40 = arith.constant 0 : index
    %get3A_41 = vector.load %arg7[%get3A_40] : memref<256xf32, #tpu.memory_space<vmem>>, vector<256xf32>
    %reduce_sum3A = arith.constant dense<0.000000e+00> : vector<400xf32>
    %reduce_sum3A_42 = vector.multi_reduction <add>, %select_n3A, %reduce_sum3A [1] : vector<400x256xf32> to vector<400xf32>
    %broadcast_in_dim3A_43 = vector.shape_cast %reduce_sum3A_42 : vector<400xf32> to vector<400x1xf32>
    %div3A = arith.constant 2.560000e+02 : f32
    %div3A_44 = vector.broadcast %div3A : f32 to vector<400x1xf32>
    %div3A_45 = arith.divf %broadcast_in_dim3A_43, %div3A_44 : vector<400x1xf32>
    %sub3A_46 = vector.broadcast %div3A_45 : vector<400x1xf32> to vector<400x256xf32>
    %sub3A_47 = arith.subf %select_n3A, %sub3A_46 : vector<400x256xf32>
    %integer_pow3A = arith.mulf %sub3A_47, %sub3A_47 : vector<400x256xf32>
    %reduce_sum3A_48 = arith.constant dense<0.000000e+00> : vector<400xf32>
    %reduce_sum3A_49 = vector.multi_reduction <add>, %integer_pow3A, %reduce_sum3A_48 [1] : vector<400x256xf32> to vector<400xf32>
    %broadcast_in_dim3A_50 = vector.shape_cast %reduce_sum3A_49 : vector<400xf32> to vector<400x1xf32>
    %div3A_51 = arith.constant 2.560000e+02 : f32
    %div3A_52 = vector.broadcast %div3A_51 : f32 to vector<400x1xf32>
    %div3A_53 = arith.divf %broadcast_in_dim3A_50, %div3A_52 : vector<400x1xf32>
    %sub3A_54 = vector.broadcast %div3A_45 : vector<400x1xf32> to vector<400x256xf32>
    %sub3A_55 = arith.subf %select_n3A, %sub3A_54 : vector<400x256xf32>
    %add3A_56 = arith.constant 9.99999974E-6 : f32
    %add3A_57 = vector.broadcast %add3A_56 : f32 to vector<400x1xf32>
    %add3A_58 = arith.addf %div3A_53, %add3A_57 : vector<400x1xf32>
    %rsqrt3A = math.rsqrt %add3A_58 : vector<400x1xf32>
    %mul3A_59 = vector.broadcast %rsqrt3A : vector<400x1xf32> to vector<400x256xf32>
    %mul3A_60 = arith.mulf %sub3A_55, %mul3A_59 : vector<400x256xf32>
    %broadcast_in_dim3A_61 = vector.shape_cast %get3A_39 : vector<256xf32> to vector<1x256xf32>
    %mul3A_62 = vector.broadcast %broadcast_in_dim3A_61 : vector<1x256xf32> to vector<400x256xf32>
    %mul3A_63 = arith.mulf %mul3A_60, %mul3A_62 : vector<400x256xf32>
    %broadcast_in_dim3A_64 = vector.shape_cast %get3A_41 : vector<256xf32> to vector<1x256xf32>
    %add3A_65 = vector.broadcast %broadcast_in_dim3A_64 : vector<1x256xf32> to vector<400x256xf32>
    %add3A_66 = arith.addf %mul3A_63, %add3A_65 : vector<400x256xf32>
    %get3A_67 = arith.constant 0 : index
    %get3A_68 = arith.constant 0 : index
    %get3A_69 = vector.load %arg8[%get3A_67, %get3A_68] : memref<256x256xf32, #tpu.memory_space<vmem>>, vector<256x256xf32>
    %dot_general3A_70 = arith.constant dense<0.000000e+00> : vector<400x256xf32>
    %dot_general3A_71 = tpu.matmul %add3A_66, %get3A_69, %dot_general3A_70 {dimension_numbers = #tpu.dot_dimension_numbers<[1], [0], [0], [1], [0, 0, 1, 1], [], []>, precision = #tpu.contract_precision<fp32>, transpose_lhs_hint = false} : vector<400x256xf32>, vector<256x256xf32>, vector<400x256xf32> -> vector<400x256xf32>
    %mul3A_72 = vector.broadcast %get3A_1 : vector<400x1xf32> to vector<400x256xf32>
    %mul3A_73 = arith.mulf %dot_general3A_71, %mul3A_72 : vector<400x256xf32>
    %slice3A = vector.extract_strided_slice %mul3A_73 {offsets = [0, 0], sizes = [400, 64], strides = [1, 1]} : vector<400x256xf32> to vector<400x64xf32>
    %swap3A = arith.constant 0 : index
    %swap3A_74 = arith.constant 0 : index
    %swap3A_75 = arith.constant 0 : index
    %swap3A_76 = vector.load %arg9[%swap3A, %swap3A_74, %swap3A_75] : memref<4x400x64xf32, #tpu.memory_space<vmem>>, vector<1x400x64xf32>
    %swap3A_77 = vector.shape_cast %swap3A_76 : vector<1x400x64xf32> to vector<400x64xf32>
    %swap3A_78 = vector.shape_cast %slice3A : vector<400x64xf32> to vector<1x400x64xf32>
    tpu.vector_store %arg9[%swap3A, %swap3A_74, %swap3A_75], %swap3A_78 {strides = array<i32>} : memref<4x400x64xf32, #tpu.memory_space<vmem>>, vector<1x400x64xf32>,
    %slice3A_79 = vector.extract_strided_slice %mul3A_73 {offsets = [0, 64], sizes = [400, 64], strides = [1, 1]} : vector<400x256xf32> to vector<400x64xf32>
    %swap3A_80 = arith.constant 1 : index
    %swap3A_81 = arith.constant 0 : index
    %swap3A_82 = arith.constant 0 : index
    %swap3A_83 = vector.load %arg9[%swap3A_80, %swap3A_81, %swap3A_82] : memref<4x400x64xf32, #tpu.memory_space<vmem>>, vector<1x400x64xf32>
    %swap3A_84 = vector.shape_cast %swap3A_83 : vector<1x400x64xf32> to vector<400x64xf32>
    %swap3A_85 = vector.shape_cast %slice3A_79 : vector<400x64xf32> to vector<1x400x64xf32>
    tpu.vector_store %arg9[%swap3A_80, %swap3A_81, %swap3A_82], %swap3A_85 {strides = array<i32>} : memref<4x400x64xf32, #tpu.memory_space<vmem>>, vector<1x400x64xf32>,
    %slice3A_86 = vector.extract_strided_slice %mul3A_73 {offsets = [0, 128], sizes = [400, 64], strides = [1, 1]} : vector<400x256xf32> to vector<400x64xf32>
    %swap3A_87 = arith.constant 2 : index
    %swap3A_88 = arith.constant 0 : index
    %swap3A_89 = arith.constant 0 : index
    %swap3A_90 = vector.load %arg9[%swap3A_87, %swap3A_88, %swap3A_89] : memref<4x400x64xf32, #tpu.memory_space<vmem>>, vector<1x400x64xf32>
    %swap3A_91 = vector.shape_cast %swap3A_90 : vector<1x400x64xf32> to vector<400x64xf32>
    %swap3A_92 = vector.shape_cast %slice3A_86 : vector<400x64xf32> to vector<1x400x64xf32>
    tpu.vector_store %arg9[%swap3A_87, %swap3A_88, %swap3A_89], %swap3A_92 {strides = array<i32>} : memref<4x400x64xf32, #tpu.memory_space<vmem>>, vector<1x400x64xf32>,
    %slice3A_93 = vector.extract_strided_slice %mul3A_73 {offsets = [0, 192], sizes = [400, 64], strides = [1, 1]} : vector<400x256xf32> to vector<400x64xf32>
    %swap3A_94 = arith.constant 3 : index
    %swap3A_95 = arith.constant 0 : index
    %swap3A_96 = arith.constant 0 : index
    %swap3A_97 = vector.load %arg9[%swap3A_94, %swap3A_95, %swap3A_96] : memref<4x400x64xf32, #tpu.memory_space<vmem>>, vector<1x400x64xf32>
    %swap3A_98 = vector.shape_cast %swap3A_97 : vector<1x400x64xf32> to vector<400x64xf32>
    %swap3A_99 = vector.shape_cast %slice3A_93 : vector<400x64xf32> to vector<1x400x64xf32>
    tpu.vector_store %arg9[%swap3A_94, %swap3A_95, %swap3A_96], %swap3A_99 {strides = array<i32>} : memref<4x400x64xf32, #tpu.memory_space<vmem>>, vector<1x400x64xf32>,
    return
  }
  func.func @transform_0(%arg0: i32) -> (i32, i32, i32) {
    %c0_i32 = arith.constant 0 : i32
    %c0_i32_0 = arith.constant 0 : i32
    %c0_i32_1 = arith.constant 0 : i32
    return %c0_i32, %arg0, %c0_i32_0 : i32, i32, i32
  }
  func.func @transform_1(%arg0: i32) -> (i32, i32, i32) {
    %c0_i32 = arith.constant 0 : i32
    %c0_i32_0 = arith.constant 0 : i32
    %c0_i32_1 = arith.constant 0 : i32
    return %c0_i32, %arg0, %c0_i32_0 : i32, i32, i32
  }
  func.func @transform_2(%arg0: i32) -> (i32, i32) {
    %c0_i32 = arith.constant 0 : i32
    %c0_i32_0 = arith.constant 0 : i32
    return %arg0, %c0_i32 : i32, i32
  }
  func.func @transform_3(%arg0: i32) -> (i32, i32) {
    %c0_i32 = arith.constant 0 : i32
    %c0_i32_0 = arith.constant 0 : i32
    %c0_i32_1 = arith.constant 0 : i32
    return %c0_i32, %c0_i32_0 : i32, i32
  }
  func.func @transform_4(%arg0: i32) -> i32 {
    %c0_i32 = arith.constant 0 : i32
    %c0_i32_0 = arith.constant 0 : i32
    return %c0_i32 : i32
  }
  func.func @transform_5(%arg0: i32) -> i32 {
    %c0_i32 = arith.constant 0 : i32
    %c0_i32_0 = arith.constant 0 : i32
    return %c0_i32 : i32
  }
  func.func @transform_6(%arg0: i32) -> i32 {
    %c0_i32 = arith.constant 0 : i32
    %c0_i32_0 = arith.constant 0 : i32
    return %c0_i32 : i32
  }
  func.func @transform_7(%arg0: i32) -> (i32, i32) {
    %c0_i32 = arith.constant 0 : i32
    %c0_i32_0 = arith.constant 0 : i32
    %c0_i32_1 = arith.constant 0 : i32
    return %c0_i32, %c0_i32_0 : i32, i32
  }
  func.func @transform_8(%arg0: i32) -> (i32, i32, i32) {
    %c0_i32 = arith.constant 0 : i32
    %c0_i32_0 = arith.constant 0 : i32
    %c0_i32_1 = arith.constant 0 : i32
    return %c0_i32, %arg0, %c0_i32_0 : i32, i32, i32
  }
}

module attributes {stable_mosaic.version = 14 : i64} {
  func.func @body(%arg0: i32, %arg1: memref<4x400x64xf32, #tpu.memory_space<vmem>>, %arg2: memref<4x400x64xf32, #tpu.memory_space<vmem>>, %arg3: memref<400x1xf32, #tpu.memory_space<vmem>>, %arg4: memref<256xf32, #tpu.memory_space<vmem>>, %arg5: memref<256xf32, #tpu.memory_space<vmem>>, %arg6: memref<256xf32, #tpu.memory_space<vmem>>, %arg7: memref<400x256xf32, #tpu.memory_space<vmem>>) attributes {dimension_semantics = [#tpu.dimension_semantics<arbitrary>], iteration_bounds = array<i64: 25>, scalar_prefetch = 0 : i64, scratch_operands = 0 : i64, tpu.core_type = #tpu.core_type<tc>, window_params = [{transform_indices = @transform_0, window_bounds = array<i64: 4, 400, 64>}, {transform_indices = @transform_1, window_bounds = array<i64: 4, 400, 64>}, {transform_indices = @transform_2, window_bounds = array<i64: 400, 1>}, {pipeline_mode = #tpu.pipeline_mode<synchronous>, transform_indices = @transform_3, window_bounds = array<i64: 256>}, {pipeline_mode = #tpu.pipeline_mode<synchronous>, transform_indices = @transform_4, window_bounds = array<i64: 256>}, {pipeline_mode = #tpu.pipeline_mode<synchronous>, transform_indices = @transform_5, window_bounds = array<i64: 256>}, {transform_indices = @transform_6, window_bounds = array<i64: 400, 256>}]} {
    %get3A = arith.constant 0 : index
    %get3A_0 = arith.constant 0 : index
    %get3A_1 = arith.constant 0 : index
    %get3A_2 = vector.load %arg1[%get3A, %get3A_0, %get3A_1] : memref<4x400x64xf32, #tpu.memory_space<vmem>>, vector<1x400x64xf32>
    %get3A_3 = vector.shape_cast %get3A_2 : vector<1x400x64xf32> to vector<400x64xf32>
    %get3A_4 = arith.constant 1 : index
    %get3A_5 = arith.constant 0 : index
    %get3A_6 = arith.constant 0 : index
    %get3A_7 = vector.load %arg1[%get3A_4, %get3A_5, %get3A_6] : memref<4x400x64xf32, #tpu.memory_space<vmem>>, vector<1x400x64xf32>
    %get3A_8 = vector.shape_cast %get3A_7 : vector<1x400x64xf32> to vector<400x64xf32>
    %get3A_9 = arith.constant 2 : index
    %get3A_10 = arith.constant 0 : index
    %get3A_11 = arith.constant 0 : index
    %get3A_12 = vector.load %arg1[%get3A_9, %get3A_10, %get3A_11] : memref<4x400x64xf32, #tpu.memory_space<vmem>>, vector<1x400x64xf32>
    %get3A_13 = vector.shape_cast %get3A_12 : vector<1x400x64xf32> to vector<400x64xf32>
    %get3A_14 = arith.constant 3 : index
    %get3A_15 = arith.constant 0 : index
    %get3A_16 = arith.constant 0 : index
    %get3A_17 = vector.load %arg1[%get3A_14, %get3A_15, %get3A_16] : memref<4x400x64xf32, #tpu.memory_space<vmem>>, vector<1x400x64xf32>
    %get3A_18 = vector.shape_cast %get3A_17 : vector<1x400x64xf32> to vector<400x64xf32>
    %concatenate3A = tpu.concatenate %get3A_3, %get3A_8, %get3A_13, %get3A_18 in 1 : vector<400x64xf32>, vector<400x64xf32>, vector<400x64xf32>, vector<400x64xf32> -> vector<400x256xf32>
    %get3A_19 = arith.constant 0 : index
    %get3A_20 = arith.constant 0 : index
    %get3A_21 = arith.constant 0 : index
    %get3A_22 = vector.load %arg2[%get3A_19, %get3A_20, %get3A_21] : memref<4x400x64xf32, #tpu.memory_space<vmem>>, vector<1x400x64xf32>
    %get3A_23 = vector.shape_cast %get3A_22 : vector<1x400x64xf32> to vector<400x64xf32>
    %get3A_24 = arith.constant 1 : index
    %get3A_25 = arith.constant 0 : index
    %get3A_26 = arith.constant 0 : index
    %get3A_27 = vector.load %arg2[%get3A_24, %get3A_25, %get3A_26] : memref<4x400x64xf32, #tpu.memory_space<vmem>>, vector<1x400x64xf32>
    %get3A_28 = vector.shape_cast %get3A_27 : vector<1x400x64xf32> to vector<400x64xf32>
    %get3A_29 = arith.constant 2 : index
    %get3A_30 = arith.constant 0 : index
    %get3A_31 = arith.constant 0 : index
    %get3A_32 = vector.load %arg2[%get3A_29, %get3A_30, %get3A_31] : memref<4x400x64xf32, #tpu.memory_space<vmem>>, vector<1x400x64xf32>
    %get3A_33 = vector.shape_cast %get3A_32 : vector<1x400x64xf32> to vector<400x64xf32>
    %get3A_34 = arith.constant 3 : index
    %get3A_35 = arith.constant 0 : index
    %get3A_36 = arith.constant 0 : index
    %get3A_37 = vector.load %arg2[%get3A_34, %get3A_35, %get3A_36] : memref<4x400x64xf32, #tpu.memory_space<vmem>>, vector<1x400x64xf32>
    %get3A_38 = vector.shape_cast %get3A_37 : vector<1x400x64xf32> to vector<400x64xf32>
    %concatenate3A_39 = tpu.concatenate %get3A_23, %get3A_28, %get3A_33, %get3A_38 in 1 : vector<400x64xf32>, vector<400x64xf32>, vector<400x64xf32>, vector<400x64xf32> -> vector<400x256xf32>
    %add3A = arith.addf %concatenate3A, %concatenate3A_39 : vector<400x256xf32>
    %get3A_40 = arith.constant 0 : index
    %get3A_41 = arith.constant 0 : index
    %get3A_42 = vector.load %arg3[%get3A_40, %get3A_41] : memref<400x1xf32, #tpu.memory_space<vmem>>, vector<400x1xf32>
    %mul3A = vector.broadcast %get3A_42 : vector<400x1xf32> to vector<400x256xf32>
    %mul3A_43 = arith.mulf %add3A, %mul3A : vector<400x256xf32>
    %get3A_44 = arith.constant 0 : index
    %get3A_45 = vector.load %arg4[%get3A_44] : memref<256xf32, #tpu.memory_space<vmem>>, vector<256xf32>
    %broadcast_in_dim3A = vector.shape_cast %get3A_45 : vector<256xf32> to vector<1x256xf32>
    %add3A_46 = vector.broadcast %broadcast_in_dim3A : vector<1x256xf32> to vector<400x256xf32>
    %add3A_47 = arith.addf %mul3A_43, %add3A_46 : vector<400x256xf32>
    %gt3A = arith.constant 0.000000e+00 : f32
    %gt3A_48 = vector.broadcast %gt3A : f32 to vector<400x256xf32>
    %gt3A_49 = arith.cmpf ogt, %add3A_47, %gt3A_48 : vector<400x256xf32>
    %min3A = arith.constant 0.000000e+00 : f32
    %min3A_50 = vector.broadcast %min3A : f32 to vector<400x256xf32>
    %min3A_51 = arith.minimumf %add3A_47, %min3A_50 : vector<400x256xf32>
    %exp3A = math.exp %min3A_51 : vector<400x256xf32>
    %sub3A = arith.constant 1.000000e+00 : f32
    %sub3A_52 = vector.broadcast %sub3A : f32 to vector<400x256xf32>
    %sub3A_53 = arith.subf %exp3A, %sub3A_52 : vector<400x256xf32>
    %select_n3A = arith.select %gt3A_49, %add3A_47, %sub3A_53 : vector<400x256xi1>, vector<400x256xf32>
    %get3A_54 = arith.constant 0 : index
    %get3A_55 = vector.load %arg5[%get3A_54] : memref<256xf32, #tpu.memory_space<vmem>>, vector<256xf32>
    %get3A_56 = arith.constant 0 : index
    %get3A_57 = vector.load %arg6[%get3A_56] : memref<256xf32, #tpu.memory_space<vmem>>, vector<256xf32>
    %reduce_sum3A = arith.constant dense<0.000000e+00> : vector<400xf32>
    %reduce_sum3A_58 = vector.multi_reduction <add>, %select_n3A, %reduce_sum3A [1] : vector<400x256xf32> to vector<400xf32>
    %broadcast_in_dim3A_59 = vector.shape_cast %reduce_sum3A_58 : vector<400xf32> to vector<400x1xf32>
    %div3A = arith.constant 2.560000e+02 : f32
    %div3A_60 = vector.broadcast %div3A : f32 to vector<400x1xf32>
    %div3A_61 = arith.divf %broadcast_in_dim3A_59, %div3A_60 : vector<400x1xf32>
    %sub3A_62 = vector.broadcast %div3A_61 : vector<400x1xf32> to vector<400x256xf32>
    %sub3A_63 = arith.subf %select_n3A, %sub3A_62 : vector<400x256xf32>
    %integer_pow3A = arith.mulf %sub3A_63, %sub3A_63 : vector<400x256xf32>
    %reduce_sum3A_64 = arith.constant dense<0.000000e+00> : vector<400xf32>
    %reduce_sum3A_65 = vector.multi_reduction <add>, %integer_pow3A, %reduce_sum3A_64 [1] : vector<400x256xf32> to vector<400xf32>
    %broadcast_in_dim3A_66 = vector.shape_cast %reduce_sum3A_65 : vector<400xf32> to vector<400x1xf32>
    %div3A_67 = arith.constant 2.560000e+02 : f32
    %div3A_68 = vector.broadcast %div3A_67 : f32 to vector<400x1xf32>
    %div3A_69 = arith.divf %broadcast_in_dim3A_66, %div3A_68 : vector<400x1xf32>
    %sub3A_70 = vector.broadcast %div3A_61 : vector<400x1xf32> to vector<400x256xf32>
    %sub3A_71 = arith.subf %select_n3A, %sub3A_70 : vector<400x256xf32>
    %add3A_72 = arith.constant 9.99999974E-6 : f32
    %add3A_73 = vector.broadcast %add3A_72 : f32 to vector<400x1xf32>
    %add3A_74 = arith.addf %div3A_69, %add3A_73 : vector<400x1xf32>
    %rsqrt3A = math.rsqrt %add3A_74 : vector<400x1xf32>
    %mul3A_75 = vector.broadcast %rsqrt3A : vector<400x1xf32> to vector<400x256xf32>
    %mul3A_76 = arith.mulf %sub3A_71, %mul3A_75 : vector<400x256xf32>
    %broadcast_in_dim3A_77 = vector.shape_cast %get3A_55 : vector<256xf32> to vector<1x256xf32>
    %mul3A_78 = vector.broadcast %broadcast_in_dim3A_77 : vector<1x256xf32> to vector<400x256xf32>
    %mul3A_79 = arith.mulf %mul3A_76, %mul3A_78 : vector<400x256xf32>
    %broadcast_in_dim3A_80 = vector.shape_cast %get3A_57 : vector<256xf32> to vector<1x256xf32>
    %add3A_81 = vector.broadcast %broadcast_in_dim3A_80 : vector<1x256xf32> to vector<400x256xf32>
    %add3A_82 = arith.addf %mul3A_79, %add3A_81 : vector<400x256xf32>
    %swap3A = arith.constant 0 : index
    %swap3A_83 = arith.constant 0 : index
    %swap3A_84 = vector.load %arg7[%swap3A, %swap3A_83] : memref<400x256xf32, #tpu.memory_space<vmem>>, vector<400x256xf32>
    tpu.vector_store %arg7[%swap3A, %swap3A_83], %add3A_82 {strides = array<i32>} : memref<400x256xf32, #tpu.memory_space<vmem>>, vector<400x256xf32>,
    return
  }
  func.func @transform_0(%arg0: i32) -> (i32, i32, i32) {
    %c0_i32 = arith.constant 0 : i32
    %c0_i32_0 = arith.constant 0 : i32
    %c0_i32_1 = arith.constant 0 : i32
    return %c0_i32, %arg0, %c0_i32_0 : i32, i32, i32
  }
  func.func @transform_1(%arg0: i32) -> (i32, i32, i32) {
    %c0_i32 = arith.constant 0 : i32
    %c0_i32_0 = arith.constant 0 : i32
    %c0_i32_1 = arith.constant 0 : i32
    return %c0_i32, %arg0, %c0_i32_0 : i32, i32, i32
  }
  func.func @transform_2(%arg0: i32) -> (i32, i32) {
    %c0_i32 = arith.constant 0 : i32
    %c0_i32_0 = arith.constant 0 : i32
    return %arg0, %c0_i32 : i32, i32
  }
  func.func @transform_3(%arg0: i32) -> i32 {
    %c0_i32 = arith.constant 0 : i32
    %c0_i32_0 = arith.constant 0 : i32
    return %c0_i32 : i32
  }
  func.func @transform_4(%arg0: i32) -> i32 {
    %c0_i32 = arith.constant 0 : i32
    %c0_i32_0 = arith.constant 0 : i32
    return %c0_i32 : i32
  }
  func.func @transform_5(%arg0: i32) -> i32 {
    %c0_i32 = arith.constant 0 : i32
    %c0_i32_0 = arith.constant 0 : i32
    return %c0_i32 : i32
  }
  func.func @transform_6(%arg0: i32) -> (i32, i32) {
    %c0_i32 = arith.constant 0 : i32
    %c0_i32_0 = arith.constant 0 : i32
    return %arg0, %c0_i32 : i32, i32
  }
}

</mosaic_0001>

<sc_bundles>
// kernel: kernel.15.cloned.1.call-start
scs
__scs_entry_jumppad:
0x0: {  	(pc) =	sbr.rel $0x88, $3  }
0x1: {  	(tag) =	ssettag $0x0;
	lr =	simm.s32 $0x1  }
0x2: {  	[smem:$0x3F8C] =	sst lr;
	_ =	strace $0xD0000000  }
0x3: {  	_ = 	snop  }
0x4: {  	_ = 	snop  }
0x5: {  	_ = 	snop  }
0x6: {  	_ = 	snop  }
0x7: {  	_ = 	snop  }
__scs_overlays_trampoline_lowered:
0x8: {  	[smem:$0x3F9B] =	sst s0  }
0x9: {  	[smem:$0x3F9C] =	sst s1  }
0xa: {  	[smem:$0x3F9D] =	sst s2  }
0xb: {  	[smem:$0x3F9E] =	sst s3  }
0xc: {  	[smem:$0x3F9F] =	sst s4  }
0xd: {  	[smem:$0x3FA0] =	sst s5  }
0xe: {  	[smem:$0x3FA1] =	sst s6  }
0xf: {  	[smem:$0x3FA2] =	sst s7  }
0x10: {  	[smem:$0x3FA3] =	sst s8  }
0x11: {  	[smem:$0x3FA4] =	sst s9;
	s0 =	simm.s32 @!p0 $0x0  }
0x12: {  	s1 =	sld [smem:$0x3F8A];
	s0 =	simm.s32 @p0 $0x1  }
0x13: {  	[smem:$0x3FA5] =	sst s0;
	s0 =	simm.s32 @!p1 $0x0  }
0x14: {  	s2 =	sld [smem:$0x3F89];
	s0 =	simm.s32 @p1 $0x1  }
0x15: {  	[smem:$0x3FA6] =	sst s0;
	s0 =	simm.s32 @!p2 $0x0  }
0x16: {  	s3 =	sld [smem:$0x3FDB];
	s0 =	simm.s32 @p2 $0x1  }
0x17: {  	s4 =	simm.s32 $0x1BF5;
	[smem:$0x3FA8] =	sst s0  }
0x18: {  	s0 =	sld [smem:$0x3F8B];
	_ =	swait.ge [sflag:s4], $0x0  }
0x19: {  	s7 =	sld [smem:$0x3F8C]  }
0x1a: {  	s8 =	sadd.s32 $0xFFFFE003, lr  }
0x1b: {  	s9 =	sadd.s32 $0xFFFFFEF7, lr;
	s5 =	simm.s32 $0xFFFFFFFF;
	p2 =	slt.u32 s8, $0xFFFFF086  }
0x1c: {  	p1 =	slt.u32 s9, $0xF7A;
	s5 =	simm.s32 @!p2 $0x0  }
0x1d: {  	s5 =	simm.s32 @p1 $0x1;
	p0 =	seq.s32 s7, s2  }
0x1e: {  	s7 =	smul.u32 @!p0 $0xF7A, s2;
	p2 =	seq.s32 @!p0 s5, $0x0  }
0x1f: {  	s9 =	smul.u32 $0xF7A, s1;
	s8 =	simm.s32 @!p0 $0x1BF5;
	p2 =	por !p2, p0  }
0x20: {  	[sflag:s8] =	ssyncset.s32 @!p0 $0xFFFFF086;
	s6 =	sadd.s32 @!p0 s3, s7;
	s7 =	simm.s32 @!p0 $0x108  }
0x21: {  	s3 =	sadd.s32 s3, s9;
	s6 =	sadd.s32 @!p0 $0x88, s6;
	s7 =	simm.s32 @p2 $0x1082  }
0x22: {  	[simem:s7], [sflag:s8] =	dma.local @!p0 [hbm:s6], $0xF7A  }
0x23: {  	s9 =	sor.u32 $0xD0000000, s2;
	s6 =	simm.s32 $0x108;
	_ =	swait.ge @!p0 [sflag:s8], $0x0  }
0x24: {  	s3 =	sadd.s32 $0x88, s3;
	s6 =	simm.s32 @!p1 $0x1082;
	[sflag:s4] =	ssyncset.s32 $0xFFFFF086  }
0x25: {  	[simem:s6], [sflag:s4] =	dma.local [hbm:s3], $0xF7A  }
0x26: {  	[smem:$0x3F8C] =	sst s1;
	(tag) =	ssettag s2;
	_ =	strace s9  }
0x27: {  	s1 =	sld [smem:$0x3F9C]  }
0x28: {  	s2 =	sld [smem:$0x3F9D]  }
0x29: {  	s4 =	sld [smem:$0x3F9F]  }
0x2a: {  	p0 =	seq.s32 s5, $0x0;
	s5 =	sld [smem:$0x3FA0]  }
0x2b: {  	s6 =	sld [smem:$0x3FA1]  }
0x2c: {  	s7 =	sld [smem:$0x3FA2]  }
0x2d: {  	s3 =	simm.s32 $0x108;
	s8 =	sld [smem:$0x3FA3]  }
0x2e: {  	s3 =	simm.s32 @!p0 $0x1082;
	s9 =	sld [smem:$0x3FA4]  }
0x2f: {  	lr =	sadd.s32 s0, s3;
	s0 =	sld [smem:$0x3F9B]  }
0x30: {  	s3 =	sld [smem:$0x3F9E]  }
0x31: {  	[smem:$0x3FA7] =	sst s10  }
0x32: {  	s10 =	sld [smem:$0x3FA5];
	_ =	sdelay $0x3  }
0x33: {  	p0 =	seq.s32 s10, $0x1;
	s10 =	sld [smem:$0x3FA7];
	_ =	sdelay $0x3  }
0x34: {  	[smem:$0x3FA7] =	sst s10  }
0x35: {  	s10 =	sld [smem:$0x3FA6];
	_ =	sdelay $0x3  }
0x36: {  	p1 =	seq.s32 s10, $0x1;
	s10 =	sld [smem:$0x3FA7];
	_ =	sdelay $0x3  }
0x37: {  	[smem:$0x3FA7] =	sst s10  }
0x38: {  	s10 =	sld [smem:$0x3FA8]  }
0x39: {  	_ = 	snop;
	(pc) =	sbr.ind lr, $3  }
0x3a: {  	_ = 	snop  }
0x3b: {  	_ = 	snop  }
0x3c: {  	p2 =	seq.s32 s10, $0x1;
	s10 =	sld [smem:$0x3FA7]  }
0x3d: {  	_ =	shalt  }
0x3e: {  	_ =	shalt  }
0x3f: {  	_ =	shalt  }
0x40: {  	_ =	shalt  }
0x41: {  	_ =	shalt  }
0x42: {  	_ =	shalt  }
0x43: {  	_ =	shalt  }
0x44: {  	_ =	shalt  }
0x45: {  	_ =	shalt  }
0x46: {  	_ =	shalt  }
0x47: {  	_ =	shalt  }
0x48: {  	_ =	shalt  }
0x49: {  	_ =	shalt  }
0x4a: {  	_ =	shalt  }
0x4b: {  	_ =	shalt  }
0x4c: {  	_ =	shalt  }
0x4d: {  	_ =	shalt  }
0x4e: {  	_ =	shalt  }
0x4f: {  	_ =	shalt  }
0x50: {  	_ =	shalt  }
0x51: {  	_ =	shalt  }
0x52: {  	_ =	shalt  }
0x53: {  	_ =	shalt  }
0x54: {  	_ =	shalt  }
0x55: {  	_ =	shalt  }
0x56: {  	_ =	shalt  }
0x57: {  	_ =	shalt  }
0x58: {  	_ =	shalt  }
0x59: {  	_ =	shalt  }
0x5a: {  	_ =	shalt  }
0x5b: {  	_ =	shalt  }
0x5c: {  	_ =	shalt  }
0x5d: {  	_ =	shalt  }
0x5e: {  	_ =	shalt  }
0x5f: {  	_ =	shalt  }
0x60: {  	_ =	shalt  }
0x61: {  	_ =	shalt  }
0x62: {  	_ =	shalt  }
0x63: {  	_ =	shalt  }
0x64: {  	_ =	shalt  }
0x65: {  	_ =	shalt  }
0x66: {  	_ =	shalt  }
0x67: {  	_ =	shalt  }
0x68: {  	_ =	shalt  }
0x69: {  	_ =	shalt  }
0x6a: {  	_ =	shalt  }
0x6b: {  	_ =	shalt  }
0x6c: {  	_ =	shalt  }
0x6d: {  	_ =	shalt  }
0x6e: {  	_ =	shalt  }
0x6f: {  	_ =	shalt  }
0x70: {  	_ =	shalt  }
0x71: {  	_ =	shalt  }
0x72: {  	_ =	shalt  }
0x73: {  	_ =	shalt  }
0x74: {  	_ =	shalt  }
0x75: {  	_ =	shalt  }
0x76: {  	_ =	shalt  }
0x77: {  	_ =	shalt  }
0x78: {  	_ =	shalt  }
0x79: {  	_ =	shalt  }
0x7a: {  	_ =	shalt  }
0x7b: {  	_ =	shalt  }
0x7c: {  	_ =	shalt  }
0x7d: {  	_ =	shalt  }
0x7e: {  	_ =	shalt  }
0x7f: {  	_ =	shalt  }
0x80: {  	_ =	shalt  }
0x81: {  	_ =	shalt  }
0x82: {  	_ =	shalt  }
0x83: {  	_ =	shalt  }
0x84: {  	_ =	shalt  }
0x85: {  	_ =	shalt  }
0x86: {  	_ =	shalt  }
0x87: {  	_ =	shalt  }
.Lfunc_end0:
.L_simem_size_0:
called_computation_lowered:
.L_overlay_start_0:
0x88: {  	s2 =	sld [smem:$0x3FD9]  }
0x89: {  	s3 =	sld [smem:$0x3FFE];
	_ =	sdelay $0x1  }
0x8a: {  	s1 =	srdreg.scid  }
0x8b: {  	s0 =	sand.u32 $0x1, s1  }
0x8c: {  	s14 =	sshll.u32 s0, $0xA;
	s2 =	sadd.s32 s3, s2  }
0x8d: {  	s2 =	sadd.s32 s2, s14  }
0x8e: {  	[smem:$0x3FB3] =	sst s2  }
0x8f: {  	_ = 	snop  }
0x90: {  	s2 =	sld [smem:$0x3FD0];
	_ =	sdelay $0x2  }
0x91: {  	s15 =	simm.s32 $0xC;
	s4 =	simm.s32 $0x10  }
0x92: {  	[smem:s4], [sflag:s15] =	dma.local [hbm:s2], $0x1  }
0x93: {  	_ =	swait.eq [sflag:s15], $0x1  }
0x94: {  	[sflag:s15] =	ssyncset.done $0x0  }
0x95: {  	[sflag:s15] =	ssyncadd.s32 $0xFFFFFFFF  }
0x96: {  	s16 =	sld [smem:$0x10];
	(tm) =	ssettm $0x1  }
0x97: {  	s17 =	sld [smem:$0x3FFB];
	_ =	sdelay $0x3  }
0x98: {  	_ =	strace s17  }
0x99: {  	s3 =	sld [smem:$0x3FFC];
	_ =	sdelay $0x3  }
0x9a: {  	_ =	strace s3  }
0x9b: {  	s3 =	sld [smem:$0x3FFD];
	_ =	sdelay $0x3  }
0x9c: {  	_ =	strace s3  }
0x9d: {  	_ =	strace $0x8FFFFFFF  }
0x9e: {  	s18 =	sld [smem:$0x3FDB];
	_ =	sdelay $0x1  }
0x9f: {  	s19 =	simm.s32 $_scs_section_size  }
0xa0: {  	s5 =	simm.s32 $_size__tile_overlayer_lowered;
	s6 =	simm.s32 $_tile_overlayer_lowered  }
0xa1: {  	s22 =	simm.s32 $0x1BFF;
	s21 =	sshll.u32 s6, $0x1;
	s3 =	sadd.s32 s19, s18  }
0xa2: {  	s7 =	simm.s32 $0x0;
	s20 =	sshll.u32 s5, $0x1;
	s5 =	sadd.s32 s21, s3  }
0xa3: {  	[timem:s7], [sflag:s22] =	dma.local [hbm:s5], s20  }
0xa4: {  	_ =	swait.ge [sflag:s22], s20  }
0xa5: {  	s4 =	ssub.s32 $0x0, s20;
	[sflag:s22] =	ssyncset.done $0x0  }
0xa6: {  	[sflag:s22] =	ssyncadd.s32 s4;
	_ =	sdelay $0x1  }
0xa7: {  	s23 =	simm.s32 $0x1B8B  }
0xa8: {  	_ =	swait.ge [sflag:s23], $0x1  }
0xa9: {  	[sflag:s23] =	ssyncset.done $0x0  }
0xaa: {  	s25 =	simm.s32 $0x1B8E;
	s24 =	sld [smem:$0x3FFE];
	[sflag:s23] =	ssyncadd.s32 $0xFFFFFFFF  }
0xab: {  	s26 =	simm.s32 $execute0_lowered;
	[smem:$0x3FD2] =	sst s25  }
0xac: {  	s5 =	sshll.u32 s26, $0x1;
	_ =	strace $0x80000046;
	[dreg:$0x1] =	wrdreg $0xFFFFFFFF  }
0xad: {  	s28 =	simm.s32 $_size_execute0_lowered;
	s3 =	sadd.s32 s3, s5;
	[dreg:$0x0] =	wrdreg $0x0  }
0xae: {  	s5 =	sshll.u32 s28, $0x1;
	[dreg:$0x2] =	wrdreg s3  }
0xaf: {  	[dreg:$0x3] =	wrdreg s5  }
0xb0: {  	[dreg:$0x4] =	wrdreg $0xC0  }
0xb1: {  	_ =	task [dreg:s7], $0x5FFFF  }
0xb2: {  	[dreg:$0x1] =	wrdreg $0xFFFFFFFF  }
0xb3: {  	[dreg:$0x0] =	wrdreg $0x60  }
0xb4: {  	[dreg:$0x2] =	wrdreg s16  }
0xb5: {  	[dreg:$0x3] =	wrdreg s24  }
0xb6: {  	[dreg:$0x4] =	wrdreg $0x94000  }
0xb7: {  	[dreg:$0x5] =	wrdreg $0x9  }
0xb8: {  	_ =	task.clear_ibuf [dreg:s7], $0x6FFFF;
	_ =	strace $0x90000046  }
0xb9: {  	s29 =	simm.s32 $0x9;
	_ =	strace $0x80000048  }
0xba: {  	_ =	swait.ge [sflag:s29], $0x1  }
0xbb: {  	[sflag:s29] =	ssyncadd.s32 $0xFFFFFFFF  }
0xbc: {  	_ =	strace $0x90000048  }
0xbd: {  	_ =	sfence  }
0xbe: {  	s30 =	sld [smem:$0x0];
	_ =	sdelay $0x2  }
0xbf: {  	s31 =	sshll.u32 s1, $0xD;
	s1 =	sshrl.u32 s1, $0x2  }
0xc0: {  	s3 =	sand.u32 $0x4000, s31;
	s1 =	sadd.s32 s1, s30  }
0xc1: {  	s0 =	sor.u32 s3, s0;
	s1 =	sshll.u32 s1, $0x11  }
0xc2: {  	s0 =	sor.u32 s1, s0  }
0xc3: {  	s0 =	sadd.s32 $0x8F2B, s0  }
0xc4: {  	[sflag:s0] =	ssyncadd.remote.s32 $0x1  }
0xc5: {  	_ =	sfence.sel $0xFFFF  }
0xc6: {  	[dreg:$0x0] =	wrdreg $0xFFFFFFFF;
	(pc) =	sbr.abs _section_cstart, $3  }
0xc7: {  	[dreg:$0x1] =	wrdreg $0xFFFFFFFF  }
0xc8: {  	_ =	task.clear_ibuf [dreg:s7], $0x2FFFF;
	_ =	strace $0x9FFFFFFF  }
0xc9: {  	(tm) =	ssettm $0x7FFFFFFF  }
tec
execute0_lowered:
.L_overlay_start_1:
0x0: {  	(tag) =	ssettag $0x1  }
0x1: {  	s5 =	rddreg [dreg:$0x0]  }
0x2: {  	s0 =	srdreg.scid;
	s6 =	rddreg [dreg:$0x1]  }
0x3: {  	s2 =	rddreg [dreg:$0x2];
	s3 =	simm.s32 $0x0;
	s12 =	simm.s32 $0x1  }
0x4: {  	s13 =	simm.s32 $0x5400;
	s14 =	simm.s32 $0x28;
	s15 =	simm.s32 $0x4000  }
0x5: {  	s18 =	simm.s32 $0x0;
	s4 =	sand.u32 $0x1, s0;
	s0 =	stileid.u32  }
0x6: {  	[smem:$0x7FF] =	sst s3;
	s1 =	sshll.u32 s4, $0x4;
	s9 =	smul.u32 $0x4E200, s0  }
0x7: {  	s4 =	ssub.s32 $0x2, s4;
	s16 =	sshll.u32 s0, $0x6;
	s7 =	sor.u32 s0, s1  }
0x8: {  	s1 =	rddreg [dreg:$0x3];
	_ =	strace $0x80000047;
	s29 =	sshrl.u32 s4, $0x1  }
0x9: {  	s16 =	sor.u32 $0x1C01, s16;
	s8 =	smul.u32 $0x2780, s7;
	s30 =	sshrl.u32 s9, $0x2  }
0xa: {  	s11 =	ssub.s32 s4, s29;
	s31 =	sshll.u32 s7, $0xB;
	s4 =	sadd.s32 s30, s2  }
0xb: {  	s5 =	sadd.s32 s5, s31;
	s11 =	smax.u32 s11, $0x1;
	s10 =	sadd.s32 s8, s6  }
0xc: {  	s6 =	sadd.s32 $0x3E80, s4;
	s7 =	sadd.s32 $0x7D00, s4;
	s8 =	sadd.s32 $0xBB80, s4  }
0xd: {  	v0 =	vimm.f32 $1.000000000e+00;
	v1 =	vimm.f32 $0.0e+00;
	s9 =	sadd.s32 $0xFA00, s4;
	s17 =	sshrl.u32 s4, $0x3;
	s10 =	sadd.s32 $0xA800, s10  }
.LBB2_1:
0xe: {  	[tilespmem:s3], [sflag:$0x1] =	stream.linear.gather [hbm4b:s5+s3], $0x3E80, $0x38;
	[tilespmem:$0xBB10] =	vst v63  }
0xf: {  	_ =	swait.ge [sflag:s12], $0x3E80  }
0x10: {  	[sflag:s12] =	ssyncset.done $0x0  }
0x11: {  	[sflag:s12] =	ssyncadd.s32 $0xFFFFC180  }
0x12: {  	[tilespmem:$0x4000] =	vst v0  }
0x13: {  	[tilespmem:$0x4080] =	vst v0  }
0x14: {  	[tilespmem:$0x4100] =	vst v0  }
0x15: {  	[tilespmem:$0x4180] =	vst v0  }
0x16: {  	[tilespmem:$0x4200] =	vst v0  }
0x17: {  	[tilespmem:$0x4280] =	vst v0  }
0x18: {  	[tilespmem:$0x4300] =	vst v0  }
0x19: {  	[tilespmem:$0x4380] =	vst v0  }
0x1a: {  	[tilespmem:$0x4400] =	vst v0  }
0x1b: {  	[tilespmem:$0x4480] =	vst v0  }
0x1c: {  	[tilespmem:$0x4500] =	vst v0  }
0x1d: {  	[tilespmem:$0x4580] =	vst v0  }
0x1e: {  	[tilespmem:$0x4600] =	vst v0  }
0x1f: {  	[tilespmem:$0x4680] =	vst v0  }
0x20: {  	[tilespmem:$0x4700] =	vst v0  }
0x21: {  	[tilespmem:$0x4780] =	vst v0  }
0x22: {  	[tilespmem:$0x4800] =	vst v0  }
0x23: {  	[tilespmem:$0x4880] =	vst v0  }
0x24: {  	[tilespmem:$0x4900] =	vst v0  }
0x25: {  	[tilespmem:$0x4980] =	vst v0  }
0x26: {  	[tilespmem:$0x4A00] =	vst v0  }
0x27: {  	[tilespmem:$0x4A80] =	vst v0  }
0x28: {  	[tilespmem:$0x4B00] =	vst v0  }
0x29: {  	[tilespmem:$0x4B80] =	vst v0  }
0x2a: {  	[tilespmem:$0x4C00] =	vst v0  }
0x2b: {  	[tilespmem:$0x4C80] =	vst v0  }
0x2c: {  	[tilespmem:$0x4D00] =	vst v0  }
0x2d: {  	[tilespmem:$0x4D80] =	vst v0  }
0x2e: {  	[tilespmem:$0x4E00] =	vst v0  }
0x2f: {  	[tilespmem:$0x4E80] =	vst v0  }
0x30: {  	[tilespmem:$0x4F00] =	vst v0  }
0x31: {  	[tilespmem:$0x4F80] =	vst v0  }
0x32: {  	[tilespmem:$0x5000] =	vst v0  }
0x33: {  	[tilespmem:$0x5080] =	vst v0  }
0x34: {  	[tilespmem:$0x5100] =	vst v0  }
0x35: {  	[tilespmem:$0x5180] =	vst v0  }
0x36: {  	[tilespmem:$0x5200] =	vst v0  }
0x37: {  	[tilespmem:$0x5280] =	vst v0  }
0x38: {  	[tilespmem:$0x5300] =	vst v0  }
0x39: {  	s19 =	simm.s32 $0x200;
	s20 =	simm.s32 $0x0;
	[tilespmem:$0x5380] =	vst v0  }
.LBB2_2:
0x3a: {  	p0 =	sne.s32 s19, $0xF800;
	[tilespmem:s20+$0x5400] =	vst v1;
	s20 =	smov.u32 s19;
	s19 =	sadd.s32 $0x200, s19  }
.Ltmp0:
0x3b: {  	(pc) =	sbr.rel @p0 .LBB2_2-.Ltmp0, $2  }
0x3c: {  	_ =	sdelay $0x2  }
0x3d: {  	s20 =	sshra.s32 s20, $0x2  }
0x3e: {  	[tilespmem:s20+$0x5400] =	vst v1  }
0x3f: {  	[spmem:s4] =	stream.linear.scatter [tilespmem:s13], [sflag:$0x1], $0x3E80, $0x38;
	[tilespmem:$0xBB10] =	vst v63  }
0x40: {  	_ =	swait.ge [sflag:s12], $0x3E80  }
0x41: {  	[sflag:s12] =	ssyncset.done $0x0  }
0x42: {  	[sflag:s12] =	ssyncadd.s32 $0xFFFFC180  }
0x43: {  	[spmem:s6] =	stream.linear.scatter [tilespmem:s13], [sflag:$0x1], $0x3E80, $0x38;
	[tilespmem:$0xBB10] =	vst v63  }
0x44: {  	_ =	swait.ge [sflag:s12], $0x3E80  }
0x45: {  	[sflag:s12] =	ssyncset.done $0x0  }
0x46: {  	[sflag:s12] =	ssyncadd.s32 $0xFFFFC180  }
0x47: {  	[spmem:s7] =	stream.linear.scatter [tilespmem:s13], [sflag:$0x1], $0x3E80, $0x38;
	[tilespmem:$0xBB10] =	vst v63  }
0x48: {  	_ =	swait.ge [sflag:s12], $0x3E80  }
0x49: {  	[sflag:s12] =	ssyncset.done $0x0  }
0x4a: {  	[sflag:s12] =	ssyncadd.s32 $0xFFFFC180  }
0x4b: {  	[spmem:s8] =	stream.linear.scatter [tilespmem:s13], [sflag:$0x1], $0x3E80, $0x38;
	[tilespmem:$0xBB10] =	vst v63  }
0x4c: {  	_ =	swait.ge [sflag:s12], $0x3E80  }
0x4d: {  	[sflag:s12] =	ssyncset.done $0x0  }
0x4e: {  	[sflag:s12] =	ssyncadd.s32 $0xFFFFC180  }
0x4f: {  	[spmem:s9] =	stream.linear.scatter [tilespmem:s13], [sflag:$0x1], $0x3E80, $0x38;
	[tilespmem:$0xBB10] =	vst v63  }
0x50: {  	_ =	swait.ge [sflag:s12], $0x3E80  }
0x51: {  	[sflag:s12] =	ssyncset.done $0x0  }
0x52: {  	[sflag:s12] =	ssyncadd.s32 $0xFFFFC180  }
0x53: {  	s19 =	simm.s32 $0x0;
	[bflag:$0x0] =	sbarrier.arrive $0xFFFF  }
0x54: {  	[spmem:s2] =	stream.indirect.scatter.add.f32 [tilespmem:s15], [sflag:$0x1], $0x10, s19, s14, $0xb8;
	[tilespmem:$0xBB10] =	vst v63  }
0x55: {  	_ =	swait.ge [sflag:s12], $0x280  }
0x56: {  	s19 =	simm.s32 $0x200;
	[sflag:s12] =	ssyncset.done $0x0  }
.LBB2_4:
0x57: {  	s20 =	sshra.s32 s19, $0x2;
	[sflag:s12] =	ssyncadd.s32 $0xFFFFFD80;
	p0 =	sne.s32 s19, $0xF800  }
0x58: {  	[spmem:s2] =	stream.indirect.scatter.add.f32 [tilespmem:s15], [sflag:$0x1], $0x10, s20, s14, $0xb8;
	[tilespmem:$0xBB10] =	vst v63  }
.Ltmp1:
0x59: {  	_ = 	snop;
	(pc) =	sbr.rel @p0 .LBB2_4-.Ltmp1, $4  }
0x5a: {  	_ = 	snop  }
0x5b: {  	s19 =	sadd.s32 $0x200, s19  }
0x5c: {  	_ =	swait.ge [sflag:s12], $0x280  }
0x5d: {  	[sflag:s12] =	ssyncset.done $0x0  }
0x5e: {  	s18 =	sadd.s32 $0x1, s18  }
0x5f: {  	[sflag:s12] =	ssyncadd.s32 $0xFFFFFD80;
	p0 =	sne.s32 s18, s11  }
.Ltmp2:
0x60: {  	[bflag:$0x0] =	sbarrier.arrive $0xFFFF;
	(pc) =	sbr.rel @p0 .LBB2_1-.Ltmp2, $4  }
0x61: {  	[hbm:s10], [sflag:s16] =	dma.local [spmem:s17], $0x2710  }
0x62: {  	_ =	swait.ge [sflag:s12], $0x2710  }
0x63: {  	[sflag:s12] =	ssyncset.done $0x0  }
0x64: {  	[sflag:s12] =	ssyncadd.s32 $0xFFFFD8F0  }
0x65: {  	_ =	sfence.sel $0x180000  }
0x66: {  	[bflag:$0x0] =	sbarrier.arrive $0xFFFF  }
0x67: {  	p0 =	sne.s32 s0, $0x0;
	_ =	strace $0x90000047  }
0x68: {  	s0 =	sadd.s32 @!p0 $0x100000, s1;
	[bflag:$0x2] =	sbarrier.arrive $0xFFFF  }
0x69: {  	[sflag:s0] =	ssyncadd.tile.s32 @!p0 $0x1;
	_ =	shalt  }
.Lfunc_end2:
_tile_overlayer_lowered:
.L_overlay_start_2:
0x6a: {  	(tag) =	ssettag $0x2  }
0x6b: {  	s0 =	rddreg [dreg:$0x0];
	s2 =	stileid.u32  }
0x6c: {  	s1 =	rddreg [dreg:$0x1];
	p0 =	sne.s32 s2, $0x0  }
0x6d: {  	s3 =	rddreg [dreg:$0x2];
	[bflag:$0x3] =	sbarrier.arrive $0xFFFF;
	s2 =	simm.s32 @!p0 $0x1C01  }
0x6e: {  	[timem:s3], [sflag:s2] =	dma.local @!p0 [hbm:s0], s1  }
0x6f: {  	s0 =	simm.s32 @!p0 $0x1  }
0x70: {  	_ =	swait.ge @!p0 [sflag:s0], s1  }
0x71: {  	s1 =	ssub.s32 @!p0 $0x0, s1;
	[sflag:s0] =	ssyncset.done @!p0 $0x0  }
0x72: {  	[sflag:s0] =	ssyncadd.s32 @!p0 s1  }
0x73: {  	[bflag:$0x3] =	sbarrier.arrive $0xFFFF  }
0x74: {  	_ =	shalt  }

// kernel: kernel.18.cloned.1.call-start
scs
__scs_entry_jumppad:
0x0: {  	(pc) =	sbr.rel $0x88, $3  }
0x1: {  	(tag) =	ssettag $0x0;
	lr =	simm.s32 $0x1  }
0x2: {  	[smem:$0x3F8C] =	sst lr;
	_ =	strace $0xD0000000  }
0x3: {  	_ = 	snop  }
0x4: {  	_ = 	snop  }
0x5: {  	_ = 	snop  }
0x6: {  	_ = 	snop  }
0x7: {  	_ = 	snop  }
__scs_overlays_trampoline_lowered:
0x8: {  	[smem:$0x3F9B] =	sst s0  }
0x9: {  	[smem:$0x3F9C] =	sst s1  }
0xa: {  	[smem:$0x3F9D] =	sst s2  }
0xb: {  	[smem:$0x3F9E] =	sst s3  }
0xc: {  	[smem:$0x3F9F] =	sst s4  }
0xd: {  	[smem:$0x3FA0] =	sst s5  }
0xe: {  	[smem:$0x3FA1] =	sst s6  }
0xf: {  	[smem:$0x3FA2] =	sst s7  }
0x10: {  	[smem:$0x3FA3] =	sst s8  }
0x11: {  	[smem:$0x3FA4] =	sst s9;
	s0 =	simm.s32 @!p0 $0x0  }
0x12: {  	s1 =	sld [smem:$0x3F8A];
	s0 =	simm.s32 @p0 $0x1  }
0x13: {  	[smem:$0x3FA5] =	sst s0;
	s0 =	simm.s32 @!p1 $0x0  }
0x14: {  	s2 =	sld [smem:$0x3F89];
	s0 =	simm.s32 @p1 $0x1  }
0x15: {  	[smem:$0x3FA6] =	sst s0;
	s0 =	simm.s32 @!p2 $0x0  }
0x16: {  	s3 =	sld [smem:$0x3FDB];
	s0 =	simm.s32 @p2 $0x1  }
0x17: {  	s4 =	simm.s32 $0x1BF5;
	[smem:$0x3FA8] =	sst s0  }
0x18: {  	s0 =	sld [smem:$0x3F8B];
	_ =	swait.ge [sflag:s4], $0x0  }
0x19: {  	s7 =	sld [smem:$0x3F8C]  }
0x1a: {  	s8 =	sadd.s32 $0xFFFFE003, lr  }
0x1b: {  	s9 =	sadd.s32 $0xFFFFFEF7, lr;
	s5 =	simm.s32 $0xFFFFFFFF;
	p2 =	slt.u32 s8, $0xFFFFF086  }
0x1c: {  	p1 =	slt.u32 s9, $0xF7A;
	s5 =	simm.s32 @!p2 $0x0  }
0x1d: {  	s5 =	simm.s32 @p1 $0x1;
	p0 =	seq.s32 s7, s2  }
0x1e: {  	s7 =	smul.u32 @!p0 $0xF7A, s2;
	p2 =	seq.s32 @!p0 s5, $0x0  }
0x1f: {  	s9 =	smul.u32 $0xF7A, s1;
	s8 =	simm.s32 @!p0 $0x1BF5;
	p2 =	por !p2, p0  }
0x20: {  	[sflag:s8] =	ssyncset.s32 @!p0 $0xFFFFF086;
	s6 =	sadd.s32 @!p0 s3, s7;
	s7 =	simm.s32 @!p0 $0x108  }
0x21: {  	s3 =	sadd.s32 s3, s9;
	s6 =	sadd.s32 @!p0 $0x88, s6;
	s7 =	simm.s32 @p2 $0x1082  }
0x22: {  	[simem:s7], [sflag:s8] =	dma.local @!p0 [hbm:s6], $0xF7A  }
0x23: {  	s9 =	sor.u32 $0xD0000000, s2;
	s6 =	simm.s32 $0x108;
	_ =	swait.ge @!p0 [sflag:s8], $0x0  }
0x24: {  	s3 =	sadd.s32 $0x88, s3;
	s6 =	simm.s32 @!p1 $0x1082;
	[sflag:s4] =	ssyncset.s32 $0xFFFFF086  }
0x25: {  	[simem:s6], [sflag:s4] =	dma.local [hbm:s3], $0xF7A  }
0x26: {  	[smem:$0x3F8C] =	sst s1;
	(tag) =	ssettag s2;
	_ =	strace s9  }
0x27: {  	s1 =	sld [smem:$0x3F9C]  }
0x28: {  	s2 =	sld [smem:$0x3F9D]  }
0x29: {  	s4 =	sld [smem:$0x3F9F]  }
0x2a: {  	p0 =	seq.s32 s5, $0x0;
	s5 =	sld [smem:$0x3FA0]  }
0x2b: {  	s6 =	sld [smem:$0x3FA1]  }
0x2c: {  	s7 =	sld [smem:$0x3FA2]  }
0x2d: {  	s3 =	simm.s32 $0x108;
	s8 =	sld [smem:$0x3FA3]  }
0x2e: {  	s3 =	simm.s32 @!p0 $0x1082;
	s9 =	sld [smem:$0x3FA4]  }
0x2f: {  	lr =	sadd.s32 s0, s3;
	s0 =	sld [smem:$0x3F9B]  }
0x30: {  	s3 =	sld [smem:$0x3F9E]  }
0x31: {  	[smem:$0x3FA7] =	sst s10  }
0x32: {  	s10 =	sld [smem:$0x3FA5];
	_ =	sdelay $0x3  }
0x33: {  	p0 =	seq.s32 s10, $0x1;
	s10 =	sld [smem:$0x3FA7];
	_ =	sdelay $0x3  }
0x34: {  	[smem:$0x3FA7] =	sst s10  }
0x35: {  	s10 =	sld [smem:$0x3FA6];
	_ =	sdelay $0x3  }
0x36: {  	p1 =	seq.s32 s10, $0x1;
	s10 =	sld [smem:$0x3FA7];
	_ =	sdelay $0x3  }
0x37: {  	[smem:$0x3FA7] =	sst s10  }
0x38: {  	s10 =	sld [smem:$0x3FA8]  }
0x39: {  	_ = 	snop;
	(pc) =	sbr.ind lr, $3  }
0x3a: {  	_ = 	snop  }
0x3b: {  	_ = 	snop  }
0x3c: {  	p2 =	seq.s32 s10, $0x1;
	s10 =	sld [smem:$0x3FA7]  }
0x3d: {  	_ =	shalt  }
0x3e: {  	_ =	shalt  }
0x3f: {  	_ =	shalt  }
0x40: {  	_ =	shalt  }
0x41: {  	_ =	shalt  }
0x42: {  	_ =	shalt  }
0x43: {  	_ =	shalt  }
0x44: {  	_ =	shalt  }
0x45: {  	_ =	shalt  }
0x46: {  	_ =	shalt  }
0x47: {  	_ =	shalt  }
0x48: {  	_ =	shalt  }
0x49: {  	_ =	shalt  }
0x4a: {  	_ =	shalt  }
0x4b: {  	_ =	shalt  }
0x4c: {  	_ =	shalt  }
0x4d: {  	_ =	shalt  }
0x4e: {  	_ =	shalt  }
0x4f: {  	_ =	shalt  }
0x50: {  	_ =	shalt  }
0x51: {  	_ =	shalt  }
0x52: {  	_ =	shalt  }
0x53: {  	_ =	shalt  }
0x54: {  	_ =	shalt  }
0x55: {  	_ =	shalt  }
0x56: {  	_ =	shalt  }
0x57: {  	_ =	shalt  }
0x58: {  	_ =	shalt  }
0x59: {  	_ =	shalt  }
0x5a: {  	_ =	shalt  }
0x5b: {  	_ =	shalt  }
0x5c: {  	_ =	shalt  }
0x5d: {  	_ =	shalt  }
0x5e: {  	_ =	shalt  }
0x5f: {  	_ =	shalt  }
0x60: {  	_ =	shalt  }
0x61: {  	_ =	shalt  }
0x62: {  	_ =	shalt  }
0x63: {  	_ =	shalt  }
0x64: {  	_ =	shalt  }
0x65: {  	_ =	shalt  }
0x66: {  	_ =	shalt  }
0x67: {  	_ =	shalt  }
0x68: {  	_ =	shalt  }
0x69: {  	_ =	shalt  }
0x6a: {  	_ =	shalt  }
0x6b: {  	_ =	shalt  }
0x6c: {  	_ =	shalt  }
0x6d: {  	_ =	shalt  }
0x6e: {  	_ =	shalt  }
0x6f: {  	_ =	shalt  }
0x70: {  	_ =	shalt  }
0x71: {  	_ =	shalt  }
0x72: {  	_ =	shalt  }
0x73: {  	_ =	shalt  }
0x74: {  	_ =	shalt  }
0x75: {  	_ =	shalt  }
0x76: {  	_ =	shalt  }
0x77: {  	_ =	shalt  }
0x78: {  	_ =	shalt  }
0x79: {  	_ =	shalt  }
0x7a: {  	_ =	shalt  }
0x7b: {  	_ =	shalt  }
0x7c: {  	_ =	shalt  }
0x7d: {  	_ =	shalt  }
0x7e: {  	_ =	shalt  }
0x7f: {  	_ =	shalt  }
0x80: {  	_ =	shalt  }
0x81: {  	_ =	shalt  }
0x82: {  	_ =	shalt  }
0x83: {  	_ =	shalt  }
0x84: {  	_ =	shalt  }
0x85: {  	_ =	shalt  }
0x86: {  	_ =	shalt  }
0x87: {  	_ =	shalt  }
.Lfunc_end0:
.L_simem_size_0:
called_computation.1_lowered:
.L_overlay_start_0:
0x88: {  	s2 =	sld [smem:$0x3FD9]  }
0x89: {  	s3 =	sld [smem:$0x3FFE];
	_ =	sdelay $0x1  }
0x8a: {  	s1 =	srdreg.scid  }
0x8b: {  	s0 =	sand.u32 $0x1, s1  }
0x8c: {  	s15 =	sshll.u32 s0, $0xA;
	s2 =	sadd.s32 s3, s2  }
0x8d: {  	s2 =	sadd.s32 s2, s15  }
0x8e: {  	[smem:$0x3FB3] =	sst s2  }
0x8f: {  	_ = 	snop  }
0x90: {  	s2 =	sld [smem:$0x3FD0];
	_ =	sdelay $0x2  }
0x91: {  	s16 =	simm.s32 $0xC;
	s4 =	simm.s32 $0x10  }
0x92: {  	[smem:s4], [sflag:s16] =	dma.local [hbm:s2], $0x1  }
0x93: {  	_ =	swait.eq [sflag:s16], $0x1  }
0x94: {  	[sflag:s16] =	ssyncset.done $0x0  }
0x95: {  	[sflag:s16] =	ssyncadd.s32 $0xFFFFFFFF  }
0x96: {  	s17 =	sld [smem:$0x11];
	(tm) =	ssettm $0x1  }
0x97: {  	s18 =	sld [smem:$0x3FFB];
	_ =	sdelay $0x3  }
0x98: {  	_ =	strace s18  }
0x99: {  	s2 =	sld [smem:$0x3FFC];
	_ =	sdelay $0x3  }
0x9a: {  	_ =	strace s2  }
0x9b: {  	s2 =	sld [smem:$0x3FFD];
	_ =	sdelay $0x3  }
0x9c: {  	_ =	strace s2  }
0x9d: {  	_ =	strace $0x8FFFFFFF  }
0x9e: {  	s19 =	sld [smem:$0x3FDB];
	_ =	sdelay $0x1  }
0x9f: {  	s20 =	simm.s32 $_scs_section_size  }
0xa0: {  	s5 =	simm.s32 $_size__tile_overlayer_lowered;
	s6 =	simm.s32 $_tile_overlayer_lowered  }
0xa1: {  	s7 =	simm.s32 $0x1BFF;
	s21 =	sshll.u32 s6, $0x1;
	s4 =	sadd.s32 s20, s19  }
0xa2: {  	s22 =	simm.s32 $0x0;
	s5 =	sshll.u32 s5, $0x1;
	s6 =	sadd.s32 s21, s4  }
0xa3: {  	[timem:s22], [sflag:s7] =	dma.local [hbm:s6], s5  }
0xa4: {  	_ =	swait.ge [sflag:s7], s5  }
0xa5: {  	s5 =	ssub.s32 $0x0, s5;
	[sflag:s7] =	ssyncset.done $0x0  }
0xa6: {  	[sflag:s7] =	ssyncadd.s32 s5;
	_ =	sdelay $0x1  }
0xa7: {  	s23 =	simm.s32 $0x1B8B  }
0xa8: {  	_ =	swait.ge [sflag:s23], $0x1  }
0xa9: {  	[sflag:s23] =	ssyncset.done $0x0  }
0xaa: {  	[sflag:s23] =	ssyncadd.s32 $0xFFFFFFFF  }
0xab: {  	s5 =	sld [smem:$0x0]  }
0xac: {  	s6 =	sand.u32 $0xFFFFFFFE, s1  }
0xad: {  	p0 =	sne.s32 s1, s6  }
0xae: {  	s6 =	sshll.u32 @p0 s6, $0xE  }
0xaf: {  	s6 =	sadd.s32 @p0 $0x11B8D, s6;
	s7 =	sshll.u32 @p0 s5, $0x11  }
0xb0: {  	s6 =	sor.u32 @p0 s7, s6  }
0xb1: {  	[sflag:s6] =	ssyncadd.remote.s32 @p0 $0x1;
	_ =	sdelay $0x1  }
0xb2: {  	s6 =	simm.s32 @p0 $0x1B8D  }
0xb3: {  	_ =	swait.eq @p0 [sflag:s6], $0x1  }
0xb4: {  	[sflag:s6] =	ssyncadd.s32 @p0 $0xFFFFFFFF  }
0xb5: {  	s7 =	sshll.u32 @!p0 s1, $0xE  }
0xb6: {  	s7 =	sor.u32 @!p0 $0x4000, s7;
	s6 =	simm.s32 @!p0 $0x1B8D  }
0xb7: {  	s5 =	sshll.u32 @!p0 s5, $0x11;
	s7 =	sadd.s32 @!p0 $0x11B8D, s7;
	_ =	swait.eq @!p0 [sflag:s6], $0x1  }
0xb8: {  	s5 =	sor.u32 @!p0 s5, s7;
	[sflag:s6] =	ssyncadd.s32 @!p0 $0xFFFFFFFF  }
0xb9: {  	s25 =	simm.s32 $0x1B8E;
	s24 =	sld [smem:$0x3FFE];
	[sflag:s5] =	ssyncadd.remote.s32 @!p0 $0x1  }
0xba: {  	s26 =	simm.s32 $execute0_lowered;
	[smem:$0x3FD2] =	sst s25  }
0xbb: {  	s6 =	sshll.u32 s26, $0x1;
	_ =	strace $0x8000004C;
	[dreg:$0x1] =	wrdreg $0xFFFFFFFF  }
0xbc: {  	s28 =	simm.s32 $_size_execute0_lowered;
	s4 =	sadd.s32 s4, s6;
	[dreg:$0x0] =	wrdreg $0x0  }
0xbd: {  	s6 =	sshll.u32 s28, $0x1;
	[dreg:$0x2] =	wrdreg s4  }
0xbe: {  	[dreg:$0x3] =	wrdreg s6  }
0xbf: {  	[dreg:$0x4] =	wrdreg $0xC0  }
0xc0: {  	_ =	task [dreg:s22], $0x5FFFF  }
0xc1: {  	[dreg:$0x1] =	wrdreg $0xFFFFFFFF  }
0xc2: {  	[dreg:$0x0] =	wrdreg $0x60  }
0xc3: {  	[dreg:$0x2] =	wrdreg s17  }
0xc4: {  	[dreg:$0x3] =	wrdreg s24  }
0xc5: {  	[dreg:$0x4] =	wrdreg $0x95600  }
0xc6: {  	[dreg:$0x5] =	wrdreg $0x9  }
0xc7: {  	_ =	task.clear_ibuf [dreg:s22], $0x6FFFF;
	_ =	strace $0x9000004C  }
0xc8: {  	s29 =	simm.s32 $0x9;
	_ =	strace $0x8000004E  }
0xc9: {  	_ =	swait.ge [sflag:s29], $0x1  }
0xca: {  	[sflag:s29] =	ssyncadd.s32 $0xFFFFFFFF  }
0xcb: {  	_ =	strace $0x9000004E  }
0xcc: {  	_ =	sfence  }
0xcd: {  	s30 =	sld [smem:$0x0];
	_ =	sdelay $0x2  }
0xce: {  	s31 =	sshll.u32 s1, $0xD;
	s1 =	sshrl.u32 s1, $0x2  }
0xcf: {  	s4 =	sand.u32 $0x4000, s31;
	s1 =	sadd.s32 s1, s30  }
0xd0: {  	s0 =	sor.u32 s4, s0;
	s1 =	sshll.u32 s1, $0x11  }
0xd1: {  	s0 =	sor.u32 s1, s0  }
0xd2: {  	s0 =	sadd.s32 $0x8F2B, s0  }
0xd3: {  	[sflag:s0] =	ssyncadd.remote.s32 $0x1  }
0xd4: {  	_ =	sfence.sel $0xFFFF  }
0xd5: {  	[dreg:$0x0] =	wrdreg $0xFFFFFFFF;
	(pc) =	sbr.abs _section_cstart, $3  }
0xd6: {  	[dreg:$0x1] =	wrdreg $0xFFFFFFFF  }
0xd7: {  	_ =	task.clear_ibuf [dreg:s22], $0x2FFFF;
	_ =	strace $0x9FFFFFFF  }
0xd8: {  	(tm) =	ssettm $0x7FFFFFFF  }
0xd9: {  	_ =	shalt  }
tec
execute0_lowered:
.L_overlay_start_1:
0x0: {  	(tag) =	ssettag $0x1  }
0x1: {  	s1 =	rddreg [dreg:$0x0]  }
0x2: {  	s6 =	rddreg [dreg:$0x1]  }
0x3: {  	s0 =	srdreg.scid;
	s3 =	rddreg [dreg:$0x2];
	s4 =	simm.s32 $0x0  }
0x4: {  	s14 =	simm.s32 $0x2710;
	s15 =	simm.s32 $0x3;
	s16 =	simm.s32 $0x7620  }
0x5: {  	s17 =	simm.s32 $0x50;
	s18 =	simm.s32 $0x4E20;
	s19 =	simm.s32 $0x6220  }
0x6: {  	s20 =	simm.s32 $0x1;
	s21 =	simm.s32 $0x2;
	s22 =	simm.s32 $0x4DD0  }
0x7: {  	s24 =	simm.s32 $0x0;
	s5 =	sand.u32 $0x1, s0;
	s0 =	stileid.u32  }
0x8: {  	[smem:$0x7FF] =	sst s4;
	s2 =	sshll.u32 s5, $0x4;
	s9 =	smul.u32 $0x4E2, s0  }
0x9: {  	s5 =	ssub.s32 $0x2, s5;
	s10 =	smul.u32 $0x27100, s0;
	s23 =	sshll.u32 s0, $0x6  }
0xa: {  	s7 =	sor.u32 s0, s2;
	s2 =	rddreg [dreg:$0x3];
	_ =	strace $0x8000004D  }
0xb: {  	s11 =	sshrl.u32 s5, $0x1;
	s23 =	sor.u32 $0x1C03, s23;
	s8 =	smul.u32 $0x4E2, s7  }
0xc: {  	s7 =	smul.u32 $0x1388, s7;
	s9 =	sadd.s32 s9, s6;
	s13 =	ssub.s32 s5, s11  }
0xd: {  	s31 =	sshrl.u32 s10, $0x2;
	s5 =	sadd.s32 $0x5800, s9;
	s13 =	smax.u32 s13, $0x1  }
0xe: {  	s8 =	sadd.s32 s8, s6;
	s12 =	sadd.s32 s7, s6;
	s7 =	sadd.s32 s31, s3  }
0xf: {  	s6 =	sadd.s32 $0x59800, s8;
	s8 =	sadd.s32 $0x1F40, s7;
	s9 =	sadd.s32 $0x3E80, s7  }
0x10: {  	v0 =	vimm.f32 $0.0e+00;
	s10 =	sadd.s32 $0x5DC0, s7;
	s11 =	sadd.s32 $0x7D00, s7;
	s12 =	sadd.s32 $0x31A00, s12  }
.LBB2_1:
0x11: {  	[tilespmem:s14], [sflag:$0x3] =	stream.linear.gather [hbm4b:s5+s4], $0x2710, $0x38;
	[tilespmem:$0x131A0] =	vst v63  }
0x12: {  	_ =	swait.ge [sflag:s15], $0x2710  }
0x13: {  	[sflag:s15] =	ssyncset.done $0x0  }
0x14: {  	s26 =	simm.s32 $0x100;
	s25 =	simm.s32 $0x0;
	[sflag:s15] =	ssyncadd.s32 $0xFFFFD8F0  }
.LBB2_2:
0x15: {  	p0 =	sne.s32 s26, $0x7C00;
	[tilespmem:s25+$0x7650] =	vst v0;
	s28 =	smov.u32 s26;
	s26 =	sadd.s32 $0x100, s26  }
.Ltmp0:
0x16: {  	[tilespmem:s25+$0x7640] =	vst v0;
	(pc) =	sbr.rel @p0 .LBB2_2-.Ltmp0, $3  }
0x17: {  	[tilespmem:s25+$0x7620] =	vst v0  }
0x18: {  	[tilespmem:s25+$0x7630] =	vst v0;
	_ =	sdelay $0x1  }
0x19: {  	s25 =	sshra.s32 s28, $0x2  }
0x1a: {  	[tilespmem:s25+$0x7650] =	vst v0  }
0x1b: {  	[tilespmem:s25+$0x7640] =	vst v0  }
0x1c: {  	[tilespmem:s25+$0x7620] =	vst v0  }
0x1d: {  	[tilespmem:s25+$0x7630] =	vst v0;
	s26 =	simm.s32 $0x0  }
0x1e: {  	[tilespmem:s26], [sflag:$0x3] =	stream.linear.gather [hbm4b:s6+s26], $0x2710, $0x38;
	[tilespmem:$0x131A0] =	vst v63  }
0x1f: {  	_ =	swait.ge [sflag:s15], $0x2710  }
0x20: {  	[sflag:s15] =	ssyncset.done $0x0  }
0x21: {  	[sflag:s15] =	ssyncadd.s32 $0xFFFFD8F0  }
0x22: {  	[spmem:s7] =	stream.linear.scatter [tilespmem:s16], [sflag:$0x3], $0x1F40, $0x38;
	[tilespmem:$0x131A0] =	vst v63  }
0x23: {  	_ =	swait.ge [sflag:s15], $0x1F40  }
0x24: {  	[sflag:s15] =	ssyncset.done $0x0  }
0x25: {  	[sflag:s15] =	ssyncadd.s32 $0xFFFFE0C0  }
0x26: {  	[spmem:s8] =	stream.linear.scatter [tilespmem:s16], [sflag:$0x3], $0x1F40, $0x38;
	[tilespmem:$0x131A0] =	vst v63  }
0x27: {  	_ =	swait.ge [sflag:s15], $0x1F40  }
0x28: {  	[sflag:s15] =	ssyncset.done $0x0  }
0x29: {  	[sflag:s15] =	ssyncadd.s32 $0xFFFFE0C0  }
0x2a: {  	[spmem:s9] =	stream.linear.scatter [tilespmem:s16], [sflag:$0x3], $0x1F40, $0x38;
	[tilespmem:$0x131A0] =	vst v63  }
0x2b: {  	_ =	swait.ge [sflag:s15], $0x1F40  }
0x2c: {  	[sflag:s15] =	ssyncset.done $0x0  }
0x2d: {  	[sflag:s15] =	ssyncadd.s32 $0xFFFFE0C0  }
0x2e: {  	[spmem:s10] =	stream.linear.scatter [tilespmem:s16], [sflag:$0x3], $0x1F40, $0x38;
	[tilespmem:$0x131A0] =	vst v63  }
0x2f: {  	_ =	swait.ge [sflag:s15], $0x1F40  }
0x30: {  	[sflag:s15] =	ssyncset.done $0x0  }
0x31: {  	[sflag:s15] =	ssyncadd.s32 $0xFFFFE0C0  }
0x32: {  	[spmem:s11] =	stream.linear.scatter [tilespmem:s16], [sflag:$0x3], $0x1F40, $0x38;
	[tilespmem:$0x131A0] =	vst v63  }
0x33: {  	_ =	swait.ge [sflag:s15], $0x1F40  }
0x34: {  	[sflag:s15] =	ssyncset.done $0x0  }
0x35: {  	[sflag:s15] =	ssyncadd.s32 $0xFFFFE0C0  }
0x36: {  	[bflag:$0x0] =	sbarrier.arrive $0xFFFF  }
0x37: {  	[tilespmem:s18], [sflag:$0x1] =	stream.indirect.gather [hbm4b:s1+s17], $0x40, s26, s17, $0xb8;
	[tilespmem:$0x131A0] =	vst v63  }
0x38: {  	s28 =	simm.s32 $0x50  }
0x39: {  	[tilespmem:s19], [sflag:$0x2] =	stream.indirect.gather [hbm4b:s1+s17], $0x40, s28, s17, $0xb8;
	[tilespmem:$0x131A0] =	vst v63  }
0x3a: {  	_ =	swait.ge [sflag:s20], $0x1400  }
0x3b: {  	[sflag:s20] =	ssyncset.done $0x0  }
0x3c: {  	s29 =	simm.s32 $0x2710;
	[sflag:s20] =	ssyncadd.s32 $0xFFFFEC00  }
0x3d: {  	[spmem:s3] =	stream.indirect.scatter.add.f32 [tilespmem:s18], [sflag:$0x3], $0x40, s29, s17, $0xb8;
	[tilespmem:$0x131A0] =	vst v63  }
0x3e: {  	_ =	swait.ge [sflag:s15], $0x1400  }
0x3f: {  	[sflag:s15] =	ssyncset.done $0x0  }
0x40: {  	s30 =	simm.s32 $0xA0;
	[sflag:s15] =	ssyncadd.s32 $0xFFFFEC00  }
0x41: {  	[tilespmem:s18], [sflag:$0x1] =	stream.indirect.gather [hbm4b:s1+s17], $0x40, s30, s17, $0xb8;
	[tilespmem:$0x131A0] =	vst v63  }
0x42: {  	_ =	swait.ge [sflag:s21], $0x1400  }
0x43: {  	[sflag:s21] =	ssyncset.done $0x0  }
0x44: {  	s31 =	simm.s32 $0x2760;
	[sflag:s21] =	ssyncadd.s32 $0xFFFFEC00  }
0x45: {  	[spmem:s3] =	stream.indirect.scatter.add.f32 [tilespmem:s19], [sflag:$0x3], $0x40, s31, s17, $0xb8;
	[tilespmem:$0x131A0] =	vst v63  }
0x46: {  	_ =	swait.ge [sflag:s15], $0x1400  }
0x47: {  	s25 =	simm.s32 $0xA0;
	s26 =	simm.s32 $0x500;
	[sflag:s15] =	ssyncset.done $0x0  }
.LBB2_4:
0x48: {  	s28 =	sadd.s32 $0x50, s25  }
0x49: {  	[sflag:s15] =	ssyncadd.s32 $0xFFFFEC00;
	s29 =	smov.u32 s26;
	s30 =	sadd.s32 $0x280, s26  }
0x4a: {  	[tilespmem:s19], [sflag:$0x2] =	stream.indirect.gather [hbm4b:s1+s17], $0x40, s28, s17, $0xb8;
	[tilespmem:$0x131A0] =	vst v63  }
0x4b: {  	p0 =	sne.s32 s26, $0x9880;
	_ =	swait.ge [sflag:s20], $0x1400  }
0x4c: {  	[sflag:s20] =	ssyncset.done $0x0  }
0x4d: {  	s26 =	sadd.s32 $0x2710, s25;
	[sflag:s20] =	ssyncadd.s32 $0xFFFFEC00  }
0x4e: {  	[spmem:s3] =	stream.indirect.scatter.add.f32 [tilespmem:s18], [sflag:$0x3], $0x40, s26, s17, $0xb8;
	[tilespmem:$0x131A0] =	vst v63  }
0x4f: {  	_ =	swait.ge [sflag:s15], $0x1400  }
0x50: {  	[sflag:s15] =	ssyncset.done $0x0  }
0x51: {  	s26 =	sadd.s32 $0xA0, s25;
	[sflag:s15] =	ssyncadd.s32 $0xFFFFEC00  }
0x52: {  	[tilespmem:s18], [sflag:$0x1] =	stream.indirect.gather [hbm4b:s1+s17], $0x40, s26, s17, $0xb8;
	[tilespmem:$0x131A0] =	vst v63  }
0x53: {  	_ =	swait.ge [sflag:s21], $0x1400  }
.Ltmp1:
0x54: {  	[sflag:s21] =	ssyncset.done $0x0;
	(pc) =	sbr.rel @p0 .LBB2_4-.Ltmp1, $4  }
0x55: {  	s25 =	sadd.s32 $0x2760, s25;
	[sflag:s21] =	ssyncadd.s32 $0xFFFFEC00  }
0x56: {  	[spmem:s3] =	stream.indirect.scatter.add.f32 [tilespmem:s19], [sflag:$0x3], $0x40, s25, s17, $0xb8;
	[tilespmem:$0x131A0] =	vst v63  }
0x57: {  	_ =	swait.ge [sflag:s15], $0x1400  }
0x58: {  	s26 =	smov.u32 s30;
	s25 =	sshra.s32 s29, $0x2;
	[sflag:s15] =	ssyncset.done $0x0  }
0x59: {  	s26 =	sadd.s32 $0x50, s25;
	[sflag:s15] =	ssyncadd.s32 $0xFFFFEC00  }
0x5a: {  	[tilespmem:s19], [sflag:$0x2] =	stream.indirect.gather [hbm4b:s1+s17], $0x40, s26, s17, $0xb8;
	[tilespmem:$0x131A0] =	vst v63  }
0x5b: {  	_ =	swait.ge [sflag:s20], $0x1400  }
0x5c: {  	[sflag:s20] =	ssyncset.done $0x0  }
0x5d: {  	s28 =	sadd.s32 $0x2710, s25;
	[sflag:s20] =	ssyncadd.s32 $0xFFFFEC00  }
0x5e: {  	[spmem:s3] =	stream.indirect.scatter.add.f32 [tilespmem:s18], [sflag:$0x3], $0x40, s28, s17, $0xb8;
	[tilespmem:$0x131A0] =	vst v63  }
0x5f: {  	_ =	swait.ge [sflag:s15], $0x1400  }
0x60: {  	[sflag:s15] =	ssyncset.done $0x0  }
0x61: {  	s29 =	sadd.s32 $0xA0, s25;
	[sflag:s15] =	ssyncadd.s32 $0xFFFFEC00  }
0x62: {  	[tilespmem:s18], [sflag:$0x1] =	stream.indirect.gather [hbm4b:s1+s17], $0x40, s29, s17, $0xb8;
	[tilespmem:$0x131A0] =	vst v63  }
0x63: {  	_ =	swait.ge [sflag:s21], $0x1400  }
0x64: {  	[sflag:s21] =	ssyncset.done $0x0  }
0x65: {  	s30 =	sadd.s32 $0x2760, s25;
	[sflag:s21] =	ssyncadd.s32 $0xFFFFEC00  }
0x66: {  	[spmem:s3] =	stream.indirect.scatter.add.f32 [tilespmem:s19], [sflag:$0x3], $0x40, s30, s17, $0xb8;
	[tilespmem:$0x131A0] =	vst v63  }
0x67: {  	_ =	swait.ge [sflag:s15], $0x1400  }
0x68: {  	[sflag:s15] =	ssyncset.done $0x0  }
0x69: {  	[sflag:s15] =	ssyncadd.s32 $0xFFFFEC00  }
0x6a: {  	_ =	swait.ge [sflag:s20], $0x1400  }
0x6b: {  	[sflag:s20] =	ssyncset.done $0x0  }
0x6c: {  	[sflag:s20] =	ssyncadd.s32 $0xFFFFEC00  }
0x6d: {  	[spmem:s3] =	stream.indirect.scatter.add.f32 [tilespmem:s18], [sflag:$0x3], $0x40, s22, s17, $0xb8;
	[tilespmem:$0x131A0] =	vst v63  }
0x6e: {  	_ =	swait.ge [sflag:s15], $0x1400  }
0x6f: {  	s24 =	sadd.s32 $0x1, s24;
	[sflag:s15] =	ssyncset.done $0x0  }
0x70: {  	p0 =	sne.s32 s24, s13;
	[sflag:s15] =	ssyncadd.s32 $0xFFFFEC00  }
.Ltmp2:
0x71: {  	s31 =	sshrl.u32 s7, $0x3;
	[bflag:$0x0] =	sbarrier.arrive $0xFFFF;
	(pc) =	sbr.rel @p0 .LBB2_1-.Ltmp2, $4  }
0x72: {  	[hbm:s12], [sflag:s23] =	dma.local [spmem:s31], $0x1388  }
0x73: {  	_ =	swait.ge [sflag:s15], $0x1388  }
0x74: {  	[sflag:s15] =	ssyncset.done $0x0  }
0x75: {  	[sflag:s15] =	ssyncadd.s32 $0xFFFFEC78  }
0x76: {  	_ =	sfence.sel $0x180000  }
0x77: {  	[bflag:$0x0] =	sbarrier.arrive $0xFFFF  }
0x78: {  	p0 =	sne.s32 s0, $0x0;
	_ =	strace $0x9000004D  }
0x79: {  	s0 =	sadd.s32 @!p0 $0x100000, s2;
	[bflag:$0x2] =	sbarrier.arrive $0xFFFF  }
0x7a: {  	[sflag:s0] =	ssyncadd.tile.s32 @!p0 $0x1;
	_ =	shalt  }
.Lfunc_end2:
_tile_overlayer_lowered:
.L_overlay_start_2:
0x7b: {  	(tag) =	ssettag $0x2  }
0x7c: {  	s0 =	rddreg [dreg:$0x0];
	s2 =	stileid.u32  }
0x7d: {  	s1 =	rddreg [dreg:$0x1];
	p0 =	sne.s32 s2, $0x0  }
0x7e: {  	s3 =	rddreg [dreg:$0x2];
	[bflag:$0x3] =	sbarrier.arrive $0xFFFF;
	s2 =	simm.s32 @!p0 $0x1C03  }
0x7f: {  	[timem:s3], [sflag:s2] =	dma.local @!p0 [hbm:s0], s1  }
0x80: {  	s0 =	simm.s32 @!p0 $0x3  }
0x81: {  	_ =	swait.ge @!p0 [sflag:s0], s1  }
0x82: {  	s1 =	ssub.s32 @!p0 $0x0, s1;
	[sflag:s0] =	ssyncset.done @!p0 $0x0  }
0x83: {  	[sflag:s0] =	ssyncadd.s32 @!p0 s1  }
0x84: {  	[bflag:$0x3] =	sbarrier.arrive $0xFFFF  }
0x85: {  	_ =	shalt  }

// kernel: kernel.21.cloned.1.call-start
scs
__scs_entry_jumppad:
0x0: {  	(pc) =	sbr.rel $0x88, $3  }
0x1: {  	(tag) =	ssettag $0x0;
	lr =	simm.s32 $0x1  }
0x2: {  	[smem:$0x3F8C] =	sst lr;
	_ =	strace $0xD0000000  }
0x3: {  	_ = 	snop  }
0x4: {  	_ = 	snop  }
0x5: {  	_ = 	snop  }
0x6: {  	_ = 	snop  }
0x7: {  	_ = 	snop  }
__scs_overlays_trampoline_lowered:
0x8: {  	[smem:$0x3F9B] =	sst s0  }
0x9: {  	[smem:$0x3F9C] =	sst s1  }
0xa: {  	[smem:$0x3F9D] =	sst s2  }
0xb: {  	[smem:$0x3F9E] =	sst s3  }
0xc: {  	[smem:$0x3F9F] =	sst s4  }
0xd: {  	[smem:$0x3FA0] =	sst s5  }
0xe: {  	[smem:$0x3FA1] =	sst s6  }
0xf: {  	[smem:$0x3FA2] =	sst s7  }
0x10: {  	[smem:$0x3FA3] =	sst s8  }
0x11: {  	[smem:$0x3FA4] =	sst s9;
	s0 =	simm.s32 @!p0 $0x0  }
0x12: {  	s1 =	sld [smem:$0x3F8A];
	s0 =	simm.s32 @p0 $0x1  }
0x13: {  	[smem:$0x3FA5] =	sst s0;
	s0 =	simm.s32 @!p1 $0x0  }
0x14: {  	s2 =	sld [smem:$0x3F89];
	s0 =	simm.s32 @p1 $0x1  }
0x15: {  	[smem:$0x3FA6] =	sst s0;
	s0 =	simm.s32 @!p2 $0x0  }
0x16: {  	s3 =	sld [smem:$0x3FDB];
	s0 =	simm.s32 @p2 $0x1  }
0x17: {  	s4 =	simm.s32 $0x1BF5;
	[smem:$0x3FA8] =	sst s0  }
0x18: {  	s0 =	sld [smem:$0x3F8B];
	_ =	swait.ge [sflag:s4], $0x0  }
0x19: {  	s7 =	sld [smem:$0x3F8C]  }
0x1a: {  	s8 =	sadd.s32 $0xFFFFE003, lr  }
0x1b: {  	s9 =	sadd.s32 $0xFFFFFEF7, lr;
	s5 =	simm.s32 $0xFFFFFFFF;
	p2 =	slt.u32 s8, $0xFFFFF086  }
0x1c: {  	p1 =	slt.u32 s9, $0xF7A;
	s5 =	simm.s32 @!p2 $0x0  }
0x1d: {  	s5 =	simm.s32 @p1 $0x1;
	p0 =	seq.s32 s7, s2  }
0x1e: {  	s7 =	smul.u32 @!p0 $0xF7A, s2;
	p2 =	seq.s32 @!p0 s5, $0x0  }
0x1f: {  	s9 =	smul.u32 $0xF7A, s1;
	s8 =	simm.s32 @!p0 $0x1BF5;
	p2 =	por !p2, p0  }
0x20: {  	[sflag:s8] =	ssyncset.s32 @!p0 $0xFFFFF086;
	s6 =	sadd.s32 @!p0 s3, s7;
	s7 =	simm.s32 @!p0 $0x108  }
0x21: {  	s3 =	sadd.s32 s3, s9;
	s6 =	sadd.s32 @!p0 $0x88, s6;
	s7 =	simm.s32 @p2 $0x1082  }
0x22: {  	[simem:s7], [sflag:s8] =	dma.local @!p0 [hbm:s6], $0xF7A  }
0x23: {  	s9 =	sor.u32 $0xD0000000, s2;
	s6 =	simm.s32 $0x108;
	_ =	swait.ge @!p0 [sflag:s8], $0x0  }
0x24: {  	s3 =	sadd.s32 $0x88, s3;
	s6 =	simm.s32 @!p1 $0x1082;
	[sflag:s4] =	ssyncset.s32 $0xFFFFF086  }
0x25: {  	[simem:s6], [sflag:s4] =	dma.local [hbm:s3], $0xF7A  }
0x26: {  	[smem:$0x3F8C] =	sst s1;
	(tag) =	ssettag s2;
	_ =	strace s9  }
0x27: {  	s1 =	sld [smem:$0x3F9C]  }
0x28: {  	s2 =	sld [smem:$0x3F9D]  }
0x29: {  	s4 =	sld [smem:$0x3F9F]  }
0x2a: {  	p0 =	seq.s32 s5, $0x0;
	s5 =	sld [smem:$0x3FA0]  }
0x2b: {  	s6 =	sld [smem:$0x3FA1]  }
0x2c: {  	s7 =	sld [smem:$0x3FA2]  }
0x2d: {  	s3 =	simm.s32 $0x108;
	s8 =	sld [smem:$0x3FA3]  }
0x2e: {  	s3 =	simm.s32 @!p0 $0x1082;
	s9 =	sld [smem:$0x3FA4]  }
0x2f: {  	lr =	sadd.s32 s0, s3;
	s0 =	sld [smem:$0x3F9B]  }
0x30: {  	s3 =	sld [smem:$0x3F9E]  }
0x31: {  	[smem:$0x3FA7] =	sst s10  }
0x32: {  	s10 =	sld [smem:$0x3FA5];
	_ =	sdelay $0x3  }
0x33: {  	p0 =	seq.s32 s10, $0x1;
	s10 =	sld [smem:$0x3FA7];
	_ =	sdelay $0x3  }
0x34: {  	[smem:$0x3FA7] =	sst s10  }
0x35: {  	s10 =	sld [smem:$0x3FA6];
	_ =	sdelay $0x3  }
0x36: {  	p1 =	seq.s32 s10, $0x1;
	s10 =	sld [smem:$0x3FA7];
	_ =	sdelay $0x3  }
0x37: {  	[smem:$0x3FA7] =	sst s10  }
0x38: {  	s10 =	sld [smem:$0x3FA8]  }
0x39: {  	_ = 	snop;
	(pc) =	sbr.ind lr, $3  }
0x3a: {  	_ = 	snop  }
0x3b: {  	_ = 	snop  }
0x3c: {  	p2 =	seq.s32 s10, $0x1;
	s10 =	sld [smem:$0x3FA7]  }
0x3d: {  	_ =	shalt  }
0x3e: {  	_ =	shalt  }
0x3f: {  	_ =	shalt  }
0x40: {  	_ =	shalt  }
0x41: {  	_ =	shalt  }
0x42: {  	_ =	shalt  }
0x43: {  	_ =	shalt  }
0x44: {  	_ =	shalt  }
0x45: {  	_ =	shalt  }
0x46: {  	_ =	shalt  }
0x47: {  	_ =	shalt  }
0x48: {  	_ =	shalt  }
0x49: {  	_ =	shalt  }
0x4a: {  	_ =	shalt  }
0x4b: {  	_ =	shalt  }
0x4c: {  	_ =	shalt  }
0x4d: {  	_ =	shalt  }
0x4e: {  	_ =	shalt  }
0x4f: {  	_ =	shalt  }
0x50: {  	_ =	shalt  }
0x51: {  	_ =	shalt  }
0x52: {  	_ =	shalt  }
0x53: {  	_ =	shalt  }
0x54: {  	_ =	shalt  }
0x55: {  	_ =	shalt  }
0x56: {  	_ =	shalt  }
0x57: {  	_ =	shalt  }
0x58: {  	_ =	shalt  }
0x59: {  	_ =	shalt  }
0x5a: {  	_ =	shalt  }
0x5b: {  	_ =	shalt  }
0x5c: {  	_ =	shalt  }
0x5d: {  	_ =	shalt  }
0x5e: {  	_ =	shalt  }
0x5f: {  	_ =	shalt  }
0x60: {  	_ =	shalt  }
0x61: {  	_ =	shalt  }
0x62: {  	_ =	shalt  }
0x63: {  	_ =	shalt  }
0x64: {  	_ =	shalt  }
0x65: {  	_ =	shalt  }
0x66: {  	_ =	shalt  }
0x67: {  	_ =	shalt  }
0x68: {  	_ =	shalt  }
0x69: {  	_ =	shalt  }
0x6a: {  	_ =	shalt  }
0x6b: {  	_ =	shalt  }
0x6c: {  	_ =	shalt  }
0x6d: {  	_ =	shalt  }
0x6e: {  	_ =	shalt  }
0x6f: {  	_ =	shalt  }
0x70: {  	_ =	shalt  }
0x71: {  	_ =	shalt  }
0x72: {  	_ =	shalt  }
0x73: {  	_ =	shalt  }
0x74: {  	_ =	shalt  }
0x75: {  	_ =	shalt  }
0x76: {  	_ =	shalt  }
0x77: {  	_ =	shalt  }
0x78: {  	_ =	shalt  }
0x79: {  	_ =	shalt  }
0x7a: {  	_ =	shalt  }
0x7b: {  	_ =	shalt  }
0x7c: {  	_ =	shalt  }
0x7d: {  	_ =	shalt  }
0x7e: {  	_ =	shalt  }
0x7f: {  	_ =	shalt  }
0x80: {  	_ =	shalt  }
0x81: {  	_ =	shalt  }
0x82: {  	_ =	shalt  }
0x83: {  	_ =	shalt  }
0x84: {  	_ =	shalt  }
0x85: {  	_ =	shalt  }
0x86: {  	_ =	shalt  }
0x87: {  	_ =	shalt  }
.Lfunc_end0:
.L_simem_size_0:
called_computation.2_lowered:
.L_overlay_start_0:
0x88: {  	s2 =	sld [smem:$0x3FD9]  }
0x89: {  	s3 =	sld [smem:$0x3FFE];
	_ =	sdelay $0x1  }
0x8a: {  	s1 =	srdreg.scid  }
0x8b: {  	s0 =	sand.u32 $0x1, s1  }
0x8c: {  	s14 =	sshll.u32 s0, $0xA;
	s2 =	sadd.s32 s3, s2  }
0x8d: {  	s2 =	sadd.s32 s2, s14  }
0x8e: {  	[smem:$0x3FB3] =	sst s2  }
0x8f: {  	_ = 	snop  }
0x90: {  	s2 =	sld [smem:$0x3FD0];
	_ =	sdelay $0x2  }
0x91: {  	s15 =	simm.s32 $0xC;
	s4 =	simm.s32 $0x10  }
0x92: {  	[smem:s4], [sflag:s15] =	dma.local [hbm:s2], $0x1  }
0x93: {  	_ =	swait.eq [sflag:s15], $0x1  }
0x94: {  	[sflag:s15] =	ssyncset.done $0x0  }
0x95: {  	[sflag:s15] =	ssyncadd.s32 $0xFFFFFFFF  }
0x96: {  	s16 =	sld [smem:$0x10];
	(tm) =	ssettm $0x1  }
0x97: {  	s17 =	sld [smem:$0x3FFB];
	_ =	sdelay $0x3  }
0x98: {  	_ =	strace s17  }
0x99: {  	s3 =	sld [smem:$0x3FFC];
	_ =	sdelay $0x3  }
0x9a: {  	_ =	strace s3  }
0x9b: {  	s3 =	sld [smem:$0x3FFD];
	_ =	sdelay $0x3  }
0x9c: {  	_ =	strace s3  }
0x9d: {  	_ =	strace $0x8FFFFFFF  }
0x9e: {  	s18 =	sld [smem:$0x3FDB];
	_ =	sdelay $0x1  }
0x9f: {  	s19 =	simm.s32 $_scs_section_size  }
0xa0: {  	s5 =	simm.s32 $_size__tile_overlayer_lowered;
	s6 =	simm.s32 $_tile_overlayer_lowered  }
0xa1: {  	s22 =	simm.s32 $0x1BFF;
	s21 =	sshll.u32 s6, $0x1;
	s3 =	sadd.s32 s19, s18  }
0xa2: {  	s7 =	simm.s32 $0x0;
	s20 =	sshll.u32 s5, $0x1;
	s5 =	sadd.s32 s21, s3  }
0xa3: {  	[timem:s7], [sflag:s22] =	dma.local [hbm:s5], s20  }
0xa4: {  	_ =	swait.ge [sflag:s22], s20  }
0xa5: {  	s4 =	ssub.s32 $0x0, s20;
	[sflag:s22] =	ssyncset.done $0x0  }
0xa6: {  	[sflag:s22] =	ssyncadd.s32 s4;
	_ =	sdelay $0x1  }
0xa7: {  	s23 =	simm.s32 $0x1B8B  }
0xa8: {  	_ =	swait.ge [sflag:s23], $0x1  }
0xa9: {  	[sflag:s23] =	ssyncset.done $0x0  }
0xaa: {  	s25 =	simm.s32 $0x1B8E;
	s24 =	sld [smem:$0x3FFE];
	[sflag:s23] =	ssyncadd.s32 $0xFFFFFFFF  }
0xab: {  	s26 =	simm.s32 $execute0_lowered;
	[smem:$0x3FD2] =	sst s25  }
0xac: {  	s5 =	sshll.u32 s26, $0x1;
	_ =	strace $0x80000049;
	[dreg:$0x1] =	wrdreg $0xFFFFFFFF  }
0xad: {  	s28 =	simm.s32 $_size_execute0_lowered;
	s3 =	sadd.s32 s3, s5;
	[dreg:$0x0] =	wrdreg $0x0  }
0xae: {  	s5 =	sshll.u32 s28, $0x1;
	[dreg:$0x2] =	wrdreg s3  }
0xaf: {  	[dreg:$0x3] =	wrdreg s5  }
0xb0: {  	[dreg:$0x4] =	wrdreg $0xC0  }
0xb1: {  	_ =	task [dreg:s7], $0x5FFFF  }
0xb2: {  	[dreg:$0x1] =	wrdreg $0xFFFFFFFF  }
0xb3: {  	[dreg:$0x0] =	wrdreg $0x60  }
0xb4: {  	[dreg:$0x2] =	wrdreg s16  }
0xb5: {  	[dreg:$0x3] =	wrdreg s24  }
0xb6: {  	[dreg:$0x4] =	wrdreg $0x95600  }
0xb7: {  	[dreg:$0x5] =	wrdreg $0xA  }
0xb8: {  	_ =	task.clear_ibuf [dreg:s7], $0x6FFFF;
	_ =	strace $0x90000049  }
0xb9: {  	s29 =	simm.s32 $0xA;
	_ =	strace $0x8000004B  }
0xba: {  	_ =	swait.ge [sflag:s29], $0x1  }
0xbb: {  	[sflag:s29] =	ssyncadd.s32 $0xFFFFFFFF  }
0xbc: {  	_ =	strace $0x9000004B  }
0xbd: {  	_ =	sfence  }
0xbe: {  	s30 =	sld [smem:$0x0];
	_ =	sdelay $0x2  }
0xbf: {  	s31 =	sshll.u32 s1, $0xD;
	s1 =	sshrl.u32 s1, $0x2  }
0xc0: {  	s3 =	sand.u32 $0x4000, s31;
	s1 =	sadd.s32 s1, s30  }
0xc1: {  	s0 =	sor.u32 s3, s0;
	s1 =	sshll.u32 s1, $0x11  }
0xc2: {  	s0 =	sor.u32 s1, s0  }
0xc3: {  	s0 =	sadd.s32 $0x8F2B, s0  }
0xc4: {  	[sflag:s0] =	ssyncadd.remote.s32 $0x1  }
0xc5: {  	_ =	sfence.sel $0xFFFF  }
0xc6: {  	[dreg:$0x0] =	wrdreg $0xFFFFFFFF;
	(pc) =	sbr.abs _section_cstart, $3  }
0xc7: {  	[dreg:$0x1] =	wrdreg $0xFFFFFFFF  }
0xc8: {  	_ =	task.clear_ibuf [dreg:s7], $0x2FFFF;
	_ =	strace $0x9FFFFFFF  }
0xc9: {  	(tm) =	ssettm $0x7FFFFFFF  }
tec
execute0_lowered:
.L_overlay_start_1:
0x0: {  	(tag) =	ssettag $0x1  }
0x1: {  	s1 =	rddreg [dreg:$0x0]  }
0x2: {  	s6 =	rddreg [dreg:$0x1]  }
0x3: {  	s0 =	srdreg.scid;
	s3 =	rddreg [dreg:$0x2];
	s4 =	simm.s32 $0x0  }
0x4: {  	s14 =	simm.s32 $0x2710;
	s15 =	simm.s32 $0x3;
	s16 =	simm.s32 $0x7620  }
0x5: {  	s17 =	simm.s32 $0x50;
	s18 =	simm.s32 $0x4E20;
	s19 =	simm.s32 $0x6220  }
0x6: {  	s20 =	simm.s32 $0x1;
	s21 =	simm.s32 $0x2;
	s22 =	simm.s32 $0x4DD0  }
0x7: {  	s24 =	simm.s32 $0x0;
	s5 =	sand.u32 $0x1, s0;
	s0 =	stileid.u32  }
0x8: {  	[smem:$0x7FF] =	sst s4;
	s2 =	sshll.u32 s5, $0x4;
	s9 =	smul.u32 $0x4E2, s0  }
0x9: {  	s5 =	ssub.s32 $0x2, s5;
	s10 =	smul.u32 $0x27100, s0;
	s23 =	sshll.u32 s0, $0x6  }
0xa: {  	s7 =	sor.u32 s0, s2;
	s2 =	rddreg [dreg:$0x3];
	_ =	strace $0x8000004A  }
0xb: {  	s11 =	sshrl.u32 s5, $0x1;
	s23 =	sor.u32 $0x1C03, s23;
	s8 =	smul.u32 $0x4E2, s7  }
0xc: {  	s7 =	smul.u32 $0x1388, s7;
	s9 =	sadd.s32 s9, s6;
	s13 =	ssub.s32 s5, s11  }
0xd: {  	s31 =	sshrl.u32 s10, $0x2;
	s5 =	sadd.s32 $0x5800, s9;
	s13 =	smax.u32 s13, $0x1  }
0xe: {  	s8 =	sadd.s32 s8, s6;
	s12 =	sadd.s32 s7, s6;
	s7 =	sadd.s32 s31, s3  }
0xf: {  	s6 =	sadd.s32 $0x59800, s8;
	s8 =	sadd.s32 $0x1F40, s7;
	s9 =	sadd.s32 $0x3E80, s7  }
0x10: {  	v0 =	vimm.f32 $0.0e+00;
	s10 =	sadd.s32 $0x5DC0, s7;
	s11 =	sadd.s32 $0x7D00, s7;
	s12 =	sadd.s32 $0xA800, s12  }
.LBB2_1:
0x11: {  	[tilespmem:s14], [sflag:$0x3] =	stream.linear.gather [hbm4b:s5+s4], $0x2710, $0x38;
	[tilespmem:$0x131A0] =	vst v63  }
0x12: {  	_ =	swait.ge [sflag:s15], $0x2710  }
0x13: {  	[sflag:s15] =	ssyncset.done $0x0  }
0x14: {  	s26 =	simm.s32 $0x100;
	s25 =	simm.s32 $0x0;
	[sflag:s15] =	ssyncadd.s32 $0xFFFFD8F0  }
.LBB2_2:
0x15: {  	p0 =	sne.s32 s26, $0x7C00;
	[tilespmem:s25+$0x7650] =	vst v0;
	s28 =	smov.u32 s26;
	s26 =	sadd.s32 $0x100, s26  }
.Ltmp0:
0x16: {  	[tilespmem:s25+$0x7640] =	vst v0;
	(pc) =	sbr.rel @p0 .LBB2_2-.Ltmp0, $3  }
0x17: {  	[tilespmem:s25+$0x7620] =	vst v0  }
0x18: {  	[tilespmem:s25+$0x7630] =	vst v0;
	_ =	sdelay $0x1  }
0x19: {  	s25 =	sshra.s32 s28, $0x2  }
0x1a: {  	[tilespmem:s25+$0x7650] =	vst v0  }
0x1b: {  	[tilespmem:s25+$0x7640] =	vst v0  }
0x1c: {  	[tilespmem:s25+$0x7620] =	vst v0  }
0x1d: {  	[tilespmem:s25+$0x7630] =	vst v0;
	s26 =	simm.s32 $0x0  }
0x1e: {  	[tilespmem:s26], [sflag:$0x3] =	stream.linear.gather [hbm4b:s6+s26], $0x2710, $0x38;
	[tilespmem:$0x131A0] =	vst v63  }
0x1f: {  	_ =	swait.ge [sflag:s15], $0x2710  }
0x20: {  	[sflag:s15] =	ssyncset.done $0x0  }
0x21: {  	[sflag:s15] =	ssyncadd.s32 $0xFFFFD8F0  }
0x22: {  	[spmem:s7] =	stream.linear.scatter [tilespmem:s16], [sflag:$0x3], $0x1F40, $0x38;
	[tilespmem:$0x131A0] =	vst v63  }
0x23: {  	_ =	swait.ge [sflag:s15], $0x1F40  }
0x24: {  	[sflag:s15] =	ssyncset.done $0x0  }
0x25: {  	[sflag:s15] =	ssyncadd.s32 $0xFFFFE0C0  }
0x26: {  	[spmem:s8] =	stream.linear.scatter [tilespmem:s16], [sflag:$0x3], $0x1F40, $0x38;
	[tilespmem:$0x131A0] =	vst v63  }
0x27: {  	_ =	swait.ge [sflag:s15], $0x1F40  }
0x28: {  	[sflag:s15] =	ssyncset.done $0x0  }
0x29: {  	[sflag:s15] =	ssyncadd.s32 $0xFFFFE0C0  }
0x2a: {  	[spmem:s9] =	stream.linear.scatter [tilespmem:s16], [sflag:$0x3], $0x1F40, $0x38;
	[tilespmem:$0x131A0] =	vst v63  }
0x2b: {  	_ =	swait.ge [sflag:s15], $0x1F40  }
0x2c: {  	[sflag:s15] =	ssyncset.done $0x0  }
0x2d: {  	[sflag:s15] =	ssyncadd.s32 $0xFFFFE0C0  }
0x2e: {  	[spmem:s10] =	stream.linear.scatter [tilespmem:s16], [sflag:$0x3], $0x1F40, $0x38;
	[tilespmem:$0x131A0] =	vst v63  }
0x2f: {  	_ =	swait.ge [sflag:s15], $0x1F40  }
0x30: {  	[sflag:s15] =	ssyncset.done $0x0  }
0x31: {  	[sflag:s15] =	ssyncadd.s32 $0xFFFFE0C0  }
0x32: {  	[spmem:s11] =	stream.linear.scatter [tilespmem:s16], [sflag:$0x3], $0x1F40, $0x38;
	[tilespmem:$0x131A0] =	vst v63  }
0x33: {  	_ =	swait.ge [sflag:s15], $0x1F40  }
0x34: {  	[sflag:s15] =	ssyncset.done $0x0  }
0x35: {  	[sflag:s15] =	ssyncadd.s32 $0xFFFFE0C0  }
0x36: {  	[bflag:$0x0] =	sbarrier.arrive $0xFFFF  }
0x37: {  	[tilespmem:s18], [sflag:$0x1] =	stream.indirect.gather [hbm4b:s1+s17], $0x40, s26, s17, $0xb8;
	[tilespmem:$0x131A0] =	vst v63  }
0x38: {  	s28 =	simm.s32 $0x50  }
0x39: {  	[tilespmem:s19], [sflag:$0x2] =	stream.indirect.gather [hbm4b:s1+s17], $0x40, s28, s17, $0xb8;
	[tilespmem:$0x131A0] =	vst v63  }
0x3a: {  	_ =	swait.ge [sflag:s20], $0x1400  }
0x3b: {  	[sflag:s20] =	ssyncset.done $0x0  }
0x3c: {  	s29 =	simm.s32 $0x2710;
	[sflag:s20] =	ssyncadd.s32 $0xFFFFEC00  }
0x3d: {  	[spmem:s3] =	stream.indirect.scatter.add.f32 [tilespmem:s18], [sflag:$0x3], $0x40, s29, s17, $0xb8;
	[tilespmem:$0x131A0] =	vst v63  }
0x3e: {  	_ =	swait.ge [sflag:s15], $0x1400  }
0x3f: {  	[sflag:s15] =	ssyncset.done $0x0  }
0x40: {  	s30 =	simm.s32 $0xA0;
	[sflag:s15] =	ssyncadd.s32 $0xFFFFEC00  }
0x41: {  	[tilespmem:s18], [sflag:$0x1] =	stream.indirect.gather [hbm4b:s1+s17], $0x40, s30, s17, $0xb8;
	[tilespmem:$0x131A0] =	vst v63  }
0x42: {  	_ =	swait.ge [sflag:s21], $0x1400  }
0x43: {  	[sflag:s21] =	ssyncset.done $0x0  }
0x44: {  	s31 =	simm.s32 $0x2760;
	[sflag:s21] =	ssyncadd.s32 $0xFFFFEC00  }
0x45: {  	[spmem:s3] =	stream.indirect.scatter.add.f32 [tilespmem:s19], [sflag:$0x3], $0x40, s31, s17, $0xb8;
	[tilespmem:$0x131A0] =	vst v63  }
0x46: {  	_ =	swait.ge [sflag:s15], $0x1400  }
0x47: {  	s25 =	simm.s32 $0xA0;
	s26 =	simm.s32 $0x500;
	[sflag:s15] =	ssyncset.done $0x0  }
.LBB2_4:
0x48: {  	s28 =	sadd.s32 $0x50, s25  }
0x49: {  	[sflag:s15] =	ssyncadd.s32 $0xFFFFEC00;
	s29 =	smov.u32 s26;
	s30 =	sadd.s32 $0x280, s26  }
0x4a: {  	[tilespmem:s19], [sflag:$0x2] =	stream.indirect.gather [hbm4b:s1+s17], $0x40, s28, s17, $0xb8;
	[tilespmem:$0x131A0] =	vst v63  }
0x4b: {  	p0 =	sne.s32 s26, $0x9880;
	_ =	swait.ge [sflag:s20], $0x1400  }
0x4c: {  	[sflag:s20] =	ssyncset.done $0x0  }
0x4d: {  	s26 =	sadd.s32 $0x2710, s25;
	[sflag:s20] =	ssyncadd.s32 $0xFFFFEC00  }
0x4e: {  	[spmem:s3] =	stream.indirect.scatter.add.f32 [tilespmem:s18], [sflag:$0x3], $0x40, s26, s17, $0xb8;
	[tilespmem:$0x131A0] =	vst v63  }
0x4f: {  	_ =	swait.ge [sflag:s15], $0x1400  }
0x50: {  	[sflag:s15] =	ssyncset.done $0x0  }
0x51: {  	s26 =	sadd.s32 $0xA0, s25;
	[sflag:s15] =	ssyncadd.s32 $0xFFFFEC00  }
0x52: {  	[tilespmem:s18], [sflag:$0x1] =	stream.indirect.gather [hbm4b:s1+s17], $0x40, s26, s17, $0xb8;
	[tilespmem:$0x131A0] =	vst v63  }
0x53: {  	_ =	swait.ge [sflag:s21], $0x1400  }
.Ltmp1:
0x54: {  	[sflag:s21] =	ssyncset.done $0x0;
	(pc) =	sbr.rel @p0 .LBB2_4-.Ltmp1, $4  }
0x55: {  	s25 =	sadd.s32 $0x2760, s25;
	[sflag:s21] =	ssyncadd.s32 $0xFFFFEC00  }
0x56: {  	[spmem:s3] =	stream.indirect.scatter.add.f32 [tilespmem:s19], [sflag:$0x3], $0x40, s25, s17, $0xb8;
	[tilespmem:$0x131A0] =	vst v63  }
0x57: {  	_ =	swait.ge [sflag:s15], $0x1400  }
0x58: {  	s26 =	smov.u32 s30;
	s25 =	sshra.s32 s29, $0x2;
	[sflag:s15] =	ssyncset.done $0x0  }
0x59: {  	s26 =	sadd.s32 $0x50, s25;
	[sflag:s15] =	ssyncadd.s32 $0xFFFFEC00  }
0x5a: {  	[tilespmem:s19], [sflag:$0x2] =	stream.indirect.gather [hbm4b:s1+s17], $0x40, s26, s17, $0xb8;
	[tilespmem:$0x131A0] =	vst v63  }
0x5b: {  	_ =	swait.ge [sflag:s20], $0x1400  }
0x5c: {  	[sflag:s20] =	ssyncset.done $0x0  }
0x5d: {  	s28 =	sadd.s32 $0x2710, s25;
	[sflag:s20] =	ssyncadd.s32 $0xFFFFEC00  }
0x5e: {  	[spmem:s3] =	stream.indirect.scatter.add.f32 [tilespmem:s18], [sflag:$0x3], $0x40, s28, s17, $0xb8;
	[tilespmem:$0x131A0] =	vst v63  }
0x5f: {  	_ =	swait.ge [sflag:s15], $0x1400  }
0x60: {  	[sflag:s15] =	ssyncset.done $0x0  }
0x61: {  	s29 =	sadd.s32 $0xA0, s25;
	[sflag:s15] =	ssyncadd.s32 $0xFFFFEC00  }
0x62: {  	[tilespmem:s18], [sflag:$0x1] =	stream.indirect.gather [hbm4b:s1+s17], $0x40, s29, s17, $0xb8;
	[tilespmem:$0x131A0] =	vst v63  }
0x63: {  	_ =	swait.ge [sflag:s21], $0x1400  }
0x64: {  	[sflag:s21] =	ssyncset.done $0x0  }
0x65: {  	s30 =	sadd.s32 $0x2760, s25;
	[sflag:s21] =	ssyncadd.s32 $0xFFFFEC00  }
0x66: {  	[spmem:s3] =	stream.indirect.scatter.add.f32 [tilespmem:s19], [sflag:$0x3], $0x40, s30, s17, $0xb8;
	[tilespmem:$0x131A0] =	vst v63  }
0x67: {  	_ =	swait.ge [sflag:s15], $0x1400  }
0x68: {  	[sflag:s15] =	ssyncset.done $0x0  }
0x69: {  	[sflag:s15] =	ssyncadd.s32 $0xFFFFEC00  }
0x6a: {  	_ =	swait.ge [sflag:s20], $0x1400  }
0x6b: {  	[sflag:s20] =	ssyncset.done $0x0  }
0x6c: {  	[sflag:s20] =	ssyncadd.s32 $0xFFFFEC00  }
0x6d: {  	[spmem:s3] =	stream.indirect.scatter.add.f32 [tilespmem:s18], [sflag:$0x3], $0x40, s22, s17, $0xb8;
	[tilespmem:$0x131A0] =	vst v63  }
0x6e: {  	_ =	swait.ge [sflag:s15], $0x1400  }
0x6f: {  	s24 =	sadd.s32 $0x1, s24;
	[sflag:s15] =	ssyncset.done $0x0  }
0x70: {  	p0 =	sne.s32 s24, s13;
	[sflag:s15] =	ssyncadd.s32 $0xFFFFEC00  }
.Ltmp2:
0x71: {  	s31 =	sshrl.u32 s7, $0x3;
	[bflag:$0x0] =	sbarrier.arrive $0xFFFF;
	(pc) =	sbr.rel @p0 .LBB2_1-.Ltmp2, $4  }
0x72: {  	[hbm:s12], [sflag:s23] =	dma.local [spmem:s31], $0x1388  }
0x73: {  	_ =	swait.ge [sflag:s15], $0x1388  }
0x74: {  	[sflag:s15] =	ssyncset.done $0x0  }
0x75: {  	[sflag:s15] =	ssyncadd.s32 $0xFFFFEC78  }
0x76: {  	_ =	sfence.sel $0x180000  }
0x77: {  	[bflag:$0x0] =	sbarrier.arrive $0xFFFF  }
0x78: {  	p0 =	sne.s32 s0, $0x0;
	_ =	strace $0x9000004A  }
0x79: {  	s0 =	sadd.s32 @!p0 $0x100000, s2;
	[bflag:$0x2] =	sbarrier.arrive $0xFFFF  }
0x7a: {  	[sflag:s0] =	ssyncadd.tile.s32 @!p0 $0x1;
	_ =	shalt  }
.Lfunc_end2:
_tile_overlayer_lowered:
.L_overlay_start_2:
0x7b: {  	(tag) =	ssettag $0x2  }
0x7c: {  	s0 =	rddreg [dreg:$0x0];
	s2 =	stileid.u32  }
0x7d: {  	s1 =	rddreg [dreg:$0x1];
	p0 =	sne.s32 s2, $0x0  }
0x7e: {  	s3 =	rddreg [dreg:$0x2];
	[bflag:$0x3] =	sbarrier.arrive $0xFFFF;
	s2 =	simm.s32 @!p0 $0x1C03  }
0x7f: {  	[timem:s3], [sflag:s2] =	dma.local @!p0 [hbm:s0], s1  }
0x80: {  	s0 =	simm.s32 @!p0 $0x3  }
0x81: {  	_ =	swait.ge @!p0 [sflag:s0], s1  }
0x82: {  	s1 =	ssub.s32 @!p0 $0x0, s1;
	[sflag:s0] =	ssyncset.done @!p0 $0x0  }
0x83: {  	[sflag:s0] =	ssyncadd.s32 @!p0 s1  }
0x84: {  	[bflag:$0x3] =	sbarrier.arrive $0xFFFF  }
0x85: {  	_ =	shalt  }

// kernel: kernel.24.cloned.1.call-start
scs
__scs_entry_jumppad:
0x0: {  	(pc) =	sbr.rel $0x88, $3  }
0x1: {  	(tag) =	ssettag $0x0;
	lr =	simm.s32 $0x1  }
0x2: {  	[smem:$0x3F8C] =	sst lr;
	_ =	strace $0xD0000000  }
0x3: {  	_ = 	snop  }
0x4: {  	_ = 	snop  }
0x5: {  	_ = 	snop  }
0x6: {  	_ = 	snop  }
0x7: {  	_ = 	snop  }
__scs_overlays_trampoline_lowered:
0x8: {  	[smem:$0x3F9B] =	sst s0  }
0x9: {  	[smem:$0x3F9C] =	sst s1  }
0xa: {  	[smem:$0x3F9D] =	sst s2  }
0xb: {  	[smem:$0x3F9E] =	sst s3  }
0xc: {  	[smem:$0x3F9F] =	sst s4  }
0xd: {  	[smem:$0x3FA0] =	sst s5  }
0xe: {  	[smem:$0x3FA1] =	sst s6  }
0xf: {  	[smem:$0x3FA2] =	sst s7  }
0x10: {  	[smem:$0x3FA3] =	sst s8  }
0x11: {  	[smem:$0x3FA4] =	sst s9;
	s0 =	simm.s32 @!p0 $0x0  }
0x12: {  	s1 =	sld [smem:$0x3F8A];
	s0 =	simm.s32 @p0 $0x1  }
0x13: {  	[smem:$0x3FA5] =	sst s0;
	s0 =	simm.s32 @!p1 $0x0  }
0x14: {  	s2 =	sld [smem:$0x3F89];
	s0 =	simm.s32 @p1 $0x1  }
0x15: {  	[smem:$0x3FA6] =	sst s0;
	s0 =	simm.s32 @!p2 $0x0  }
0x16: {  	s3 =	sld [smem:$0x3FDB];
	s0 =	simm.s32 @p2 $0x1  }
0x17: {  	s4 =	simm.s32 $0x1BF5;
	[smem:$0x3FA8] =	sst s0  }
0x18: {  	s0 =	sld [smem:$0x3F8B];
	_ =	swait.ge [sflag:s4], $0x0  }
0x19: {  	s7 =	sld [smem:$0x3F8C]  }
0x1a: {  	s8 =	sadd.s32 $0xFFFFE003, lr  }
0x1b: {  	s9 =	sadd.s32 $0xFFFFFEF7, lr;
	s5 =	simm.s32 $0xFFFFFFFF;
	p2 =	slt.u32 s8, $0xFFFFF086  }
0x1c: {  	p1 =	slt.u32 s9, $0xF7A;
	s5 =	simm.s32 @!p2 $0x0  }
0x1d: {  	s5 =	simm.s32 @p1 $0x1;
	p0 =	seq.s32 s7, s2  }
0x1e: {  	s7 =	smul.u32 @!p0 $0xF7A, s2;
	p2 =	seq.s32 @!p0 s5, $0x0  }
0x1f: {  	s9 =	smul.u32 $0xF7A, s1;
	s8 =	simm.s32 @!p0 $0x1BF5;
	p2 =	por !p2, p0  }
0x20: {  	[sflag:s8] =	ssyncset.s32 @!p0 $0xFFFFF086;
	s6 =	sadd.s32 @!p0 s3, s7;
	s7 =	simm.s32 @!p0 $0x108  }
0x21: {  	s3 =	sadd.s32 s3, s9;
	s6 =	sadd.s32 @!p0 $0x88, s6;
	s7 =	simm.s32 @p2 $0x1082  }
0x22: {  	[simem:s7], [sflag:s8] =	dma.local @!p0 [hbm:s6], $0xF7A  }
0x23: {  	s9 =	sor.u32 $0xD0000000, s2;
	s6 =	simm.s32 $0x108;
	_ =	swait.ge @!p0 [sflag:s8], $0x0  }
0x24: {  	s3 =	sadd.s32 $0x88, s3;
	s6 =	simm.s32 @!p1 $0x1082;
	[sflag:s4] =	ssyncset.s32 $0xFFFFF086  }
0x25: {  	[simem:s6], [sflag:s4] =	dma.local [hbm:s3], $0xF7A  }
0x26: {  	[smem:$0x3F8C] =	sst s1;
	(tag) =	ssettag s2;
	_ =	strace s9  }
0x27: {  	s1 =	sld [smem:$0x3F9C]  }
0x28: {  	s2 =	sld [smem:$0x3F9D]  }
0x29: {  	s4 =	sld [smem:$0x3F9F]  }
0x2a: {  	p0 =	seq.s32 s5, $0x0;
	s5 =	sld [smem:$0x3FA0]  }
0x2b: {  	s6 =	sld [smem:$0x3FA1]  }
0x2c: {  	s7 =	sld [smem:$0x3FA2]  }
0x2d: {  	s3 =	simm.s32 $0x108;
	s8 =	sld [smem:$0x3FA3]  }
0x2e: {  	s3 =	simm.s32 @!p0 $0x1082;
	s9 =	sld [smem:$0x3FA4]  }
0x2f: {  	lr =	sadd.s32 s0, s3;
	s0 =	sld [smem:$0x3F9B]  }
0x30: {  	s3 =	sld [smem:$0x3F9E]  }
0x31: {  	[smem:$0x3FA7] =	sst s10  }
0x32: {  	s10 =	sld [smem:$0x3FA5];
	_ =	sdelay $0x3  }
0x33: {  	p0 =	seq.s32 s10, $0x1;
	s10 =	sld [smem:$0x3FA7];
	_ =	sdelay $0x3  }
0x34: {  	[smem:$0x3FA7] =	sst s10  }
0x35: {  	s10 =	sld [smem:$0x3FA6];
	_ =	sdelay $0x3  }
0x36: {  	p1 =	seq.s32 s10, $0x1;
	s10 =	sld [smem:$0x3FA7];
	_ =	sdelay $0x3  }
0x37: {  	[smem:$0x3FA7] =	sst s10  }
0x38: {  	s10 =	sld [smem:$0x3FA8]  }
0x39: {  	_ = 	snop;
	(pc) =	sbr.ind lr, $3  }
0x3a: {  	_ = 	snop  }
0x3b: {  	_ = 	snop  }
0x3c: {  	p2 =	seq.s32 s10, $0x1;
	s10 =	sld [smem:$0x3FA7]  }
0x3d: {  	_ =	shalt  }
0x3e: {  	_ =	shalt  }
0x3f: {  	_ =	shalt  }
0x40: {  	_ =	shalt  }
0x41: {  	_ =	shalt  }
0x42: {  	_ =	shalt  }
0x43: {  	_ =	shalt  }
0x44: {  	_ =	shalt  }
0x45: {  	_ =	shalt  }
0x46: {  	_ =	shalt  }
0x47: {  	_ =	shalt  }
0x48: {  	_ =	shalt  }
0x49: {  	_ =	shalt  }
0x4a: {  	_ =	shalt  }
0x4b: {  	_ =	shalt  }
0x4c: {  	_ =	shalt  }
0x4d: {  	_ =	shalt  }
0x4e: {  	_ =	shalt  }
0x4f: {  	_ =	shalt  }
0x50: {  	_ =	shalt  }
0x51: {  	_ =	shalt  }
0x52: {  	_ =	shalt  }
0x53: {  	_ =	shalt  }
0x54: {  	_ =	shalt  }
0x55: {  	_ =	shalt  }
0x56: {  	_ =	shalt  }
0x57: {  	_ =	shalt  }
0x58: {  	_ =	shalt  }
0x59: {  	_ =	shalt  }
0x5a: {  	_ =	shalt  }
0x5b: {  	_ =	shalt  }
0x5c: {  	_ =	shalt  }
0x5d: {  	_ =	shalt  }
0x5e: {  	_ =	shalt  }
0x5f: {  	_ =	shalt  }
0x60: {  	_ =	shalt  }
0x61: {  	_ =	shalt  }
0x62: {  	_ =	shalt  }
0x63: {  	_ =	shalt  }
0x64: {  	_ =	shalt  }
0x65: {  	_ =	shalt  }
0x66: {  	_ =	shalt  }
0x67: {  	_ =	shalt  }
0x68: {  	_ =	shalt  }
0x69: {  	_ =	shalt  }
0x6a: {  	_ =	shalt  }
0x6b: {  	_ =	shalt  }
0x6c: {  	_ =	shalt  }
0x6d: {  	_ =	shalt  }
0x6e: {  	_ =	shalt  }
0x6f: {  	_ =	shalt  }
0x70: {  	_ =	shalt  }
0x71: {  	_ =	shalt  }
0x72: {  	_ =	shalt  }
0x73: {  	_ =	shalt  }
0x74: {  	_ =	shalt  }
0x75: {  	_ =	shalt  }
0x76: {  	_ =	shalt  }
0x77: {  	_ =	shalt  }
0x78: {  	_ =	shalt  }
0x79: {  	_ =	shalt  }
0x7a: {  	_ =	shalt  }
0x7b: {  	_ =	shalt  }
0x7c: {  	_ =	shalt  }
0x7d: {  	_ =	shalt  }
0x7e: {  	_ =	shalt  }
0x7f: {  	_ =	shalt  }
0x80: {  	_ =	shalt  }
0x81: {  	_ =	shalt  }
0x82: {  	_ =	shalt  }
0x83: {  	_ =	shalt  }
0x84: {  	_ =	shalt  }
0x85: {  	_ =	shalt  }
0x86: {  	_ =	shalt  }
0x87: {  	_ =	shalt  }
.Lfunc_end0:
.L_simem_size_0:
called_computation.3_lowered:
.L_overlay_start_0:
0x88: {  	s2 =	sld [smem:$0x3FD9]  }
0x89: {  	s3 =	sld [smem:$0x3FFE];
	_ =	sdelay $0x1  }
0x8a: {  	s1 =	srdreg.scid  }
0x8b: {  	s0 =	sand.u32 $0x1, s1  }
0x8c: {  	s14 =	sshll.u32 s0, $0xA;
	s2 =	sadd.s32 s3, s2  }
0x8d: {  	s2 =	sadd.s32 s2, s14  }
0x8e: {  	[smem:$0x3FB3] =	sst s2  }
0x8f: {  	_ = 	snop  }
0x90: {  	s2 =	sld [smem:$0x3FD0];
	_ =	sdelay $0x2  }
0x91: {  	s15 =	simm.s32 $0xC;
	s4 =	simm.s32 $0x10  }
0x92: {  	[smem:s4], [sflag:s15] =	dma.local [hbm:s2], $0x1  }
0x93: {  	_ =	swait.eq [sflag:s15], $0x1  }
0x94: {  	[sflag:s15] =	ssyncset.done $0x0  }
0x95: {  	[sflag:s15] =	ssyncadd.s32 $0xFFFFFFFF  }
0x96: {  	s16 =	sld [smem:$0x10];
	(tm) =	ssettm $0x1  }
0x97: {  	s17 =	sld [smem:$0x3FFB];
	_ =	sdelay $0x3  }
0x98: {  	_ =	strace s17  }
0x99: {  	s3 =	sld [smem:$0x3FFC];
	_ =	sdelay $0x3  }
0x9a: {  	_ =	strace s3  }
0x9b: {  	s3 =	sld [smem:$0x3FFD];
	_ =	sdelay $0x3  }
0x9c: {  	_ =	strace s3  }
0x9d: {  	_ =	strace $0x8FFFFFFF  }
0x9e: {  	s18 =	sld [smem:$0x3FDB];
	_ =	sdelay $0x1  }
0x9f: {  	s19 =	simm.s32 $_scs_section_size  }
0xa0: {  	s5 =	simm.s32 $_size__tile_overlayer_lowered;
	s6 =	simm.s32 $_tile_overlayer_lowered  }
0xa1: {  	s22 =	simm.s32 $0x1BFF;
	s21 =	sshll.u32 s6, $0x1;
	s3 =	sadd.s32 s19, s18  }
0xa2: {  	s7 =	simm.s32 $0x0;
	s20 =	sshll.u32 s5, $0x1;
	s5 =	sadd.s32 s21, s3  }
0xa3: {  	[timem:s7], [sflag:s22] =	dma.local [hbm:s5], s20  }
0xa4: {  	_ =	swait.ge [sflag:s22], s20  }
0xa5: {  	s4 =	ssub.s32 $0x0, s20;
	[sflag:s22] =	ssyncset.done $0x0  }
0xa6: {  	[sflag:s22] =	ssyncadd.s32 s4;
	_ =	sdelay $0x1  }
0xa7: {  	s23 =	simm.s32 $0x1B8B  }
0xa8: {  	_ =	swait.ge [sflag:s23], $0x1  }
0xa9: {  	[sflag:s23] =	ssyncset.done $0x0  }
0xaa: {  	s25 =	simm.s32 $0x1B8E;
	s24 =	sld [smem:$0x3FFE];
	[sflag:s23] =	ssyncadd.s32 $0xFFFFFFFF  }
0xab: {  	s26 =	simm.s32 $execute0_lowered;
	[smem:$0x3FD2] =	sst s25  }
0xac: {  	s5 =	sshll.u32 s26, $0x1;
	_ =	strace $0x8000004F;
	[dreg:$0x1] =	wrdreg $0xFFFFFFFF  }
0xad: {  	s28 =	simm.s32 $_size_execute0_lowered;
	s3 =	sadd.s32 s3, s5;
	[dreg:$0x0] =	wrdreg $0x0  }
0xae: {  	s5 =	sshll.u32 s28, $0x1;
	[dreg:$0x2] =	wrdreg s3  }
0xaf: {  	[dreg:$0x3] =	wrdreg s5  }
0xb0: {  	[dreg:$0x4] =	wrdreg $0xC0  }
0xb1: {  	_ =	task [dreg:s7], $0x5FFFF  }
0xb2: {  	[dreg:$0x1] =	wrdreg $0xFFFFFFFF  }
0xb3: {  	[dreg:$0x0] =	wrdreg $0x60  }
0xb4: {  	[dreg:$0x2] =	wrdreg s16  }
0xb5: {  	[dreg:$0x3] =	wrdreg s24  }
0xb6: {  	[dreg:$0x4] =	wrdreg $0x95600  }
0xb7: {  	[dreg:$0x5] =	wrdreg $0x9  }
0xb8: {  	_ =	task.clear_ibuf [dreg:s7], $0x6FFFF;
	_ =	strace $0x9000004F  }
0xb9: {  	s29 =	simm.s32 $0x9;
	_ =	strace $0x80000051  }
0xba: {  	_ =	swait.ge [sflag:s29], $0x1  }
0xbb: {  	[sflag:s29] =	ssyncadd.s32 $0xFFFFFFFF  }
0xbc: {  	_ =	strace $0x90000051  }
0xbd: {  	_ =	sfence  }
0xbe: {  	s30 =	sld [smem:$0x0];
	_ =	sdelay $0x2  }
0xbf: {  	s31 =	sshll.u32 s1, $0xD;
	s1 =	sshrl.u32 s1, $0x2  }
0xc0: {  	s3 =	sand.u32 $0x4000, s31;
	s1 =	sadd.s32 s1, s30  }
0xc1: {  	s0 =	sor.u32 s3, s0;
	s1 =	sshll.u32 s1, $0x11  }
0xc2: {  	s0 =	sor.u32 s1, s0  }
0xc3: {  	s0 =	sadd.s32 $0x8F2B, s0  }
0xc4: {  	[sflag:s0] =	ssyncadd.remote.s32 $0x1  }
0xc5: {  	_ =	sfence.sel $0xFFFF  }
0xc6: {  	[dreg:$0x0] =	wrdreg $0xFFFFFFFF;
	(pc) =	sbr.abs _section_cstart, $3  }
0xc7: {  	[dreg:$0x1] =	wrdreg $0xFFFFFFFF  }
0xc8: {  	_ =	task.clear_ibuf [dreg:s7], $0x2FFFF;
	_ =	strace $0x9FFFFFFF  }
0xc9: {  	(tm) =	ssettm $0x7FFFFFFF  }
tec
execute0_lowered:
.L_overlay_start_1:
0x0: {  	(tag) =	ssettag $0x1  }
0x1: {  	s1 =	rddreg [dreg:$0x0]  }
0x2: {  	s6 =	rddreg [dreg:$0x1]  }
0x3: {  	s0 =	srdreg.scid;
	s3 =	rddreg [dreg:$0x2];
	s4 =	simm.s32 $0x0  }
0x4: {  	s14 =	simm.s32 $0x2710;
	s15 =	simm.s32 $0x3;
	s16 =	simm.s32 $0x7620  }
0x5: {  	s17 =	simm.s32 $0x50;
	s18 =	simm.s32 $0x4E20;
	s19 =	simm.s32 $0x6220  }
0x6: {  	s20 =	simm.s32 $0x1;
	s21 =	simm.s32 $0x2;
	s22 =	simm.s32 $0x4DD0  }
0x7: {  	s24 =	simm.s32 $0x0;
	s5 =	sand.u32 $0x1, s0;
	s0 =	stileid.u32  }
0x8: {  	[smem:$0x7FF] =	sst s4;
	s2 =	sshll.u32 s5, $0x4;
	s9 =	smul.u32 $0x4E2, s0  }
0x9: {  	s5 =	ssub.s32 $0x2, s5;
	s10 =	smul.u32 $0x27100, s0;
	s23 =	sshll.u32 s0, $0x6  }
0xa: {  	s7 =	sor.u32 s0, s2;
	s2 =	rddreg [dreg:$0x3];
	_ =	strace $0x80000050  }
0xb: {  	s11 =	sshrl.u32 s5, $0x1;
	s23 =	sor.u32 $0x1C03, s23;
	s8 =	smul.u32 $0x4E2, s7  }
0xc: {  	s7 =	smul.u32 $0x1388, s7;
	s9 =	sadd.s32 s9, s6;
	s13 =	ssub.s32 s5, s11  }
0xd: {  	s31 =	sshrl.u32 s10, $0x2;
	s5 =	sadd.s32 $0x5800, s9;
	s13 =	smax.u32 s13, $0x1  }
0xe: {  	s8 =	sadd.s32 s8, s6;
	s12 =	sadd.s32 s7, s6;
	s7 =	sadd.s32 s31, s3  }
0xf: {  	s6 =	sadd.s32 $0x59800, s8;
	s8 =	sadd.s32 $0x1F40, s7;
	s9 =	sadd.s32 $0x3E80, s7  }
0x10: {  	v0 =	vimm.f32 $0.0e+00;
	s10 =	sadd.s32 $0x5DC0, s7;
	s11 =	sadd.s32 $0x7D00, s7;
	s12 =	sadd.s32 $0x63600, s12  }
.LBB2_1:
0x11: {  	[tilespmem:s14], [sflag:$0x3] =	stream.linear.gather [hbm4b:s5+s4], $0x2710, $0x38;
	[tilespmem:$0x131A0] =	vst v63  }
0x12: {  	_ =	swait.ge [sflag:s15], $0x2710  }
0x13: {  	[sflag:s15] =	ssyncset.done $0x0  }
0x14: {  	s26 =	simm.s32 $0x100;
	s25 =	simm.s32 $0x0;
	[sflag:s15] =	ssyncadd.s32 $0xFFFFD8F0  }
.LBB2_2:
0x15: {  	p0 =	sne.s32 s26, $0x7C00;
	[tilespmem:s25+$0x7650] =	vst v0;
	s28 =	smov.u32 s26;
	s26 =	sadd.s32 $0x100, s26  }
.Ltmp0:
0x16: {  	[tilespmem:s25+$0x7640] =	vst v0;
	(pc) =	sbr.rel @p0 .LBB2_2-.Ltmp0, $3  }
0x17: {  	[tilespmem:s25+$0x7620] =	vst v0  }
0x18: {  	[tilespmem:s25+$0x7630] =	vst v0;
	_ =	sdelay $0x1  }
0x19: {  	s25 =	sshra.s32 s28, $0x2  }
0x1a: {  	[tilespmem:s25+$0x7650] =	vst v0  }
0x1b: {  	[tilespmem:s25+$0x7640] =	vst v0  }
0x1c: {  	[tilespmem:s25+$0x7620] =	vst v0  }
0x1d: {  	[tilespmem:s25+$0x7630] =	vst v0;
	s26 =	simm.s32 $0x0  }
0x1e: {  	[tilespmem:s26], [sflag:$0x3] =	stream.linear.gather [hbm4b:s6+s26], $0x2710, $0x38;
	[tilespmem:$0x131A0] =	vst v63  }
0x1f: {  	_ =	swait.ge [sflag:s15], $0x2710  }
0x20: {  	[sflag:s15] =	ssyncset.done $0x0  }
0x21: {  	[sflag:s15] =	ssyncadd.s32 $0xFFFFD8F0  }
0x22: {  	[spmem:s7] =	stream.linear.scatter [tilespmem:s16], [sflag:$0x3], $0x1F40, $0x38;
	[tilespmem:$0x131A0] =	vst v63  }
0x23: {  	_ =	swait.ge [sflag:s15], $0x1F40  }
0x24: {  	[sflag:s15] =	ssyncset.done $0x0  }
0x25: {  	[sflag:s15] =	ssyncadd.s32 $0xFFFFE0C0  }
0x26: {  	[spmem:s8] =	stream.linear.scatter [tilespmem:s16], [sflag:$0x3], $0x1F40, $0x38;
	[tilespmem:$0x131A0] =	vst v63  }
0x27: {  	_ =	swait.ge [sflag:s15], $0x1F40  }
0x28: {  	[sflag:s15] =	ssyncset.done $0x0  }
0x29: {  	[sflag:s15] =	ssyncadd.s32 $0xFFFFE0C0  }
0x2a: {  	[spmem:s9] =	stream.linear.scatter [tilespmem:s16], [sflag:$0x3], $0x1F40, $0x38;
	[tilespmem:$0x131A0] =	vst v63  }
0x2b: {  	_ =	swait.ge [sflag:s15], $0x1F40  }
0x2c: {  	[sflag:s15] =	ssyncset.done $0x0  }
0x2d: {  	[sflag:s15] =	ssyncadd.s32 $0xFFFFE0C0  }
0x2e: {  	[spmem:s10] =	stream.linear.scatter [tilespmem:s16], [sflag:$0x3], $0x1F40, $0x38;
	[tilespmem:$0x131A0] =	vst v63  }
0x2f: {  	_ =	swait.ge [sflag:s15], $0x1F40  }
0x30: {  	[sflag:s15] =	ssyncset.done $0x0  }
0x31: {  	[sflag:s15] =	ssyncadd.s32 $0xFFFFE0C0  }
0x32: {  	[spmem:s11] =	stream.linear.scatter [tilespmem:s16], [sflag:$0x3], $0x1F40, $0x38;
	[tilespmem:$0x131A0] =	vst v63  }
0x33: {  	_ =	swait.ge [sflag:s15], $0x1F40  }
0x34: {  	[sflag:s15] =	ssyncset.done $0x0  }
0x35: {  	[sflag:s15] =	ssyncadd.s32 $0xFFFFE0C0  }
0x36: {  	[bflag:$0x0] =	sbarrier.arrive $0xFFFF  }
0x37: {  	[tilespmem:s18], [sflag:$0x1] =	stream.indirect.gather [hbm4b:s1+s17], $0x40, s26, s17, $0xb8;
	[tilespmem:$0x131A0] =	vst v63  }
0x38: {  	s28 =	simm.s32 $0x50  }
0x39: {  	[tilespmem:s19], [sflag:$0x2] =	stream.indirect.gather [hbm4b:s1+s17], $0x40, s28, s17, $0xb8;
	[tilespmem:$0x131A0] =	vst v63  }
0x3a: {  	_ =	swait.ge [sflag:s20], $0x1400  }
0x3b: {  	[sflag:s20] =	ssyncset.done $0x0  }
0x3c: {  	s29 =	simm.s32 $0x2710;
	[sflag:s20] =	ssyncadd.s32 $0xFFFFEC00  }
0x3d: {  	[spmem:s3] =	stream.indirect.scatter.add.f32 [tilespmem:s18], [sflag:$0x3], $0x40, s29, s17, $0xb8;
	[tilespmem:$0x131A0] =	vst v63  }
0x3e: {  	_ =	swait.ge [sflag:s15], $0x1400  }
0x3f: {  	[sflag:s15] =	ssyncset.done $0x0  }
0x40: {  	s30 =	simm.s32 $0xA0;
	[sflag:s15] =	ssyncadd.s32 $0xFFFFEC00  }
0x41: {  	[tilespmem:s18], [sflag:$0x1] =	stream.indirect.gather [hbm4b:s1+s17], $0x40, s30, s17, $0xb8;
	[tilespmem:$0x131A0] =	vst v63  }
0x42: {  	_ =	swait.ge [sflag:s21], $0x1400  }
0x43: {  	[sflag:s21] =	ssyncset.done $0x0  }
0x44: {  	s31 =	simm.s32 $0x2760;
	[sflag:s21] =	ssyncadd.s32 $0xFFFFEC00  }
0x45: {  	[spmem:s3] =	stream.indirect.scatter.add.f32 [tilespmem:s19], [sflag:$0x3], $0x40, s31, s17, $0xb8;
	[tilespmem:$0x131A0] =	vst v63  }
0x46: {  	_ =	swait.ge [sflag:s15], $0x1400  }
0x47: {  	s25 =	simm.s32 $0xA0;
	s26 =	simm.s32 $0x500;
	[sflag:s15] =	ssyncset.done $0x0  }
.LBB2_4:
0x48: {  	s28 =	sadd.s32 $0x50, s25  }
0x49: {  	[sflag:s15] =	ssyncadd.s32 $0xFFFFEC00;
	s29 =	smov.u32 s26;
	s30 =	sadd.s32 $0x280, s26  }
0x4a: {  	[tilespmem:s19], [sflag:$0x2] =	stream.indirect.gather [hbm4b:s1+s17], $0x40, s28, s17, $0xb8;
	[tilespmem:$0x131A0] =	vst v63  }
0x4b: {  	p0 =	sne.s32 s26, $0x9880;
	_ =	swait.ge [sflag:s20], $0x1400  }
0x4c: {  	[sflag:s20] =	ssyncset.done $0x0  }
0x4d: {  	s26 =	sadd.s32 $0x2710, s25;
	[sflag:s20] =	ssyncadd.s32 $0xFFFFEC00  }
0x4e: {  	[spmem:s3] =	stream.indirect.scatter.add.f32 [tilespmem:s18], [sflag:$0x3], $0x40, s26, s17, $0xb8;
	[tilespmem:$0x131A0] =	vst v63  }
0x4f: {  	_ =	swait.ge [sflag:s15], $0x1400  }
0x50: {  	[sflag:s15] =	ssyncset.done $0x0  }
0x51: {  	s26 =	sadd.s32 $0xA0, s25;
	[sflag:s15] =	ssyncadd.s32 $0xFFFFEC00  }
0x52: {  	[tilespmem:s18], [sflag:$0x1] =	stream.indirect.gather [hbm4b:s1+s17], $0x40, s26, s17, $0xb8;
	[tilespmem:$0x131A0] =	vst v63  }
0x53: {  	_ =	swait.ge [sflag:s21], $0x1400  }
.Ltmp1:
0x54: {  	[sflag:s21] =	ssyncset.done $0x0;
	(pc) =	sbr.rel @p0 .LBB2_4-.Ltmp1, $4  }
0x55: {  	s25 =	sadd.s32 $0x2760, s25;
	[sflag:s21] =	ssyncadd.s32 $0xFFFFEC00  }
0x56: {  	[spmem:s3] =	stream.indirect.scatter.add.f32 [tilespmem:s19], [sflag:$0x3], $0x40, s25, s17, $0xb8;
	[tilespmem:$0x131A0] =	vst v63  }
0x57: {  	_ =	swait.ge [sflag:s15], $0x1400  }
0x58: {  	s26 =	smov.u32 s30;
	s25 =	sshra.s32 s29, $0x2;
	[sflag:s15] =	ssyncset.done $0x0  }
0x59: {  	s26 =	sadd.s32 $0x50, s25;
	[sflag:s15] =	ssyncadd.s32 $0xFFFFEC00  }
0x5a: {  	[tilespmem:s19], [sflag:$0x2] =	stream.indirect.gather [hbm4b:s1+s17], $0x40, s26, s17, $0xb8;
	[tilespmem:$0x131A0] =	vst v63  }
0x5b: {  	_ =	swait.ge [sflag:s20], $0x1400  }
0x5c: {  	[sflag:s20] =	ssyncset.done $0x0  }
0x5d: {  	s28 =	sadd.s32 $0x2710, s25;
	[sflag:s20] =	ssyncadd.s32 $0xFFFFEC00  }
0x5e: {  	[spmem:s3] =	stream.indirect.scatter.add.f32 [tilespmem:s18], [sflag:$0x3], $0x40, s28, s17, $0xb8;
	[tilespmem:$0x131A0] =	vst v63  }
0x5f: {  	_ =	swait.ge [sflag:s15], $0x1400  }
0x60: {  	[sflag:s15] =	ssyncset.done $0x0  }
0x61: {  	s29 =	sadd.s32 $0xA0, s25;
	[sflag:s15] =	ssyncadd.s32 $0xFFFFEC00  }
0x62: {  	[tilespmem:s18], [sflag:$0x1] =	stream.indirect.gather [hbm4b:s1+s17], $0x40, s29, s17, $0xb8;
	[tilespmem:$0x131A0] =	vst v63  }
0x63: {  	_ =	swait.ge [sflag:s21], $0x1400  }
0x64: {  	[sflag:s21] =	ssyncset.done $0x0  }
0x65: {  	s30 =	sadd.s32 $0x2760, s25;
	[sflag:s21] =	ssyncadd.s32 $0xFFFFEC00  }
0x66: {  	[spmem:s3] =	stream.indirect.scatter.add.f32 [tilespmem:s19], [sflag:$0x3], $0x40, s30, s17, $0xb8;
	[tilespmem:$0x131A0] =	vst v63  }
0x67: {  	_ =	swait.ge [sflag:s15], $0x1400  }
0x68: {  	[sflag:s15] =	ssyncset.done $0x0  }
0x69: {  	[sflag:s15] =	ssyncadd.s32 $0xFFFFEC00  }
0x6a: {  	_ =	swait.ge [sflag:s20], $0x1400  }
0x6b: {  	[sflag:s20] =	ssyncset.done $0x0  }
0x6c: {  	[sflag:s20] =	ssyncadd.s32 $0xFFFFEC00  }
0x6d: {  	[spmem:s3] =	stream.indirect.scatter.add.f32 [tilespmem:s18], [sflag:$0x3], $0x40, s22, s17, $0xb8;
	[tilespmem:$0x131A0] =	vst v63  }
0x6e: {  	_ =	swait.ge [sflag:s15], $0x1400  }
0x6f: {  	s24 =	sadd.s32 $0x1, s24;
	[sflag:s15] =	ssyncset.done $0x0  }
0x70: {  	p0 =	sne.s32 s24, s13;
	[sflag:s15] =	ssyncadd.s32 $0xFFFFEC00  }
.Ltmp2:
0x71: {  	s31 =	sshrl.u32 s7, $0x3;
	[bflag:$0x0] =	sbarrier.arrive $0xFFFF;
	(pc) =	sbr.rel @p0 .LBB2_1-.Ltmp2, $4  }
0x72: {  	[hbm:s12], [sflag:s23] =	dma.local [spmem:s31], $0x1388  }
0x73: {  	_ =	swait.ge [sflag:s15], $0x1388  }
0x74: {  	[sflag:s15] =	ssyncset.done $0x0  }
0x75: {  	[sflag:s15] =	ssyncadd.s32 $0xFFFFEC78  }
0x76: {  	_ =	sfence.sel $0x180000  }
0x77: {  	[bflag:$0x0] =	sbarrier.arrive $0xFFFF  }
0x78: {  	p0 =	sne.s32 s0, $0x0;
	_ =	strace $0x90000050  }
0x79: {  	s0 =	sadd.s32 @!p0 $0x100000, s2;
	[bflag:$0x2] =	sbarrier.arrive $0xFFFF  }
0x7a: {  	[sflag:s0] =	ssyncadd.tile.s32 @!p0 $0x1;
	_ =	shalt  }
.Lfunc_end2:
_tile_overlayer_lowered:
.L_overlay_start_2:
0x7b: {  	(tag) =	ssettag $0x2  }
0x7c: {  	s0 =	rddreg [dreg:$0x0];
	s2 =	stileid.u32  }
0x7d: {  	s1 =	rddreg [dreg:$0x1];
	p0 =	sne.s32 s2, $0x0  }
0x7e: {  	s3 =	rddreg [dreg:$0x2];
	[bflag:$0x3] =	sbarrier.arrive $0xFFFF;
	s2 =	simm.s32 @!p0 $0x1C03  }
0x7f: {  	[timem:s3], [sflag:s2] =	dma.local @!p0 [hbm:s0], s1  }
0x80: {  	s0 =	simm.s32 @!p0 $0x3  }
0x81: {  	_ =	swait.ge @!p0 [sflag:s0], s1  }
0x82: {  	s1 =	ssub.s32 @!p0 $0x0, s1;
	[sflag:s0] =	ssyncset.done @!p0 $0x0  }
0x83: {  	[sflag:s0] =	ssyncadd.s32 @!p0 s1  }
0x84: {  	[bflag:$0x3] =	sbarrier.arrive $0xFFFF  }
0x85: {  	_ =	shalt  }

// kernel: kernel.27.cloned.1.call-start
scs
__scs_entry_jumppad:
0x0: {  	(pc) =	sbr.rel $0x88, $3  }
0x1: {  	(tag) =	ssettag $0x0;
	lr =	simm.s32 $0x1  }
0x2: {  	[smem:$0x3F8C] =	sst lr;
	_ =	strace $0xD0000000  }
0x3: {  	_ = 	snop  }
0x4: {  	_ = 	snop  }
0x5: {  	_ = 	snop  }
0x6: {  	_ = 	snop  }
0x7: {  	_ = 	snop  }
__scs_overlays_trampoline_lowered:
0x8: {  	[smem:$0x3F9B] =	sst s0  }
0x9: {  	[smem:$0x3F9C] =	sst s1  }
0xa: {  	[smem:$0x3F9D] =	sst s2  }
0xb: {  	[smem:$0x3F9E] =	sst s3  }
0xc: {  	[smem:$0x3F9F] =	sst s4  }
0xd: {  	[smem:$0x3FA0] =	sst s5  }
0xe: {  	[smem:$0x3FA1] =	sst s6  }
0xf: {  	[smem:$0x3FA2] =	sst s7  }
0x10: {  	[smem:$0x3FA3] =	sst s8  }
0x11: {  	[smem:$0x3FA4] =	sst s9;
	s0 =	simm.s32 @!p0 $0x0  }
0x12: {  	s1 =	sld [smem:$0x3F8A];
	s0 =	simm.s32 @p0 $0x1  }
0x13: {  	[smem:$0x3FA5] =	sst s0;
	s0 =	simm.s32 @!p1 $0x0  }
0x14: {  	s2 =	sld [smem:$0x3F89];
	s0 =	simm.s32 @p1 $0x1  }
0x15: {  	[smem:$0x3FA6] =	sst s0;
	s0 =	simm.s32 @!p2 $0x0  }
0x16: {  	s3 =	sld [smem:$0x3FDB];
	s0 =	simm.s32 @p2 $0x1  }
0x17: {  	s4 =	simm.s32 $0x1BF5;
	[smem:$0x3FA8] =	sst s0  }
0x18: {  	s0 =	sld [smem:$0x3F8B];
	_ =	swait.ge [sflag:s4], $0x0  }
0x19: {  	s7 =	sld [smem:$0x3F8C]  }
0x1a: {  	s8 =	sadd.s32 $0xFFFFE003, lr  }
0x1b: {  	s9 =	sadd.s32 $0xFFFFFEF7, lr;
	s5 =	simm.s32 $0xFFFFFFFF;
	p2 =	slt.u32 s8, $0xFFFFF086  }
0x1c: {  	p1 =	slt.u32 s9, $0xF7A;
	s5 =	simm.s32 @!p2 $0x0  }
0x1d: {  	s5 =	simm.s32 @p1 $0x1;
	p0 =	seq.s32 s7, s2  }
0x1e: {  	s7 =	smul.u32 @!p0 $0xF7A, s2;
	p2 =	seq.s32 @!p0 s5, $0x0  }
0x1f: {  	s9 =	smul.u32 $0xF7A, s1;
	s8 =	simm.s32 @!p0 $0x1BF5;
	p2 =	por !p2, p0  }
0x20: {  	[sflag:s8] =	ssyncset.s32 @!p0 $0xFFFFF086;
	s6 =	sadd.s32 @!p0 s3, s7;
	s7 =	simm.s32 @!p0 $0x108  }
0x21: {  	s3 =	sadd.s32 s3, s9;
	s6 =	sadd.s32 @!p0 $0x88, s6;
	s7 =	simm.s32 @p2 $0x1082  }
0x22: {  	[simem:s7], [sflag:s8] =	dma.local @!p0 [hbm:s6], $0xF7A  }
0x23: {  	s9 =	sor.u32 $0xD0000000, s2;
	s6 =	simm.s32 $0x108;
	_ =	swait.ge @!p0 [sflag:s8], $0x0  }
0x24: {  	s3 =	sadd.s32 $0x88, s3;
	s6 =	simm.s32 @!p1 $0x1082;
	[sflag:s4] =	ssyncset.s32 $0xFFFFF086  }
0x25: {  	[simem:s6], [sflag:s4] =	dma.local [hbm:s3], $0xF7A  }
0x26: {  	[smem:$0x3F8C] =	sst s1;
	(tag) =	ssettag s2;
	_ =	strace s9  }
0x27: {  	s1 =	sld [smem:$0x3F9C]  }
0x28: {  	s2 =	sld [smem:$0x3F9D]  }
0x29: {  	s4 =	sld [smem:$0x3F9F]  }
0x2a: {  	p0 =	seq.s32 s5, $0x0;
	s5 =	sld [smem:$0x3FA0]  }
0x2b: {  	s6 =	sld [smem:$0x3FA1]  }
0x2c: {  	s7 =	sld [smem:$0x3FA2]  }
0x2d: {  	s3 =	simm.s32 $0x108;
	s8 =	sld [smem:$0x3FA3]  }
0x2e: {  	s3 =	simm.s32 @!p0 $0x1082;
	s9 =	sld [smem:$0x3FA4]  }
0x2f: {  	lr =	sadd.s32 s0, s3;
	s0 =	sld [smem:$0x3F9B]  }
0x30: {  	s3 =	sld [smem:$0x3F9E]  }
0x31: {  	[smem:$0x3FA7] =	sst s10  }
0x32: {  	s10 =	sld [smem:$0x3FA5];
	_ =	sdelay $0x3  }
0x33: {  	p0 =	seq.s32 s10, $0x1;
	s10 =	sld [smem:$0x3FA7];
	_ =	sdelay $0x3  }
0x34: {  	[smem:$0x3FA7] =	sst s10  }
0x35: {  	s10 =	sld [smem:$0x3FA6];
	_ =	sdelay $0x3  }
0x36: {  	p1 =	seq.s32 s10, $0x1;
	s10 =	sld [smem:$0x3FA7];
	_ =	sdelay $0x3  }
0x37: {  	[smem:$0x3FA7] =	sst s10  }
0x38: {  	s10 =	sld [smem:$0x3FA8]  }
0x39: {  	_ = 	snop;
	(pc) =	sbr.ind lr, $3  }
0x3a: {  	_ = 	snop  }
0x3b: {  	_ = 	snop  }
0x3c: {  	p2 =	seq.s32 s10, $0x1;
	s10 =	sld [smem:$0x3FA7]  }
0x3d: {  	_ =	shalt  }
0x3e: {  	_ =	shalt  }
0x3f: {  	_ =	shalt  }
0x40: {  	_ =	shalt  }
0x41: {  	_ =	shalt  }
0x42: {  	_ =	shalt  }
0x43: {  	_ =	shalt  }
0x44: {  	_ =	shalt  }
0x45: {  	_ =	shalt  }
0x46: {  	_ =	shalt  }
0x47: {  	_ =	shalt  }
0x48: {  	_ =	shalt  }
0x49: {  	_ =	shalt  }
0x4a: {  	_ =	shalt  }
0x4b: {  	_ =	shalt  }
0x4c: {  	_ =	shalt  }
0x4d: {  	_ =	shalt  }
0x4e: {  	_ =	shalt  }
0x4f: {  	_ =	shalt  }
0x50: {  	_ =	shalt  }
0x51: {  	_ =	shalt  }
0x52: {  	_ =	shalt  }
0x53: {  	_ =	shalt  }
0x54: {  	_ =	shalt  }
0x55: {  	_ =	shalt  }
0x56: {  	_ =	shalt  }
0x57: {  	_ =	shalt  }
0x58: {  	_ =	shalt  }
0x59: {  	_ =	shalt  }
0x5a: {  	_ =	shalt  }
0x5b: {  	_ =	shalt  }
0x5c: {  	_ =	shalt  }
0x5d: {  	_ =	shalt  }
0x5e: {  	_ =	shalt  }
0x5f: {  	_ =	shalt  }
0x60: {  	_ =	shalt  }
0x61: {  	_ =	shalt  }
0x62: {  	_ =	shalt  }
0x63: {  	_ =	shalt  }
0x64: {  	_ =	shalt  }
0x65: {  	_ =	shalt  }
0x66: {  	_ =	shalt  }
0x67: {  	_ =	shalt  }
0x68: {  	_ =	shalt  }
0x69: {  	_ =	shalt  }
0x6a: {  	_ =	shalt  }
0x6b: {  	_ =	shalt  }
0x6c: {  	_ =	shalt  }
0x6d: {  	_ =	shalt  }
0x6e: {  	_ =	shalt  }
0x6f: {  	_ =	shalt  }
0x70: {  	_ =	shalt  }
0x71: {  	_ =	shalt  }
0x72: {  	_ =	shalt  }
0x73: {  	_ =	shalt  }
0x74: {  	_ =	shalt  }
0x75: {  	_ =	shalt  }
0x76: {  	_ =	shalt  }
0x77: {  	_ =	shalt  }
0x78: {  	_ =	shalt  }
0x79: {  	_ =	shalt  }
0x7a: {  	_ =	shalt  }
0x7b: {  	_ =	shalt  }
0x7c: {  	_ =	shalt  }
0x7d: {  	_ =	shalt  }
0x7e: {  	_ =	shalt  }
0x7f: {  	_ =	shalt  }
0x80: {  	_ =	shalt  }
0x81: {  	_ =	shalt  }
0x82: {  	_ =	shalt  }
0x83: {  	_ =	shalt  }
0x84: {  	_ =	shalt  }
0x85: {  	_ =	shalt  }
0x86: {  	_ =	shalt  }
0x87: {  	_ =	shalt  }
.Lfunc_end0:
.L_simem_size_0:
called_computation.4_lowered:
.L_overlay_start_0:
0x88: {  	s2 =	sld [smem:$0x3FD9]  }
0x89: {  	s3 =	sld [smem:$0x3FFE];
	_ =	sdelay $0x1  }
0x8a: {  	s1 =	srdreg.scid  }
0x8b: {  	s0 =	sand.u32 $0x1, s1  }
0x8c: {  	s16 =	sshll.u32 s0, $0xA;
	s2 =	sadd.s32 s3, s2  }
0x8d: {  	s2 =	sadd.s32 s2, s16  }
0x8e: {  	[smem:$0x3FB3] =	sst s2  }
0x8f: {  	_ = 	snop  }
0x90: {  	(tm) =	ssettm $0x1  }
0x91: {  	s17 =	sld [smem:$0x3FFB];
	_ =	sdelay $0x3  }
0x92: {  	_ =	strace s17  }
0x93: {  	s2 =	sld [smem:$0x3FFC];
	_ =	sdelay $0x3  }
0x94: {  	_ =	strace s2  }
0x95: {  	s2 =	sld [smem:$0x3FFD];
	_ =	sdelay $0x3  }
0x96: {  	_ =	strace s2  }
0x97: {  	_ =	strace $0x8FFFFFFF  }
0x98: {  	s18 =	sld [smem:$0x3FDB];
	_ =	sdelay $0x1  }
0x99: {  	s19 =	simm.s32 $_scs_section_size  }
0x9a: {  	s4 =	simm.s32 $_size__tile_overlayer_lowered;
	s5 =	simm.s32 $_tile_overlayer_lowered  }
0x9b: {  	s22 =	simm.s32 $0x1BFF;
	s21 =	sshll.u32 s5, $0x1;
	s2 =	sadd.s32 s19, s18  }
0x9c: {  	s6 =	simm.s32 $0x0;
	s20 =	sshll.u32 s4, $0x1;
	s4 =	sadd.s32 s21, s2  }
0x9d: {  	[timem:s6], [sflag:s22] =	dma.local [hbm:s4], s20  }
0x9e: {  	_ =	swait.ge [sflag:s22], s20  }
0x9f: {  	s3 =	ssub.s32 $0x0, s20;
	[sflag:s22] =	ssyncset.done $0x0  }
0xa0: {  	[sflag:s22] =	ssyncadd.s32 s3;
	_ =	sdelay $0x1  }
0xa1: {  	s23 =	simm.s32 $0x1B8B  }
0xa2: {  	_ =	swait.ge [sflag:s23], $0x1  }
0xa3: {  	[sflag:s23] =	ssyncset.done $0x0  }
0xa4: {  	s25 =	simm.s32 $0x1B8E;
	s24 =	sld [smem:$0x3FFE];
	[sflag:s23] =	ssyncadd.s32 $0xFFFFFFFF  }
0xa5: {  	s26 =	simm.s32 $execute0_lowered;
	[smem:$0x3FD2] =	sst s25  }
0xa6: {  	s4 =	sshll.u32 s26, $0x1;
	_ =	strace $0x80000052;
	[dreg:$0x1] =	wrdreg $0xFFFFFFFF  }
0xa7: {  	s28 =	simm.s32 $_size_execute0_lowered;
	s2 =	sadd.s32 s2, s4;
	[dreg:$0x0] =	wrdreg $0x0  }
0xa8: {  	s4 =	sshll.u32 s28, $0x1;
	[dreg:$0x2] =	wrdreg s2  }
0xa9: {  	[dreg:$0x3] =	wrdreg s4  }
0xaa: {  	[dreg:$0x4] =	wrdreg $0xC0  }
0xab: {  	_ =	task [dreg:s6], $0x5FFFF  }
0xac: {  	[dreg:$0x1] =	wrdreg $0xFFFFFFFF  }
0xad: {  	[dreg:$0x0] =	wrdreg $0x60  }
0xae: {  	[dreg:$0x2] =	wrdreg s24  }
0xaf: {  	[dreg:$0x3] =	wrdreg $0x95600  }
0xb0: {  	[dreg:$0x4] =	wrdreg $0xA  }
0xb1: {  	_ =	task.clear_ibuf [dreg:s6], $0x5FFFF;
	_ =	strace $0x90000052  }
0xb2: {  	s29 =	simm.s32 $0xA;
	_ =	strace $0x80000054  }
0xb3: {  	_ =	swait.ge [sflag:s29], $0x1  }
0xb4: {  	[sflag:s29] =	ssyncadd.s32 $0xFFFFFFFF  }
0xb5: {  	_ =	strace $0x90000054  }
0xb6: {  	_ =	sfence  }
0xb7: {  	s30 =	sld [smem:$0x0];
	_ =	sdelay $0x2  }
0xb8: {  	s31 =	sshll.u32 s1, $0xD;
	s1 =	sshrl.u32 s1, $0x2  }
0xb9: {  	s3 =	sand.u32 $0x4000, s31;
	s1 =	sadd.s32 s1, s30  }
0xba: {  	s0 =	sor.u32 s3, s0;
	s1 =	sshll.u32 s1, $0x11  }
0xbb: {  	s0 =	sor.u32 s1, s0  }
0xbc: {  	s0 =	sadd.s32 $0x8F2B, s0  }
0xbd: {  	[sflag:s0] =	ssyncadd.remote.s32 $0x1  }
0xbe: {  	_ =	sfence.sel $0xFFFF  }
0xbf: {  	[dreg:$0x0] =	wrdreg $0xFFFFFFFF;
	(pc) =	sbr.abs _section_cstart, $3  }
0xc0: {  	[dreg:$0x1] =	wrdreg $0xFFFFFFFF  }
0xc1: {  	_ =	task.clear_ibuf [dreg:s6], $0x2FFFF;
	_ =	strace $0x9FFFFFFF  }
0xc2: {  	(tm) =	ssettm $0x7FFFFFFF  }
0xc3: {  	_ =	shalt  }
tec
execute0_lowered:
.L_overlay_start_1:
0x0: {  	(tag) =	ssettag $0x1  }
0x1: {  	s0 =	srdreg.scid;
	s6 =	rddreg [dreg:$0x0]  }
0x2: {  	s2 =	rddreg [dreg:$0x1];
	s3 =	simm.s32 $0x0;
	s14 =	simm.s32 $0x2710  }
0x3: {  	s15 =	simm.s32 $0x3;
	s16 =	simm.s32 $0x7620;
	s17 =	simm.s32 $0x50  }
0x4: {  	s18 =	simm.s32 $0x4E20;
	s19 =	simm.s32 $0x6220;
	s20 =	simm.s32 $0x1  }
0x5: {  	s21 =	simm.s32 $0x2;
	s22 =	simm.s32 $0x4DD0;
	s24 =	simm.s32 $0x0  }
0x6: {  	s5 =	sand.u32 $0x1, s0;
	s0 =	stileid.u32;
	[smem:$0x7FF] =	sst s3  }
0x7: {  	s1 =	sshll.u32 s5, $0x4;
	s8 =	smul.u32 $0x4E2, s0;
	s5 =	ssub.s32 $0x2, s5  }
0x8: {  	s10 =	smul.u32 $0x27100, s0;
	s23 =	sshll.u32 s0, $0x6;
	s4 =	sor.u32 s0, s1  }
0x9: {  	s1 =	rddreg [dreg:$0x2];
	_ =	strace $0x80000053;
	s7 =	smul.u32 $0x4E2, s4  }
0xa: {  	s11 =	sshrl.u32 s5, $0x1;
	s23 =	sor.u32 $0x1C03, s23;
	s9 =	smul.u32 $0x1388, s4  }
0xb: {  	s4 =	sadd.s32 $0x31A00, s6;
	s8 =	sadd.s32 s8, s6;
	s13 =	ssub.s32 s5, s11  }
0xc: {  	s31 =	sshrl.u32 s10, $0x2;
	s5 =	sadd.s32 $0x5800, s8;
	s7 =	sadd.s32 s7, s6  }
0xd: {  	s12 =	sadd.s32 s9, s6;
	s6 =	sadd.s32 $0x59800, s7;
	s7 =	sadd.s32 s31, s2  }
0xe: {  	s13 =	smax.u32 s13, $0x1;
	s12 =	sadd.s32 $0x63600, s12;
	s8 =	sadd.s32 $0x1F40, s7  }
0xf: {  	v0 =	vimm.f32 $0.0e+00;
	s9 =	sadd.s32 $0x3E80, s7;
	s10 =	sadd.s32 $0x5DC0, s7;
	s11 =	sadd.s32 $0x7D00, s7  }
.LBB2_1:
0x10: {  	[tilespmem:s14], [sflag:$0x3] =	stream.linear.gather [hbm4b:s5+s3], $0x2710, $0x38;
	[tilespmem:$0x131A0] =	vst v63  }
0x11: {  	_ =	swait.ge [sflag:s15], $0x2710  }
0x12: {  	[sflag:s15] =	ssyncset.done $0x0  }
0x13: {  	s26 =	simm.s32 $0x100;
	s25 =	simm.s32 $0x0;
	[sflag:s15] =	ssyncadd.s32 $0xFFFFD8F0  }
.LBB2_2:
0x14: {  	p0 =	sne.s32 s26, $0x7C00;
	[tilespmem:s25+$0x7650] =	vst v0;
	s28 =	smov.u32 s26;
	s26 =	sadd.s32 $0x100, s26  }
.Ltmp0:
0x15: {  	[tilespmem:s25+$0x7640] =	vst v0;
	(pc) =	sbr.rel @p0 .LBB2_2-.Ltmp0, $3  }
0x16: {  	[tilespmem:s25+$0x7620] =	vst v0  }
0x17: {  	[tilespmem:s25+$0x7630] =	vst v0;
	_ =	sdelay $0x1  }
0x18: {  	s25 =	sshra.s32 s28, $0x2  }
0x19: {  	[tilespmem:s25+$0x7650] =	vst v0  }
0x1a: {  	[tilespmem:s25+$0x7640] =	vst v0  }
0x1b: {  	[tilespmem:s25+$0x7620] =	vst v0  }
0x1c: {  	[tilespmem:s25+$0x7630] =	vst v0;
	s26 =	simm.s32 $0x0  }
0x1d: {  	[tilespmem:s26], [sflag:$0x3] =	stream.linear.gather [hbm4b:s6+s26], $0x2710, $0x38;
	[tilespmem:$0x131A0] =	vst v63  }
0x1e: {  	_ =	swait.ge [sflag:s15], $0x2710  }
0x1f: {  	[sflag:s15] =	ssyncset.done $0x0  }
0x20: {  	[sflag:s15] =	ssyncadd.s32 $0xFFFFD8F0  }
0x21: {  	[spmem:s7] =	stream.linear.scatter [tilespmem:s16], [sflag:$0x3], $0x1F40, $0x38;
	[tilespmem:$0x131A0] =	vst v63  }
0x22: {  	_ =	swait.ge [sflag:s15], $0x1F40  }
0x23: {  	[sflag:s15] =	ssyncset.done $0x0  }
0x24: {  	[sflag:s15] =	ssyncadd.s32 $0xFFFFE0C0  }
0x25: {  	[spmem:s8] =	stream.linear.scatter [tilespmem:s16], [sflag:$0x3], $0x1F40, $0x38;
	[tilespmem:$0x131A0] =	vst v63  }
0x26: {  	_ =	swait.ge [sflag:s15], $0x1F40  }
0x27: {  	[sflag:s15] =	ssyncset.done $0x0  }
0x28: {  	[sflag:s15] =	ssyncadd.s32 $0xFFFFE0C0  }
0x29: {  	[spmem:s9] =	stream.linear.scatter [tilespmem:s16], [sflag:$0x3], $0x1F40, $0x38;
	[tilespmem:$0x131A0] =	vst v63  }
0x2a: {  	_ =	swait.ge [sflag:s15], $0x1F40  }
0x2b: {  	[sflag:s15] =	ssyncset.done $0x0  }
0x2c: {  	[sflag:s15] =	ssyncadd.s32 $0xFFFFE0C0  }
0x2d: {  	[spmem:s10] =	stream.linear.scatter [tilespmem:s16], [sflag:$0x3], $0x1F40, $0x38;
	[tilespmem:$0x131A0] =	vst v63  }
0x2e: {  	_ =	swait.ge [sflag:s15], $0x1F40  }
0x2f: {  	[sflag:s15] =	ssyncset.done $0x0  }
0x30: {  	[sflag:s15] =	ssyncadd.s32 $0xFFFFE0C0  }
0x31: {  	[spmem:s11] =	stream.linear.scatter [tilespmem:s16], [sflag:$0x3], $0x1F40, $0x38;
	[tilespmem:$0x131A0] =	vst v63  }
0x32: {  	_ =	swait.ge [sflag:s15], $0x1F40  }
0x33: {  	[sflag:s15] =	ssyncset.done $0x0  }
0x34: {  	[sflag:s15] =	ssyncadd.s32 $0xFFFFE0C0  }
0x35: {  	[bflag:$0x0] =	sbarrier.arrive $0xFFFF  }
0x36: {  	[tilespmem:s18], [sflag:$0x1] =	stream.indirect.gather [hbm4b:s4+s17], $0x40, s26, s17, $0xb8;
	[tilespmem:$0x131A0] =	vst v63  }
0x37: {  	s28 =	simm.s32 $0x50  }
0x38: {  	[tilespmem:s19], [sflag:$0x2] =	stream.indirect.gather [hbm4b:s4+s17], $0x40, s28, s17, $0xb8;
	[tilespmem:$0x131A0] =	vst v63  }
0x39: {  	_ =	swait.ge [sflag:s20], $0x1400  }
0x3a: {  	[sflag:s20] =	ssyncset.done $0x0  }
0x3b: {  	s29 =	simm.s32 $0x2710;
	[sflag:s20] =	ssyncadd.s32 $0xFFFFEC00  }
0x3c: {  	[spmem:s2] =	stream.indirect.scatter.add.f32 [tilespmem:s18], [sflag:$0x3], $0x40, s29, s17, $0xb8;
	[tilespmem:$0x131A0] =	vst v63  }
0x3d: {  	_ =	swait.ge [sflag:s15], $0x1400  }
0x3e: {  	[sflag:s15] =	ssyncset.done $0x0  }
0x3f: {  	s30 =	simm.s32 $0xA0;
	[sflag:s15] =	ssyncadd.s32 $0xFFFFEC00  }
0x40: {  	[tilespmem:s18], [sflag:$0x1] =	stream.indirect.gather [hbm4b:s4+s17], $0x40, s30, s17, $0xb8;
	[tilespmem:$0x131A0] =	vst v63  }
0x41: {  	_ =	swait.ge [sflag:s21], $0x1400  }
0x42: {  	[sflag:s21] =	ssyncset.done $0x0  }
0x43: {  	s31 =	simm.s32 $0x2760;
	[sflag:s21] =	ssyncadd.s32 $0xFFFFEC00  }
0x44: {  	[spmem:s2] =	stream.indirect.scatter.add.f32 [tilespmem:s19], [sflag:$0x3], $0x40, s31, s17, $0xb8;
	[tilespmem:$0x131A0] =	vst v63  }
0x45: {  	_ =	swait.ge [sflag:s15], $0x1400  }
0x46: {  	s25 =	simm.s32 $0xA0;
	s26 =	simm.s32 $0x500;
	[sflag:s15] =	ssyncset.done $0x0  }
.LBB2_4:
0x47: {  	s28 =	sadd.s32 $0x50, s25  }
0x48: {  	[sflag:s15] =	ssyncadd.s32 $0xFFFFEC00;
	s29 =	smov.u32 s26;
	s30 =	sadd.s32 $0x280, s26  }
0x49: {  	[tilespmem:s19], [sflag:$0x2] =	stream.indirect.gather [hbm4b:s4+s17], $0x40, s28, s17, $0xb8;
	[tilespmem:$0x131A0] =	vst v63  }
0x4a: {  	p0 =	sne.s32 s26, $0x9880;
	_ =	swait.ge [sflag:s20], $0x1400  }
0x4b: {  	[sflag:s20] =	ssyncset.done $0x0  }
0x4c: {  	s26 =	sadd.s32 $0x2710, s25;
	[sflag:s20] =	ssyncadd.s32 $0xFFFFEC00  }
0x4d: {  	[spmem:s2] =	stream.indirect.scatter.add.f32 [tilespmem:s18], [sflag:$0x3], $0x40, s26, s17, $0xb8;
	[tilespmem:$0x131A0] =	vst v63  }
0x4e: {  	_ =	swait.ge [sflag:s15], $0x1400  }
0x4f: {  	[sflag:s15] =	ssyncset.done $0x0  }
0x50: {  	s26 =	sadd.s32 $0xA0, s25;
	[sflag:s15] =	ssyncadd.s32 $0xFFFFEC00  }
0x51: {  	[tilespmem:s18], [sflag:$0x1] =	stream.indirect.gather [hbm4b:s4+s17], $0x40, s26, s17, $0xb8;
	[tilespmem:$0x131A0] =	vst v63  }
0x52: {  	_ =	swait.ge [sflag:s21], $0x1400  }
.Ltmp1:
0x53: {  	[sflag:s21] =	ssyncset.done $0x0;
	(pc) =	sbr.rel @p0 .LBB2_4-.Ltmp1, $4  }
0x54: {  	s25 =	sadd.s32 $0x2760, s25;
	[sflag:s21] =	ssyncadd.s32 $0xFFFFEC00  }
0x55: {  	[spmem:s2] =	stream.indirect.scatter.add.f32 [tilespmem:s19], [sflag:$0x3], $0x40, s25, s17, $0xb8;
	[tilespmem:$0x131A0] =	vst v63  }
0x56: {  	_ =	swait.ge [sflag:s15], $0x1400  }
0x57: {  	s26 =	smov.u32 s30;
	s25 =	sshra.s32 s29, $0x2;
	[sflag:s15] =	ssyncset.done $0x0  }
0x58: {  	s26 =	sadd.s32 $0x50, s25;
	[sflag:s15] =	ssyncadd.s32 $0xFFFFEC00  }
0x59: {  	[tilespmem:s19], [sflag:$0x2] =	stream.indirect.gather [hbm4b:s4+s17], $0x40, s26, s17, $0xb8;
	[tilespmem:$0x131A0] =	vst v63  }
0x5a: {  	_ =	swait.ge [sflag:s20], $0x1400  }
0x5b: {  	[sflag:s20] =	ssyncset.done $0x0  }
0x5c: {  	s28 =	sadd.s32 $0x2710, s25;
	[sflag:s20] =	ssyncadd.s32 $0xFFFFEC00  }
0x5d: {  	[spmem:s2] =	stream.indirect.scatter.add.f32 [tilespmem:s18], [sflag:$0x3], $0x40, s28, s17, $0xb8;
	[tilespmem:$0x131A0] =	vst v63  }
0x5e: {  	_ =	swait.ge [sflag:s15], $0x1400  }
0x5f: {  	[sflag:s15] =	ssyncset.done $0x0  }
0x60: {  	s29 =	sadd.s32 $0xA0, s25;
	[sflag:s15] =	ssyncadd.s32 $0xFFFFEC00  }
0x61: {  	[tilespmem:s18], [sflag:$0x1] =	stream.indirect.gather [hbm4b:s4+s17], $0x40, s29, s17, $0xb8;
	[tilespmem:$0x131A0] =	vst v63  }
0x62: {  	_ =	swait.ge [sflag:s21], $0x1400  }
0x63: {  	[sflag:s21] =	ssyncset.done $0x0  }
0x64: {  	s30 =	sadd.s32 $0x2760, s25;
	[sflag:s21] =	ssyncadd.s32 $0xFFFFEC00  }
0x65: {  	[spmem:s2] =	stream.indirect.scatter.add.f32 [tilespmem:s19], [sflag:$0x3], $0x40, s30, s17, $0xb8;
	[tilespmem:$0x131A0] =	vst v63  }
0x66: {  	_ =	swait.ge [sflag:s15], $0x1400  }
0x67: {  	[sflag:s15] =	ssyncset.done $0x0  }
0x68: {  	[sflag:s15] =	ssyncadd.s32 $0xFFFFEC00  }
0x69: {  	_ =	swait.ge [sflag:s20], $0x1400  }
0x6a: {  	[sflag:s20] =	ssyncset.done $0x0  }
0x6b: {  	[sflag:s20] =	ssyncadd.s32 $0xFFFFEC00  }
0x6c: {  	[spmem:s2] =	stream.indirect.scatter.add.f32 [tilespmem:s18], [sflag:$0x3], $0x40, s22, s17, $0xb8;
	[tilespmem:$0x131A0] =	vst v63  }
0x6d: {  	_ =	swait.ge [sflag:s15], $0x1400  }
0x6e: {  	s24 =	sadd.s32 $0x1, s24;
	[sflag:s15] =	ssyncset.done $0x0  }
0x6f: {  	p0 =	sne.s32 s24, s13;
	[sflag:s15] =	ssyncadd.s32 $0xFFFFEC00  }
.Ltmp2:
0x70: {  	s31 =	sshrl.u32 s7, $0x3;
	[bflag:$0x0] =	sbarrier.arrive $0xFFFF;
	(pc) =	sbr.rel @p0 .LBB2_1-.Ltmp2, $4  }
0x71: {  	[hbm:s12], [sflag:s23] =	dma.local [spmem:s31], $0x1388  }
0x72: {  	_ =	swait.ge [sflag:s15], $0x1388  }
0x73: {  	[sflag:s15] =	ssyncset.done $0x0  }
0x74: {  	[sflag:s15] =	ssyncadd.s32 $0xFFFFEC78  }
0x75: {  	_ =	sfence.sel $0x180000  }
0x76: {  	[bflag:$0x0] =	sbarrier.arrive $0xFFFF  }
0x77: {  	p0 =	sne.s32 s0, $0x0;
	_ =	strace $0x90000053  }
0x78: {  	s0 =	sadd.s32 @!p0 $0x100000, s1;
	[bflag:$0x2] =	sbarrier.arrive $0xFFFF  }
0x79: {  	[sflag:s0] =	ssyncadd.tile.s32 @!p0 $0x1;
	_ =	shalt  }
.Lfunc_end2:
_tile_overlayer_lowered:
.L_overlay_start_2:
0x7a: {  	(tag) =	ssettag $0x2  }
0x7b: {  	s0 =	rddreg [dreg:$0x0];
	s2 =	stileid.u32  }
0x7c: {  	s1 =	rddreg [dreg:$0x1];
	p0 =	sne.s32 s2, $0x0  }
0x7d: {  	s3 =	rddreg [dreg:$0x2];
	[bflag:$0x3] =	sbarrier.arrive $0xFFFF;
	s2 =	simm.s32 @!p0 $0x1C03  }
0x7e: {  	[timem:s3], [sflag:s2] =	dma.local @!p0 [hbm:s0], s1  }
0x7f: {  	s0 =	simm.s32 @!p0 $0x3  }
0x80: {  	_ =	swait.ge @!p0 [sflag:s0], s1  }
0x81: {  	s1 =	ssub.s32 @!p0 $0x0, s1;
	[sflag:s0] =	ssyncset.done @!p0 $0x0  }
0x82: {  	[sflag:s0] =	ssyncadd.s32 @!p0 s1  }
0x83: {  	[bflag:$0x3] =	sbarrier.arrive $0xFFFF  }
0x84: {  	_ =	shalt  }

// kernel: kernel.30.cloned.1.call-start
scs
__scs_entry_jumppad:
0x0: {  	(pc) =	sbr.rel $0x88, $3  }
0x1: {  	(tag) =	ssettag $0x0;
	lr =	simm.s32 $0x1  }
0x2: {  	[smem:$0x3F8C] =	sst lr;
	_ =	strace $0xD0000000  }
0x3: {  	_ = 	snop  }
0x4: {  	_ = 	snop  }
0x5: {  	_ = 	snop  }
0x6: {  	_ = 	snop  }
0x7: {  	_ = 	snop  }
__scs_overlays_trampoline_lowered:
0x8: {  	[smem:$0x3F9B] =	sst s0  }
0x9: {  	[smem:$0x3F9C] =	sst s1  }
0xa: {  	[smem:$0x3F9D] =	sst s2  }
0xb: {  	[smem:$0x3F9E] =	sst s3  }
0xc: {  	[smem:$0x3F9F] =	sst s4  }
0xd: {  	[smem:$0x3FA0] =	sst s5  }
0xe: {  	[smem:$0x3FA1] =	sst s6  }
0xf: {  	[smem:$0x3FA2] =	sst s7  }
0x10: {  	[smem:$0x3FA3] =	sst s8  }
0x11: {  	[smem:$0x3FA4] =	sst s9;
	s0 =	simm.s32 @!p0 $0x0  }
0x12: {  	s1 =	sld [smem:$0x3F8A];
	s0 =	simm.s32 @p0 $0x1  }
0x13: {  	[smem:$0x3FA5] =	sst s0;
	s0 =	simm.s32 @!p1 $0x0  }
0x14: {  	s2 =	sld [smem:$0x3F89];
	s0 =	simm.s32 @p1 $0x1  }
0x15: {  	[smem:$0x3FA6] =	sst s0;
	s0 =	simm.s32 @!p2 $0x0  }
0x16: {  	s3 =	sld [smem:$0x3FDB];
	s0 =	simm.s32 @p2 $0x1  }
0x17: {  	s4 =	simm.s32 $0x1BF5;
	[smem:$0x3FA8] =	sst s0  }
0x18: {  	s0 =	sld [smem:$0x3F8B];
	_ =	swait.ge [sflag:s4], $0x0  }
0x19: {  	s7 =	sld [smem:$0x3F8C]  }
0x1a: {  	s8 =	sadd.s32 $0xFFFFE003, lr  }
0x1b: {  	s9 =	sadd.s32 $0xFFFFFEF7, lr;
	s5 =	simm.s32 $0xFFFFFFFF;
	p2 =	slt.u32 s8, $0xFFFFF086  }
0x1c: {  	p1 =	slt.u32 s9, $0xF7A;
	s5 =	simm.s32 @!p2 $0x0  }
0x1d: {  	s5 =	simm.s32 @p1 $0x1;
	p0 =	seq.s32 s7, s2  }
0x1e: {  	s7 =	smul.u32 @!p0 $0xF7A, s2;
	p2 =	seq.s32 @!p0 s5, $0x0  }
0x1f: {  	s9 =	smul.u32 $0xF7A, s1;
	s8 =	simm.s32 @!p0 $0x1BF5;
	p2 =	por !p2, p0  }
0x20: {  	[sflag:s8] =	ssyncset.s32 @!p0 $0xFFFFF086;
	s6 =	sadd.s32 @!p0 s3, s7;
	s7 =	simm.s32 @!p0 $0x108  }
0x21: {  	s3 =	sadd.s32 s3, s9;
	s6 =	sadd.s32 @!p0 $0x88, s6;
	s7 =	simm.s32 @p2 $0x1082  }
0x22: {  	[simem:s7], [sflag:s8] =	dma.local @!p0 [hbm:s6], $0xF7A  }
0x23: {  	s9 =	sor.u32 $0xD0000000, s2;
	s6 =	simm.s32 $0x108;
	_ =	swait.ge @!p0 [sflag:s8], $0x0  }
0x24: {  	s3 =	sadd.s32 $0x88, s3;
	s6 =	simm.s32 @!p1 $0x1082;
	[sflag:s4] =	ssyncset.s32 $0xFFFFF086  }
0x25: {  	[simem:s6], [sflag:s4] =	dma.local [hbm:s3], $0xF7A  }
0x26: {  	[smem:$0x3F8C] =	sst s1;
	(tag) =	ssettag s2;
	_ =	strace s9  }
0x27: {  	s1 =	sld [smem:$0x3F9C]  }
0x28: {  	s2 =	sld [smem:$0x3F9D]  }
0x29: {  	s4 =	sld [smem:$0x3F9F]  }
0x2a: {  	p0 =	seq.s32 s5, $0x0;
	s5 =	sld [smem:$0x3FA0]  }
0x2b: {  	s6 =	sld [smem:$0x3FA1]  }
0x2c: {  	s7 =	sld [smem:$0x3FA2]  }
0x2d: {  	s3 =	simm.s32 $0x108;
	s8 =	sld [smem:$0x3FA3]  }
0x2e: {  	s3 =	simm.s32 @!p0 $0x1082;
	s9 =	sld [smem:$0x3FA4]  }
0x2f: {  	lr =	sadd.s32 s0, s3;
	s0 =	sld [smem:$0x3F9B]  }
0x30: {  	s3 =	sld [smem:$0x3F9E]  }
0x31: {  	[smem:$0x3FA7] =	sst s10  }
0x32: {  	s10 =	sld [smem:$0x3FA5];
	_ =	sdelay $0x3  }
0x33: {  	p0 =	seq.s32 s10, $0x1;
	s10 =	sld [smem:$0x3FA7];
	_ =	sdelay $0x3  }
0x34: {  	[smem:$0x3FA7] =	sst s10  }
0x35: {  	s10 =	sld [smem:$0x3FA6];
	_ =	sdelay $0x3  }
0x36: {  	p1 =	seq.s32 s10, $0x1;
	s10 =	sld [smem:$0x3FA7];
	_ =	sdelay $0x3  }
0x37: {  	[smem:$0x3FA7] =	sst s10  }
0x38: {  	s10 =	sld [smem:$0x3FA8]  }
0x39: {  	_ = 	snop;
	(pc) =	sbr.ind lr, $3  }
0x3a: {  	_ = 	snop  }
0x3b: {  	_ = 	snop  }
0x3c: {  	p2 =	seq.s32 s10, $0x1;
	s10 =	sld [smem:$0x3FA7]  }
0x3d: {  	_ =	shalt  }
0x3e: {  	_ =	shalt  }
0x3f: {  	_ =	shalt  }
0x40: {  	_ =	shalt  }
0x41: {  	_ =	shalt  }
0x42: {  	_ =	shalt  }
0x43: {  	_ =	shalt  }
0x44: {  	_ =	shalt  }
0x45: {  	_ =	shalt  }
0x46: {  	_ =	shalt  }
0x47: {  	_ =	shalt  }
0x48: {  	_ =	shalt  }
0x49: {  	_ =	shalt  }
0x4a: {  	_ =	shalt  }
0x4b: {  	_ =	shalt  }
0x4c: {  	_ =	shalt  }
0x4d: {  	_ =	shalt  }
0x4e: {  	_ =	shalt  }
0x4f: {  	_ =	shalt  }
0x50: {  	_ =	shalt  }
0x51: {  	_ =	shalt  }
0x52: {  	_ =	shalt  }
0x53: {  	_ =	shalt  }
0x54: {  	_ =	shalt  }
0x55: {  	_ =	shalt  }
0x56: {  	_ =	shalt  }
0x57: {  	_ =	shalt  }
0x58: {  	_ =	shalt  }
0x59: {  	_ =	shalt  }
0x5a: {  	_ =	shalt  }
0x5b: {  	_ =	shalt  }
0x5c: {  	_ =	shalt  }
0x5d: {  	_ =	shalt  }
0x5e: {  	_ =	shalt  }
0x5f: {  	_ =	shalt  }
0x60: {  	_ =	shalt  }
0x61: {  	_ =	shalt  }
0x62: {  	_ =	shalt  }
0x63: {  	_ =	shalt  }
0x64: {  	_ =	shalt  }
0x65: {  	_ =	shalt  }
0x66: {  	_ =	shalt  }
0x67: {  	_ =	shalt  }
0x68: {  	_ =	shalt  }
0x69: {  	_ =	shalt  }
0x6a: {  	_ =	shalt  }
0x6b: {  	_ =	shalt  }
0x6c: {  	_ =	shalt  }
0x6d: {  	_ =	shalt  }
0x6e: {  	_ =	shalt  }
0x6f: {  	_ =	shalt  }
0x70: {  	_ =	shalt  }
0x71: {  	_ =	shalt  }
0x72: {  	_ =	shalt  }
0x73: {  	_ =	shalt  }
0x74: {  	_ =	shalt  }
0x75: {  	_ =	shalt  }
0x76: {  	_ =	shalt  }
0x77: {  	_ =	shalt  }
0x78: {  	_ =	shalt  }
0x79: {  	_ =	shalt  }
0x7a: {  	_ =	shalt  }
0x7b: {  	_ =	shalt  }
0x7c: {  	_ =	shalt  }
0x7d: {  	_ =	shalt  }
0x7e: {  	_ =	shalt  }
0x7f: {  	_ =	shalt  }
0x80: {  	_ =	shalt  }
0x81: {  	_ =	shalt  }
0x82: {  	_ =	shalt  }
0x83: {  	_ =	shalt  }
0x84: {  	_ =	shalt  }
0x85: {  	_ =	shalt  }
0x86: {  	_ =	shalt  }
0x87: {  	_ =	shalt  }
.Lfunc_end0:
.L_simem_size_0:
called_computation.5_lowered:
.L_overlay_start_0:
0x88: {  	s2 =	sld [smem:$0x3FD9]  }
0x89: {  	s3 =	sld [smem:$0x3FFE];
	_ =	sdelay $0x1  }
0x8a: {  	s1 =	srdreg.scid  }
0x8b: {  	s0 =	sand.u32 $0x1, s1  }
0x8c: {  	s17 =	sshll.u32 s0, $0xA;
	s2 =	sadd.s32 s3, s2  }
0x8d: {  	s2 =	sadd.s32 s2, s17  }
0x8e: {  	[smem:$0x3FB3] =	sst s2  }
0x8f: {  	_ = 	snop  }
0x90: {  	(tm) =	ssettm $0x1  }
0x91: {  	s18 =	sld [smem:$0x3FFB];
	_ =	sdelay $0x3  }
0x92: {  	_ =	strace s18  }
0x93: {  	s2 =	sld [smem:$0x3FFC];
	_ =	sdelay $0x3  }
0x94: {  	_ =	strace s2  }
0x95: {  	s2 =	sld [smem:$0x3FFD];
	_ =	sdelay $0x3  }
0x96: {  	_ =	strace s2  }
0x97: {  	_ =	strace $0x8FFFFFFF  }
0x98: {  	s19 =	sld [smem:$0x3FDB];
	_ =	sdelay $0x1  }
0x99: {  	s20 =	simm.s32 $_scs_section_size  }
0x9a: {  	s4 =	simm.s32 $_size__tile_overlayer_lowered;
	s5 =	simm.s32 $_tile_overlayer_lowered  }
0x9b: {  	s6 =	simm.s32 $0x1BFF;
	s21 =	sshll.u32 s5, $0x1;
	s3 =	sadd.s32 s20, s19  }
0x9c: {  	s22 =	simm.s32 $0x0;
	s4 =	sshll.u32 s4, $0x1;
	s5 =	sadd.s32 s21, s3  }
0x9d: {  	[timem:s22], [sflag:s6] =	dma.local [hbm:s5], s4  }
0x9e: {  	_ =	swait.ge [sflag:s6], s4  }
0x9f: {  	s4 =	ssub.s32 $0x0, s4;
	[sflag:s6] =	ssyncset.done $0x0  }
0xa0: {  	[sflag:s6] =	ssyncadd.s32 s4;
	_ =	sdelay $0x1  }
0xa1: {  	s23 =	simm.s32 $0x1B8B  }
0xa2: {  	_ =	swait.ge [sflag:s23], $0x1  }
0xa3: {  	[sflag:s23] =	ssyncset.done $0x0  }
0xa4: {  	[sflag:s23] =	ssyncadd.s32 $0xFFFFFFFF  }
0xa5: {  	s4 =	sld [smem:$0x0]  }
0xa6: {  	s5 =	sand.u32 $0xFFFFFFFE, s1  }
0xa7: {  	p0 =	sne.s32 s1, s5  }
0xa8: {  	s5 =	sshll.u32 @p0 s5, $0xE  }
0xa9: {  	s5 =	sadd.s32 @p0 $0x11B8D, s5;
	s6 =	sshll.u32 @p0 s4, $0x11  }
0xaa: {  	s5 =	sor.u32 @p0 s6, s5  }
0xab: {  	[sflag:s5] =	ssyncadd.remote.s32 @p0 $0x1;
	_ =	sdelay $0x1  }
0xac: {  	s5 =	simm.s32 @p0 $0x1B8D  }
0xad: {  	_ =	swait.eq @p0 [sflag:s5], $0x1  }
0xae: {  	[sflag:s5] =	ssyncadd.s32 @p0 $0xFFFFFFFF  }
0xaf: {  	s6 =	sshll.u32 @!p0 s1, $0xE  }
0xb0: {  	s6 =	sor.u32 @!p0 $0x4000, s6;
	s5 =	simm.s32 @!p0 $0x1B8D  }
0xb1: {  	s4 =	sshll.u32 @!p0 s4, $0x11;
	s6 =	sadd.s32 @!p0 $0x11B8D, s6;
	_ =	swait.eq @!p0 [sflag:s5], $0x1  }
0xb2: {  	s4 =	sor.u32 @!p0 s4, s6;
	[sflag:s5] =	ssyncadd.s32 @!p0 $0xFFFFFFFF  }
0xb3: {  	s25 =	simm.s32 $0x1B8E;
	s24 =	sld [smem:$0x3FFE];
	[sflag:s4] =	ssyncadd.remote.s32 @!p0 $0x1  }
0xb4: {  	s26 =	simm.s32 $execute0_lowered;
	[smem:$0x3FD2] =	sst s25  }
0xb5: {  	s5 =	sshll.u32 s26, $0x1;
	_ =	strace $0x8000005B;
	[dreg:$0x1] =	wrdreg $0xFFFFFFFF  }
0xb6: {  	s28 =	simm.s32 $_size_execute0_lowered;
	s3 =	sadd.s32 s3, s5;
	[dreg:$0x0] =	wrdreg $0x0  }
0xb7: {  	s5 =	sshll.u32 s28, $0x1;
	[dreg:$0x2] =	wrdreg s3  }
0xb8: {  	[dreg:$0x3] =	wrdreg s5  }
0xb9: {  	[dreg:$0x4] =	wrdreg $0xC0  }
0xba: {  	_ =	task [dreg:s22], $0x5FFFF  }
0xbb: {  	[dreg:$0x1] =	wrdreg $0xFFFFFFFF  }
0xbc: {  	[dreg:$0x0] =	wrdreg $0x60  }
0xbd: {  	[dreg:$0x2] =	wrdreg s24  }
0xbe: {  	[dreg:$0x3] =	wrdreg $0x95600  }
0xbf: {  	[dreg:$0x4] =	wrdreg $0xA  }
0xc0: {  	_ =	task.clear_ibuf [dreg:s22], $0x5FFFF;
	_ =	strace $0x9000005B  }
0xc1: {  	s29 =	simm.s32 $0xA;
	_ =	strace $0x8000005D  }
0xc2: {  	_ =	swait.ge [sflag:s29], $0x1  }
0xc3: {  	[sflag:s29] =	ssyncadd.s32 $0xFFFFFFFF  }
0xc4: {  	_ =	strace $0x9000005D  }
0xc5: {  	_ =	sfence  }
0xc6: {  	s30 =	sld [smem:$0x0];
	_ =	sdelay $0x2  }
0xc7: {  	s31 =	sshll.u32 s1, $0xD;
	s1 =	sshrl.u32 s1, $0x2  }
0xc8: {  	s4 =	sand.u32 $0x4000, s31;
	s1 =	sadd.s32 s1, s30  }
0xc9: {  	s0 =	sor.u32 s4, s0;
	s1 =	sshll.u32 s1, $0x11  }
0xca: {  	s0 =	sor.u32 s1, s0  }
0xcb: {  	s0 =	sadd.s32 $0x8F2B, s0  }
0xcc: {  	[sflag:s0] =	ssyncadd.remote.s32 $0x1  }
0xcd: {  	_ =	sfence.sel $0xFFFF  }
0xce: {  	[dreg:$0x0] =	wrdreg $0xFFFFFFFF;
	(pc) =	sbr.abs _section_cstart, $3  }
0xcf: {  	[dreg:$0x1] =	wrdreg $0xFFFFFFFF  }
0xd0: {  	_ =	task.clear_ibuf [dreg:s22], $0x2FFFF;
	_ =	strace $0x9FFFFFFF  }
0xd1: {  	(tm) =	ssettm $0x7FFFFFFF  }
tec
execute0_lowered:
.L_overlay_start_1:
0x0: {  	(tag) =	ssettag $0x1  }
0x1: {  	s0 =	srdreg.scid;
	s6 =	rddreg [dreg:$0x0]  }
0x2: {  	s2 =	rddreg [dreg:$0x1];
	s3 =	simm.s32 $0x0;
	s14 =	simm.s32 $0x2710  }
0x3: {  	s15 =	simm.s32 $0x3;
	s16 =	simm.s32 $0x7620;
	s17 =	simm.s32 $0x50  }
0x4: {  	s18 =	simm.s32 $0x4E20;
	s19 =	simm.s32 $0x6220;
	s20 =	simm.s32 $0x1  }
0x5: {  	s21 =	simm.s32 $0x2;
	s22 =	simm.s32 $0x4DD0;
	s24 =	simm.s32 $0x0  }
0x6: {  	s5 =	sand.u32 $0x1, s0;
	s0 =	stileid.u32;
	[smem:$0x7FF] =	sst s3  }
0x7: {  	s1 =	sshll.u32 s5, $0x4;
	s8 =	smul.u32 $0x4E2, s0;
	s5 =	ssub.s32 $0x2, s5  }
0x8: {  	s10 =	smul.u32 $0x27100, s0;
	s23 =	sshll.u32 s0, $0x6;
	s4 =	sor.u32 s0, s1  }
0x9: {  	s1 =	rddreg [dreg:$0x2];
	_ =	strace $0x8000005C;
	s7 =	smul.u32 $0x4E2, s4  }
0xa: {  	s11 =	sshrl.u32 s5, $0x1;
	s23 =	sor.u32 $0x1C03, s23;
	s9 =	smul.u32 $0x1388, s4  }
0xb: {  	s4 =	sadd.s32 $0x31A00, s6;
	s8 =	sadd.s32 s8, s6;
	s13 =	ssub.s32 s5, s11  }
0xc: {  	s31 =	sshrl.u32 s10, $0x2;
	s5 =	sadd.s32 $0x5800, s8;
	s7 =	sadd.s32 s7, s6  }
0xd: {  	s12 =	sadd.s32 s9, s6;
	s6 =	sadd.s32 $0x59800, s7;
	s7 =	sadd.s32 s31, s2  }
0xe: {  	s13 =	smax.u32 s13, $0x1;
	s12 =	sadd.s32 $0x12AC00, s12;
	s8 =	sadd.s32 $0x1F40, s7  }
0xf: {  	v0 =	vimm.f32 $0.0e+00;
	s9 =	sadd.s32 $0x3E80, s7;
	s10 =	sadd.s32 $0x5DC0, s7;
	s11 =	sadd.s32 $0x7D00, s7  }
.LBB2_1:
0x10: {  	[tilespmem:s14], [sflag:$0x3] =	stream.linear.gather [hbm4b:s5+s3], $0x2710, $0x38;
	[tilespmem:$0x131A0] =	vst v63  }
0x11: {  	_ =	swait.ge [sflag:s15], $0x2710  }
0x12: {  	[sflag:s15] =	ssyncset.done $0x0  }
0x13: {  	s26 =	simm.s32 $0x100;
	s25 =	simm.s32 $0x0;
	[sflag:s15] =	ssyncadd.s32 $0xFFFFD8F0  }
.LBB2_2:
0x14: {  	p0 =	sne.s32 s26, $0x7C00;
	[tilespmem:s25+$0x7650] =	vst v0;
	s28 =	smov.u32 s26;
	s26 =	sadd.s32 $0x100, s26  }
.Ltmp0:
0x15: {  	[tilespmem:s25+$0x7640] =	vst v0;
	(pc) =	sbr.rel @p0 .LBB2_2-.Ltmp0, $3  }
0x16: {  	[tilespmem:s25+$0x7620] =	vst v0  }
0x17: {  	[tilespmem:s25+$0x7630] =	vst v0;
	_ =	sdelay $0x1  }
0x18: {  	s25 =	sshra.s32 s28, $0x2  }
0x19: {  	[tilespmem:s25+$0x7650] =	vst v0  }
0x1a: {  	[tilespmem:s25+$0x7640] =	vst v0  }
0x1b: {  	[tilespmem:s25+$0x7620] =	vst v0  }
0x1c: {  	[tilespmem:s25+$0x7630] =	vst v0;
	s26 =	simm.s32 $0x0  }
0x1d: {  	[tilespmem:s26], [sflag:$0x3] =	stream.linear.gather [hbm4b:s6+s26], $0x2710, $0x38;
	[tilespmem:$0x131A0] =	vst v63  }
0x1e: {  	_ =	swait.ge [sflag:s15], $0x2710  }
0x1f: {  	[sflag:s15] =	ssyncset.done $0x0  }
0x20: {  	[sflag:s15] =	ssyncadd.s32 $0xFFFFD8F0  }
0x21: {  	[spmem:s7] =	stream.linear.scatter [tilespmem:s16], [sflag:$0x3], $0x1F40, $0x38;
	[tilespmem:$0x131A0] =	vst v63  }
0x22: {  	_ =	swait.ge [sflag:s15], $0x1F40  }
0x23: {  	[sflag:s15] =	ssyncset.done $0x0  }
0x24: {  	[sflag:s15] =	ssyncadd.s32 $0xFFFFE0C0  }
0x25: {  	[spmem:s8] =	stream.linear.scatter [tilespmem:s16], [sflag:$0x3], $0x1F40, $0x38;
	[tilespmem:$0x131A0] =	vst v63  }
0x26: {  	_ =	swait.ge [sflag:s15], $0x1F40  }
0x27: {  	[sflag:s15] =	ssyncset.done $0x0  }
0x28: {  	[sflag:s15] =	ssyncadd.s32 $0xFFFFE0C0  }
0x29: {  	[spmem:s9] =	stream.linear.scatter [tilespmem:s16], [sflag:$0x3], $0x1F40, $0x38;
	[tilespmem:$0x131A0] =	vst v63  }
0x2a: {  	_ =	swait.ge [sflag:s15], $0x1F40  }
0x2b: {  	[sflag:s15] =	ssyncset.done $0x0  }
0x2c: {  	[sflag:s15] =	ssyncadd.s32 $0xFFFFE0C0  }
0x2d: {  	[spmem:s10] =	stream.linear.scatter [tilespmem:s16], [sflag:$0x3], $0x1F40, $0x38;
	[tilespmem:$0x131A0] =	vst v63  }
0x2e: {  	_ =	swait.ge [sflag:s15], $0x1F40  }
0x2f: {  	[sflag:s15] =	ssyncset.done $0x0  }
0x30: {  	[sflag:s15] =	ssyncadd.s32 $0xFFFFE0C0  }
0x31: {  	[spmem:s11] =	stream.linear.scatter [tilespmem:s16], [sflag:$0x3], $0x1F40, $0x38;
	[tilespmem:$0x131A0] =	vst v63  }
0x32: {  	_ =	swait.ge [sflag:s15], $0x1F40  }
0x33: {  	[sflag:s15] =	ssyncset.done $0x0  }
0x34: {  	[sflag:s15] =	ssyncadd.s32 $0xFFFFE0C0  }
0x35: {  	[bflag:$0x0] =	sbarrier.arrive $0xFFFF  }
0x36: {  	[tilespmem:s18], [sflag:$0x1] =	stream.indirect.gather [hbm4b:s4+s17], $0x40, s26, s17, $0xb8;
	[tilespmem:$0x131A0] =	vst v63  }
0x37: {  	s28 =	simm.s32 $0x50  }
0x38: {  	[tilespmem:s19], [sflag:$0x2] =	stream.indirect.gather [hbm4b:s4+s17], $0x40, s28, s17, $0xb8;
	[tilespmem:$0x131A0] =	vst v63  }
0x39: {  	_ =	swait.ge [sflag:s20], $0x1400  }
0x3a: {  	[sflag:s20] =	ssyncset.done $0x0  }
0x3b: {  	s29 =	simm.s32 $0x2710;
	[sflag:s20] =	ssyncadd.s32 $0xFFFFEC00  }
0x3c: {  	[spmem:s2] =	stream.indirect.scatter.add.f32 [tilespmem:s18], [sflag:$0x3], $0x40, s29, s17, $0xb8;
	[tilespmem:$0x131A0] =	vst v63  }
0x3d: {  	_ =	swait.ge [sflag:s15], $0x1400  }
0x3e: {  	[sflag:s15] =	ssyncset.done $0x0  }
0x3f: {  	s30 =	simm.s32 $0xA0;
	[sflag:s15] =	ssyncadd.s32 $0xFFFFEC00  }
0x40: {  	[tilespmem:s18], [sflag:$0x1] =	stream.indirect.gather [hbm4b:s4+s17], $0x40, s30, s17, $0xb8;
	[tilespmem:$0x131A0] =	vst v63  }
0x41: {  	_ =	swait.ge [sflag:s21], $0x1400  }
0x42: {  	[sflag:s21] =	ssyncset.done $0x0  }
0x43: {  	s31 =	simm.s32 $0x2760;
	[sflag:s21] =	ssyncadd.s32 $0xFFFFEC00  }
0x44: {  	[spmem:s2] =	stream.indirect.scatter.add.f32 [tilespmem:s19], [sflag:$0x3], $0x40, s31, s17, $0xb8;
	[tilespmem:$0x131A0] =	vst v63  }
0x45: {  	_ =	swait.ge [sflag:s15], $0x1400  }
0x46: {  	s25 =	simm.s32 $0xA0;
	s26 =	simm.s32 $0x500;
	[sflag:s15] =	ssyncset.done $0x0  }
.LBB2_4:
0x47: {  	s28 =	sadd.s32 $0x50, s25  }
0x48: {  	[sflag:s15] =	ssyncadd.s32 $0xFFFFEC00;
	s29 =	smov.u32 s26;
	s30 =	sadd.s32 $0x280, s26  }
0x49: {  	[tilespmem:s19], [sflag:$0x2] =	stream.indirect.gather [hbm4b:s4+s17], $0x40, s28, s17, $0xb8;
	[tilespmem:$0x131A0] =	vst v63  }
0x4a: {  	p0 =	sne.s32 s26, $0x9880;
	_ =	swait.ge [sflag:s20], $0x1400  }
0x4b: {  	[sflag:s20] =	ssyncset.done $0x0  }
0x4c: {  	s26 =	sadd.s32 $0x2710, s25;
	[sflag:s20] =	ssyncadd.s32 $0xFFFFEC00  }
0x4d: {  	[spmem:s2] =	stream.indirect.scatter.add.f32 [tilespmem:s18], [sflag:$0x3], $0x40, s26, s17, $0xb8;
	[tilespmem:$0x131A0] =	vst v63  }
0x4e: {  	_ =	swait.ge [sflag:s15], $0x1400  }
0x4f: {  	[sflag:s15] =	ssyncset.done $0x0  }
0x50: {  	s26 =	sadd.s32 $0xA0, s25;
	[sflag:s15] =	ssyncadd.s32 $0xFFFFEC00  }
0x51: {  	[tilespmem:s18], [sflag:$0x1] =	stream.indirect.gather [hbm4b:s4+s17], $0x40, s26, s17, $0xb8;
	[tilespmem:$0x131A0] =	vst v63  }
0x52: {  	_ =	swait.ge [sflag:s21], $0x1400  }
.Ltmp1:
0x53: {  	[sflag:s21] =	ssyncset.done $0x0;
	(pc) =	sbr.rel @p0 .LBB2_4-.Ltmp1, $4  }
0x54: {  	s25 =	sadd.s32 $0x2760, s25;
	[sflag:s21] =	ssyncadd.s32 $0xFFFFEC00  }
0x55: {  	[spmem:s2] =	stream.indirect.scatter.add.f32 [tilespmem:s19], [sflag:$0x3], $0x40, s25, s17, $0xb8;
	[tilespmem:$0x131A0] =	vst v63  }
0x56: {  	_ =	swait.ge [sflag:s15], $0x1400  }
0x57: {  	s26 =	smov.u32 s30;
	s25 =	sshra.s32 s29, $0x2;
	[sflag:s15] =	ssyncset.done $0x0  }
0x58: {  	s26 =	sadd.s32 $0x50, s25;
	[sflag:s15] =	ssyncadd.s32 $0xFFFFEC00  }
0x59: {  	[tilespmem:s19], [sflag:$0x2] =	stream.indirect.gather [hbm4b:s4+s17], $0x40, s26, s17, $0xb8;
	[tilespmem:$0x131A0] =	vst v63  }
0x5a: {  	_ =	swait.ge [sflag:s20], $0x1400  }
0x5b: {  	[sflag:s20] =	ssyncset.done $0x0  }
0x5c: {  	s28 =	sadd.s32 $0x2710, s25;
	[sflag:s20] =	ssyncadd.s32 $0xFFFFEC00  }
0x5d: {  	[spmem:s2] =	stream.indirect.scatter.add.f32 [tilespmem:s18], [sflag:$0x3], $0x40, s28, s17, $0xb8;
	[tilespmem:$0x131A0] =	vst v63  }
0x5e: {  	_ =	swait.ge [sflag:s15], $0x1400  }
0x5f: {  	[sflag:s15] =	ssyncset.done $0x0  }
0x60: {  	s29 =	sadd.s32 $0xA0, s25;
	[sflag:s15] =	ssyncadd.s32 $0xFFFFEC00  }
0x61: {  	[tilespmem:s18], [sflag:$0x1] =	stream.indirect.gather [hbm4b:s4+s17], $0x40, s29, s17, $0xb8;
	[tilespmem:$0x131A0] =	vst v63  }
0x62: {  	_ =	swait.ge [sflag:s21], $0x1400  }
0x63: {  	[sflag:s21] =	ssyncset.done $0x0  }
0x64: {  	s30 =	sadd.s32 $0x2760, s25;
	[sflag:s21] =	ssyncadd.s32 $0xFFFFEC00  }
0x65: {  	[spmem:s2] =	stream.indirect.scatter.add.f32 [tilespmem:s19], [sflag:$0x3], $0x40, s30, s17, $0xb8;
	[tilespmem:$0x131A0] =	vst v63  }
0x66: {  	_ =	swait.ge [sflag:s15], $0x1400  }
0x67: {  	[sflag:s15] =	ssyncset.done $0x0  }
0x68: {  	[sflag:s15] =	ssyncadd.s32 $0xFFFFEC00  }
0x69: {  	_ =	swait.ge [sflag:s20], $0x1400  }
0x6a: {  	[sflag:s20] =	ssyncset.done $0x0  }
0x6b: {  	[sflag:s20] =	ssyncadd.s32 $0xFFFFEC00  }
0x6c: {  	[spmem:s2] =	stream.indirect.scatter.add.f32 [tilespmem:s18], [sflag:$0x3], $0x40, s22, s17, $0xb8;
	[tilespmem:$0x131A0] =	vst v63  }
0x6d: {  	_ =	swait.ge [sflag:s15], $0x1400  }
0x6e: {  	s24 =	sadd.s32 $0x1, s24;
	[sflag:s15] =	ssyncset.done $0x0  }
0x6f: {  	p0 =	sne.s32 s24, s13;
	[sflag:s15] =	ssyncadd.s32 $0xFFFFEC00  }
.Ltmp2:
0x70: {  	s31 =	sshrl.u32 s7, $0x3;
	[bflag:$0x0] =	sbarrier.arrive $0xFFFF;
	(pc) =	sbr.rel @p0 .LBB2_1-.Ltmp2, $4  }
0x71: {  	[hbm:s12], [sflag:s23] =	dma.local [spmem:s31], $0x1388  }
0x72: {  	_ =	swait.ge [sflag:s15], $0x1388  }
0x73: {  	[sflag:s15] =	ssyncset.done $0x0  }
0x74: {  	[sflag:s15] =	ssyncadd.s32 $0xFFFFEC78  }
0x75: {  	_ =	sfence.sel $0x180000  }
0x76: {  	[bflag:$0x0] =	sbarrier.arrive $0xFFFF  }
0x77: {  	p0 =	sne.s32 s0, $0x0;
	_ =	strace $0x9000005C  }
0x78: {  	s0 =	sadd.s32 @!p0 $0x100000, s1;
	[bflag:$0x2] =	sbarrier.arrive $0xFFFF  }
0x79: {  	[sflag:s0] =	ssyncadd.tile.s32 @!p0 $0x1;
	_ =	shalt  }
.Lfunc_end2:
_tile_overlayer_lowered:
.L_overlay_start_2:
0x7a: {  	(tag) =	ssettag $0x2  }
0x7b: {  	s0 =	rddreg [dreg:$0x0];
	s2 =	stileid.u32  }
0x7c: {  	s1 =	rddreg [dreg:$0x1];
	p0 =	sne.s32 s2, $0x0  }
0x7d: {  	s3 =	rddreg [dreg:$0x2];
	[bflag:$0x3] =	sbarrier.arrive $0xFFFF;
	s2 =	simm.s32 @!p0 $0x1C03  }
0x7e: {  	[timem:s3], [sflag:s2] =	dma.local @!p0 [hbm:s0], s1  }
0x7f: {  	s0 =	simm.s32 @!p0 $0x3  }
0x80: {  	_ =	swait.ge @!p0 [sflag:s0], s1  }
0x81: {  	s1 =	ssub.s32 @!p0 $0x0, s1;
	[sflag:s0] =	ssyncset.done @!p0 $0x0  }
0x82: {  	[sflag:s0] =	ssyncadd.s32 @!p0 s1  }
0x83: {  	[bflag:$0x3] =	sbarrier.arrive $0xFFFF  }
0x84: {  	_ =	shalt  }

// kernel: kernel.33.cloned.1.call-start
scs
__scs_entry_jumppad:
0x0: {  	(pc) =	sbr.rel $0x88, $3  }
0x1: {  	(tag) =	ssettag $0x0;
	lr =	simm.s32 $0x1  }
0x2: {  	[smem:$0x3F8C] =	sst lr;
	_ =	strace $0xD0000000  }
0x3: {  	_ = 	snop  }
0x4: {  	_ = 	snop  }
0x5: {  	_ = 	snop  }
0x6: {  	_ = 	snop  }
0x7: {  	_ = 	snop  }
__scs_overlays_trampoline_lowered:
0x8: {  	[smem:$0x3F9B] =	sst s0  }
0x9: {  	[smem:$0x3F9C] =	sst s1  }
0xa: {  	[smem:$0x3F9D] =	sst s2  }
0xb: {  	[smem:$0x3F9E] =	sst s3  }
0xc: {  	[smem:$0x3F9F] =	sst s4  }
0xd: {  	[smem:$0x3FA0] =	sst s5  }
0xe: {  	[smem:$0x3FA1] =	sst s6  }
0xf: {  	[smem:$0x3FA2] =	sst s7  }
0x10: {  	[smem:$0x3FA3] =	sst s8  }
0x11: {  	[smem:$0x3FA4] =	sst s9;
	s0 =	simm.s32 @!p0 $0x0  }
0x12: {  	s1 =	sld [smem:$0x3F8A];
	s0 =	simm.s32 @p0 $0x1  }
0x13: {  	[smem:$0x3FA5] =	sst s0;
	s0 =	simm.s32 @!p1 $0x0  }
0x14: {  	s2 =	sld [smem:$0x3F89];
	s0 =	simm.s32 @p1 $0x1  }
0x15: {  	[smem:$0x3FA6] =	sst s0;
	s0 =	simm.s32 @!p2 $0x0  }
0x16: {  	s3 =	sld [smem:$0x3FDB];
	s0 =	simm.s32 @p2 $0x1  }
0x17: {  	s4 =	simm.s32 $0x1BF5;
	[smem:$0x3FA8] =	sst s0  }
0x18: {  	s0 =	sld [smem:$0x3F8B];
	_ =	swait.ge [sflag:s4], $0x0  }
0x19: {  	s7 =	sld [smem:$0x3F8C]  }
0x1a: {  	s8 =	sadd.s32 $0xFFFFE003, lr  }
0x1b: {  	s9 =	sadd.s32 $0xFFFFFEF7, lr;
	s5 =	simm.s32 $0xFFFFFFFF;
	p2 =	slt.u32 s8, $0xFFFFF086  }
0x1c: {  	p1 =	slt.u32 s9, $0xF7A;
	s5 =	simm.s32 @!p2 $0x0  }
0x1d: {  	s5 =	simm.s32 @p1 $0x1;
	p0 =	seq.s32 s7, s2  }
0x1e: {  	s7 =	smul.u32 @!p0 $0xF7A, s2;
	p2 =	seq.s32 @!p0 s5, $0x0  }
0x1f: {  	s9 =	smul.u32 $0xF7A, s1;
	s8 =	simm.s32 @!p0 $0x1BF5;
	p2 =	por !p2, p0  }
0x20: {  	[sflag:s8] =	ssyncset.s32 @!p0 $0xFFFFF086;
	s6 =	sadd.s32 @!p0 s3, s7;
	s7 =	simm.s32 @!p0 $0x108  }
0x21: {  	s3 =	sadd.s32 s3, s9;
	s6 =	sadd.s32 @!p0 $0x88, s6;
	s7 =	simm.s32 @p2 $0x1082  }
0x22: {  	[simem:s7], [sflag:s8] =	dma.local @!p0 [hbm:s6], $0xF7A  }
0x23: {  	s9 =	sor.u32 $0xD0000000, s2;
	s6 =	simm.s32 $0x108;
	_ =	swait.ge @!p0 [sflag:s8], $0x0  }
0x24: {  	s3 =	sadd.s32 $0x88, s3;
	s6 =	simm.s32 @!p1 $0x1082;
	[sflag:s4] =	ssyncset.s32 $0xFFFFF086  }
0x25: {  	[simem:s6], [sflag:s4] =	dma.local [hbm:s3], $0xF7A  }
0x26: {  	[smem:$0x3F8C] =	sst s1;
	(tag) =	ssettag s2;
	_ =	strace s9  }
0x27: {  	s1 =	sld [smem:$0x3F9C]  }
0x28: {  	s2 =	sld [smem:$0x3F9D]  }
0x29: {  	s4 =	sld [smem:$0x3F9F]  }
0x2a: {  	p0 =	seq.s32 s5, $0x0;
	s5 =	sld [smem:$0x3FA0]  }
0x2b: {  	s6 =	sld [smem:$0x3FA1]  }
0x2c: {  	s7 =	sld [smem:$0x3FA2]  }
0x2d: {  	s3 =	simm.s32 $0x108;
	s8 =	sld [smem:$0x3FA3]  }
0x2e: {  	s3 =	simm.s32 @!p0 $0x1082;
	s9 =	sld [smem:$0x3FA4]  }
0x2f: {  	lr =	sadd.s32 s0, s3;
	s0 =	sld [smem:$0x3F9B]  }
0x30: {  	s3 =	sld [smem:$0x3F9E]  }
0x31: {  	[smem:$0x3FA7] =	sst s10  }
0x32: {  	s10 =	sld [smem:$0x3FA5];
	_ =	sdelay $0x3  }
0x33: {  	p0 =	seq.s32 s10, $0x1;
	s10 =	sld [smem:$0x3FA7];
	_ =	sdelay $0x3  }
0x34: {  	[smem:$0x3FA7] =	sst s10  }
0x35: {  	s10 =	sld [smem:$0x3FA6];
	_ =	sdelay $0x3  }
0x36: {  	p1 =	seq.s32 s10, $0x1;
	s10 =	sld [smem:$0x3FA7];
	_ =	sdelay $0x3  }
0x37: {  	[smem:$0x3FA7] =	sst s10  }
0x38: {  	s10 =	sld [smem:$0x3FA8]  }
0x39: {  	_ = 	snop;
	(pc) =	sbr.ind lr, $3  }
0x3a: {  	_ = 	snop  }
0x3b: {  	_ = 	snop  }
0x3c: {  	p2 =	seq.s32 s10, $0x1;
	s10 =	sld [smem:$0x3FA7]  }
0x3d: {  	_ =	shalt  }
0x3e: {  	_ =	shalt  }
0x3f: {  	_ =	shalt  }
0x40: {  	_ =	shalt  }
0x41: {  	_ =	shalt  }
0x42: {  	_ =	shalt  }
0x43: {  	_ =	shalt  }
0x44: {  	_ =	shalt  }
0x45: {  	_ =	shalt  }
0x46: {  	_ =	shalt  }
0x47: {  	_ =	shalt  }
0x48: {  	_ =	shalt  }
0x49: {  	_ =	shalt  }
0x4a: {  	_ =	shalt  }
0x4b: {  	_ =	shalt  }
0x4c: {  	_ =	shalt  }
0x4d: {  	_ =	shalt  }
0x4e: {  	_ =	shalt  }
0x4f: {  	_ =	shalt  }
0x50: {  	_ =	shalt  }
0x51: {  	_ =	shalt  }
0x52: {  	_ =	shalt  }
0x53: {  	_ =	shalt  }
0x54: {  	_ =	shalt  }
0x55: {  	_ =	shalt  }
0x56: {  	_ =	shalt  }
0x57: {  	_ =	shalt  }
0x58: {  	_ =	shalt  }
0x59: {  	_ =	shalt  }
0x5a: {  	_ =	shalt  }
0x5b: {  	_ =	shalt  }
0x5c: {  	_ =	shalt  }
0x5d: {  	_ =	shalt  }
0x5e: {  	_ =	shalt  }
0x5f: {  	_ =	shalt  }
0x60: {  	_ =	shalt  }
0x61: {  	_ =	shalt  }
0x62: {  	_ =	shalt  }
0x63: {  	_ =	shalt  }
0x64: {  	_ =	shalt  }
0x65: {  	_ =	shalt  }
0x66: {  	_ =	shalt  }
0x67: {  	_ =	shalt  }
0x68: {  	_ =	shalt  }
0x69: {  	_ =	shalt  }
0x6a: {  	_ =	shalt  }
0x6b: {  	_ =	shalt  }
0x6c: {  	_ =	shalt  }
0x6d: {  	_ =	shalt  }
0x6e: {  	_ =	shalt  }
0x6f: {  	_ =	shalt  }
0x70: {  	_ =	shalt  }
0x71: {  	_ =	shalt  }
0x72: {  	_ =	shalt  }
0x73: {  	_ =	shalt  }
0x74: {  	_ =	shalt  }
0x75: {  	_ =	shalt  }
0x76: {  	_ =	shalt  }
0x77: {  	_ =	shalt  }
0x78: {  	_ =	shalt  }
0x79: {  	_ =	shalt  }
0x7a: {  	_ =	shalt  }
0x7b: {  	_ =	shalt  }
0x7c: {  	_ =	shalt  }
0x7d: {  	_ =	shalt  }
0x7e: {  	_ =	shalt  }
0x7f: {  	_ =	shalt  }
0x80: {  	_ =	shalt  }
0x81: {  	_ =	shalt  }
0x82: {  	_ =	shalt  }
0x83: {  	_ =	shalt  }
0x84: {  	_ =	shalt  }
0x85: {  	_ =	shalt  }
0x86: {  	_ =	shalt  }
0x87: {  	_ =	shalt  }
.Lfunc_end0:
.L_simem_size_0:
called_computation.6_lowered:
.L_overlay_start_0:
0x88: {  	s2 =	sld [smem:$0x3FD9]  }
0x89: {  	s3 =	sld [smem:$0x3FFE];
	_ =	sdelay $0x1  }
0x8a: {  	s1 =	srdreg.scid  }
0x8b: {  	s0 =	sand.u32 $0x1, s1  }
0x8c: {  	s15 =	sshll.u32 s0, $0xA;
	s2 =	sadd.s32 s3, s2  }
0x8d: {  	s2 =	sadd.s32 s2, s15  }
0x8e: {  	[smem:$0x3FB3] =	sst s2  }
0x8f: {  	_ = 	snop  }
0x90: {  	s2 =	sld [smem:$0x3FD0];
	_ =	sdelay $0x2  }
0x91: {  	s16 =	simm.s32 $0xC;
	s4 =	simm.s32 $0x10  }
0x92: {  	[smem:s4], [sflag:s16] =	dma.local [hbm:s2], $0x1  }
0x93: {  	_ =	swait.eq [sflag:s16], $0x1  }
0x94: {  	[sflag:s16] =	ssyncset.done $0x0  }
0x95: {  	[sflag:s16] =	ssyncadd.s32 $0xFFFFFFFF  }
0x96: {  	s17 =	sld [smem:$0x11];
	(tm) =	ssettm $0x1  }
0x97: {  	s18 =	sld [smem:$0x3FFB];
	_ =	sdelay $0x3  }
0x98: {  	_ =	strace s18  }
0x99: {  	s2 =	sld [smem:$0x3FFC];
	_ =	sdelay $0x3  }
0x9a: {  	_ =	strace s2  }
0x9b: {  	s2 =	sld [smem:$0x3FFD];
	_ =	sdelay $0x3  }
0x9c: {  	_ =	strace s2  }
0x9d: {  	_ =	strace $0x8FFFFFFF  }
0x9e: {  	s19 =	sld [smem:$0x3FDB];
	_ =	sdelay $0x1  }
0x9f: {  	s20 =	simm.s32 $_scs_section_size  }
0xa0: {  	s5 =	simm.s32 $_size__tile_overlayer_lowered;
	s6 =	simm.s32 $_tile_overlayer_lowered  }
0xa1: {  	s7 =	simm.s32 $0x1BFF;
	s21 =	sshll.u32 s6, $0x1;
	s4 =	sadd.s32 s20, s19  }
0xa2: {  	s22 =	simm.s32 $0x0;
	s5 =	sshll.u32 s5, $0x1;
	s6 =	sadd.s32 s21, s4  }
0xa3: {  	[timem:s22], [sflag:s7] =	dma.local [hbm:s6], s5  }
0xa4: {  	_ =	swait.ge [sflag:s7], s5  }
0xa5: {  	s5 =	ssub.s32 $0x0, s5;
	[sflag:s7] =	ssyncset.done $0x0  }
0xa6: {  	[sflag:s7] =	ssyncadd.s32 s5;
	_ =	sdelay $0x1  }
0xa7: {  	s23 =	simm.s32 $0x1B8B  }
0xa8: {  	_ =	swait.ge [sflag:s23], $0x1  }
0xa9: {  	[sflag:s23] =	ssyncset.done $0x0  }
0xaa: {  	[sflag:s23] =	ssyncadd.s32 $0xFFFFFFFF  }
0xab: {  	s5 =	sld [smem:$0x0]  }
0xac: {  	s6 =	sand.u32 $0xFFFFFFFE, s1  }
0xad: {  	p0 =	sne.s32 s1, s6  }
0xae: {  	s6 =	sshll.u32 @p0 s6, $0xE  }
0xaf: {  	s6 =	sadd.s32 @p0 $0x11B8D, s6;
	s7 =	sshll.u32 @p0 s5, $0x11  }
0xb0: {  	s6 =	sor.u32 @p0 s7, s6  }
0xb1: {  	[sflag:s6] =	ssyncadd.remote.s32 @p0 $0x1;
	_ =	sdelay $0x1  }
0xb2: {  	s6 =	simm.s32 @p0 $0x1B8D  }
0xb3: {  	_ =	swait.eq @p0 [sflag:s6], $0x1  }
0xb4: {  	[sflag:s6] =	ssyncadd.s32 @p0 $0xFFFFFFFF  }
0xb5: {  	s7 =	sshll.u32 @!p0 s1, $0xE  }
0xb6: {  	s7 =	sor.u32 @!p0 $0x4000, s7;
	s6 =	simm.s32 @!p0 $0x1B8D  }
0xb7: {  	s5 =	sshll.u32 @!p0 s5, $0x11;
	s7 =	sadd.s32 @!p0 $0x11B8D, s7;
	_ =	swait.eq @!p0 [sflag:s6], $0x1  }
0xb8: {  	s5 =	sor.u32 @!p0 s5, s7;
	[sflag:s6] =	ssyncadd.s32 @!p0 $0xFFFFFFFF  }
0xb9: {  	s25 =	simm.s32 $0x1B8E;
	s24 =	sld [smem:$0x3FFE];
	[sflag:s5] =	ssyncadd.remote.s32 @!p0 $0x1  }
0xba: {  	s26 =	simm.s32 $execute0_lowered;
	[smem:$0x3FD2] =	sst s25  }
0xbb: {  	s6 =	sshll.u32 s26, $0x1;
	_ =	strace $0x80000058;
	[dreg:$0x1] =	wrdreg $0xFFFFFFFF  }
0xbc: {  	s28 =	simm.s32 $_size_execute0_lowered;
	s4 =	sadd.s32 s4, s6;
	[dreg:$0x0] =	wrdreg $0x0  }
0xbd: {  	s6 =	sshll.u32 s28, $0x1;
	[dreg:$0x2] =	wrdreg s4  }
0xbe: {  	[dreg:$0x3] =	wrdreg s6  }
0xbf: {  	[dreg:$0x4] =	wrdreg $0xC0  }
0xc0: {  	_ =	task [dreg:s22], $0x5FFFF  }
0xc1: {  	[dreg:$0x1] =	wrdreg $0xFFFFFFFF  }
0xc2: {  	[dreg:$0x0] =	wrdreg $0x60  }
0xc3: {  	[dreg:$0x2] =	wrdreg s17  }
0xc4: {  	[dreg:$0x3] =	wrdreg s24  }
0xc5: {  	[dreg:$0x4] =	wrdreg $0x95600  }
0xc6: {  	[dreg:$0x5] =	wrdreg $0xB  }
0xc7: {  	_ =	task.clear_ibuf [dreg:s22], $0x6FFFF;
	_ =	strace $0x90000058  }
0xc8: {  	s29 =	simm.s32 $0xB;
	_ =	strace $0x8000005A  }
0xc9: {  	_ =	swait.ge [sflag:s29], $0x1  }
0xca: {  	[sflag:s29] =	ssyncadd.s32 $0xFFFFFFFF  }
0xcb: {  	_ =	strace $0x9000005A  }
0xcc: {  	_ =	sfence  }
0xcd: {  	s30 =	sld [smem:$0x0];
	_ =	sdelay $0x2  }
0xce: {  	s31 =	sshll.u32 s1, $0xD;
	s1 =	sshrl.u32 s1, $0x2  }
0xcf: {  	s4 =	sand.u32 $0x4000, s31;
	s1 =	sadd.s32 s1, s30  }
0xd0: {  	s0 =	sor.u32 s4, s0;
	s1 =	sshll.u32 s1, $0x11  }
0xd1: {  	s0 =	sor.u32 s1, s0  }
0xd2: {  	s0 =	sadd.s32 $0x8F2B, s0  }
0xd3: {  	[sflag:s0] =	ssyncadd.remote.s32 $0x1  }
0xd4: {  	_ =	sfence.sel $0xFFFF  }
0xd5: {  	[dreg:$0x0] =	wrdreg $0xFFFFFFFF;
	(pc) =	sbr.abs _section_cstart, $3  }
0xd6: {  	[dreg:$0x1] =	wrdreg $0xFFFFFFFF  }
0xd7: {  	_ =	task.clear_ibuf [dreg:s22], $0x2FFFF;
	_ =	strace $0x9FFFFFFF  }
0xd8: {  	(tm) =	ssettm $0x7FFFFFFF  }
0xd9: {  	_ =	shalt  }
tec
execute0_lowered:
.L_overlay_start_1:
0x0: {  	(tag) =	ssettag $0x1  }
0x1: {  	s1 =	rddreg [dreg:$0x0]  }
0x2: {  	s6 =	rddreg [dreg:$0x1]  }
0x3: {  	s0 =	srdreg.scid;
	s3 =	rddreg [dreg:$0x2];
	s4 =	simm.s32 $0x0  }
0x4: {  	s14 =	simm.s32 $0x2710;
	s15 =	simm.s32 $0x3;
	s16 =	simm.s32 $0x7620  }
0x5: {  	s17 =	simm.s32 $0x50;
	s18 =	simm.s32 $0x4E20;
	s19 =	simm.s32 $0x6220  }
0x6: {  	s20 =	simm.s32 $0x1;
	s21 =	simm.s32 $0x2;
	s22 =	simm.s32 $0x4DD0  }
0x7: {  	s24 =	simm.s32 $0x0;
	s5 =	sand.u32 $0x1, s0;
	s0 =	stileid.u32  }
0x8: {  	[smem:$0x7FF] =	sst s4;
	s2 =	sshll.u32 s5, $0x4;
	s9 =	smul.u32 $0x4E2, s0  }
0x9: {  	s5 =	ssub.s32 $0x2, s5;
	s10 =	smul.u32 $0x27100, s0;
	s23 =	sshll.u32 s0, $0x6  }
0xa: {  	s7 =	sor.u32 s0, s2;
	s2 =	rddreg [dreg:$0x3];
	_ =	strace $0x80000059  }
0xb: {  	s11 =	sshrl.u32 s5, $0x1;
	s23 =	sor.u32 $0x1C03, s23;
	s8 =	smul.u32 $0x4E2, s7  }
0xc: {  	s7 =	smul.u32 $0x1388, s7;
	s9 =	sadd.s32 s9, s6;
	s13 =	ssub.s32 s5, s11  }
0xd: {  	s31 =	sshrl.u32 s10, $0x2;
	s5 =	sadd.s32 $0x5800, s9;
	s13 =	smax.u32 s13, $0x1  }
0xe: {  	s8 =	sadd.s32 s8, s6;
	s12 =	sadd.s32 s7, s6;
	s7 =	sadd.s32 s31, s3  }
0xf: {  	s6 =	sadd.s32 $0x59800, s8;
	s8 =	sadd.s32 $0x1F40, s7;
	s9 =	sadd.s32 $0x3E80, s7  }
0x10: {  	v0 =	vimm.f32 $0.0e+00;
	s10 =	sadd.s32 $0x5DC0, s7;
	s11 =	sadd.s32 $0x7D00, s7;
	s12 =	sadd.s32 $0x63600, s12  }
.LBB2_1:
0x11: {  	[tilespmem:s14], [sflag:$0x3] =	stream.linear.gather [hbm4b:s5+s4], $0x2710, $0x38;
	[tilespmem:$0x131A0] =	vst v63  }
0x12: {  	_ =	swait.ge [sflag:s15], $0x2710  }
0x13: {  	[sflag:s15] =	ssyncset.done $0x0  }
0x14: {  	s26 =	simm.s32 $0x100;
	s25 =	simm.s32 $0x0;
	[sflag:s15] =	ssyncadd.s32 $0xFFFFD8F0  }
.LBB2_2:
0x15: {  	p0 =	sne.s32 s26, $0x7C00;
	[tilespmem:s25+$0x7650] =	vst v0;
	s28 =	smov.u32 s26;
	s26 =	sadd.s32 $0x100, s26  }
.Ltmp0:
0x16: {  	[tilespmem:s25+$0x7640] =	vst v0;
	(pc) =	sbr.rel @p0 .LBB2_2-.Ltmp0, $3  }
0x17: {  	[tilespmem:s25+$0x7620] =	vst v0  }
0x18: {  	[tilespmem:s25+$0x7630] =	vst v0;
	_ =	sdelay $0x1  }
0x19: {  	s25 =	sshra.s32 s28, $0x2  }
0x1a: {  	[tilespmem:s25+$0x7650] =	vst v0  }
0x1b: {  	[tilespmem:s25+$0x7640] =	vst v0  }
0x1c: {  	[tilespmem:s25+$0x7620] =	vst v0  }
0x1d: {  	[tilespmem:s25+$0x7630] =	vst v0;
	s26 =	simm.s32 $0x0  }
0x1e: {  	[tilespmem:s26], [sflag:$0x3] =	stream.linear.gather [hbm4b:s6+s26], $0x2710, $0x38;
	[tilespmem:$0x131A0] =	vst v63  }
0x1f: {  	_ =	swait.ge [sflag:s15], $0x2710  }
0x20: {  	[sflag:s15] =	ssyncset.done $0x0  }
0x21: {  	[sflag:s15] =	ssyncadd.s32 $0xFFFFD8F0  }
0x22: {  	[spmem:s7] =	stream.linear.scatter [tilespmem:s16], [sflag:$0x3], $0x1F40, $0x38;
	[tilespmem:$0x131A0] =	vst v63  }
0x23: {  	_ =	swait.ge [sflag:s15], $0x1F40  }
0x24: {  	[sflag:s15] =	ssyncset.done $0x0  }
0x25: {  	[sflag:s15] =	ssyncadd.s32 $0xFFFFE0C0  }
0x26: {  	[spmem:s8] =	stream.linear.scatter [tilespmem:s16], [sflag:$0x3], $0x1F40, $0x38;
	[tilespmem:$0x131A0] =	vst v63  }
0x27: {  	_ =	swait.ge [sflag:s15], $0x1F40  }
0x28: {  	[sflag:s15] =	ssyncset.done $0x0  }
0x29: {  	[sflag:s15] =	ssyncadd.s32 $0xFFFFE0C0  }
0x2a: {  	[spmem:s9] =	stream.linear.scatter [tilespmem:s16], [sflag:$0x3], $0x1F40, $0x38;
	[tilespmem:$0x131A0] =	vst v63  }
0x2b: {  	_ =	swait.ge [sflag:s15], $0x1F40  }
0x2c: {  	[sflag:s15] =	ssyncset.done $0x0  }
0x2d: {  	[sflag:s15] =	ssyncadd.s32 $0xFFFFE0C0  }
0x2e: {  	[spmem:s10] =	stream.linear.scatter [tilespmem:s16], [sflag:$0x3], $0x1F40, $0x38;
	[tilespmem:$0x131A0] =	vst v63  }
0x2f: {  	_ =	swait.ge [sflag:s15], $0x1F40  }
0x30: {  	[sflag:s15] =	ssyncset.done $0x0  }
0x31: {  	[sflag:s15] =	ssyncadd.s32 $0xFFFFE0C0  }
0x32: {  	[spmem:s11] =	stream.linear.scatter [tilespmem:s16], [sflag:$0x3], $0x1F40, $0x38;
	[tilespmem:$0x131A0] =	vst v63  }
0x33: {  	_ =	swait.ge [sflag:s15], $0x1F40  }
0x34: {  	[sflag:s15] =	ssyncset.done $0x0  }
0x35: {  	[sflag:s15] =	ssyncadd.s32 $0xFFFFE0C0  }
0x36: {  	[bflag:$0x0] =	sbarrier.arrive $0xFFFF  }
0x37: {  	[tilespmem:s18], [sflag:$0x1] =	stream.indirect.gather [hbm4b:s1+s17], $0x40, s26, s17, $0xb8;
	[tilespmem:$0x131A0] =	vst v63  }
0x38: {  	s28 =	simm.s32 $0x50  }
0x39: {  	[tilespmem:s19], [sflag:$0x2] =	stream.indirect.gather [hbm4b:s1+s17], $0x40, s28, s17, $0xb8;
	[tilespmem:$0x131A0] =	vst v63  }
0x3a: {  	_ =	swait.ge [sflag:s20], $0x1400  }
0x3b: {  	[sflag:s20] =	ssyncset.done $0x0  }
0x3c: {  	s29 =	simm.s32 $0x2710;
	[sflag:s20] =	ssyncadd.s32 $0xFFFFEC00  }
0x3d: {  	[spmem:s3] =	stream.indirect.scatter.add.f32 [tilespmem:s18], [sflag:$0x3], $0x40, s29, s17, $0xb8;
	[tilespmem:$0x131A0] =	vst v63  }
0x3e: {  	_ =	swait.ge [sflag:s15], $0x1400  }
0x3f: {  	[sflag:s15] =	ssyncset.done $0x0  }
0x40: {  	s30 =	simm.s32 $0xA0;
	[sflag:s15] =	ssyncadd.s32 $0xFFFFEC00  }
0x41: {  	[tilespmem:s18], [sflag:$0x1] =	stream.indirect.gather [hbm4b:s1+s17], $0x40, s30, s17, $0xb8;
	[tilespmem:$0x131A0] =	vst v63  }
0x42: {  	_ =	swait.ge [sflag:s21], $0x1400  }
0x43: {  	[sflag:s21] =	ssyncset.done $0x0  }
0x44: {  	s31 =	simm.s32 $0x2760;
	[sflag:s21] =	ssyncadd.s32 $0xFFFFEC00  }
0x45: {  	[spmem:s3] =	stream.indirect.scatter.add.f32 [tilespmem:s19], [sflag:$0x3], $0x40, s31, s17, $0xb8;
	[tilespmem:$0x131A0] =	vst v63  }
0x46: {  	_ =	swait.ge [sflag:s15], $0x1400  }
0x47: {  	s25 =	simm.s32 $0xA0;
	s26 =	simm.s32 $0x500;
	[sflag:s15] =	ssyncset.done $0x0  }
.LBB2_4:
0x48: {  	s28 =	sadd.s32 $0x50, s25  }
0x49: {  	[sflag:s15] =	ssyncadd.s32 $0xFFFFEC00;
	s29 =	smov.u32 s26;
	s30 =	sadd.s32 $0x280, s26  }
0x4a: {  	[tilespmem:s19], [sflag:$0x2] =	stream.indirect.gather [hbm4b:s1+s17], $0x40, s28, s17, $0xb8;
	[tilespmem:$0x131A0] =	vst v63  }
0x4b: {  	p0 =	sne.s32 s26, $0x9880;
	_ =	swait.ge [sflag:s20], $0x1400  }
0x4c: {  	[sflag:s20] =	ssyncset.done $0x0  }
0x4d: {  	s26 =	sadd.s32 $0x2710, s25;
	[sflag:s20] =	ssyncadd.s32 $0xFFFFEC00  }
0x4e: {  	[spmem:s3] =	stream.indirect.scatter.add.f32 [tilespmem:s18], [sflag:$0x3], $0x40, s26, s17, $0xb8;
	[tilespmem:$0x131A0] =	vst v63  }
0x4f: {  	_ =	swait.ge [sflag:s15], $0x1400  }
0x50: {  	[sflag:s15] =	ssyncset.done $0x0  }
0x51: {  	s26 =	sadd.s32 $0xA0, s25;
	[sflag:s15] =	ssyncadd.s32 $0xFFFFEC00  }
0x52: {  	[tilespmem:s18], [sflag:$0x1] =	stream.indirect.gather [hbm4b:s1+s17], $0x40, s26, s17, $0xb8;
	[tilespmem:$0x131A0] =	vst v63  }
0x53: {  	_ =	swait.ge [sflag:s21], $0x1400  }
.Ltmp1:
0x54: {  	[sflag:s21] =	ssyncset.done $0x0;
	(pc) =	sbr.rel @p0 .LBB2_4-.Ltmp1, $4  }
0x55: {  	s25 =	sadd.s32 $0x2760, s25;
	[sflag:s21] =	ssyncadd.s32 $0xFFFFEC00  }
0x56: {  	[spmem:s3] =	stream.indirect.scatter.add.f32 [tilespmem:s19], [sflag:$0x3], $0x40, s25, s17, $0xb8;
	[tilespmem:$0x131A0] =	vst v63  }
0x57: {  	_ =	swait.ge [sflag:s15], $0x1400  }
0x58: {  	s26 =	smov.u32 s30;
	s25 =	sshra.s32 s29, $0x2;
	[sflag:s15] =	ssyncset.done $0x0  }
0x59: {  	s26 =	sadd.s32 $0x50, s25;
	[sflag:s15] =	ssyncadd.s32 $0xFFFFEC00  }
0x5a: {  	[tilespmem:s19], [sflag:$0x2] =	stream.indirect.gather [hbm4b:s1+s17], $0x40, s26, s17, $0xb8;
	[tilespmem:$0x131A0] =	vst v63  }
0x5b: {  	_ =	swait.ge [sflag:s20], $0x1400  }
0x5c: {  	[sflag:s20] =	ssyncset.done $0x0  }
0x5d: {  	s28 =	sadd.s32 $0x2710, s25;
	[sflag:s20] =	ssyncadd.s32 $0xFFFFEC00  }
0x5e: {  	[spmem:s3] =	stream.indirect.scatter.add.f32 [tilespmem:s18], [sflag:$0x3], $0x40, s28, s17, $0xb8;
	[tilespmem:$0x131A0] =	vst v63  }
0x5f: {  	_ =	swait.ge [sflag:s15], $0x1400  }
0x60: {  	[sflag:s15] =	ssyncset.done $0x0  }
0x61: {  	s29 =	sadd.s32 $0xA0, s25;
	[sflag:s15] =	ssyncadd.s32 $0xFFFFEC00  }
0x62: {  	[tilespmem:s18], [sflag:$0x1] =	stream.indirect.gather [hbm4b:s1+s17], $0x40, s29, s17, $0xb8;
	[tilespmem:$0x131A0] =	vst v63  }
0x63: {  	_ =	swait.ge [sflag:s21], $0x1400  }
0x64: {  	[sflag:s21] =	ssyncset.done $0x0  }
0x65: {  	s30 =	sadd.s32 $0x2760, s25;
	[sflag:s21] =	ssyncadd.s32 $0xFFFFEC00  }
0x66: {  	[spmem:s3] =	stream.indirect.scatter.add.f32 [tilespmem:s19], [sflag:$0x3], $0x40, s30, s17, $0xb8;
	[tilespmem:$0x131A0] =	vst v63  }
0x67: {  	_ =	swait.ge [sflag:s15], $0x1400  }
0x68: {  	[sflag:s15] =	ssyncset.done $0x0  }
0x69: {  	[sflag:s15] =	ssyncadd.s32 $0xFFFFEC00  }
0x6a: {  	_ =	swait.ge [sflag:s20], $0x1400  }
0x6b: {  	[sflag:s20] =	ssyncset.done $0x0  }
0x6c: {  	[sflag:s20] =	ssyncadd.s32 $0xFFFFEC00  }
0x6d: {  	[spmem:s3] =	stream.indirect.scatter.add.f32 [tilespmem:s18], [sflag:$0x3], $0x40, s22, s17, $0xb8;
	[tilespmem:$0x131A0] =	vst v63  }
0x6e: {  	_ =	swait.ge [sflag:s15], $0x1400  }
0x6f: {  	s24 =	sadd.s32 $0x1, s24;
	[sflag:s15] =	ssyncset.done $0x0  }
0x70: {  	p0 =	sne.s32 s24, s13;
	[sflag:s15] =	ssyncadd.s32 $0xFFFFEC00  }
.Ltmp2:
0x71: {  	s31 =	sshrl.u32 s7, $0x3;
	[bflag:$0x0] =	sbarrier.arrive $0xFFFF;
	(pc) =	sbr.rel @p0 .LBB2_1-.Ltmp2, $4  }
0x72: {  	[hbm:s12], [sflag:s23] =	dma.local [spmem:s31], $0x1388  }
0x73: {  	_ =	swait.ge [sflag:s15], $0x1388  }
0x74: {  	[sflag:s15] =	ssyncset.done $0x0  }
0x75: {  	[sflag:s15] =	ssyncadd.s32 $0xFFFFEC78  }
0x76: {  	_ =	sfence.sel $0x180000  }
0x77: {  	[bflag:$0x0] =	sbarrier.arrive $0xFFFF  }
0x78: {  	p0 =	sne.s32 s0, $0x0;
	_ =	strace $0x90000059  }
0x79: {  	s0 =	sadd.s32 @!p0 $0x100000, s2;
	[bflag:$0x2] =	sbarrier.arrive $0xFFFF  }
0x7a: {  	[sflag:s0] =	ssyncadd.tile.s32 @!p0 $0x1;
	_ =	shalt  }
.Lfunc_end2:
_tile_overlayer_lowered:
.L_overlay_start_2:
0x7b: {  	(tag) =	ssettag $0x2  }
0x7c: {  	s0 =	rddreg [dreg:$0x0];
	s2 =	stileid.u32  }
0x7d: {  	s1 =	rddreg [dreg:$0x1];
	p0 =	sne.s32 s2, $0x0  }
0x7e: {  	s3 =	rddreg [dreg:$0x2];
	[bflag:$0x3] =	sbarrier.arrive $0xFFFF;
	s2 =	simm.s32 @!p0 $0x1C03  }
0x7f: {  	[timem:s3], [sflag:s2] =	dma.local @!p0 [hbm:s0], s1  }
0x80: {  	s0 =	simm.s32 @!p0 $0x3  }
0x81: {  	_ =	swait.ge @!p0 [sflag:s0], s1  }
0x82: {  	s1 =	ssub.s32 @!p0 $0x0, s1;
	[sflag:s0] =	ssyncset.done @!p0 $0x0  }
0x83: {  	[sflag:s0] =	ssyncadd.s32 @!p0 s1  }
0x84: {  	[bflag:$0x3] =	sbarrier.arrive $0xFFFF  }
0x85: {  	_ =	shalt  }

// kernel: kernel.36.cloned.1.call-start
scs
__scs_entry_jumppad:
0x0: {  	(pc) =	sbr.rel $0x88, $3  }
0x1: {  	(tag) =	ssettag $0x0;
	lr =	simm.s32 $0x1  }
0x2: {  	[smem:$0x3F8C] =	sst lr;
	_ =	strace $0xD0000000  }
0x3: {  	_ = 	snop  }
0x4: {  	_ = 	snop  }
0x5: {  	_ = 	snop  }
0x6: {  	_ = 	snop  }
0x7: {  	_ = 	snop  }
__scs_overlays_trampoline_lowered:
0x8: {  	[smem:$0x3F9B] =	sst s0  }
0x9: {  	[smem:$0x3F9C] =	sst s1  }
0xa: {  	[smem:$0x3F9D] =	sst s2  }
0xb: {  	[smem:$0x3F9E] =	sst s3  }
0xc: {  	[smem:$0x3F9F] =	sst s4  }
0xd: {  	[smem:$0x3FA0] =	sst s5  }
0xe: {  	[smem:$0x3FA1] =	sst s6  }
0xf: {  	[smem:$0x3FA2] =	sst s7  }
0x10: {  	[smem:$0x3FA3] =	sst s8  }
0x11: {  	[smem:$0x3FA4] =	sst s9;
	s0 =	simm.s32 @!p0 $0x0  }
0x12: {  	s1 =	sld [smem:$0x3F8A];
	s0 =	simm.s32 @p0 $0x1  }
0x13: {  	[smem:$0x3FA5] =	sst s0;
	s0 =	simm.s32 @!p1 $0x0  }
0x14: {  	s2 =	sld [smem:$0x3F89];
	s0 =	simm.s32 @p1 $0x1  }
0x15: {  	[smem:$0x3FA6] =	sst s0;
	s0 =	simm.s32 @!p2 $0x0  }
0x16: {  	s3 =	sld [smem:$0x3FDB];
	s0 =	simm.s32 @p2 $0x1  }
0x17: {  	s4 =	simm.s32 $0x1BF5;
	[smem:$0x3FA8] =	sst s0  }
0x18: {  	s0 =	sld [smem:$0x3F8B];
	_ =	swait.ge [sflag:s4], $0x0  }
0x19: {  	s7 =	sld [smem:$0x3F8C]  }
0x1a: {  	s8 =	sadd.s32 $0xFFFFE003, lr  }
0x1b: {  	s9 =	sadd.s32 $0xFFFFFEF7, lr;
	s5 =	simm.s32 $0xFFFFFFFF;
	p2 =	slt.u32 s8, $0xFFFFF086  }
0x1c: {  	p1 =	slt.u32 s9, $0xF7A;
	s5 =	simm.s32 @!p2 $0x0  }
0x1d: {  	s5 =	simm.s32 @p1 $0x1;
	p0 =	seq.s32 s7, s2  }
0x1e: {  	s7 =	smul.u32 @!p0 $0xF7A, s2;
	p2 =	seq.s32 @!p0 s5, $0x0  }
0x1f: {  	s9 =	smul.u32 $0xF7A, s1;
	s8 =	simm.s32 @!p0 $0x1BF5;
	p2 =	por !p2, p0  }
0x20: {  	[sflag:s8] =	ssyncset.s32 @!p0 $0xFFFFF086;
	s6 =	sadd.s32 @!p0 s3, s7;
	s7 =	simm.s32 @!p0 $0x108  }
0x21: {  	s3 =	sadd.s32 s3, s9;
	s6 =	sadd.s32 @!p0 $0x88, s6;
	s7 =	simm.s32 @p2 $0x1082  }
0x22: {  	[simem:s7], [sflag:s8] =	dma.local @!p0 [hbm:s6], $0xF7A  }
0x23: {  	s9 =	sor.u32 $0xD0000000, s2;
	s6 =	simm.s32 $0x108;
	_ =	swait.ge @!p0 [sflag:s8], $0x0  }
0x24: {  	s3 =	sadd.s32 $0x88, s3;
	s6 =	simm.s32 @!p1 $0x1082;
	[sflag:s4] =	ssyncset.s32 $0xFFFFF086  }
0x25: {  	[simem:s6], [sflag:s4] =	dma.local [hbm:s3], $0xF7A  }
0x26: {  	[smem:$0x3F8C] =	sst s1;
	(tag) =	ssettag s2;
	_ =	strace s9  }
0x27: {  	s1 =	sld [smem:$0x3F9C]  }
0x28: {  	s2 =	sld [smem:$0x3F9D]  }
0x29: {  	s4 =	sld [smem:$0x3F9F]  }
0x2a: {  	p0 =	seq.s32 s5, $0x0;
	s5 =	sld [smem:$0x3FA0]  }
0x2b: {  	s6 =	sld [smem:$0x3FA1]  }
0x2c: {  	s7 =	sld [smem:$0x3FA2]  }
0x2d: {  	s3 =	simm.s32 $0x108;
	s8 =	sld [smem:$0x3FA3]  }
0x2e: {  	s3 =	simm.s32 @!p0 $0x1082;
	s9 =	sld [smem:$0x3FA4]  }
0x2f: {  	lr =	sadd.s32 s0, s3;
	s0 =	sld [smem:$0x3F9B]  }
0x30: {  	s3 =	sld [smem:$0x3F9E]  }
0x31: {  	[smem:$0x3FA7] =	sst s10  }
0x32: {  	s10 =	sld [smem:$0x3FA5];
	_ =	sdelay $0x3  }
0x33: {  	p0 =	seq.s32 s10, $0x1;
	s10 =	sld [smem:$0x3FA7];
	_ =	sdelay $0x3  }
0x34: {  	[smem:$0x3FA7] =	sst s10  }
0x35: {  	s10 =	sld [smem:$0x3FA6];
	_ =	sdelay $0x3  }
0x36: {  	p1 =	seq.s32 s10, $0x1;
	s10 =	sld [smem:$0x3FA7];
	_ =	sdelay $0x3  }
0x37: {  	[smem:$0x3FA7] =	sst s10  }
0x38: {  	s10 =	sld [smem:$0x3FA8]  }
0x39: {  	_ = 	snop;
	(pc) =	sbr.ind lr, $3  }
0x3a: {  	_ = 	snop  }
0x3b: {  	_ = 	snop  }
0x3c: {  	p2 =	seq.s32 s10, $0x1;
	s10 =	sld [smem:$0x3FA7]  }
0x3d: {  	_ =	shalt  }
0x3e: {  	_ =	shalt  }
0x3f: {  	_ =	shalt  }
0x40: {  	_ =	shalt  }
0x41: {  	_ =	shalt  }
0x42: {  	_ =	shalt  }
0x43: {  	_ =	shalt  }
0x44: {  	_ =	shalt  }
0x45: {  	_ =	shalt  }
0x46: {  	_ =	shalt  }
0x47: {  	_ =	shalt  }
0x48: {  	_ =	shalt  }
0x49: {  	_ =	shalt  }
0x4a: {  	_ =	shalt  }
0x4b: {  	_ =	shalt  }
0x4c: {  	_ =	shalt  }
0x4d: {  	_ =	shalt  }
0x4e: {  	_ =	shalt  }
0x4f: {  	_ =	shalt  }
0x50: {  	_ =	shalt  }
0x51: {  	_ =	shalt  }
0x52: {  	_ =	shalt  }
0x53: {  	_ =	shalt  }
0x54: {  	_ =	shalt  }
0x55: {  	_ =	shalt  }
0x56: {  	_ =	shalt  }
0x57: {  	_ =	shalt  }
0x58: {  	_ =	shalt  }
0x59: {  	_ =	shalt  }
0x5a: {  	_ =	shalt  }
0x5b: {  	_ =	shalt  }
0x5c: {  	_ =	shalt  }
0x5d: {  	_ =	shalt  }
0x5e: {  	_ =	shalt  }
0x5f: {  	_ =	shalt  }
0x60: {  	_ =	shalt  }
0x61: {  	_ =	shalt  }
0x62: {  	_ =	shalt  }
0x63: {  	_ =	shalt  }
0x64: {  	_ =	shalt  }
0x65: {  	_ =	shalt  }
0x66: {  	_ =	shalt  }
0x67: {  	_ =	shalt  }
0x68: {  	_ =	shalt  }
0x69: {  	_ =	shalt  }
0x6a: {  	_ =	shalt  }
0x6b: {  	_ =	shalt  }
0x6c: {  	_ =	shalt  }
0x6d: {  	_ =	shalt  }
0x6e: {  	_ =	shalt  }
0x6f: {  	_ =	shalt  }
0x70: {  	_ =	shalt  }
0x71: {  	_ =	shalt  }
0x72: {  	_ =	shalt  }
0x73: {  	_ =	shalt  }
0x74: {  	_ =	shalt  }
0x75: {  	_ =	shalt  }
0x76: {  	_ =	shalt  }
0x77: {  	_ =	shalt  }
0x78: {  	_ =	shalt  }
0x79: {  	_ =	shalt  }
0x7a: {  	_ =	shalt  }
0x7b: {  	_ =	shalt  }
0x7c: {  	_ =	shalt  }
0x7d: {  	_ =	shalt  }
0x7e: {  	_ =	shalt  }
0x7f: {  	_ =	shalt  }
0x80: {  	_ =	shalt  }
0x81: {  	_ =	shalt  }
0x82: {  	_ =	shalt  }
0x83: {  	_ =	shalt  }
0x84: {  	_ =	shalt  }
0x85: {  	_ =	shalt  }
0x86: {  	_ =	shalt  }
0x87: {  	_ =	shalt  }
.Lfunc_end0:
.L_simem_size_0:
called_computation.7_lowered:
.L_overlay_start_0:
0x88: {  	s2 =	sld [smem:$0x3FD9]  }
0x89: {  	s3 =	sld [smem:$0x3FFE];
	_ =	sdelay $0x1  }
0x8a: {  	s1 =	srdreg.scid  }
0x8b: {  	s0 =	sand.u32 $0x1, s1  }
0x8c: {  	s15 =	sshll.u32 s0, $0xA;
	s2 =	sadd.s32 s3, s2  }
0x8d: {  	s2 =	sadd.s32 s2, s15  }
0x8e: {  	[smem:$0x3FB3] =	sst s2  }
0x8f: {  	_ = 	snop  }
0x90: {  	s2 =	sld [smem:$0x3FD0];
	_ =	sdelay $0x2  }
0x91: {  	s16 =	simm.s32 $0xC;
	s4 =	simm.s32 $0x10  }
0x92: {  	[smem:s4], [sflag:s16] =	dma.local [hbm:s2], $0x1  }
0x93: {  	_ =	swait.eq [sflag:s16], $0x1  }
0x94: {  	[sflag:s16] =	ssyncset.done $0x0  }
0x95: {  	[sflag:s16] =	ssyncadd.s32 $0xFFFFFFFF  }
0x96: {  	s17 =	sld [smem:$0x12];
	(tm) =	ssettm $0x1  }
0x97: {  	s18 =	sld [smem:$0x3FFB];
	_ =	sdelay $0x3  }
0x98: {  	_ =	strace s18  }
0x99: {  	s2 =	sld [smem:$0x3FFC];
	_ =	sdelay $0x3  }
0x9a: {  	_ =	strace s2  }
0x9b: {  	s2 =	sld [smem:$0x3FFD];
	_ =	sdelay $0x3  }
0x9c: {  	_ =	strace s2  }
0x9d: {  	_ =	strace $0x8FFFFFFF  }
0x9e: {  	s19 =	sld [smem:$0x3FDB];
	_ =	sdelay $0x1  }
0x9f: {  	s20 =	simm.s32 $_scs_section_size  }
0xa0: {  	s5 =	simm.s32 $_size__tile_overlayer_lowered;
	s6 =	simm.s32 $_tile_overlayer_lowered  }
0xa1: {  	s7 =	simm.s32 $0x1BFF;
	s21 =	sshll.u32 s6, $0x1;
	s4 =	sadd.s32 s20, s19  }
0xa2: {  	s22 =	simm.s32 $0x0;
	s5 =	sshll.u32 s5, $0x1;
	s6 =	sadd.s32 s21, s4  }
0xa3: {  	[timem:s22], [sflag:s7] =	dma.local [hbm:s6], s5  }
0xa4: {  	_ =	swait.ge [sflag:s7], s5  }
0xa5: {  	s5 =	ssub.s32 $0x0, s5;
	[sflag:s7] =	ssyncset.done $0x0  }
0xa6: {  	[sflag:s7] =	ssyncadd.s32 s5;
	_ =	sdelay $0x1  }
0xa7: {  	s23 =	simm.s32 $0x1B8B  }
0xa8: {  	_ =	swait.ge [sflag:s23], $0x1  }
0xa9: {  	[sflag:s23] =	ssyncset.done $0x0  }
0xaa: {  	[sflag:s23] =	ssyncadd.s32 $0xFFFFFFFF  }
0xab: {  	s5 =	sld [smem:$0x0]  }
0xac: {  	s6 =	sand.u32 $0xFFFFFFFE, s1  }
0xad: {  	p0 =	sne.s32 s1, s6  }
0xae: {  	s6 =	sshll.u32 @p0 s6, $0xE  }
0xaf: {  	s6 =	sadd.s32 @p0 $0x11B8D, s6;
	s7 =	sshll.u32 @p0 s5, $0x11  }
0xb0: {  	s6 =	sor.u32 @p0 s7, s6  }
0xb1: {  	[sflag:s6] =	ssyncadd.remote.s32 @p0 $0x1;
	_ =	sdelay $0x1  }
0xb2: {  	s6 =	simm.s32 @p0 $0x1B8D  }
0xb3: {  	_ =	swait.eq @p0 [sflag:s6], $0x1  }
0xb4: {  	[sflag:s6] =	ssyncadd.s32 @p0 $0xFFFFFFFF  }
0xb5: {  	s7 =	sshll.u32 @!p0 s1, $0xE  }
0xb6: {  	s7 =	sor.u32 @!p0 $0x4000, s7;
	s6 =	simm.s32 @!p0 $0x1B8D  }
0xb7: {  	s5 =	sshll.u32 @!p0 s5, $0x11;
	s7 =	sadd.s32 @!p0 $0x11B8D, s7;
	_ =	swait.eq @!p0 [sflag:s6], $0x1  }
0xb8: {  	s5 =	sor.u32 @!p0 s5, s7;
	[sflag:s6] =	ssyncadd.s32 @!p0 $0xFFFFFFFF  }
0xb9: {  	s25 =	simm.s32 $0x1B8E;
	s24 =	sld [smem:$0x3FFE];
	[sflag:s5] =	ssyncadd.remote.s32 @!p0 $0x1  }
0xba: {  	s26 =	simm.s32 $execute0_lowered;
	[smem:$0x3FD2] =	sst s25  }
0xbb: {  	s6 =	sshll.u32 s26, $0x1;
	_ =	strace $0x80000055;
	[dreg:$0x1] =	wrdreg $0xFFFFFFFF  }
0xbc: {  	s28 =	simm.s32 $_size_execute0_lowered;
	s4 =	sadd.s32 s4, s6;
	[dreg:$0x0] =	wrdreg $0x0  }
0xbd: {  	s6 =	sshll.u32 s28, $0x1;
	[dreg:$0x2] =	wrdreg s4  }
0xbe: {  	[dreg:$0x3] =	wrdreg s6  }
0xbf: {  	[dreg:$0x4] =	wrdreg $0xC0  }
0xc0: {  	_ =	task [dreg:s22], $0x5FFFF  }
0xc1: {  	[dreg:$0x1] =	wrdreg $0xFFFFFFFF  }
0xc2: {  	[dreg:$0x0] =	wrdreg $0x60  }
0xc3: {  	[dreg:$0x2] =	wrdreg s24  }
0xc4: {  	[dreg:$0x3] =	wrdreg s17  }
0xc5: {  	[dreg:$0x4] =	wrdreg $0x9  }
0xc6: {  	_ =	task.clear_ibuf [dreg:s22], $0x5FFFF;
	_ =	strace $0x90000055  }
0xc7: {  	s29 =	simm.s32 $0x9;
	_ =	strace $0x80000057  }
0xc8: {  	_ =	swait.ge [sflag:s29], $0x1  }
0xc9: {  	[sflag:s29] =	ssyncadd.s32 $0xFFFFFFFF  }
0xca: {  	_ =	strace $0x90000057  }
0xcb: {  	_ =	sfence  }
0xcc: {  	s30 =	sld [smem:$0x0];
	_ =	sdelay $0x2  }
0xcd: {  	s31 =	sshll.u32 s1, $0xD;
	s1 =	sshrl.u32 s1, $0x2  }
0xce: {  	s4 =	sand.u32 $0x4000, s31;
	s1 =	sadd.s32 s1, s30  }
0xcf: {  	s0 =	sor.u32 s4, s0;
	s1 =	sshll.u32 s1, $0x11  }
0xd0: {  	s0 =	sor.u32 s1, s0  }
0xd1: {  	s0 =	sadd.s32 $0x8F2B, s0  }
0xd2: {  	[sflag:s0] =	ssyncadd.remote.s32 $0x1  }
0xd3: {  	_ =	sfence.sel $0xFFFF  }
0xd4: {  	[dreg:$0x0] =	wrdreg $0xFFFFFFFF;
	(pc) =	sbr.abs _section_cstart, $3  }
0xd5: {  	[dreg:$0x1] =	wrdreg $0xFFFFFFFF  }
0xd6: {  	_ =	task.clear_ibuf [dreg:s22], $0x2FFFF;
	_ =	strace $0x9FFFFFFF  }
0xd7: {  	(tm) =	ssettm $0x7FFFFFFF  }
tec
execute0_lowered:
.L_overlay_start_1:
0x0: {  	(tag) =	ssettag $0x1  }
0x1: {  	s0 =	srdreg.scid;
	s9 =	rddreg [dreg:$0x0]  }
0x2: {  	s3 =	rddreg [dreg:$0x1];
	s1 =	stileid.u32  }
0x3: {  	s7 =	simm.s32 $0x80;
	s8 =	simm.s32 $0x1;
	s6 =	sand.u32 $0x1, s0  }
0x4: {  	s0 =	rddreg [dreg:$0x2];
	s4 =	sshll.u32 s1, $0x4;
	s2 =	sshll.u32 s6, $0x4  }
0x5: {  	s4 =	sand.u32 $0x70, s4;
	s11 =	ssub.s32 $0x2, s6;
	s10 =	sor.u32 s1, s2  }
0x6: {  	s6 =	simm.s32 $0x20;
	s2 =	simm.s32 $0x0;
	s5 =	sshll.u32 s10, $0x4  }
0x7: {  	s3 =	sadd.s32 s3, s4;
	[smem:$0x7FF] =	sst s2;
	s5 =	sand.u32 $0x180, s5  }
0x8: {  	_ =	strace $0x80000056;
	s4 =	sadd.s32 s5, s3;
	s3 =	simm.s32 $0x2  }
0x9: {  	[tilespmem:s2], [sflag:$0x2] =	stream.linear.gather [hbm4b:s4+s2], $0x80, $0x38;
	[tilespmem:$0x1080] =	vst v63  }
0xa: {  	s12 =	sshrl.u32 s11, $0x1;
	s10 =	sshll.u32 s10, $0x9;
	_ =	swait.ge [sflag:s3], $0x80  }
0xb: {  	s31 =	ssub.s32 s11, s12;
	s5 =	sadd.s32 $0xA800, s9;
	[sflag:s3] =	ssyncset.done $0x0  }
0xc: {  	s9 =	sadd.s32 s10, s9;
	s10 =	smax.u32 s31, $0x1;
	[sflag:s3] =	ssyncadd.s32 $0xFFFFFF80  }
0xd: {  	[tilespmem:s7], [sflag:$0x1] =	stream.indirect.gather [hbm4b:s5+s6], $0x80, s2, s6, $0xb8;
	[tilespmem:$0x1080] =	vst v63  }
0xe: {  	p0 =	sne.s32 s10, $0x1;
	_ =	swait.ge [sflag:s8], $0x1000  }
.Ltmp0:
0xf: {  	[sflag:s8] =	ssyncset.done $0x0;
	(pc) =	sbr.rel @!p0 .LBB2_2-.Ltmp0, $4  }
0x10: {  	s9 =	sadd.s32 $0x8A800, s9;
	[sflag:s8] =	ssyncadd.s32 $0xFFFFF000  }
0x11: {  	[hbm4b:s9+s2] =	stream.linear.scatter [tilespmem:s7], [sflag:$0x2], $0x1000, $0x38;
	[tilespmem:$0x1080] =	vst v63  }
0x12: {  	_ =	swait.ge [sflag:s3], $0x1000  }
0x13: {  	s10 =	sadd.s32 $0xFFFFFFFF, s10;
	[sflag:s3] =	ssyncset.done $0x0  }
.LBB2_1:
0x14: {  	p0 =	sne.s32 s10, $0x1;
	s10 =	sadd.s32 $0xFFFFFFFF, s10;
	[sflag:s3] =	ssyncadd.s32 $0xFFFFF000  }
0x15: {  	[tilespmem:s2], [sflag:$0x2] =	stream.linear.gather [hbm4b:s4+s2], $0x80, $0x38;
	[tilespmem:$0x1080] =	vst v63  }
0x16: {  	_ =	swait.ge [sflag:s3], $0x80  }
0x17: {  	[sflag:s3] =	ssyncset.done $0x0  }
0x18: {  	[sflag:s3] =	ssyncadd.s32 $0xFFFFFF80  }
0x19: {  	[tilespmem:s7], [sflag:$0x1] =	stream.indirect.gather [hbm4b:s5+s6], $0x80, s2, s6, $0xb8;
	[tilespmem:$0x1080] =	vst v63  }
0x1a: {  	_ =	swait.ge [sflag:s8], $0x1000  }
.Ltmp1:
0x1b: {  	[sflag:s8] =	ssyncset.done $0x0;
	(pc) =	sbr.rel @p0 .LBB2_1-.Ltmp1, $4  }
0x1c: {  	[sflag:s8] =	ssyncadd.s32 $0xFFFFF000  }
0x1d: {  	[hbm4b:s9+s2] =	stream.linear.scatter [tilespmem:s7], [sflag:$0x2], $0x1000, $0x38;
	[tilespmem:$0x1080] =	vst v63  }
0x1e: {  	_ =	swait.ge [sflag:s3], $0x1000  }
0x1f: {  	[sflag:s3] =	ssyncset.done $0x0  }
.LBB2_2:
0x20: {  	[sflag:s3] =	ssyncadd.s32 $0xFFFFF000  }
0x21: {  	_ =	sfence.sel $0x180000  }
0x22: {  	[bflag:$0x0] =	sbarrier.arrive $0xFFFF  }
0x23: {  	p0 =	sne.s32 s1, $0x0;
	_ =	strace $0x90000056  }
0x24: {  	s0 =	sadd.s32 @!p0 $0x100000, s0;
	[bflag:$0x2] =	sbarrier.arrive $0xFFFF  }
0x25: {  	[sflag:s0] =	ssyncadd.tile.s32 @!p0 $0x1;
	_ =	shalt  }
.Lfunc_end2:
_tile_overlayer_lowered:
.L_overlay_start_2:
0x26: {  	(tag) =	ssettag $0x2  }
0x27: {  	s0 =	rddreg [dreg:$0x0];
	s2 =	stileid.u32  }
0x28: {  	s1 =	rddreg [dreg:$0x1];
	p0 =	sne.s32 s2, $0x0  }
0x29: {  	s3 =	rddreg [dreg:$0x2];
	[bflag:$0x3] =	sbarrier.arrive $0xFFFF;
	s2 =	simm.s32 @!p0 $0x1C02  }
0x2a: {  	[timem:s3], [sflag:s2] =	dma.local @!p0 [hbm:s0], s1  }
0x2b: {  	s0 =	simm.s32 @!p0 $0x2  }
0x2c: {  	_ =	swait.ge @!p0 [sflag:s0], s1  }
0x2d: {  	s1 =	ssub.s32 @!p0 $0x0, s1;
	[sflag:s0] =	ssyncset.done @!p0 $0x0  }
0x2e: {  	[sflag:s0] =	ssyncadd.s32 @!p0 s1  }
0x2f: {  	[bflag:$0x3] =	sbarrier.arrive $0xFFFF  }
0x30: {  	_ =	shalt  }

</sc_bundles>
